<compile_context>
chip_gen: v7x
topology: tpu7x:2x2x1
jax: 0.10.2.dev20260603
libtpu: 0.0.44.dev20260713+nightly
codegen_flags: <defaults>
</compile_context>

<pallas_src>
import jax
import jax.numpy as jnp
from jax import lax
from jax.experimental import pallas as pl
from jax.experimental.pallas import tpu as pltpu
from jax.experimental.pallas import tpu_sc as plsc

N = 10000
D = 128
E = 320000

NC = 2
NS = 16
NW = NC * NS
C = 128
NCH = 80
ET = NCH * C
EP = NW * ET
NP = 10240
RPT = NP // NS
DC = 128
DNCH = ET // DC

_sc_mesh = plsc.VectorSubcoreMesh(core_axis_name="c", subcore_axis_name="s")


def _deg_body(dst_hbm, dp_hbm, dst_v, ones_v, zb_v, hist, ):
    cid = lax.axis_index("c")
    sid = lax.axis_index("s")
    wid = sid * NC + cid

    def fill_ones(i, _):
        ones_v[pl.ds(i * 16, 16)] = jnp.ones((16,), jnp.float32)
        return 0
    lax.fori_loop(0, DC // 16, fill_ones, 0)

    def fill_zero(i, _):
        zb_v[pl.ds(i * 16, 16)] = jnp.zeros((16,), jnp.float32)
        return 0
    lax.fori_loop(0, RPT // 16, fill_zero, 0)
    pltpu.sync_copy(zb_v, hist.at[pl.ds(sid * RPT, RPT)])
    plsc.subcore_barrier()

    pltpu.sync_copy(dst_hbm.at[wid], dst_v)

    def chunk(j, _):
        pltpu.sync_copy(ones_v, hist.at[dst_v.at[j]], add=True)
        return 0
    lax.fori_loop(0, DNCH, chunk, 0)

    plsc.subcore_barrier()
    pltpu.sync_copy(hist.at[pl.ds(sid * RPT, RPT)],
                    dp_hbm.at[cid, pl.ds(sid * RPT, RPT)])


_deg = pl.kernel(
    _deg_body,
    out_type=jax.ShapeDtypeStruct((NC, NP), jnp.float32),
    mesh=_sc_mesh,
    scratch_types=[
        pltpu.VMEM((DNCH, DC), jnp.int32),
        pltpu.VMEM((DC,), jnp.float32),
        pltpu.VMEM((RPT,), jnp.float32),
        pltpu.VMEM_SHARED((NP,), jnp.float32),
    ],
)


def _agg_body(y_hbm, src_hbm, dst_hbm, p_hbm, sbuf, dbuf, buf, acc, *sems):
    cid = lax.axis_index("c")
    sid = lax.axis_index("s")
    wid = sid * NC + cid
    sem_i = sems[0:2]
    sem_d = sems[2:4]
    sem_g = sems[4:6]
    sem_s = sems[6:8]

    def fill_zero(i, _):
        r = i // (D // 16)
        c0 = (i % (D // 16)) * 16
        buf[0, r, pl.ds(c0, 16)] = jnp.zeros((16,), jnp.float32)
        return 0
    lax.fori_loop(0, C * (D // 16), fill_zero, 0)
    for k in range(RPT // C):
        pltpu.sync_copy(buf.at[0], acc.at[pl.ds(sid * RPT + k * C, C)])
    plsc.subcore_barrier()

    def sload(j, b):
        pltpu.async_copy(src_hbm.at[wid, j], sbuf.at[b], sem_i[b])

    def swait(j, b):
        pltpu.make_async_copy(src_hbm.at[wid, j], sbuf.at[b], sem_i[b]).wait()

    def dload(j, b):
        pltpu.async_copy(dst_hbm.at[wid, j], dbuf.at[b], sem_d[b])

    def dwait(j, b):
        pltpu.make_async_copy(dst_hbm.at[wid, j], dbuf.at[b], sem_d[b]).wait()

    def gstart(b):
        pltpu.async_copy(y_hbm.at[sbuf.at[b]], buf.at[b], sem_g[b])

    def gwait(b):
        pltpu.make_async_copy(y_hbm.at[sbuf.at[b]], buf.at[b], sem_g[b]).wait()

    def sstart(b):
        pltpu.async_copy(buf.at[b], acc.at[dbuf.at[b]], sem_s[b], add=True)

    def swait_s(b):
        pltpu.make_async_copy(buf.at[b], acc.at[dbuf.at[b]], sem_s[b]).wait()

    def steady(j, b, o, first=False, sl=True, dl=True, gs=True):
        gwait(b)
        if gs:
            swait(j + 1, o)
        dwait(j, b)
        sstart(b)
        if not first:
            swait_s(o)
        if gs:
            gstart(o)
        if dl:
            dload(j + 1, o)
        if sl:
            sload(j + 2, b)

    sload(0, 0)
    sload(1, 1)
    dload(0, 0)
    swait(0, 0)
    gstart(0)
    steady(0, 0, 1, first=True)

    def pair(i, _):
        steady(2 * i + 1, 1, 0)
        steady(2 * i + 2, 0, 1)
        return 0
    lax.fori_loop(0, (NCH - 4) // 2, pair, 0)
    steady(NCH - 3, 1, 0)
    steady(NCH - 2, 0, 1, sl=False)
    steady(NCH - 1, 1, 0, sl=False, dl=False, gs=False)
    swait_s(1)

    plsc.subcore_barrier()
    pltpu.sync_copy(acc.at[pl.ds(sid * RPT, RPT)],
                    p_hbm.at[cid, pl.ds(sid * RPT, RPT)])


_agg = pl.kernel(
    _agg_body,
    out_type=jax.ShapeDtypeStruct((NC, NP, D), jnp.float32),
    mesh=_sc_mesh,
    scratch_types=[
        pltpu.VMEM((2, C), jnp.int32),
        pltpu.VMEM((2, C), jnp.int32),
        pltpu.VMEM((2, C, D), jnp.float32),
        pltpu.VMEM_SHARED((NP, D), jnp.float32),
    ] + [pltpu.SemaphoreType.DMA] * 8,
)

BR = 256
GR = NP // BR


def _dinv_of(dg):
    return lax.rsqrt(dg[:, 0:1] + dg[:, 1:2] + 1.0)


def _mm1_body(x_ref, w_ref, dg_ref, y_ref):
    dinv = _dinv_of(dg_ref[...])
    xw = jnp.dot(x_ref[...], w_ref[...], preferred_element_type=jnp.float32)
    y_ref[...] = xw * dinv


_mm1 = pl.pallas_call(
    _mm1_body,
    out_shape=jax.ShapeDtypeStruct((NP, D), jnp.float32),
    grid=(GR,),
    in_specs=[
        pl.BlockSpec((BR, D), lambda i: (i, 0)),
        pl.BlockSpec((D, D), lambda i: (0, 0)),
        pl.BlockSpec((BR, NC), lambda i: (i, 0)),
    ],
    out_specs=pl.BlockSpec((BR, D), lambda i: (i, 0)),
)


def _mm2_body(y_ref, p_ref, dg_ref, b_ref, w_ref, o_ref):
    dinv = _dinv_of(dg_ref[...])
    agg = y_ref[...] + p_ref[0] + p_ref[1]
    h = jnp.maximum(agg * dinv + b_ref[...], 0.0)
    o_ref[...] = jnp.dot(h, w_ref[...], preferred_element_type=jnp.float32) * dinv


_mm2 = pl.pallas_call(
    _mm2_body,
    out_shape=jax.ShapeDtypeStruct((NP, D), jnp.float32),
    grid=(GR,),
    in_specs=[
        pl.BlockSpec((BR, D), lambda i: (i, 0)),
        pl.BlockSpec((NC, BR, D), lambda i: (0, i, 0)),
        pl.BlockSpec((BR, NC), lambda i: (i, 0)),
        pl.BlockSpec((1, D), lambda i: (0, 0)),
        pl.BlockSpec((D, D), lambda i: (0, 0)),
    ],
    out_specs=pl.BlockSpec((BR, D), lambda i: (i, 0)),
)


def _mm3_body(y_ref, p_ref, dg_ref, b_ref, o_ref):
    dinv = _dinv_of(dg_ref[...])
    agg = y_ref[...] + p_ref[0] + p_ref[1]
    o_ref[...] = agg * dinv + b_ref[...]


_mm3 = pl.pallas_call(
    _mm3_body,
    out_shape=jax.ShapeDtypeStruct((NP, D), jnp.float32),
    grid=(GR,),
    in_specs=[
        pl.BlockSpec((BR, D), lambda i: (i, 0)),
        pl.BlockSpec((NC, BR, D), lambda i: (0, i, 0)),
        pl.BlockSpec((BR, NC), lambda i: (i, 0)),
        pl.BlockSpec((1, D), lambda i: (0, 0)),
    ],
    out_specs=pl.BlockSpec((BR, D), lambda i: (i, 0)),
)


def kernel(edge_index, user_emb, item_emb, W1, b1, W2, b2):
    x = jnp.concatenate([user_emb, item_emb], axis=0)
    x = jnp.pad(x, ((0, NP - N), (0, 0)))
    src = edge_index[0].astype(jnp.int32)
    dst = edge_index[1].astype(jnp.int32)
    pad = jnp.full((EP - E,), NP - 1, jnp.int32)
    src_r = jnp.concatenate([src, pad]).reshape(NW, NCH, C)
    dst_flat = jnp.concatenate([dst, pad])
    dst_a = dst_flat.reshape(NW, NCH, C)
    dst_d = dst_flat.reshape(NW, DNCH, DC)

    deg_t = _deg(dst_d).T
    y1 = _mm1(x, W1, deg_t)
    p = _agg(y1, src_r, dst_a)
    y2 = _mm2(y1, p, deg_t, b1.reshape(1, D), W2)
    q = _agg(y2, src_r, dst_a)
    out = _mm3(y2, q, deg_t, b2.reshape(1, D))
    return out[:N]

# --- scband reference (transcript-rebuilt; emitter-appended) ---
"""Pipeline reference for scband-gnnrecommendation-model-18485539242072 (READ-ONLY COPY).

The authoritative reference and input builder live on the scoring server;
editing this copy changes nothing except your own understanding.
"""

import jax, jax.numpy as jnp
import numpy as np

NUM_USERS = 4000
NUM_ITEMS = 6000
NUM_NODES = NUM_USERS + NUM_ITEMS
EMBED_DIM = 128
NUM_EDGES = 320000


def gcn_conv(x, edge_index, W, b, num_nodes):
    # PyG GCNConv semantics: add self-loops, symmetric normalization,
    # x' = D^{-1/2} (A+I) D^{-1/2} x W + b
    src = edge_index[0]
    dst = edge_index[1]
    loop = jnp.arange(num_nodes, dtype=src.dtype)
    src = jnp.concatenate([src, loop])
    dst = jnp.concatenate([dst, loop])
    xw = x @ W
    deg = jnp.zeros((num_nodes,), dtype=x.dtype).at[dst].add(1.0)
    dinv = 1.0 / jnp.sqrt(jnp.clip(deg, 1.0))
    norm = dinv[src] * dinv[dst]
    msg = xw[src] * norm[:, None]
    out = jnp.zeros_like(xw).at[dst].add(msg)
    return out + b


def setup_inputs(seed: int = 0) -> dict:
    key = jax.random.key(seed)
    k1, k2, k3, k4, k5, k6, k7 = jax.random.split(key, 7)
    edge_index = jax.random.randint(k1, (2, NUM_EDGES), 0, NUM_NODES, dtype=jnp.int64 if jax.config.read('jax_enable_x64') else jnp.int32)
    user_emb = jax.random.normal(k2, (NUM_USERS, EMBED_DIM), dtype=jnp.float32)
    item_emb = jax.random.normal(k3, (NUM_ITEMS, EMBED_DIM), dtype=jnp.float32)
    s = 1.0 / np.sqrt(EMBED_DIM)
    W1 = jax.random.uniform(k4, (EMBED_DIM, EMBED_DIM), minval=-s, maxval=s, dtype=jnp.float32)
    b1 = jax.random.uniform(k5, (EMBED_DIM,), minval=-s, maxval=s, dtype=jnp.float32)
    W2 = jax.random.uniform(k6, (EMBED_DIM, EMBED_DIM), minval=-s, maxval=s, dtype=jnp.float32)
    b2 = jax.random.uniform(k7, (EMBED_DIM,), minval=-s, maxval=s, dtype=jnp.float32)
    return {"edge_index": edge_index, "user_emb": user_emb, "item_emb": item_emb,
            "W1": W1, "b1": b1, "W2": W2, "b2": b2}


def reference(edge_index, user_emb, item_emb, W1, b1, W2, b2):
    x = jnp.concatenate([user_emb, item_emb], axis=0)
    x = gcn_conv(x, edge_index, W1, b1, NUM_NODES)
    x = jax.nn.relu(x)
    x = gcn_conv(x, edge_index, W2, b2, NUM_NODES)
    return x

if __name__ == "__main__":
    import jax
    _d = setup_inputs()
    print(jax.jit(kernel)(*tuple(_d.values())))

</pallas_src>

<mosaic_0001>
#map = affine_map<(d0, d1) -> (0, 0, 0)>
#map1 = affine_map<(d0, d1) -> (0, 0)>
module attributes {stable_mosaic.version = 14 : i64} {
  func.func @_deg_body(%arg0: i32, %arg1: i32, %arg2: memref<32x80x128xi32, #tpu.memory_space<hbm>>, %arg3: memref<2x10240xf32, #tpu.memory_space<hbm>>, %arg4: memref<80x128xi32, #tpu.memory_space<vmem>>, %arg5: memref<128xf32, #tpu.memory_space<vmem>>, %arg6: memref<640xf32, #tpu.memory_space<vmem>>, %arg7: memref<10240xf32, #tpu.memory_space<vmem_shared>>) attributes {dimension_semantics = [#tpu.dimension_semantics<core_parallel>, #tpu.dimension_semantics<subcore_parallel>], iteration_bounds = array<i64: 2, 16>, scalar_prefetch = 0 : i64, scratch_operands = 4 : i64, tpu.core_type = #tpu.core_type<sc_vector_subcore>, window_params = [{transform_indices = #map}, {transform_indices = #map1}]} {
    %mul3A = arith.constant 2 : i32
    %mul3A_0 = arith.muli %arg1, %mul3A : i32
    %add3A = arith.addi %mul3A_0, %arg0 : i32
    %scan3A = arith.constant 0 : i32
    %scan3A_1 = arith.constant 0 : i32
    %scan3A_2 = arith.constant 8 : i32
    %scan3A_3 = arith.addi %scan3A_1, %scan3A_2 : i32
    %scan3A_4 = arith.constant 1 : i32
    %scan3A_5 = scf.for %scan3A_28 = %scan3A_1 to %scan3A_3 step %scan3A_4 iter_args(%scan3A_29 = %scan3A) -> (i32)  : i32 {
      %broadcast_in_dim3A = arith.constant 1.000000e+00 : f32
      %broadcast_in_dim3A_30 = vector.broadcast %broadcast_in_dim3A : f32 to vector<16xf32>
      %mul3A_31 = arith.constant 16 : i32
      %mul3A_32 = arith.muli %scan3A_28, %mul3A_31 : i32
      %swap3A = arith.index_cast %mul3A_32 : i32 to index
      %swap3A_33 = tpu.vector_load %arg5[%swap3A] {strides = array<i32>} : memref<128xf32, #tpu.memory_space<vmem>>, vector<16xf32>,
      %swap3A_34 = vector.shape_cast %swap3A_33 : vector<16xf32> to vector<16xf32>
      %swap3A_35 = vector.shape_cast %broadcast_in_dim3A_30 : vector<16xf32> to vector<16xf32>
      tpu.vector_store %arg5[%swap3A], %swap3A_35 {strides = array<i32>} : memref<128xf32, #tpu.memory_space<vmem>>, vector<16xf32>,
      %scan3A_36 = arith.constant 0 : i32
      scf.yield %scan3A_36 : i32
    }
    %scan3A_6 = arith.constant 8 : i32
    %scan3A_7 = arith.constant 0 : i32
    %scan3A_8 = arith.constant 0 : i32
    %scan3A_9 = arith.constant 40 : i32
    %scan3A_10 = arith.addi %scan3A_8, %scan3A_9 : i32
    %scan3A_11 = arith.constant 1 : i32
    %scan3A_12 = scf.for %scan3A_28 = %scan3A_8 to %scan3A_10 step %scan3A_11 iter_args(%scan3A_29 = %scan3A_7) -> (i32)  : i32 {
      %broadcast_in_dim3A = arith.constant 0.000000e+00 : f32
      %broadcast_in_dim3A_30 = vector.broadcast %broadcast_in_dim3A : f32 to vector<16xf32>
      %mul3A_31 = arith.constant 16 : i32
      %mul3A_32 = arith.muli %scan3A_28, %mul3A_31 : i32
      %swap3A = arith.index_cast %mul3A_32 : i32 to index
      %swap3A_33 = tpu.vector_load %arg6[%swap3A] {strides = array<i32>} : memref<640xf32, #tpu.memory_space<vmem>>, vector<16xf32>,
      %swap3A_34 = vector.shape_cast %swap3A_33 : vector<16xf32> to vector<16xf32>
      %swap3A_35 = vector.shape_cast %broadcast_in_dim3A_30 : vector<16xf32> to vector<16xf32>
      tpu.vector_store %arg6[%swap3A], %swap3A_35 {strides = array<i32>} : memref<640xf32, #tpu.memory_space<vmem>>, vector<16xf32>,
      %scan3A_36 = arith.constant 0 : i32
      scf.yield %scan3A_36 : i32
    }
    %scan3A_13 = arith.constant 40 : i32
    %mul3A_14 = arith.constant 640 : i32
    %mul3A_15 = arith.muli %arg1, %mul3A_14 : i32
    "tpu.region"() ({
      %run_scoped3A = tpu.sem_alloc : memref<!tpu.dma_semaphore, #tpu.memory_space<semaphore_mem>>
      %dma_start3A = tpu.memref_slice %arg7[%mul3A_15] : memref<10240xf32, #tpu.memory_space<vmem_shared>> -> memref<640xf32, #tpu.memory_space<vmem_shared>>
      %dma_start3A_28 = tpu.memref_slice %arg7[%mul3A_15] : memref<10240xf32, #tpu.memory_space<vmem_shared>> -> memref<640xf32, #tpu.memory_space<vmem_shared>>
      tpu.enqueue_dma source(%arg6 : memref<640xf32, #tpu.memory_space<vmem>>) target(%dma_start3A_28 : memref<640xf32, #tpu.memory_space<vmem_shared>>) target_semaphore(%run_scoped3A : memref<!tpu.dma_semaphore, #tpu.memory_space<semaphore_mem>>)
      %dma_wait3A = tpu.memref_slice %arg7[%mul3A_15] : memref<10240xf32, #tpu.memory_space<vmem_shared>> -> memref<640xf32, #tpu.memory_space<vmem_shared>>
      %dma_wait3A_29 = tpu.memref_slice %arg7[%mul3A_15] : memref<10240xf32, #tpu.memory_space<vmem_shared>> -> memref<640xf32, #tpu.memory_space<vmem_shared>>
      tpu.wait_dma2 semaphore(%run_scoped3A : memref<!tpu.dma_semaphore, #tpu.memory_space<semaphore_mem>>) src(%arg6 : memref<640xf32, #tpu.memory_space<vmem>>) dst(%dma_wait3A_29 : memref<640xf32, #tpu.memory_space<vmem_shared>>)
      tpu.yield
    }) : () -> ()
    %barrier3A = arith.constant 0 : index
    tpu.barrier barrier_id(%barrier3A)
    "tpu.region"() ({
      %run_scoped3A = tpu.sem_alloc : memref<!tpu.dma_semaphore, #tpu.memory_space<semaphore_mem>>
      %dma_start3A = arith.constant 0 : i32
      %dma_start3A_28 = arith.constant 0 : i32
      %dma_start3A_29 = tpu.memref_slice %arg2[%add3A, %dma_start3A, %dma_start3A_28] : memref<32x80x128xi32, #tpu.memory_space<hbm>> -> memref<1x80x128xi32, #tpu.memory_space<hbm>>
      %dma_start3A_30 = tpu.memref_squeeze %dma_start3A_29 : memref<1x80x128xi32, #tpu.memory_space<hbm>> -> memref<80x128xi32, #tpu.memory_space<hbm>>
      %dma_start3A_31 = arith.constant 0 : i32
      %dma_start3A_32 = arith.constant 0 : i32
      %dma_start3A_33 = tpu.memref_slice %arg2[%add3A, %dma_start3A_31, %dma_start3A_32] : memref<32x80x128xi32, #tpu.memory_space<hbm>> -> memref<1x80x128xi32, #tpu.memory_space<hbm>>
      %dma_start3A_34 = tpu.memref_squeeze %dma_start3A_33 : memref<1x80x128xi32, #tpu.memory_space<hbm>> -> memref<80x128xi32, #tpu.memory_space<hbm>>
      tpu.enqueue_dma source(%dma_start3A_34 : memref<80x128xi32, #tpu.memory_space<hbm>>) target(%arg4 : memref<80x128xi32, #tpu.memory_space<vmem>>) target_semaphore(%run_scoped3A : memref<!tpu.dma_semaphore, #tpu.memory_space<semaphore_mem>>)
      %dma_wait3A = arith.constant 0 : i32
      %dma_wait3A_35 = arith.constant 0 : i32
      %dma_wait3A_36 = tpu.memref_slice %arg2[%add3A, %dma_wait3A, %dma_wait3A_35] : memref<32x80x128xi32, #tpu.memory_space<hbm>> -> memref<1x80x128xi32, #tpu.memory_space<hbm>>
      %dma_wait3A_37 = tpu.memref_squeeze %dma_wait3A_36 : memref<1x80x128xi32, #tpu.memory_space<hbm>> -> memref<80x128xi32, #tpu.memory_space<hbm>>
      %dma_wait3A_38 = arith.constant 0 : i32
      %dma_wait3A_39 = arith.constant 0 : i32
      %dma_wait3A_40 = tpu.memref_slice %arg2[%add3A, %dma_wait3A_38, %dma_wait3A_39] : memref<32x80x128xi32, #tpu.memory_space<hbm>> -> memref<1x80x128xi32, #tpu.memory_space<hbm>>
      %dma_wait3A_41 = tpu.memref_squeeze %dma_wait3A_40 : memref<1x80x128xi32, #tpu.memory_space<hbm>> -> memref<80x128xi32, #tpu.memory_space<hbm>>
      tpu.wait_dma2 semaphore(%run_scoped3A : memref<!tpu.dma_semaphore, #tpu.memory_space<semaphore_mem>>) src(%dma_wait3A_41 : memref<80x128xi32, #tpu.memory_space<hbm>>) dst(%arg4 : memref<80x128xi32, #tpu.memory_space<vmem>>)
      tpu.yield
    }) : () -> ()
    %scan3A_16 = arith.constant 0 : i32
    %scan3A_17 = arith.constant 0 : i32
    %scan3A_18 = arith.constant 80 : i32
    %scan3A_19 = arith.addi %scan3A_17, %scan3A_18 : i32
    %scan3A_20 = arith.constant 1 : i32
    %scan3A_21 = scf.for %scan3A_28 = %scan3A_17 to %scan3A_19 step %scan3A_20 iter_args(%scan3A_29 = %scan3A_16) -> (i32)  : i32 {
      "tpu.region"() ({
        %run_scoped3A = tpu.sem_alloc : memref<!tpu.dma_semaphore, #tpu.memory_space<semaphore_mem>>
        %dma_start3A = arith.constant 0 : i32
        %dma_start3A_31 = tpu.memref_slice %arg4[%scan3A_28, %dma_start3A] : memref<80x128xi32, #tpu.memory_space<vmem>> -> memref<1x128xi32, #tpu.memory_space<vmem>>
        %dma_start3A_32 = tpu.memref_squeeze %dma_start3A_31 : memref<1x128xi32, #tpu.memory_space<vmem>> -> memref<128xi32, #tpu.memory_space<vmem>>
        %dma_start3A_33 = arith.constant 0 : i32
        %dma_start3A_34 = tpu.memref_slice %arg7[%dma_start3A_33] : memref<10240xf32, #tpu.memory_space<vmem_shared>> -> memref<10240xf32, #tpu.memory_space<vmem_shared>>
        tpu.enqueue_indirect_dma source(%arg5 : memref<128xf32, #tpu.memory_space<vmem>>) target(%dma_start3A_34 : memref<10240xf32, #tpu.memory_space<vmem_shared>>) offsets(%dma_start3A_32 : memref<128xi32, #tpu.memory_space<vmem>>) semaphore(%run_scoped3A : memref<!tpu.dma_semaphore, #tpu.memory_space<semaphore_mem>>) {add = true}
        %dma_wait3A = arith.constant 0 : i32
        %dma_wait3A_35 = tpu.memref_slice %arg4[%scan3A_28, %dma_wait3A] : memref<80x128xi32, #tpu.memory_space<vmem>> -> memref<1x128xi32, #tpu.memory_space<vmem>>
        %dma_wait3A_36 = tpu.memref_squeeze %dma_wait3A_35 : memref<1x128xi32, #tpu.memory_space<vmem>> -> memref<128xi32, #tpu.memory_space<vmem>>
        %dma_wait3A_37 = arith.constant 0 : i32
        %dma_wait3A_38 = tpu.memref_slice %arg7[%dma_wait3A_37] : memref<10240xf32, #tpu.memory_space<vmem_shared>> -> memref<10240xf32, #tpu.memory_space<vmem_shared>>
        tpu.wait_indirect_dma semaphore(%run_scoped3A : memref<!tpu.dma_semaphore, #tpu.memory_space<semaphore_mem>>) src(%arg5 : memref<128xf32, #tpu.memory_space<vmem>>) dst(%dma_wait3A_38 : memref<10240xf32, #tpu.memory_space<vmem_shared>>)
        tpu.yield
      }) : () -> ()
      %scan3A_30 = arith.constant 0 : i32
      scf.yield %scan3A_30 : i32
    }
    %scan3A_22 = arith.constant 80 : i32
    %barrier3A_23 = arith.constant 0 : index
    tpu.barrier barrier_id(%barrier3A_23)
    %mul3A_24 = arith.constant 640 : i32
    %mul3A_25 = arith.muli %arg1, %mul3A_24 : i32
    %mul3A_26 = arith.constant 640 : i32
    %mul3A_27 = arith.muli %arg1, %mul3A_26 : i32
    "tpu.region"() ({
      %run_scoped3A = tpu.sem_alloc : memref<!tpu.dma_semaphore, #tpu.memory_space<semaphore_mem>>
      %dma_start3A = tpu.memref_slice %arg3[%arg0, %mul3A_27] : memref<2x10240xf32, #tpu.memory_space<hbm>> -> memref<1x640xf32, #tpu.memory_space<hbm>>
      %dma_start3A_28 = tpu.memref_squeeze %dma_start3A : memref<1x640xf32, #tpu.memory_space<hbm>> -> memref<640xf32, #tpu.memory_space<hbm>>
      %dma_start3A_29 = tpu.memref_slice %arg7[%mul3A_25] : memref<10240xf32, #tpu.memory_space<vmem_shared>> -> memref<640xf32, #tpu.memory_space<vmem_shared>>
      tpu.enqueue_dma source(%dma_start3A_29 : memref<640xf32, #tpu.memory_space<vmem_shared>>) target(%dma_start3A_28 : memref<640xf32, #tpu.memory_space<hbm>>) target_semaphore(%run_scoped3A : memref<!tpu.dma_semaphore, #tpu.memory_space<semaphore_mem>>)
      %dma_wait3A = tpu.memref_slice %arg3[%arg0, %mul3A_27] : memref<2x10240xf32, #tpu.memory_space<hbm>> -> memref<1x640xf32, #tpu.memory_space<hbm>>
      %dma_wait3A_30 = tpu.memref_squeeze %dma_wait3A : memref<1x640xf32, #tpu.memory_space<hbm>> -> memref<640xf32, #tpu.memory_space<hbm>>
      %dma_wait3A_31 = tpu.memref_slice %arg7[%mul3A_25] : memref<10240xf32, #tpu.memory_space<vmem_shared>> -> memref<640xf32, #tpu.memory_space<vmem_shared>>
      tpu.wait_dma2 semaphore(%run_scoped3A : memref<!tpu.dma_semaphore, #tpu.memory_space<semaphore_mem>>) src(%dma_wait3A_31 : memref<640xf32, #tpu.memory_space<vmem_shared>>) dst(%dma_wait3A_30 : memref<640xf32, #tpu.memory_space<hbm>>)
      tpu.yield
    }) : () -> ()
    return
  }
}

#map = affine_map<(d0, d1) -> (0, 0)>
#map1 = affine_map<(d0, d1) -> (0, 0, 0)>
module attributes {stable_mosaic.version = 14 : i64} {
  func.func @_agg_body(%arg0: i32, %arg1: i32, %arg2: memref<10240x128xf32, #tpu.memory_space<hbm>>, %arg3: memref<32x80x128xi32, #tpu.memory_space<hbm>>, %arg4: memref<32x80x128xi32, #tpu.memory_space<hbm>>, %arg5: memref<2x10240x128xf32, #tpu.memory_space<hbm>>, %arg6: memref<2x128xi32, #tpu.memory_space<vmem>>, %arg7: memref<2x128xi32, #tpu.memory_space<vmem>>, %arg8: memref<2x128x128xf32, #tpu.memory_space<vmem>>, %arg9: memref<10240x128xf32, #tpu.memory_space<vmem_shared>>, %arg10: memref<!tpu.dma_semaphore, #tpu.memory_space<semaphore_mem>>, %arg11: memref<!tpu.dma_semaphore, #tpu.memory_space<semaphore_mem>>, %arg12: memref<!tpu.dma_semaphore, #tpu.memory_space<semaphore_mem>>, %arg13: memref<!tpu.dma_semaphore, #tpu.memory_space<semaphore_mem>>, %arg14: memref<!tpu.dma_semaphore, #tpu.memory_space<semaphore_mem>>, %arg15: memref<!tpu.dma_semaphore, #tpu.memory_space<semaphore_mem>>, %arg16: memref<!tpu.dma_semaphore, #tpu.memory_space<semaphore_mem>>, %arg17: memref<!tpu.dma_semaphore, #tpu.memory_space<semaphore_mem>>) attributes {dimension_semantics = [#tpu.dimension_semantics<core_parallel>, #tpu.dimension_semantics<subcore_parallel>], iteration_bounds = array<i64: 2, 16>, scalar_prefetch = 0 : i64, scratch_operands = 12 : i64, tpu.core_type = #tpu.core_type<sc_vector_subcore>, window_params = [{transform_indices = #map}, {transform_indices = #map1}, {transform_indices = #map1}, {transform_indices = #map1}]} {
    %mul3A = arith.constant 2 : i32
    %mul3A_0 = arith.muli %arg1, %mul3A : i32
    %add3A = arith.addi %mul3A_0, %arg0 : i32
    %scan3A = arith.constant 0 : i32
    %scan3A_1 = arith.constant 0 : i32
    %scan3A_2 = arith.constant 1024 : i32
    %scan3A_3 = arith.addi %scan3A_1, %scan3A_2 : i32
    %scan3A_4 = arith.constant 1 : i32
    %scan3A_5 = scf.for %scan3A_457 = %scan3A_1 to %scan3A_3 step %scan3A_4 iter_args(%scan3A_458 = %scan3A) -> (i32)  : i32 {
      %jit3A = arith.constant 8 : i32
      %div3A = arith.divsi %scan3A_457, %jit3A : i32
      %sign3A = arith.constant 0 : i32
      %sign3A_459 = arith.cmpi sgt, %scan3A_457, %sign3A : i32
      %sign3A_460 = arith.extui %sign3A_459 : i1 to i32
      %sign3A_461 = arith.constant 0 : i32
      %sign3A_462 = arith.cmpi slt, %scan3A_457, %sign3A_461 : i32
      %sign3A_463 = arith.extui %sign3A_462 : i1 to i32
      %sign3A_464 = arith.subi %sign3A_460, %sign3A_463 : i32
      %sign3A_465 = arith.constant 0 : i32
      %sign3A_466 = arith.cmpi sgt, %jit3A, %sign3A_465 : i32
      %sign3A_467 = arith.extui %sign3A_466 : i1 to i32
      %sign3A_468 = arith.constant 0 : i32
      %sign3A_469 = arith.cmpi slt, %jit3A, %sign3A_468 : i32
      %sign3A_470 = arith.extui %sign3A_469 : i1 to i32
      %sign3A_471 = arith.subi %sign3A_467, %sign3A_470 : i32
      %ne3A = arith.cmpi ne, %sign3A_464, %sign3A_471 : i32
      %rem3A = arith.remsi %scan3A_457, %jit3A : i32
      %ne3A_472 = arith.constant 0 : i32
      %ne3A_473 = arith.cmpi ne, %rem3A, %ne3A_472 : i32
      %and3A = arith.andi %ne3A, %ne3A_473 : i1
      %sub3A = arith.constant 1 : i32
      %sub3A_474 = arith.subi %div3A, %sub3A : i32
      %select_n3A = arith.select %and3A, %sub3A_474, %div3A : i32
      %jit3A_475 = arith.constant 8 : i32
      %eq3A = arith.constant 0 : i32
      %eq3A_476 = arith.cmpi eq, %jit3A_475, %eq3A : i32
      %jit3A_477 = arith.constant 1 : i32
      %select_n3A_478 = arith.select %eq3A_476, %jit3A_477, %jit3A_475 : i32
      %rem3A_479 = arith.remsi %scan3A_457, %select_n3A_478 : i32
      %ne3A_480 = arith.constant 0 : i32
      %ne3A_481 = arith.cmpi ne, %rem3A_479, %ne3A_480 : i32
      %lt3A = arith.constant 0 : i32
      %lt3A_482 = arith.cmpi slt, %rem3A_479, %lt3A : i32
      %lt3A_483 = arith.constant 0 : i32
      %lt3A_484 = arith.cmpi slt, %select_n3A_478, %lt3A_483 : i32
      %ne3A_485 = arith.xori %lt3A_482, %lt3A_484 : i1
      %and3A_486 = arith.andi %ne3A_485, %ne3A_481 : i1
      %add3A_487 = arith.addi %rem3A_479, %select_n3A_478 : i32
      %select_n3A_488 = arith.select %and3A_486, %add3A_487, %rem3A_479 : i32
      %mul3A_489 = arith.constant 16 : i32
      %mul3A_490 = arith.muli %select_n3A_488, %mul3A_489 : i32
      %broadcast_in_dim3A = arith.constant 0.000000e+00 : f32
      %broadcast_in_dim3A_491 = vector.broadcast %broadcast_in_dim3A : f32 to vector<16xf32>
      %swap3A = arith.constant 0 : i32
      %swap3A_492 = arith.index_cast %swap3A : i32 to index
      %swap3A_493 = arith.index_cast %select_n3A : i32 to index
      %swap3A_494 = arith.index_cast %mul3A_490 : i32 to index
      %swap3A_495 = tpu.vector_load %arg8[%swap3A_492, %swap3A_493, %swap3A_494] {strides = array<i32>} : memref<2x128x128xf32, #tpu.memory_space<vmem>>, vector<1x1x16xf32>,
      %swap3A_496 = vector.shape_cast %swap3A_495 : vector<1x1x16xf32> to vector<16xf32>
      %swap3A_497 = vector.shape_cast %broadcast_in_dim3A_491 : vector<16xf32> to vector<1x1x16xf32>
      tpu.vector_store %arg8[%swap3A_492, %swap3A_493, %swap3A_494], %swap3A_497 {strides = array<i32>} : memref<2x128x128xf32, #tpu.memory_space<vmem>>, vector<1x1x16xf32>,
      %scan3A_498 = arith.constant 0 : i32
      scf.yield %scan3A_498 : i32
    }
    %scan3A_6 = arith.constant 1024 : i32
    %mul3A_7 = arith.constant 640 : i32
    %mul3A_8 = arith.muli %arg1, %mul3A_7 : i32
    %add3A_9 = arith.constant 0 : i32
    %add3A_10 = arith.addi %mul3A_8, %add3A_9 : i32
    %run_scoped3A = arith.constant 0 : i32
    "tpu.region"() ({
      %run_scoped3A_457 = tpu.sem_alloc : memref<!tpu.dma_semaphore, #tpu.memory_space<semaphore_mem>>
      %dma_start3A_458 = arith.constant 0 : i32
      %dma_start3A_459 = arith.constant 0 : i32
      %dma_start3A_460 = tpu.memref_slice %arg8[%run_scoped3A, %dma_start3A_458, %dma_start3A_459] : memref<2x128x128xf32, #tpu.memory_space<vmem>> -> memref<1x128x128xf32, #tpu.memory_space<vmem>>
      %dma_start3A_461 = tpu.memref_squeeze %dma_start3A_460 : memref<1x128x128xf32, #tpu.memory_space<vmem>> -> memref<128x128xf32, #tpu.memory_space<vmem>>
      %dma_start3A_462 = arith.constant 0 : i32
      %dma_start3A_463 = tpu.memref_slice %arg9[%add3A_10, %dma_start3A_462] : memref<10240x128xf32, #tpu.memory_space<vmem_shared>> -> memref<128x128xf32, #tpu.memory_space<vmem_shared>>
      %dma_start3A_464 = arith.constant 0 : i32
      %dma_start3A_465 = tpu.memref_slice %arg9[%add3A_10, %dma_start3A_464] : memref<10240x128xf32, #tpu.memory_space<vmem_shared>> -> memref<128x128xf32, #tpu.memory_space<vmem_shared>>
      %dma_start3A_466 = arith.constant 0 : i32
      %dma_start3A_467 = arith.constant 0 : i32
      %dma_start3A_468 = tpu.memref_slice %arg8[%run_scoped3A, %dma_start3A_466, %dma_start3A_467] : memref<2x128x128xf32, #tpu.memory_space<vmem>> -> memref<1x128x128xf32, #tpu.memory_space<vmem>>
      %dma_start3A_469 = tpu.memref_squeeze %dma_start3A_468 : memref<1x128x128xf32, #tpu.memory_space<vmem>> -> memref<128x128xf32, #tpu.memory_space<vmem>>
      tpu.enqueue_dma source(%dma_start3A_469 : memref<128x128xf32, #tpu.memory_space<vmem>>) target(%dma_start3A_465 : memref<128x128xf32, #tpu.memory_space<vmem_shared>>) target_semaphore(%run_scoped3A_457 : memref<!tpu.dma_semaphore, #tpu.memory_space<semaphore_mem>>)
      %dma_wait3A_470 = arith.constant 0 : i32
      %dma_wait3A_471 = arith.constant 0 : i32
      %dma_wait3A_472 = tpu.memref_slice %arg8[%run_scoped3A, %dma_wait3A_470, %dma_wait3A_471] : memref<2x128x128xf32, #tpu.memory_space<vmem>> -> memref<1x128x128xf32, #tpu.memory_space<vmem>>
      %dma_wait3A_473 = tpu.memref_squeeze %dma_wait3A_472 : memref<1x128x128xf32, #tpu.memory_space<vmem>> -> memref<128x128xf32, #tpu.memory_space<vmem>>
      %dma_wait3A_474 = arith.constant 0 : i32
      %dma_wait3A_475 = tpu.memref_slice %arg9[%add3A_10, %dma_wait3A_474] : memref<10240x128xf32, #tpu.memory_space<vmem_shared>> -> memref<128x128xf32, #tpu.memory_space<vmem_shared>>
      %dma_wait3A_476 = arith.constant 0 : i32
      %dma_wait3A_477 = tpu.memref_slice %arg9[%add3A_10, %dma_wait3A_476] : memref<10240x128xf32, #tpu.memory_space<vmem_shared>> -> memref<128x128xf32, #tpu.memory_space<vmem_shared>>
      %dma_wait3A_478 = arith.constant 0 : i32
      %dma_wait3A_479 = arith.constant 0 : i32
      %dma_wait3A_480 = tpu.memref_slice %arg8[%run_scoped3A, %dma_wait3A_478, %dma_wait3A_479] : memref<2x128x128xf32, #tpu.memory_space<vmem>> -> memref<1x128x128xf32, #tpu.memory_space<vmem>>
      %dma_wait3A_481 = tpu.memref_squeeze %dma_wait3A_480 : memref<1x128x128xf32, #tpu.memory_space<vmem>> -> memref<128x128xf32, #tpu.memory_space<vmem>>
      tpu.wait_dma2 semaphore(%run_scoped3A_457 : memref<!tpu.dma_semaphore, #tpu.memory_space<semaphore_mem>>) src(%dma_wait3A_481 : memref<128x128xf32, #tpu.memory_space<vmem>>) dst(%dma_wait3A_477 : memref<128x128xf32, #tpu.memory_space<vmem_shared>>)
      tpu.yield
    }) : () -> ()
    %mul3A_11 = arith.constant 640 : i32
    %mul3A_12 = arith.muli %arg1, %mul3A_11 : i32
    %add3A_13 = arith.constant 128 : i32
    %add3A_14 = arith.addi %mul3A_12, %add3A_13 : i32
    %run_scoped3A_15 = arith.constant 0 : i32
    "tpu.region"() ({
      %run_scoped3A_457 = tpu.sem_alloc : memref<!tpu.dma_semaphore, #tpu.memory_space<semaphore_mem>>
      %dma_start3A_458 = arith.constant 0 : i32
      %dma_start3A_459 = arith.constant 0 : i32
      %dma_start3A_460 = tpu.memref_slice %arg8[%run_scoped3A_15, %dma_start3A_458, %dma_start3A_459] : memref<2x128x128xf32, #tpu.memory_space<vmem>> -> memref<1x128x128xf32, #tpu.memory_space<vmem>>
      %dma_start3A_461 = tpu.memref_squeeze %dma_start3A_460 : memref<1x128x128xf32, #tpu.memory_space<vmem>> -> memref<128x128xf32, #tpu.memory_space<vmem>>
      %dma_start3A_462 = arith.constant 0 : i32
      %dma_start3A_463 = tpu.memref_slice %arg9[%add3A_14, %dma_start3A_462] : memref<10240x128xf32, #tpu.memory_space<vmem_shared>> -> memref<128x128xf32, #tpu.memory_space<vmem_shared>>
      %dma_start3A_464 = arith.constant 0 : i32
      %dma_start3A_465 = tpu.memref_slice %arg9[%add3A_14, %dma_start3A_464] : memref<10240x128xf32, #tpu.memory_space<vmem_shared>> -> memref<128x128xf32, #tpu.memory_space<vmem_shared>>
      %dma_start3A_466 = arith.constant 0 : i32
      %dma_start3A_467 = arith.constant 0 : i32
      %dma_start3A_468 = tpu.memref_slice %arg8[%run_scoped3A_15, %dma_start3A_466, %dma_start3A_467] : memref<2x128x128xf32, #tpu.memory_space<vmem>> -> memref<1x128x128xf32, #tpu.memory_space<vmem>>
      %dma_start3A_469 = tpu.memref_squeeze %dma_start3A_468 : memref<1x128x128xf32, #tpu.memory_space<vmem>> -> memref<128x128xf32, #tpu.memory_space<vmem>>
      tpu.enqueue_dma source(%dma_start3A_469 : memref<128x128xf32, #tpu.memory_space<vmem>>) target(%dma_start3A_465 : memref<128x128xf32, #tpu.memory_space<vmem_shared>>) target_semaphore(%run_scoped3A_457 : memref<!tpu.dma_semaphore, #tpu.memory_space<semaphore_mem>>)
      %dma_wait3A_470 = arith.constant 0 : i32
      %dma_wait3A_471 = arith.constant 0 : i32
      %dma_wait3A_472 = tpu.memref_slice %arg8[%run_scoped3A_15, %dma_wait3A_470, %dma_wait3A_471] : memref<2x128x128xf32, #tpu.memory_space<vmem>> -> memref<1x128x128xf32, #tpu.memory_space<vmem>>
      %dma_wait3A_473 = tpu.memref_squeeze %dma_wait3A_472 : memref<1x128x128xf32, #tpu.memory_space<vmem>> -> memref<128x128xf32, #tpu.memory_space<vmem>>
      %dma_wait3A_474 = arith.constant 0 : i32
      %dma_wait3A_475 = tpu.memref_slice %arg9[%add3A_14, %dma_wait3A_474] : memref<10240x128xf32, #tpu.memory_space<vmem_shared>> -> memref<128x128xf32, #tpu.memory_space<vmem_shared>>
      %dma_wait3A_476 = arith.constant 0 : i32
      %dma_wait3A_477 = tpu.memref_slice %arg9[%add3A_14, %dma_wait3A_476] : memref<10240x128xf32, #tpu.memory_space<vmem_shared>> -> memref<128x128xf32, #tpu.memory_space<vmem_shared>>
      %dma_wait3A_478 = arith.constant 0 : i32
      %dma_wait3A_479 = arith.constant 0 : i32
      %dma_wait3A_480 = tpu.memref_slice %arg8[%run_scoped3A_15, %dma_wait3A_478, %dma_wait3A_479] : memref<2x128x128xf32, #tpu.memory_space<vmem>> -> memref<1x128x128xf32, #tpu.memory_space<vmem>>
      %dma_wait3A_481 = tpu.memref_squeeze %dma_wait3A_480 : memref<1x128x128xf32, #tpu.memory_space<vmem>> -> memref<128x128xf32, #tpu.memory_space<vmem>>
      tpu.wait_dma2 semaphore(%run_scoped3A_457 : memref<!tpu.dma_semaphore, #tpu.memory_space<semaphore_mem>>) src(%dma_wait3A_481 : memref<128x128xf32, #tpu.memory_space<vmem>>) dst(%dma_wait3A_477 : memref<128x128xf32, #tpu.memory_space<vmem_shared>>)
      tpu.yield
    }) : () -> ()
    %mul3A_16 = arith.constant 640 : i32
    %mul3A_17 = arith.muli %arg1, %mul3A_16 : i32
    %add3A_18 = arith.constant 256 : i32
    %add3A_19 = arith.addi %mul3A_17, %add3A_18 : i32
    %run_scoped3A_20 = arith.constant 0 : i32
    "tpu.region"() ({
      %run_scoped3A_457 = tpu.sem_alloc : memref<!tpu.dma_semaphore, #tpu.memory_space<semaphore_mem>>
      %dma_start3A_458 = arith.constant 0 : i32
      %dma_start3A_459 = arith.constant 0 : i32
      %dma_start3A_460 = tpu.memref_slice %arg8[%run_scoped3A_20, %dma_start3A_458, %dma_start3A_459] : memref<2x128x128xf32, #tpu.memory_space<vmem>> -> memref<1x128x128xf32, #tpu.memory_space<vmem>>
      %dma_start3A_461 = tpu.memref_squeeze %dma_start3A_460 : memref<1x128x128xf32, #tpu.memory_space<vmem>> -> memref<128x128xf32, #tpu.memory_space<vmem>>
      %dma_start3A_462 = arith.constant 0 : i32
      %dma_start3A_463 = tpu.memref_slice %arg9[%add3A_19, %dma_start3A_462] : memref<10240x128xf32, #tpu.memory_space<vmem_shared>> -> memref<128x128xf32, #tpu.memory_space<vmem_shared>>
      %dma_start3A_464 = arith.constant 0 : i32
      %dma_start3A_465 = tpu.memref_slice %arg9[%add3A_19, %dma_start3A_464] : memref<10240x128xf32, #tpu.memory_space<vmem_shared>> -> memref<128x128xf32, #tpu.memory_space<vmem_shared>>
      %dma_start3A_466 = arith.constant 0 : i32
      %dma_start3A_467 = arith.constant 0 : i32
      %dma_start3A_468 = tpu.memref_slice %arg8[%run_scoped3A_20, %dma_start3A_466, %dma_start3A_467] : memref<2x128x128xf32, #tpu.memory_space<vmem>> -> memref<1x128x128xf32, #tpu.memory_space<vmem>>
      %dma_start3A_469 = tpu.memref_squeeze %dma_start3A_468 : memref<1x128x128xf32, #tpu.memory_space<vmem>> -> memref<128x128xf32, #tpu.memory_space<vmem>>
      tpu.enqueue_dma source(%dma_start3A_469 : memref<128x128xf32, #tpu.memory_space<vmem>>) target(%dma_start3A_465 : memref<128x128xf32, #tpu.memory_space<vmem_shared>>) target_semaphore(%run_scoped3A_457 : memref<!tpu.dma_semaphore, #tpu.memory_space<semaphore_mem>>)
      %dma_wait3A_470 = arith.constant 0 : i32
      %dma_wait3A_471 = arith.constant 0 : i32
      %dma_wait3A_472 = tpu.memref_slice %arg8[%run_scoped3A_20, %dma_wait3A_470, %dma_wait3A_471] : memref<2x128x128xf32, #tpu.memory_space<vmem>> -> memref<1x128x128xf32, #tpu.memory_space<vmem>>
      %dma_wait3A_473 = tpu.memref_squeeze %dma_wait3A_472 : memref<1x128x128xf32, #tpu.memory_space<vmem>> -> memref<128x128xf32, #tpu.memory_space<vmem>>
      %dma_wait3A_474 = arith.constant 0 : i32
      %dma_wait3A_475 = tpu.memref_slice %arg9[%add3A_19, %dma_wait3A_474] : memref<10240x128xf32, #tpu.memory_space<vmem_shared>> -> memref<128x128xf32, #tpu.memory_space<vmem_shared>>
      %dma_wait3A_476 = arith.constant 0 : i32
      %dma_wait3A_477 = tpu.memref_slice %arg9[%add3A_19, %dma_wait3A_476] : memref<10240x128xf32, #tpu.memory_space<vmem_shared>> -> memref<128x128xf32, #tpu.memory_space<vmem_shared>>
      %dma_wait3A_478 = arith.constant 0 : i32
      %dma_wait3A_479 = arith.constant 0 : i32
      %dma_wait3A_480 = tpu.memref_slice %arg8[%run_scoped3A_20, %dma_wait3A_478, %dma_wait3A_479] : memref<2x128x128xf32, #tpu.memory_space<vmem>> -> memref<1x128x128xf32, #tpu.memory_space<vmem>>
      %dma_wait3A_481 = tpu.memref_squeeze %dma_wait3A_480 : memref<1x128x128xf32, #tpu.memory_space<vmem>> -> memref<128x128xf32, #tpu.memory_space<vmem>>
      tpu.wait_dma2 semaphore(%run_scoped3A_457 : memref<!tpu.dma_semaphore, #tpu.memory_space<semaphore_mem>>) src(%dma_wait3A_481 : memref<128x128xf32, #tpu.memory_space<vmem>>) dst(%dma_wait3A_477 : memref<128x128xf32, #tpu.memory_space<vmem_shared>>)
      tpu.yield
    }) : () -> ()
    %mul3A_21 = arith.constant 640 : i32
    %mul3A_22 = arith.muli %arg1, %mul3A_21 : i32
    %add3A_23 = arith.constant 384 : i32
    %add3A_24 = arith.addi %mul3A_22, %add3A_23 : i32
    %run_scoped3A_25 = arith.constant 0 : i32
    "tpu.region"() ({
      %run_scoped3A_457 = tpu.sem_alloc : memref<!tpu.dma_semaphore, #tpu.memory_space<semaphore_mem>>
      %dma_start3A_458 = arith.constant 0 : i32
      %dma_start3A_459 = arith.constant 0 : i32
      %dma_start3A_460 = tpu.memref_slice %arg8[%run_scoped3A_25, %dma_start3A_458, %dma_start3A_459] : memref<2x128x128xf32, #tpu.memory_space<vmem>> -> memref<1x128x128xf32, #tpu.memory_space<vmem>>
      %dma_start3A_461 = tpu.memref_squeeze %dma_start3A_460 : memref<1x128x128xf32, #tpu.memory_space<vmem>> -> memref<128x128xf32, #tpu.memory_space<vmem>>
      %dma_start3A_462 = arith.constant 0 : i32
      %dma_start3A_463 = tpu.memref_slice %arg9[%add3A_24, %dma_start3A_462] : memref<10240x128xf32, #tpu.memory_space<vmem_shared>> -> memref<128x128xf32, #tpu.memory_space<vmem_shared>>
      %dma_start3A_464 = arith.constant 0 : i32
      %dma_start3A_465 = tpu.memref_slice %arg9[%add3A_24, %dma_start3A_464] : memref<10240x128xf32, #tpu.memory_space<vmem_shared>> -> memref<128x128xf32, #tpu.memory_space<vmem_shared>>
      %dma_start3A_466 = arith.constant 0 : i32
      %dma_start3A_467 = arith.constant 0 : i32
      %dma_start3A_468 = tpu.memref_slice %arg8[%run_scoped3A_25, %dma_start3A_466, %dma_start3A_467] : memref<2x128x128xf32, #tpu.memory_space<vmem>> -> memref<1x128x128xf32, #tpu.memory_space<vmem>>
      %dma_start3A_469 = tpu.memref_squeeze %dma_start3A_468 : memref<1x128x128xf32, #tpu.memory_space<vmem>> -> memref<128x128xf32, #tpu.memory_space<vmem>>
      tpu.enqueue_dma source(%dma_start3A_469 : memref<128x128xf32, #tpu.memory_space<vmem>>) target(%dma_start3A_465 : memref<128x128xf32, #tpu.memory_space<vmem_shared>>) target_semaphore(%run_scoped3A_457 : memref<!tpu.dma_semaphore, #tpu.memory_space<semaphore_mem>>)
      %dma_wait3A_470 = arith.constant 0 : i32
      %dma_wait3A_471 = arith.constant 0 : i32
      %dma_wait3A_472 = tpu.memref_slice %arg8[%run_scoped3A_25, %dma_wait3A_470, %dma_wait3A_471] : memref<2x128x128xf32, #tpu.memory_space<vmem>> -> memref<1x128x128xf32, #tpu.memory_space<vmem>>
      %dma_wait3A_473 = tpu.memref_squeeze %dma_wait3A_472 : memref<1x128x128xf32, #tpu.memory_space<vmem>> -> memref<128x128xf32, #tpu.memory_space<vmem>>
      %dma_wait3A_474 = arith.constant 0 : i32
      %dma_wait3A_475 = tpu.memref_slice %arg9[%add3A_24, %dma_wait3A_474] : memref<10240x128xf32, #tpu.memory_space<vmem_shared>> -> memref<128x128xf32, #tpu.memory_space<vmem_shared>>
      %dma_wait3A_476 = arith.constant 0 : i32
      %dma_wait3A_477 = tpu.memref_slice %arg9[%add3A_24, %dma_wait3A_476] : memref<10240x128xf32, #tpu.memory_space<vmem_shared>> -> memref<128x128xf32, #tpu.memory_space<vmem_shared>>
      %dma_wait3A_478 = arith.constant 0 : i32
      %dma_wait3A_479 = arith.constant 0 : i32
      %dma_wait3A_480 = tpu.memref_slice %arg8[%run_scoped3A_25, %dma_wait3A_478, %dma_wait3A_479] : memref<2x128x128xf32, #tpu.memory_space<vmem>> -> memref<1x128x128xf32, #tpu.memory_space<vmem>>
      %dma_wait3A_481 = tpu.memref_squeeze %dma_wait3A_480 : memref<1x128x128xf32, #tpu.memory_space<vmem>> -> memref<128x128xf32, #tpu.memory_space<vmem>>
      tpu.wait_dma2 semaphore(%run_scoped3A_457 : memref<!tpu.dma_semaphore, #tpu.memory_space<semaphore_mem>>) src(%dma_wait3A_481 : memref<128x128xf32, #tpu.memory_space<vmem>>) dst(%dma_wait3A_477 : memref<128x128xf32, #tpu.memory_space<vmem_shared>>)
      tpu.yield
    }) : () -> ()
    %mul3A_26 = arith.constant 640 : i32
    %mul3A_27 = arith.muli %arg1, %mul3A_26 : i32
    %add3A_28 = arith.constant 512 : i32
    %add3A_29 = arith.addi %mul3A_27, %add3A_28 : i32
    %run_scoped3A_30 = arith.constant 0 : i32
    "tpu.region"() ({
      %run_scoped3A_457 = tpu.sem_alloc : memref<!tpu.dma_semaphore, #tpu.memory_space<semaphore_mem>>
      %dma_start3A_458 = arith.constant 0 : i32
      %dma_start3A_459 = arith.constant 0 : i32
      %dma_start3A_460 = tpu.memref_slice %arg8[%run_scoped3A_30, %dma_start3A_458, %dma_start3A_459] : memref<2x128x128xf32, #tpu.memory_space<vmem>> -> memref<1x128x128xf32, #tpu.memory_space<vmem>>
      %dma_start3A_461 = tpu.memref_squeeze %dma_start3A_460 : memref<1x128x128xf32, #tpu.memory_space<vmem>> -> memref<128x128xf32, #tpu.memory_space<vmem>>
      %dma_start3A_462 = arith.constant 0 : i32
      %dma_start3A_463 = tpu.memref_slice %arg9[%add3A_29, %dma_start3A_462] : memref<10240x128xf32, #tpu.memory_space<vmem_shared>> -> memref<128x128xf32, #tpu.memory_space<vmem_shared>>
      %dma_start3A_464 = arith.constant 0 : i32
      %dma_start3A_465 = tpu.memref_slice %arg9[%add3A_29, %dma_start3A_464] : memref<10240x128xf32, #tpu.memory_space<vmem_shared>> -> memref<128x128xf32, #tpu.memory_space<vmem_shared>>
      %dma_start3A_466 = arith.constant 0 : i32
      %dma_start3A_467 = arith.constant 0 : i32
      %dma_start3A_468 = tpu.memref_slice %arg8[%run_scoped3A_30, %dma_start3A_466, %dma_start3A_467] : memref<2x128x128xf32, #tpu.memory_space<vmem>> -> memref<1x128x128xf32, #tpu.memory_space<vmem>>
      %dma_start3A_469 = tpu.memref_squeeze %dma_start3A_468 : memref<1x128x128xf32, #tpu.memory_space<vmem>> -> memref<128x128xf32, #tpu.memory_space<vmem>>
      tpu.enqueue_dma source(%dma_start3A_469 : memref<128x128xf32, #tpu.memory_space<vmem>>) target(%dma_start3A_465 : memref<128x128xf32, #tpu.memory_space<vmem_shared>>) target_semaphore(%run_scoped3A_457 : memref<!tpu.dma_semaphore, #tpu.memory_space<semaphore_mem>>)
      %dma_wait3A_470 = arith.constant 0 : i32
      %dma_wait3A_471 = arith.constant 0 : i32
      %dma_wait3A_472 = tpu.memref_slice %arg8[%run_scoped3A_30, %dma_wait3A_470, %dma_wait3A_471] : memref<2x128x128xf32, #tpu.memory_space<vmem>> -> memref<1x128x128xf32, #tpu.memory_space<vmem>>
      %dma_wait3A_473 = tpu.memref_squeeze %dma_wait3A_472 : memref<1x128x128xf32, #tpu.memory_space<vmem>> -> memref<128x128xf32, #tpu.memory_space<vmem>>
      %dma_wait3A_474 = arith.constant 0 : i32
      %dma_wait3A_475 = tpu.memref_slice %arg9[%add3A_29, %dma_wait3A_474] : memref<10240x128xf32, #tpu.memory_space<vmem_shared>> -> memref<128x128xf32, #tpu.memory_space<vmem_shared>>
      %dma_wait3A_476 = arith.constant 0 : i32
      %dma_wait3A_477 = tpu.memref_slice %arg9[%add3A_29, %dma_wait3A_476] : memref<10240x128xf32, #tpu.memory_space<vmem_shared>> -> memref<128x128xf32, #tpu.memory_space<vmem_shared>>
      %dma_wait3A_478 = arith.constant 0 : i32
      %dma_wait3A_479 = arith.constant 0 : i32
      %dma_wait3A_480 = tpu.memref_slice %arg8[%run_scoped3A_30, %dma_wait3A_478, %dma_wait3A_479] : memref<2x128x128xf32, #tpu.memory_space<vmem>> -> memref<1x128x128xf32, #tpu.memory_space<vmem>>
      %dma_wait3A_481 = tpu.memref_squeeze %dma_wait3A_480 : memref<1x128x128xf32, #tpu.memory_space<vmem>> -> memref<128x128xf32, #tpu.memory_space<vmem>>
      tpu.wait_dma2 semaphore(%run_scoped3A_457 : memref<!tpu.dma_semaphore, #tpu.memory_space<semaphore_mem>>) src(%dma_wait3A_481 : memref<128x128xf32, #tpu.memory_space<vmem>>) dst(%dma_wait3A_477 : memref<128x128xf32, #tpu.memory_space<vmem_shared>>)
      tpu.yield
    }) : () -> ()
    %barrier3A = arith.constant 0 : index
    tpu.barrier barrier_id(%barrier3A)
    %dma_start3A = arith.constant 0 : i32
    %dma_start3A_31 = arith.constant 0 : i32
    %dma_start3A_32 = arith.constant 0 : i32
    %dma_start3A_33 = tpu.memref_slice %arg6[%dma_start3A_31, %dma_start3A_32] : memref<2x128xi32, #tpu.memory_space<vmem>> -> memref<1x128xi32, #tpu.memory_space<vmem>>
    %dma_start3A_34 = tpu.memref_squeeze %dma_start3A_33 : memref<1x128xi32, #tpu.memory_space<vmem>> -> memref<128xi32, #tpu.memory_space<vmem>>
    %dma_start3A_35 = arith.constant 0 : i32
    %dma_start3A_36 = tpu.memref_slice %arg3[%add3A, %dma_start3A, %dma_start3A_35] : memref<32x80x128xi32, #tpu.memory_space<hbm>> -> memref<1x1x128xi32, #tpu.memory_space<hbm>>
    %dma_start3A_37 = tpu.memref_squeeze %dma_start3A_36 : memref<1x1x128xi32, #tpu.memory_space<hbm>> -> memref<128xi32, #tpu.memory_space<hbm>>
    %dma_start3A_38 = arith.constant 0 : i32
    %dma_start3A_39 = tpu.memref_slice %arg6[%dma_start3A_31, %dma_start3A_38] : memref<2x128xi32, #tpu.memory_space<vmem>> -> memref<1x128xi32, #tpu.memory_space<vmem>>
    %dma_start3A_40 = tpu.memref_squeeze %dma_start3A_39 : memref<1x128xi32, #tpu.memory_space<vmem>> -> memref<128xi32, #tpu.memory_space<vmem>>
    %dma_start3A_41 = arith.constant 0 : i32
    %dma_start3A_42 = tpu.memref_slice %arg3[%add3A, %dma_start3A, %dma_start3A_41] : memref<32x80x128xi32, #tpu.memory_space<hbm>> -> memref<1x1x128xi32, #tpu.memory_space<hbm>>
    %dma_start3A_43 = tpu.memref_squeeze %dma_start3A_42 : memref<1x1x128xi32, #tpu.memory_space<hbm>> -> memref<128xi32, #tpu.memory_space<hbm>>
    tpu.enqueue_dma source(%dma_start3A_43 : memref<128xi32, #tpu.memory_space<hbm>>) target(%dma_start3A_40 : memref<128xi32, #tpu.memory_space<vmem>>) target_semaphore(%arg10 : memref<!tpu.dma_semaphore, #tpu.memory_space<semaphore_mem>>)
    %dma_start3A_44 = arith.constant 1 : i32
    %dma_start3A_45 = arith.constant 1 : i32
    %dma_start3A_46 = arith.constant 0 : i32
    %dma_start3A_47 = tpu.memref_slice %arg6[%dma_start3A_45, %dma_start3A_46] : memref<2x128xi32, #tpu.memory_space<vmem>> -> memref<1x128xi32, #tpu.memory_space<vmem>>
    %dma_start3A_48 = tpu.memref_squeeze %dma_start3A_47 : memref<1x128xi32, #tpu.memory_space<vmem>> -> memref<128xi32, #tpu.memory_space<vmem>>
    %dma_start3A_49 = arith.constant 0 : i32
    %dma_start3A_50 = tpu.memref_slice %arg3[%add3A, %dma_start3A_44, %dma_start3A_49] : memref<32x80x128xi32, #tpu.memory_space<hbm>> -> memref<1x1x128xi32, #tpu.memory_space<hbm>>
    %dma_start3A_51 = tpu.memref_squeeze %dma_start3A_50 : memref<1x1x128xi32, #tpu.memory_space<hbm>> -> memref<128xi32, #tpu.memory_space<hbm>>
    %dma_start3A_52 = arith.constant 0 : i32
    %dma_start3A_53 = tpu.memref_slice %arg6[%dma_start3A_45, %dma_start3A_52] : memref<2x128xi32, #tpu.memory_space<vmem>> -> memref<1x128xi32, #tpu.memory_space<vmem>>
    %dma_start3A_54 = tpu.memref_squeeze %dma_start3A_53 : memref<1x128xi32, #tpu.memory_space<vmem>> -> memref<128xi32, #tpu.memory_space<vmem>>
    %dma_start3A_55 = arith.constant 0 : i32
    %dma_start3A_56 = tpu.memref_slice %arg3[%add3A, %dma_start3A_44, %dma_start3A_55] : memref<32x80x128xi32, #tpu.memory_space<hbm>> -> memref<1x1x128xi32, #tpu.memory_space<hbm>>
    %dma_start3A_57 = tpu.memref_squeeze %dma_start3A_56 : memref<1x1x128xi32, #tpu.memory_space<hbm>> -> memref<128xi32, #tpu.memory_space<hbm>>
    tpu.enqueue_dma source(%dma_start3A_57 : memref<128xi32, #tpu.memory_space<hbm>>) target(%dma_start3A_54 : memref<128xi32, #tpu.memory_space<vmem>>) target_semaphore(%arg11 : memref<!tpu.dma_semaphore, #tpu.memory_space<semaphore_mem>>)
    %dma_start3A_58 = arith.constant 0 : i32
    %dma_start3A_59 = arith.constant 0 : i32
    %dma_start3A_60 = arith.constant 0 : i32
    %dma_start3A_61 = tpu.memref_slice %arg7[%dma_start3A_59, %dma_start3A_60] : memref<2x128xi32, #tpu.memory_space<vmem>> -> memref<1x128xi32, #tpu.memory_space<vmem>>
    %dma_start3A_62 = tpu.memref_squeeze %dma_start3A_61 : memref<1x128xi32, #tpu.memory_space<vmem>> -> memref<128xi32, #tpu.memory_space<vmem>>
    %dma_start3A_63 = arith.constant 0 : i32
    %dma_start3A_64 = tpu.memref_slice %arg4[%add3A, %dma_start3A_58, %dma_start3A_63] : memref<32x80x128xi32, #tpu.memory_space<hbm>> -> memref<1x1x128xi32, #tpu.memory_space<hbm>>
    %dma_start3A_65 = tpu.memref_squeeze %dma_start3A_64 : memref<1x1x128xi32, #tpu.memory_space<hbm>> -> memref<128xi32, #tpu.memory_space<hbm>>
    %dma_start3A_66 = arith.constant 0 : i32
    %dma_start3A_67 = tpu.memref_slice %arg7[%dma_start3A_59, %dma_start3A_66] : memref<2x128xi32, #tpu.memory_space<vmem>> -> memref<1x128xi32, #tpu.memory_space<vmem>>
    %dma_start3A_68 = tpu.memref_squeeze %dma_start3A_67 : memref<1x128xi32, #tpu.memory_space<vmem>> -> memref<128xi32, #tpu.memory_space<vmem>>
    %dma_start3A_69 = arith.constant 0 : i32
    %dma_start3A_70 = tpu.memref_slice %arg4[%add3A, %dma_start3A_58, %dma_start3A_69] : memref<32x80x128xi32, #tpu.memory_space<hbm>> -> memref<1x1x128xi32, #tpu.memory_space<hbm>>
    %dma_start3A_71 = tpu.memref_squeeze %dma_start3A_70 : memref<1x1x128xi32, #tpu.memory_space<hbm>> -> memref<128xi32, #tpu.memory_space<hbm>>
    tpu.enqueue_dma source(%dma_start3A_71 : memref<128xi32, #tpu.memory_space<hbm>>) target(%dma_start3A_68 : memref<128xi32, #tpu.memory_space<vmem>>) target_semaphore(%arg12 : memref<!tpu.dma_semaphore, #tpu.memory_space<semaphore_mem>>)
    %dma_wait3A = arith.constant 0 : i32
    %dma_wait3A_72 = arith.constant 0 : i32
    %dma_wait3A_73 = arith.constant 0 : i32
    %dma_wait3A_74 = tpu.memref_slice %arg6[%dma_wait3A_72, %dma_wait3A_73] : memref<2x128xi32, #tpu.memory_space<vmem>> -> memref<1x128xi32, #tpu.memory_space<vmem>>
    %dma_wait3A_75 = tpu.memref_squeeze %dma_wait3A_74 : memref<1x128xi32, #tpu.memory_space<vmem>> -> memref<128xi32, #tpu.memory_space<vmem>>
    %dma_wait3A_76 = arith.constant 0 : i32
    %dma_wait3A_77 = tpu.memref_slice %arg3[%add3A, %dma_wait3A, %dma_wait3A_76] : memref<32x80x128xi32, #tpu.memory_space<hbm>> -> memref<1x1x128xi32, #tpu.memory_space<hbm>>
    %dma_wait3A_78 = tpu.memref_squeeze %dma_wait3A_77 : memref<1x1x128xi32, #tpu.memory_space<hbm>> -> memref<128xi32, #tpu.memory_space<hbm>>
    %dma_wait3A_79 = arith.constant 0 : i32
    %dma_wait3A_80 = tpu.memref_slice %arg6[%dma_wait3A_72, %dma_wait3A_79] : memref<2x128xi32, #tpu.memory_space<vmem>> -> memref<1x128xi32, #tpu.memory_space<vmem>>
    %dma_wait3A_81 = tpu.memref_squeeze %dma_wait3A_80 : memref<1x128xi32, #tpu.memory_space<vmem>> -> memref<128xi32, #tpu.memory_space<vmem>>
    %dma_wait3A_82 = arith.constant 0 : i32
    %dma_wait3A_83 = tpu.memref_slice %arg3[%add3A, %dma_wait3A, %dma_wait3A_82] : memref<32x80x128xi32, #tpu.memory_space<hbm>> -> memref<1x1x128xi32, #tpu.memory_space<hbm>>
    %dma_wait3A_84 = tpu.memref_squeeze %dma_wait3A_83 : memref<1x1x128xi32, #tpu.memory_space<hbm>> -> memref<128xi32, #tpu.memory_space<hbm>>
    tpu.wait_dma2 semaphore(%arg10 : memref<!tpu.dma_semaphore, #tpu.memory_space<semaphore_mem>>) src(%dma_wait3A_84 : memref<128xi32, #tpu.memory_space<hbm>>) dst(%dma_wait3A_81 : memref<128xi32, #tpu.memory_space<vmem>>)
    %dma_start3A_85 = arith.constant 0 : i32
    %dma_start3A_86 = arith.constant 0 : i32
    %dma_start3A_87 = arith.constant 0 : i32
    %dma_start3A_88 = arith.constant 0 : i32
    %dma_start3A_89 = tpu.memref_slice %arg8[%dma_start3A_86, %dma_start3A_87, %dma_start3A_88] : memref<2x128x128xf32, #tpu.memory_space<vmem>> -> memref<1x128x128xf32, #tpu.memory_space<vmem>>
    %dma_start3A_90 = tpu.memref_squeeze %dma_start3A_89 : memref<1x128x128xf32, #tpu.memory_space<vmem>> -> memref<128x128xf32, #tpu.memory_space<vmem>>
    %dma_start3A_91 = arith.constant 0 : i32
    %dma_start3A_92 = tpu.memref_slice %arg6[%dma_start3A_85, %dma_start3A_91] : memref<2x128xi32, #tpu.memory_space<vmem>> -> memref<1x128xi32, #tpu.memory_space<vmem>>
    %dma_start3A_93 = tpu.memref_squeeze %dma_start3A_92 : memref<1x128xi32, #tpu.memory_space<vmem>> -> memref<128xi32, #tpu.memory_space<vmem>>
    %dma_start3A_94 = arith.constant 0 : i32
    %dma_start3A_95 = arith.constant 0 : i32
    %dma_start3A_96 = tpu.memref_slice %arg2[%dma_start3A_94, %dma_start3A_95] : memref<10240x128xf32, #tpu.memory_space<hbm>> -> memref<10240x128xf32, #tpu.memory_space<hbm>>
    tpu.enqueue_indirect_dma source(%dma_start3A_96 : memref<10240x128xf32, #tpu.memory_space<hbm>>) target(%dma_start3A_90 : memref<128x128xf32, #tpu.memory_space<vmem>>) offsets(%dma_start3A_93 : memref<128xi32, #tpu.memory_space<vmem>>) semaphore(%arg14 : memref<!tpu.dma_semaphore, #tpu.memory_space<semaphore_mem>>)
    %dma_wait3A_97 = arith.constant 0 : i32
    %dma_wait3A_98 = arith.constant 0 : i32
    %dma_wait3A_99 = arith.constant 0 : i32
    %dma_wait3A_100 = arith.constant 0 : i32
    %dma_wait3A_101 = tpu.memref_slice %arg8[%dma_wait3A_98, %dma_wait3A_99, %dma_wait3A_100] : memref<2x128x128xf32, #tpu.memory_space<vmem>> -> memref<1x128x128xf32, #tpu.memory_space<vmem>>
    %dma_wait3A_102 = tpu.memref_squeeze %dma_wait3A_101 : memref<1x128x128xf32, #tpu.memory_space<vmem>> -> memref<128x128xf32, #tpu.memory_space<vmem>>
    %dma_wait3A_103 = arith.constant 0 : i32
    %dma_wait3A_104 = tpu.memref_slice %arg6[%dma_wait3A_97, %dma_wait3A_103] : memref<2x128xi32, #tpu.memory_space<vmem>> -> memref<1x128xi32, #tpu.memory_space<vmem>>
    %dma_wait3A_105 = tpu.memref_squeeze %dma_wait3A_104 : memref<1x128xi32, #tpu.memory_space<vmem>> -> memref<128xi32, #tpu.memory_space<vmem>>
    %dma_wait3A_106 = arith.constant 0 : i32
    %dma_wait3A_107 = arith.constant 0 : i32
    %dma_wait3A_108 = tpu.memref_slice %arg2[%dma_wait3A_106, %dma_wait3A_107] : memref<10240x128xf32, #tpu.memory_space<hbm>> -> memref<10240x128xf32, #tpu.memory_space<hbm>>
    tpu.wait_indirect_dma semaphore(%arg14 : memref<!tpu.dma_semaphore, #tpu.memory_space<semaphore_mem>>) src(%dma_wait3A_108 : memref<10240x128xf32, #tpu.memory_space<hbm>>) dst(%dma_wait3A_102 : memref<128x128xf32, #tpu.memory_space<vmem>>)
    %dma_wait3A_109 = arith.constant 1 : i32
    %dma_wait3A_110 = arith.constant 1 : i32
    %dma_wait3A_111 = arith.constant 0 : i32
    %dma_wait3A_112 = tpu.memref_slice %arg6[%dma_wait3A_110, %dma_wait3A_111] : memref<2x128xi32, #tpu.memory_space<vmem>> -> memref<1x128xi32, #tpu.memory_space<vmem>>
    %dma_wait3A_113 = tpu.memref_squeeze %dma_wait3A_112 : memref<1x128xi32, #tpu.memory_space<vmem>> -> memref<128xi32, #tpu.memory_space<vmem>>
    %dma_wait3A_114 = arith.constant 0 : i32
    %dma_wait3A_115 = tpu.memref_slice %arg3[%add3A, %dma_wait3A_109, %dma_wait3A_114] : memref<32x80x128xi32, #tpu.memory_space<hbm>> -> memref<1x1x128xi32, #tpu.memory_space<hbm>>
    %dma_wait3A_116 = tpu.memref_squeeze %dma_wait3A_115 : memref<1x1x128xi32, #tpu.memory_space<hbm>> -> memref<128xi32, #tpu.memory_space<hbm>>
    %dma_wait3A_117 = arith.constant 0 : i32
    %dma_wait3A_118 = tpu.memref_slice %arg6[%dma_wait3A_110, %dma_wait3A_117] : memref<2x128xi32, #tpu.memory_space<vmem>> -> memref<1x128xi32, #tpu.memory_space<vmem>>
    %dma_wait3A_119 = tpu.memref_squeeze %dma_wait3A_118 : memref<1x128xi32, #tpu.memory_space<vmem>> -> memref<128xi32, #tpu.memory_space<vmem>>
    %dma_wait3A_120 = arith.constant 0 : i32
    %dma_wait3A_121 = tpu.memref_slice %arg3[%add3A, %dma_wait3A_109, %dma_wait3A_120] : memref<32x80x128xi32, #tpu.memory_space<hbm>> -> memref<1x1x128xi32, #tpu.memory_space<hbm>>
    %dma_wait3A_122 = tpu.memref_squeeze %dma_wait3A_121 : memref<1x1x128xi32, #tpu.memory_space<hbm>> -> memref<128xi32, #tpu.memory_space<hbm>>
    tpu.wait_dma2 semaphore(%arg11 : memref<!tpu.dma_semaphore, #tpu.memory_space<semaphore_mem>>) src(%dma_wait3A_122 : memref<128xi32, #tpu.memory_space<hbm>>) dst(%dma_wait3A_119 : memref<128xi32, #tpu.memory_space<vmem>>)
    %dma_wait3A_123 = arith.constant 0 : i32
    %dma_wait3A_124 = arith.constant 0 : i32
    %dma_wait3A_125 = arith.constant 0 : i32
    %dma_wait3A_126 = tpu.memref_slice %arg7[%dma_wait3A_124, %dma_wait3A_125] : memref<2x128xi32, #tpu.memory_space<vmem>> -> memref<1x128xi32, #tpu.memory_space<vmem>>
    %dma_wait3A_127 = tpu.memref_squeeze %dma_wait3A_126 : memref<1x128xi32, #tpu.memory_space<vmem>> -> memref<128xi32, #tpu.memory_space<vmem>>
    %dma_wait3A_128 = arith.constant 0 : i32
    %dma_wait3A_129 = tpu.memref_slice %arg4[%add3A, %dma_wait3A_123, %dma_wait3A_128] : memref<32x80x128xi32, #tpu.memory_space<hbm>> -> memref<1x1x128xi32, #tpu.memory_space<hbm>>
    %dma_wait3A_130 = tpu.memref_squeeze %dma_wait3A_129 : memref<1x1x128xi32, #tpu.memory_space<hbm>> -> memref<128xi32, #tpu.memory_space<hbm>>
    %dma_wait3A_131 = arith.constant 0 : i32
    %dma_wait3A_132 = tpu.memref_slice %arg7[%dma_wait3A_124, %dma_wait3A_131] : memref<2x128xi32, #tpu.memory_space<vmem>> -> memref<1x128xi32, #tpu.memory_space<vmem>>
    %dma_wait3A_133 = tpu.memref_squeeze %dma_wait3A_132 : memref<1x128xi32, #tpu.memory_space<vmem>> -> memref<128xi32, #tpu.memory_space<vmem>>
    %dma_wait3A_134 = arith.constant 0 : i32
    %dma_wait3A_135 = tpu.memref_slice %arg4[%add3A, %dma_wait3A_123, %dma_wait3A_134] : memref<32x80x128xi32, #tpu.memory_space<hbm>> -> memref<1x1x128xi32, #tpu.memory_space<hbm>>
    %dma_wait3A_136 = tpu.memref_squeeze %dma_wait3A_135 : memref<1x1x128xi32, #tpu.memory_space<hbm>> -> memref<128xi32, #tpu.memory_space<hbm>>
    tpu.wait_dma2 semaphore(%arg12 : memref<!tpu.dma_semaphore, #tpu.memory_space<semaphore_mem>>) src(%dma_wait3A_136 : memref<128xi32, #tpu.memory_space<hbm>>) dst(%dma_wait3A_133 : memref<128xi32, #tpu.memory_space<vmem>>)
    %dma_start3A_137 = arith.constant 0 : i32
    %dma_start3A_138 = arith.constant 0 : i32
    %dma_start3A_139 = arith.constant 0 : i32
    %dma_start3A_140 = arith.constant 0 : i32
    %dma_start3A_141 = tpu.memref_slice %arg8[%dma_start3A_137, %dma_start3A_139, %dma_start3A_140] : memref<2x128x128xf32, #tpu.memory_space<vmem>> -> memref<1x128x128xf32, #tpu.memory_space<vmem>>
    %dma_start3A_142 = tpu.memref_squeeze %dma_start3A_141 : memref<1x128x128xf32, #tpu.memory_space<vmem>> -> memref<128x128xf32, #tpu.memory_space<vmem>>
    %dma_start3A_143 = arith.constant 0 : i32
    %dma_start3A_144 = tpu.memref_slice %arg7[%dma_start3A_138, %dma_start3A_143] : memref<2x128xi32, #tpu.memory_space<vmem>> -> memref<1x128xi32, #tpu.memory_space<vmem>>
    %dma_start3A_145 = tpu.memref_squeeze %dma_start3A_144 : memref<1x128xi32, #tpu.memory_space<vmem>> -> memref<128xi32, #tpu.memory_space<vmem>>
    %dma_start3A_146 = arith.constant 0 : i32
    %dma_start3A_147 = arith.constant 0 : i32
    %dma_start3A_148 = tpu.memref_slice %arg9[%dma_start3A_146, %dma_start3A_147] : memref<10240x128xf32, #tpu.memory_space<vmem_shared>> -> memref<10240x128xf32, #tpu.memory_space<vmem_shared>>
    tpu.enqueue_indirect_dma source(%dma_start3A_142 : memref<128x128xf32, #tpu.memory_space<vmem>>) target(%dma_start3A_148 : memref<10240x128xf32, #tpu.memory_space<vmem_shared>>) offsets(%dma_start3A_145 : memref<128xi32, #tpu.memory_space<vmem>>) semaphore(%arg16 : memref<!tpu.dma_semaphore, #tpu.memory_space<semaphore_mem>>) {add = true}
    %dma_start3A_149 = arith.constant 1 : i32
    %dma_start3A_150 = arith.constant 1 : i32
    %dma_start3A_151 = arith.constant 0 : i32
    %dma_start3A_152 = arith.constant 0 : i32
    %dma_start3A_153 = tpu.memref_slice %arg8[%dma_start3A_150, %dma_start3A_151, %dma_start3A_152] : memref<2x128x128xf32, #tpu.memory_space<vmem>> -> memref<1x128x128xf32, #tpu.memory_space<vmem>>
    %dma_start3A_154 = tpu.memref_squeeze %dma_start3A_153 : memref<1x128x128xf32, #tpu.memory_space<vmem>> -> memref<128x128xf32, #tpu.memory_space<vmem>>
    %dma_start3A_155 = arith.constant 0 : i32
    %dma_start3A_156 = tpu.memref_slice %arg6[%dma_start3A_149, %dma_start3A_155] : memref<2x128xi32, #tpu.memory_space<vmem>> -> memref<1x128xi32, #tpu.memory_space<vmem>>
    %dma_start3A_157 = tpu.memref_squeeze %dma_start3A_156 : memref<1x128xi32, #tpu.memory_space<vmem>> -> memref<128xi32, #tpu.memory_space<vmem>>
    %dma_start3A_158 = arith.constant 0 : i32
    %dma_start3A_159 = arith.constant 0 : i32
    %dma_start3A_160 = tpu.memref_slice %arg2[%dma_start3A_158, %dma_start3A_159] : memref<10240x128xf32, #tpu.memory_space<hbm>> -> memref<10240x128xf32, #tpu.memory_space<hbm>>
    tpu.enqueue_indirect_dma source(%dma_start3A_160 : memref<10240x128xf32, #tpu.memory_space<hbm>>) target(%dma_start3A_154 : memref<128x128xf32, #tpu.memory_space<vmem>>) offsets(%dma_start3A_157 : memref<128xi32, #tpu.memory_space<vmem>>) semaphore(%arg15 : memref<!tpu.dma_semaphore, #tpu.memory_space<semaphore_mem>>)
    %dma_start3A_161 = arith.constant 1 : i32
    %dma_start3A_162 = arith.constant 1 : i32
    %dma_start3A_163 = arith.constant 0 : i32
    %dma_start3A_164 = tpu.memref_slice %arg7[%dma_start3A_162, %dma_start3A_163] : memref<2x128xi32, #tpu.memory_space<vmem>> -> memref<1x128xi32, #tpu.memory_space<vmem>>
    %dma_start3A_165 = tpu.memref_squeeze %dma_start3A_164 : memref<1x128xi32, #tpu.memory_space<vmem>> -> memref<128xi32, #tpu.memory_space<vmem>>
    %dma_start3A_166 = arith.constant 0 : i32
    %dma_start3A_167 = tpu.memref_slice %arg4[%add3A, %dma_start3A_161, %dma_start3A_166] : memref<32x80x128xi32, #tpu.memory_space<hbm>> -> memref<1x1x128xi32, #tpu.memory_space<hbm>>
    %dma_start3A_168 = tpu.memref_squeeze %dma_start3A_167 : memref<1x1x128xi32, #tpu.memory_space<hbm>> -> memref<128xi32, #tpu.memory_space<hbm>>
    %dma_start3A_169 = arith.constant 0 : i32
    %dma_start3A_170 = tpu.memref_slice %arg7[%dma_start3A_162, %dma_start3A_169] : memref<2x128xi32, #tpu.memory_space<vmem>> -> memref<1x128xi32, #tpu.memory_space<vmem>>
    %dma_start3A_171 = tpu.memref_squeeze %dma_start3A_170 : memref<1x128xi32, #tpu.memory_space<vmem>> -> memref<128xi32, #tpu.memory_space<vmem>>
    %dma_start3A_172 = arith.constant 0 : i32
    %dma_start3A_173 = tpu.memref_slice %arg4[%add3A, %dma_start3A_161, %dma_start3A_172] : memref<32x80x128xi32, #tpu.memory_space<hbm>> -> memref<1x1x128xi32, #tpu.memory_space<hbm>>
    %dma_start3A_174 = tpu.memref_squeeze %dma_start3A_173 : memref<1x1x128xi32, #tpu.memory_space<hbm>> -> memref<128xi32, #tpu.memory_space<hbm>>
    tpu.enqueue_dma source(%dma_start3A_174 : memref<128xi32, #tpu.memory_space<hbm>>) target(%dma_start3A_171 : memref<128xi32, #tpu.memory_space<vmem>>) target_semaphore(%arg13 : memref<!tpu.dma_semaphore, #tpu.memory_space<semaphore_mem>>)
    %dma_start3A_175 = arith.constant 2 : i32
    %dma_start3A_176 = arith.constant 0 : i32
    %dma_start3A_177 = arith.constant 0 : i32
    %dma_start3A_178 = tpu.memref_slice %arg6[%dma_start3A_176, %dma_start3A_177] : memref<2x128xi32, #tpu.memory_space<vmem>> -> memref<1x128xi32, #tpu.memory_space<vmem>>
    %dma_start3A_179 = tpu.memref_squeeze %dma_start3A_178 : memref<1x128xi32, #tpu.memory_space<vmem>> -> memref<128xi32, #tpu.memory_space<vmem>>
    %dma_start3A_180 = arith.constant 0 : i32
    %dma_start3A_181 = tpu.memref_slice %arg3[%add3A, %dma_start3A_175, %dma_start3A_180] : memref<32x80x128xi32, #tpu.memory_space<hbm>> -> memref<1x1x128xi32, #tpu.memory_space<hbm>>
    %dma_start3A_182 = tpu.memref_squeeze %dma_start3A_181 : memref<1x1x128xi32, #tpu.memory_space<hbm>> -> memref<128xi32, #tpu.memory_space<hbm>>
    %dma_start3A_183 = arith.constant 0 : i32
    %dma_start3A_184 = tpu.memref_slice %arg6[%dma_start3A_176, %dma_start3A_183] : memref<2x128xi32, #tpu.memory_space<vmem>> -> memref<1x128xi32, #tpu.memory_space<vmem>>
    %dma_start3A_185 = tpu.memref_squeeze %dma_start3A_184 : memref<1x128xi32, #tpu.memory_space<vmem>> -> memref<128xi32, #tpu.memory_space<vmem>>
    %dma_start3A_186 = arith.constant 0 : i32
    %dma_start3A_187 = tpu.memref_slice %arg3[%add3A, %dma_start3A_175, %dma_start3A_186] : memref<32x80x128xi32, #tpu.memory_space<hbm>> -> memref<1x1x128xi32, #tpu.memory_space<hbm>>
    %dma_start3A_188 = tpu.memref_squeeze %dma_start3A_187 : memref<1x1x128xi32, #tpu.memory_space<hbm>> -> memref<128xi32, #tpu.memory_space<hbm>>
    tpu.enqueue_dma source(%dma_start3A_188 : memref<128xi32, #tpu.memory_space<hbm>>) target(%dma_start3A_185 : memref<128xi32, #tpu.memory_space<vmem>>) target_semaphore(%arg10 : memref<!tpu.dma_semaphore, #tpu.memory_space<semaphore_mem>>)
    %scan3A_189 = arith.constant 0 : i32
    %scan3A_190 = arith.constant 0 : i32
    %scan3A_191 = arith.constant 38 : i32
    %scan3A_192 = arith.addi %scan3A_190, %scan3A_191 : i32
    %scan3A_193 = arith.constant 1 : i32
    %scan3A_194 = scf.for %scan3A_457 = %scan3A_190 to %scan3A_192 step %scan3A_193 iter_args(%scan3A_458 = %scan3A_189) -> (i32)  : i32 {
      %mul3A_459 = arith.constant 2 : i32
      %mul3A_460 = arith.muli %mul3A_459, %scan3A_457 : i32
      %add3A_461 = arith.constant 1 : i32
      %add3A_462 = arith.addi %mul3A_460, %add3A_461 : i32
      %dma_wait3A_463 = arith.constant 1 : i32
      %dma_wait3A_464 = arith.constant 1 : i32
      %dma_wait3A_465 = arith.constant 0 : i32
      %dma_wait3A_466 = arith.constant 0 : i32
      %dma_wait3A_467 = tpu.memref_slice %arg8[%dma_wait3A_464, %dma_wait3A_465, %dma_wait3A_466] : memref<2x128x128xf32, #tpu.memory_space<vmem>> -> memref<1x128x128xf32, #tpu.memory_space<vmem>>
      %dma_wait3A_468 = tpu.memref_squeeze %dma_wait3A_467 : memref<1x128x128xf32, #tpu.memory_space<vmem>> -> memref<128x128xf32, #tpu.memory_space<vmem>>
      %dma_wait3A_469 = arith.constant 0 : i32
      %dma_wait3A_470 = tpu.memref_slice %arg6[%dma_wait3A_463, %dma_wait3A_469] : memref<2x128xi32, #tpu.memory_space<vmem>> -> memref<1x128xi32, #tpu.memory_space<vmem>>
      %dma_wait3A_471 = tpu.memref_squeeze %dma_wait3A_470 : memref<1x128xi32, #tpu.memory_space<vmem>> -> memref<128xi32, #tpu.memory_space<vmem>>
      %dma_wait3A_472 = arith.constant 0 : i32
      %dma_wait3A_473 = arith.constant 0 : i32
      %dma_wait3A_474 = tpu.memref_slice %arg2[%dma_wait3A_472, %dma_wait3A_473] : memref<10240x128xf32, #tpu.memory_space<hbm>> -> memref<10240x128xf32, #tpu.memory_space<hbm>>
      tpu.wait_indirect_dma semaphore(%arg15 : memref<!tpu.dma_semaphore, #tpu.memory_space<semaphore_mem>>) src(%dma_wait3A_474 : memref<10240x128xf32, #tpu.memory_space<hbm>>) dst(%dma_wait3A_468 : memref<128x128xf32, #tpu.memory_space<vmem>>)
      %add3A_475 = arith.constant 1 : i32
      %add3A_476 = arith.addi %add3A_462, %add3A_475 : i32
      %dma_wait3A_477 = arith.constant 0 : i32
      %dma_wait3A_478 = arith.constant 0 : i32
      %dma_wait3A_479 = tpu.memref_slice %arg6[%dma_wait3A_477, %dma_wait3A_478] : memref<2x128xi32, #tpu.memory_space<vmem>> -> memref<1x128xi32, #tpu.memory_space<vmem>>
      %dma_wait3A_480 = tpu.memref_squeeze %dma_wait3A_479 : memref<1x128xi32, #tpu.memory_space<vmem>> -> memref<128xi32, #tpu.memory_space<vmem>>
      %dma_wait3A_481 = arith.constant 0 : i32
      %dma_wait3A_482 = tpu.memref_slice %arg3[%add3A, %add3A_476, %dma_wait3A_481] : memref<32x80x128xi32, #tpu.memory_space<hbm>> -> memref<1x1x128xi32, #tpu.memory_space<hbm>>
      %dma_wait3A_483 = tpu.memref_squeeze %dma_wait3A_482 : memref<1x1x128xi32, #tpu.memory_space<hbm>> -> memref<128xi32, #tpu.memory_space<hbm>>
      %dma_wait3A_484 = arith.constant 0 : i32
      %dma_wait3A_485 = tpu.memref_slice %arg6[%dma_wait3A_477, %dma_wait3A_484] : memref<2x128xi32, #tpu.memory_space<vmem>> -> memref<1x128xi32, #tpu.memory_space<vmem>>
      %dma_wait3A_486 = tpu.memref_squeeze %dma_wait3A_485 : memref<1x128xi32, #tpu.memory_space<vmem>> -> memref<128xi32, #tpu.memory_space<vmem>>
      %dma_wait3A_487 = arith.constant 0 : i32
      %dma_wait3A_488 = tpu.memref_slice %arg3[%add3A, %add3A_476, %dma_wait3A_487] : memref<32x80x128xi32, #tpu.memory_space<hbm>> -> memref<1x1x128xi32, #tpu.memory_space<hbm>>
      %dma_wait3A_489 = tpu.memref_squeeze %dma_wait3A_488 : memref<1x1x128xi32, #tpu.memory_space<hbm>> -> memref<128xi32, #tpu.memory_space<hbm>>
      tpu.wait_dma2 semaphore(%arg10 : memref<!tpu.dma_semaphore, #tpu.memory_space<semaphore_mem>>) src(%dma_wait3A_489 : memref<128xi32, #tpu.memory_space<hbm>>) dst(%dma_wait3A_486 : memref<128xi32, #tpu.memory_space<vmem>>)
      %dma_wait3A_490 = arith.constant 1 : i32
      %dma_wait3A_491 = arith.constant 0 : i32
      %dma_wait3A_492 = tpu.memref_slice %arg7[%dma_wait3A_490, %dma_wait3A_491] : memref<2x128xi32, #tpu.memory_space<vmem>> -> memref<1x128xi32, #tpu.memory_space<vmem>>
      %dma_wait3A_493 = tpu.memref_squeeze %dma_wait3A_492 : memref<1x128xi32, #tpu.memory_space<vmem>> -> memref<128xi32, #tpu.memory_space<vmem>>
      %dma_wait3A_494 = arith.constant 0 : i32
      %dma_wait3A_495 = tpu.memref_slice %arg4[%add3A, %add3A_462, %dma_wait3A_494] : memref<32x80x128xi32, #tpu.memory_space<hbm>> -> memref<1x1x128xi32, #tpu.memory_space<hbm>>
      %dma_wait3A_496 = tpu.memref_squeeze %dma_wait3A_495 : memref<1x1x128xi32, #tpu.memory_space<hbm>> -> memref<128xi32, #tpu.memory_space<hbm>>
      %dma_wait3A_497 = arith.constant 0 : i32
      %dma_wait3A_498 = tpu.memref_slice %arg7[%dma_wait3A_490, %dma_wait3A_497] : memref<2x128xi32, #tpu.memory_space<vmem>> -> memref<1x128xi32, #tpu.memory_space<vmem>>
      %dma_wait3A_499 = tpu.memref_squeeze %dma_wait3A_498 : memref<1x128xi32, #tpu.memory_space<vmem>> -> memref<128xi32, #tpu.memory_space<vmem>>
      %dma_wait3A_500 = arith.constant 0 : i32
      %dma_wait3A_501 = tpu.memref_slice %arg4[%add3A, %add3A_462, %dma_wait3A_500] : memref<32x80x128xi32, #tpu.memory_space<hbm>> -> memref<1x1x128xi32, #tpu.memory_space<hbm>>
      %dma_wait3A_502 = tpu.memref_squeeze %dma_wait3A_501 : memref<1x1x128xi32, #tpu.memory_space<hbm>> -> memref<128xi32, #tpu.memory_space<hbm>>
      tpu.wait_dma2 semaphore(%arg13 : memref<!tpu.dma_semaphore, #tpu.memory_space<semaphore_mem>>) src(%dma_wait3A_502 : memref<128xi32, #tpu.memory_space<hbm>>) dst(%dma_wait3A_499 : memref<128xi32, #tpu.memory_space<vmem>>)
      %dma_start3A_503 = arith.constant 1 : i32
      %dma_start3A_504 = arith.constant 1 : i32
      %dma_start3A_505 = arith.constant 0 : i32
      %dma_start3A_506 = arith.constant 0 : i32
      %dma_start3A_507 = tpu.memref_slice %arg8[%dma_start3A_503, %dma_start3A_505, %dma_start3A_506] : memref<2x128x128xf32, #tpu.memory_space<vmem>> -> memref<1x128x128xf32, #tpu.memory_space<vmem>>
      %dma_start3A_508 = tpu.memref_squeeze %dma_start3A_507 : memref<1x128x128xf32, #tpu.memory_space<vmem>> -> memref<128x128xf32, #tpu.memory_space<vmem>>
      %dma_start3A_509 = arith.constant 0 : i32
      %dma_start3A_510 = tpu.memref_slice %arg7[%dma_start3A_504, %dma_start3A_509] : memref<2x128xi32, #tpu.memory_space<vmem>> -> memref<1x128xi32, #tpu.memory_space<vmem>>
      %dma_start3A_511 = tpu.memref_squeeze %dma_start3A_510 : memref<1x128xi32, #tpu.memory_space<vmem>> -> memref<128xi32, #tpu.memory_space<vmem>>
      %dma_start3A_512 = arith.constant 0 : i32
      %dma_start3A_513 = arith.constant 0 : i32
      %dma_start3A_514 = tpu.memref_slice %arg9[%dma_start3A_512, %dma_start3A_513] : memref<10240x128xf32, #tpu.memory_space<vmem_shared>> -> memref<10240x128xf32, #tpu.memory_space<vmem_shared>>
      tpu.enqueue_indirect_dma source(%dma_start3A_508 : memref<128x128xf32, #tpu.memory_space<vmem>>) target(%dma_start3A_514 : memref<10240x128xf32, #tpu.memory_space<vmem_shared>>) offsets(%dma_start3A_511 : memref<128xi32, #tpu.memory_space<vmem>>) semaphore(%arg17 : memref<!tpu.dma_semaphore, #tpu.memory_space<semaphore_mem>>) {add = true}
      %dma_wait3A_515 = arith.constant 0 : i32
      %dma_wait3A_516 = arith.constant 0 : i32
      %dma_wait3A_517 = arith.constant 0 : i32
      %dma_wait3A_518 = arith.constant 0 : i32
      %dma_wait3A_519 = tpu.memref_slice %arg8[%dma_wait3A_515, %dma_wait3A_517, %dma_wait3A_518] : memref<2x128x128xf32, #tpu.memory_space<vmem>> -> memref<1x128x128xf32, #tpu.memory_space<vmem>>
      %dma_wait3A_520 = tpu.memref_squeeze %dma_wait3A_519 : memref<1x128x128xf32, #tpu.memory_space<vmem>> -> memref<128x128xf32, #tpu.memory_space<vmem>>
      %dma_wait3A_521 = arith.constant 0 : i32
      %dma_wait3A_522 = tpu.memref_slice %arg7[%dma_wait3A_516, %dma_wait3A_521] : memref<2x128xi32, #tpu.memory_space<vmem>> -> memref<1x128xi32, #tpu.memory_space<vmem>>
      %dma_wait3A_523 = tpu.memref_squeeze %dma_wait3A_522 : memref<1x128xi32, #tpu.memory_space<vmem>> -> memref<128xi32, #tpu.memory_space<vmem>>
      %dma_wait3A_524 = arith.constant 0 : i32
      %dma_wait3A_525 = arith.constant 0 : i32
      %dma_wait3A_526 = tpu.memref_slice %arg9[%dma_wait3A_524, %dma_wait3A_525] : memref<10240x128xf32, #tpu.memory_space<vmem_shared>> -> memref<10240x128xf32, #tpu.memory_space<vmem_shared>>
      tpu.wait_indirect_dma semaphore(%arg16 : memref<!tpu.dma_semaphore, #tpu.memory_space<semaphore_mem>>) src(%dma_wait3A_520 : memref<128x128xf32, #tpu.memory_space<vmem>>) dst(%dma_wait3A_526 : memref<10240x128xf32, #tpu.memory_space<vmem_shared>>)
      %dma_start3A_527 = arith.constant 0 : i32
      %dma_start3A_528 = arith.constant 0 : i32
      %dma_start3A_529 = arith.constant 0 : i32
      %dma_start3A_530 = arith.constant 0 : i32
      %dma_start3A_531 = tpu.memref_slice %arg8[%dma_start3A_528, %dma_start3A_529, %dma_start3A_530] : memref<2x128x128xf32, #tpu.memory_space<vmem>> -> memref<1x128x128xf32, #tpu.memory_space<vmem>>
      %dma_start3A_532 = tpu.memref_squeeze %dma_start3A_531 : memref<1x128x128xf32, #tpu.memory_space<vmem>> -> memref<128x128xf32, #tpu.memory_space<vmem>>
      %dma_start3A_533 = arith.constant 0 : i32
      %dma_start3A_534 = tpu.memref_slice %arg6[%dma_start3A_527, %dma_start3A_533] : memref<2x128xi32, #tpu.memory_space<vmem>> -> memref<1x128xi32, #tpu.memory_space<vmem>>
      %dma_start3A_535 = tpu.memref_squeeze %dma_start3A_534 : memref<1x128xi32, #tpu.memory_space<vmem>> -> memref<128xi32, #tpu.memory_space<vmem>>
      %dma_start3A_536 = arith.constant 0 : i32
      %dma_start3A_537 = arith.constant 0 : i32
      %dma_start3A_538 = tpu.memref_slice %arg2[%dma_start3A_536, %dma_start3A_537] : memref<10240x128xf32, #tpu.memory_space<hbm>> -> memref<10240x128xf32, #tpu.memory_space<hbm>>
      tpu.enqueue_indirect_dma source(%dma_start3A_538 : memref<10240x128xf32, #tpu.memory_space<hbm>>) target(%dma_start3A_532 : memref<128x128xf32, #tpu.memory_space<vmem>>) offsets(%dma_start3A_535 : memref<128xi32, #tpu.memory_space<vmem>>) semaphore(%arg14 : memref<!tpu.dma_semaphore, #tpu.memory_space<semaphore_mem>>)
      %add3A_539 = arith.constant 1 : i32
      %add3A_540 = arith.addi %add3A_462, %add3A_539 : i32
      %dma_start3A_541 = arith.constant 0 : i32
      %dma_start3A_542 = arith.constant 0 : i32
      %dma_start3A_543 = tpu.memref_slice %arg7[%dma_start3A_541, %dma_start3A_542] : memref<2x128xi32, #tpu.memory_space<vmem>> -> memref<1x128xi32, #tpu.memory_space<vmem>>
      %dma_start3A_544 = tpu.memref_squeeze %dma_start3A_543 : memref<1x128xi32, #tpu.memory_space<vmem>> -> memref<128xi32, #tpu.memory_space<vmem>>
      %dma_start3A_545 = arith.constant 0 : i32
      %dma_start3A_546 = tpu.memref_slice %arg4[%add3A, %add3A_540, %dma_start3A_545] : memref<32x80x128xi32, #tpu.memory_space<hbm>> -> memref<1x1x128xi32, #tpu.memory_space<hbm>>
      %dma_start3A_547 = tpu.memref_squeeze %dma_start3A_546 : memref<1x1x128xi32, #tpu.memory_space<hbm>> -> memref<128xi32, #tpu.memory_space<hbm>>
      %dma_start3A_548 = arith.constant 0 : i32
      %dma_start3A_549 = tpu.memref_slice %arg7[%dma_start3A_541, %dma_start3A_548] : memref<2x128xi32, #tpu.memory_space<vmem>> -> memref<1x128xi32, #tpu.memory_space<vmem>>
      %dma_start3A_550 = tpu.memref_squeeze %dma_start3A_549 : memref<1x128xi32, #tpu.memory_space<vmem>> -> memref<128xi32, #tpu.memory_space<vmem>>
      %dma_start3A_551 = arith.constant 0 : i32
      %dma_start3A_552 = tpu.memref_slice %arg4[%add3A, %add3A_540, %dma_start3A_551] : memref<32x80x128xi32, #tpu.memory_space<hbm>> -> memref<1x1x128xi32, #tpu.memory_space<hbm>>
      %dma_start3A_553 = tpu.memref_squeeze %dma_start3A_552 : memref<1x1x128xi32, #tpu.memory_space<hbm>> -> memref<128xi32, #tpu.memory_space<hbm>>
      tpu.enqueue_dma source(%dma_start3A_553 : memref<128xi32, #tpu.memory_space<hbm>>) target(%dma_start3A_550 : memref<128xi32, #tpu.memory_space<vmem>>) target_semaphore(%arg12 : memref<!tpu.dma_semaphore, #tpu.memory_space<semaphore_mem>>)
      %add3A_554 = arith.constant 2 : i32
      %add3A_555 = arith.addi %add3A_462, %add3A_554 : i32
      %dma_start3A_556 = arith.constant 1 : i32
      %dma_start3A_557 = arith.constant 0 : i32
      %dma_start3A_558 = tpu.memref_slice %arg6[%dma_start3A_556, %dma_start3A_557] : memref<2x128xi32, #tpu.memory_space<vmem>> -> memref<1x128xi32, #tpu.memory_space<vmem>>
      %dma_start3A_559 = tpu.memref_squeeze %dma_start3A_558 : memref<1x128xi32, #tpu.memory_space<vmem>> -> memref<128xi32, #tpu.memory_space<vmem>>
      %dma_start3A_560 = arith.constant 0 : i32
      %dma_start3A_561 = tpu.memref_slice %arg3[%add3A, %add3A_555, %dma_start3A_560] : memref<32x80x128xi32, #tpu.memory_space<hbm>> -> memref<1x1x128xi32, #tpu.memory_space<hbm>>
      %dma_start3A_562 = tpu.memref_squeeze %dma_start3A_561 : memref<1x1x128xi32, #tpu.memory_space<hbm>> -> memref<128xi32, #tpu.memory_space<hbm>>
      %dma_start3A_563 = arith.constant 0 : i32
      %dma_start3A_564 = tpu.memref_slice %arg6[%dma_start3A_556, %dma_start3A_563] : memref<2x128xi32, #tpu.memory_space<vmem>> -> memref<1x128xi32, #tpu.memory_space<vmem>>
      %dma_start3A_565 = tpu.memref_squeeze %dma_start3A_564 : memref<1x128xi32, #tpu.memory_space<vmem>> -> memref<128xi32, #tpu.memory_space<vmem>>
      %dma_start3A_566 = arith.constant 0 : i32
      %dma_start3A_567 = tpu.memref_slice %arg3[%add3A, %add3A_555, %dma_start3A_566] : memref<32x80x128xi32, #tpu.memory_space<hbm>> -> memref<1x1x128xi32, #tpu.memory_space<hbm>>
      %dma_start3A_568 = tpu.memref_squeeze %dma_start3A_567 : memref<1x1x128xi32, #tpu.memory_space<hbm>> -> memref<128xi32, #tpu.memory_space<hbm>>
      tpu.enqueue_dma source(%dma_start3A_568 : memref<128xi32, #tpu.memory_space<hbm>>) target(%dma_start3A_565 : memref<128xi32, #tpu.memory_space<vmem>>) target_semaphore(%arg11 : memref<!tpu.dma_semaphore, #tpu.memory_space<semaphore_mem>>)
      %mul3A_569 = arith.constant 2 : i32
      %mul3A_570 = arith.muli %mul3A_569, %scan3A_457 : i32
      %add3A_571 = arith.constant 2 : i32
      %add3A_572 = arith.addi %mul3A_570, %add3A_571 : i32
      %dma_wait3A_573 = arith.constant 0 : i32
      %dma_wait3A_574 = arith.constant 0 : i32
      %dma_wait3A_575 = arith.constant 0 : i32
      %dma_wait3A_576 = arith.constant 0 : i32
      %dma_wait3A_577 = tpu.memref_slice %arg8[%dma_wait3A_574, %dma_wait3A_575, %dma_wait3A_576] : memref<2x128x128xf32, #tpu.memory_space<vmem>> -> memref<1x128x128xf32, #tpu.memory_space<vmem>>
      %dma_wait3A_578 = tpu.memref_squeeze %dma_wait3A_577 : memref<1x128x128xf32, #tpu.memory_space<vmem>> -> memref<128x128xf32, #tpu.memory_space<vmem>>
      %dma_wait3A_579 = arith.constant 0 : i32
      %dma_wait3A_580 = tpu.memref_slice %arg6[%dma_wait3A_573, %dma_wait3A_579] : memref<2x128xi32, #tpu.memory_space<vmem>> -> memref<1x128xi32, #tpu.memory_space<vmem>>
      %dma_wait3A_581 = tpu.memref_squeeze %dma_wait3A_580 : memref<1x128xi32, #tpu.memory_space<vmem>> -> memref<128xi32, #tpu.memory_space<vmem>>
      %dma_wait3A_582 = arith.constant 0 : i32
      %dma_wait3A_583 = arith.constant 0 : i32
      %dma_wait3A_584 = tpu.memref_slice %arg2[%dma_wait3A_582, %dma_wait3A_583] : memref<10240x128xf32, #tpu.memory_space<hbm>> -> memref<10240x128xf32, #tpu.memory_space<hbm>>
      tpu.wait_indirect_dma semaphore(%arg14 : memref<!tpu.dma_semaphore, #tpu.memory_space<semaphore_mem>>) src(%dma_wait3A_584 : memref<10240x128xf32, #tpu.memory_space<hbm>>) dst(%dma_wait3A_578 : memref<128x128xf32, #tpu.memory_space<vmem>>)
      %add3A_585 = arith.constant 1 : i32
      %add3A_586 = arith.addi %add3A_572, %add3A_585 : i32
      %dma_wait3A_587 = arith.constant 1 : i32
      %dma_wait3A_588 = arith.constant 0 : i32
      %dma_wait3A_589 = tpu.memref_slice %arg6[%dma_wait3A_587, %dma_wait3A_588] : memref<2x128xi32, #tpu.memory_space<vmem>> -> memref<1x128xi32, #tpu.memory_space<vmem>>
      %dma_wait3A_590 = tpu.memref_squeeze %dma_wait3A_589 : memref<1x128xi32, #tpu.memory_space<vmem>> -> memref<128xi32, #tpu.memory_space<vmem>>
      %dma_wait3A_591 = arith.constant 0 : i32
      %dma_wait3A_592 = tpu.memref_slice %arg3[%add3A, %add3A_586, %dma_wait3A_591] : memref<32x80x128xi32, #tpu.memory_space<hbm>> -> memref<1x1x128xi32, #tpu.memory_space<hbm>>
      %dma_wait3A_593 = tpu.memref_squeeze %dma_wait3A_592 : memref<1x1x128xi32, #tpu.memory_space<hbm>> -> memref<128xi32, #tpu.memory_space<hbm>>
      %dma_wait3A_594 = arith.constant 0 : i32
      %dma_wait3A_595 = tpu.memref_slice %arg6[%dma_wait3A_587, %dma_wait3A_594] : memref<2x128xi32, #tpu.memory_space<vmem>> -> memref<1x128xi32, #tpu.memory_space<vmem>>
      %dma_wait3A_596 = tpu.memref_squeeze %dma_wait3A_595 : memref<1x128xi32, #tpu.memory_space<vmem>> -> memref<128xi32, #tpu.memory_space<vmem>>
      %dma_wait3A_597 = arith.constant 0 : i32
      %dma_wait3A_598 = tpu.memref_slice %arg3[%add3A, %add3A_586, %dma_wait3A_597] : memref<32x80x128xi32, #tpu.memory_space<hbm>> -> memref<1x1x128xi32, #tpu.memory_space<hbm>>
      %dma_wait3A_599 = tpu.memref_squeeze %dma_wait3A_598 : memref<1x1x128xi32, #tpu.memory_space<hbm>> -> memref<128xi32, #tpu.memory_space<hbm>>
      tpu.wait_dma2 semaphore(%arg11 : memref<!tpu.dma_semaphore, #tpu.memory_space<semaphore_mem>>) src(%dma_wait3A_599 : memref<128xi32, #tpu.memory_space<hbm>>) dst(%dma_wait3A_596 : memref<128xi32, #tpu.memory_space<vmem>>)
      %dma_wait3A_600 = arith.constant 0 : i32
      %dma_wait3A_601 = arith.constant 0 : i32
      %dma_wait3A_602 = tpu.memref_slice %arg7[%dma_wait3A_600, %dma_wait3A_601] : memref<2x128xi32, #tpu.memory_space<vmem>> -> memref<1x128xi32, #tpu.memory_space<vmem>>
      %dma_wait3A_603 = tpu.memref_squeeze %dma_wait3A_602 : memref<1x128xi32, #tpu.memory_space<vmem>> -> memref<128xi32, #tpu.memory_space<vmem>>
      %dma_wait3A_604 = arith.constant 0 : i32
      %dma_wait3A_605 = tpu.memref_slice %arg4[%add3A, %add3A_572, %dma_wait3A_604] : memref<32x80x128xi32, #tpu.memory_space<hbm>> -> memref<1x1x128xi32, #tpu.memory_space<hbm>>
      %dma_wait3A_606 = tpu.memref_squeeze %dma_wait3A_605 : memref<1x1x128xi32, #tpu.memory_space<hbm>> -> memref<128xi32, #tpu.memory_space<hbm>>
      %dma_wait3A_607 = arith.constant 0 : i32
      %dma_wait3A_608 = tpu.memref_slice %arg7[%dma_wait3A_600, %dma_wait3A_607] : memref<2x128xi32, #tpu.memory_space<vmem>> -> memref<1x128xi32, #tpu.memory_space<vmem>>
      %dma_wait3A_609 = tpu.memref_squeeze %dma_wait3A_608 : memref<1x128xi32, #tpu.memory_space<vmem>> -> memref<128xi32, #tpu.memory_space<vmem>>
      %dma_wait3A_610 = arith.constant 0 : i32
      %dma_wait3A_611 = tpu.memref_slice %arg4[%add3A, %add3A_572, %dma_wait3A_610] : memref<32x80x128xi32, #tpu.memory_space<hbm>> -> memref<1x1x128xi32, #tpu.memory_space<hbm>>
      %dma_wait3A_612 = tpu.memref_squeeze %dma_wait3A_611 : memref<1x1x128xi32, #tpu.memory_space<hbm>> -> memref<128xi32, #tpu.memory_space<hbm>>
      tpu.wait_dma2 semaphore(%arg12 : memref<!tpu.dma_semaphore, #tpu.memory_space<semaphore_mem>>) src(%dma_wait3A_612 : memref<128xi32, #tpu.memory_space<hbm>>) dst(%dma_wait3A_609 : memref<128xi32, #tpu.memory_space<vmem>>)
      %dma_start3A_613 = arith.constant 0 : i32
      %dma_start3A_614 = arith.constant 0 : i32
      %dma_start3A_615 = arith.constant 0 : i32
      %dma_start3A_616 = arith.constant 0 : i32
      %dma_start3A_617 = tpu.memref_slice %arg8[%dma_start3A_613, %dma_start3A_615, %dma_start3A_616] : memref<2x128x128xf32, #tpu.memory_space<vmem>> -> memref<1x128x128xf32, #tpu.memory_space<vmem>>
      %dma_start3A_618 = tpu.memref_squeeze %dma_start3A_617 : memref<1x128x128xf32, #tpu.memory_space<vmem>> -> memref<128x128xf32, #tpu.memory_space<vmem>>
      %dma_start3A_619 = arith.constant 0 : i32
      %dma_start3A_620 = tpu.memref_slice %arg7[%dma_start3A_614, %dma_start3A_619] : memref<2x128xi32, #tpu.memory_space<vmem>> -> memref<1x128xi32, #tpu.memory_space<vmem>>
      %dma_start3A_621 = tpu.memref_squeeze %dma_start3A_620 : memref<1x128xi32, #tpu.memory_space<vmem>> -> memref<128xi32, #tpu.memory_space<vmem>>
      %dma_start3A_622 = arith.constant 0 : i32
      %dma_start3A_623 = arith.constant 0 : i32
      %dma_start3A_624 = tpu.memref_slice %arg9[%dma_start3A_622, %dma_start3A_623] : memref<10240x128xf32, #tpu.memory_space<vmem_shared>> -> memref<10240x128xf32, #tpu.memory_space<vmem_shared>>
      tpu.enqueue_indirect_dma source(%dma_start3A_618 : memref<128x128xf32, #tpu.memory_space<vmem>>) target(%dma_start3A_624 : memref<10240x128xf32, #tpu.memory_space<vmem_shared>>) offsets(%dma_start3A_621 : memref<128xi32, #tpu.memory_space<vmem>>) semaphore(%arg16 : memref<!tpu.dma_semaphore, #tpu.memory_space<semaphore_mem>>) {add = true}
      %dma_wait3A_625 = arith.constant 1 : i32
      %dma_wait3A_626 = arith.constant 1 : i32
      %dma_wait3A_627 = arith.constant 0 : i32
      %dma_wait3A_628 = arith.constant 0 : i32
      %dma_wait3A_629 = tpu.memref_slice %arg8[%dma_wait3A_625, %dma_wait3A_627, %dma_wait3A_628] : memref<2x128x128xf32, #tpu.memory_space<vmem>> -> memref<1x128x128xf32, #tpu.memory_space<vmem>>
      %dma_wait3A_630 = tpu.memref_squeeze %dma_wait3A_629 : memref<1x128x128xf32, #tpu.memory_space<vmem>> -> memref<128x128xf32, #tpu.memory_space<vmem>>
      %dma_wait3A_631 = arith.constant 0 : i32
      %dma_wait3A_632 = tpu.memref_slice %arg7[%dma_wait3A_626, %dma_wait3A_631] : memref<2x128xi32, #tpu.memory_space<vmem>> -> memref<1x128xi32, #tpu.memory_space<vmem>>
      %dma_wait3A_633 = tpu.memref_squeeze %dma_wait3A_632 : memref<1x128xi32, #tpu.memory_space<vmem>> -> memref<128xi32, #tpu.memory_space<vmem>>
      %dma_wait3A_634 = arith.constant 0 : i32
      %dma_wait3A_635 = arith.constant 0 : i32
      %dma_wait3A_636 = tpu.memref_slice %arg9[%dma_wait3A_634, %dma_wait3A_635] : memref<10240x128xf32, #tpu.memory_space<vmem_shared>> -> memref<10240x128xf32, #tpu.memory_space<vmem_shared>>
      tpu.wait_indirect_dma semaphore(%arg17 : memref<!tpu.dma_semaphore, #tpu.memory_space<semaphore_mem>>) src(%dma_wait3A_630 : memref<128x128xf32, #tpu.memory_space<vmem>>) dst(%dma_wait3A_636 : memref<10240x128xf32, #tpu.memory_space<vmem_shared>>)
      %dma_start3A_637 = arith.constant 1 : i32
      %dma_start3A_638 = arith.constant 1 : i32
      %dma_start3A_639 = arith.constant 0 : i32
      %dma_start3A_640 = arith.constant 0 : i32
      %dma_start3A_641 = tpu.memref_slice %arg8[%dma_start3A_638, %dma_start3A_639, %dma_start3A_640] : memref<2x128x128xf32, #tpu.memory_space<vmem>> -> memref<1x128x128xf32, #tpu.memory_space<vmem>>
      %dma_start3A_642 = tpu.memref_squeeze %dma_start3A_641 : memref<1x128x128xf32, #tpu.memory_space<vmem>> -> memref<128x128xf32, #tpu.memory_space<vmem>>
      %dma_start3A_643 = arith.constant 0 : i32
      %dma_start3A_644 = tpu.memref_slice %arg6[%dma_start3A_637, %dma_start3A_643] : memref<2x128xi32, #tpu.memory_space<vmem>> -> memref<1x128xi32, #tpu.memory_space<vmem>>
      %dma_start3A_645 = tpu.memref_squeeze %dma_start3A_644 : memref<1x128xi32, #tpu.memory_space<vmem>> -> memref<128xi32, #tpu.memory_space<vmem>>
      %dma_start3A_646 = arith.constant 0 : i32
      %dma_start3A_647 = arith.constant 0 : i32
      %dma_start3A_648 = tpu.memref_slice %arg2[%dma_start3A_646, %dma_start3A_647] : memref<10240x128xf32, #tpu.memory_space<hbm>> -> memref<10240x128xf32, #tpu.memory_space<hbm>>
      tpu.enqueue_indirect_dma source(%dma_start3A_648 : memref<10240x128xf32, #tpu.memory_space<hbm>>) target(%dma_start3A_642 : memref<128x128xf32, #tpu.memory_space<vmem>>) offsets(%dma_start3A_645 : memref<128xi32, #tpu.memory_space<vmem>>) semaphore(%arg15 : memref<!tpu.dma_semaphore, #tpu.memory_space<semaphore_mem>>)
      %add3A_649 = arith.constant 1 : i32
      %add3A_650 = arith.addi %add3A_572, %add3A_649 : i32
      %dma_start3A_651 = arith.constant 1 : i32
      %dma_start3A_652 = arith.constant 0 : i32
      %dma_start3A_653 = tpu.memref_slice %arg7[%dma_start3A_651, %dma_start3A_652] : memref<2x128xi32, #tpu.memory_space<vmem>> -> memref<1x128xi32, #tpu.memory_space<vmem>>
      %dma_start3A_654 = tpu.memref_squeeze %dma_start3A_653 : memref<1x128xi32, #tpu.memory_space<vmem>> -> memref<128xi32, #tpu.memory_space<vmem>>
      %dma_start3A_655 = arith.constant 0 : i32
      %dma_start3A_656 = tpu.memref_slice %arg4[%add3A, %add3A_650, %dma_start3A_655] : memref<32x80x128xi32, #tpu.memory_space<hbm>> -> memref<1x1x128xi32, #tpu.memory_space<hbm>>
      %dma_start3A_657 = tpu.memref_squeeze %dma_start3A_656 : memref<1x1x128xi32, #tpu.memory_space<hbm>> -> memref<128xi32, #tpu.memory_space<hbm>>
      %dma_start3A_658 = arith.constant 0 : i32
      %dma_start3A_659 = tpu.memref_slice %arg7[%dma_start3A_651, %dma_start3A_658] : memref<2x128xi32, #tpu.memory_space<vmem>> -> memref<1x128xi32, #tpu.memory_space<vmem>>
      %dma_start3A_660 = tpu.memref_squeeze %dma_start3A_659 : memref<1x128xi32, #tpu.memory_space<vmem>> -> memref<128xi32, #tpu.memory_space<vmem>>
      %dma_start3A_661 = arith.constant 0 : i32
      %dma_start3A_662 = tpu.memref_slice %arg4[%add3A, %add3A_650, %dma_start3A_661] : memref<32x80x128xi32, #tpu.memory_space<hbm>> -> memref<1x1x128xi32, #tpu.memory_space<hbm>>
      %dma_start3A_663 = tpu.memref_squeeze %dma_start3A_662 : memref<1x1x128xi32, #tpu.memory_space<hbm>> -> memref<128xi32, #tpu.memory_space<hbm>>
      tpu.enqueue_dma source(%dma_start3A_663 : memref<128xi32, #tpu.memory_space<hbm>>) target(%dma_start3A_660 : memref<128xi32, #tpu.memory_space<vmem>>) target_semaphore(%arg13 : memref<!tpu.dma_semaphore, #tpu.memory_space<semaphore_mem>>)
      %add3A_664 = arith.constant 2 : i32
      %add3A_665 = arith.addi %add3A_572, %add3A_664 : i32
      %dma_start3A_666 = arith.constant 0 : i32
      %dma_start3A_667 = arith.constant 0 : i32
      %dma_start3A_668 = tpu.memref_slice %arg6[%dma_start3A_666, %dma_start3A_667] : memref<2x128xi32, #tpu.memory_space<vmem>> -> memref<1x128xi32, #tpu.memory_space<vmem>>
      %dma_start3A_669 = tpu.memref_squeeze %dma_start3A_668 : memref<1x128xi32, #tpu.memory_space<vmem>> -> memref<128xi32, #tpu.memory_space<vmem>>
      %dma_start3A_670 = arith.constant 0 : i32
      %dma_start3A_671 = tpu.memref_slice %arg3[%add3A, %add3A_665, %dma_start3A_670] : memref<32x80x128xi32, #tpu.memory_space<hbm>> -> memref<1x1x128xi32, #tpu.memory_space<hbm>>
      %dma_start3A_672 = tpu.memref_squeeze %dma_start3A_671 : memref<1x1x128xi32, #tpu.memory_space<hbm>> -> memref<128xi32, #tpu.memory_space<hbm>>
      %dma_start3A_673 = arith.constant 0 : i32
      %dma_start3A_674 = tpu.memref_slice %arg6[%dma_start3A_666, %dma_start3A_673] : memref<2x128xi32, #tpu.memory_space<vmem>> -> memref<1x128xi32, #tpu.memory_space<vmem>>
      %dma_start3A_675 = tpu.memref_squeeze %dma_start3A_674 : memref<1x128xi32, #tpu.memory_space<vmem>> -> memref<128xi32, #tpu.memory_space<vmem>>
      %dma_start3A_676 = arith.constant 0 : i32
      %dma_start3A_677 = tpu.memref_slice %arg3[%add3A, %add3A_665, %dma_start3A_676] : memref<32x80x128xi32, #tpu.memory_space<hbm>> -> memref<1x1x128xi32, #tpu.memory_space<hbm>>
      %dma_start3A_678 = tpu.memref_squeeze %dma_start3A_677 : memref<1x1x128xi32, #tpu.memory_space<hbm>> -> memref<128xi32, #tpu.memory_space<hbm>>
      tpu.enqueue_dma source(%dma_start3A_678 : memref<128xi32, #tpu.memory_space<hbm>>) target(%dma_start3A_675 : memref<128xi32, #tpu.memory_space<vmem>>) target_semaphore(%arg10 : memref<!tpu.dma_semaphore, #tpu.memory_space<semaphore_mem>>)
      %scan3A_679 = arith.constant 0 : i32
      scf.yield %scan3A_679 : i32
    }
    %scan3A_195 = arith.constant 38 : i32
    %dma_wait3A_196 = arith.constant 1 : i32
    %dma_wait3A_197 = arith.constant 1 : i32
    %dma_wait3A_198 = arith.constant 0 : i32
    %dma_wait3A_199 = arith.constant 0 : i32
    %dma_wait3A_200 = tpu.memref_slice %arg8[%dma_wait3A_197, %dma_wait3A_198, %dma_wait3A_199] : memref<2x128x128xf32, #tpu.memory_space<vmem>> -> memref<1x128x128xf32, #tpu.memory_space<vmem>>
    %dma_wait3A_201 = tpu.memref_squeeze %dma_wait3A_200 : memref<1x128x128xf32, #tpu.memory_space<vmem>> -> memref<128x128xf32, #tpu.memory_space<vmem>>
    %dma_wait3A_202 = arith.constant 0 : i32
    %dma_wait3A_203 = tpu.memref_slice %arg6[%dma_wait3A_196, %dma_wait3A_202] : memref<2x128xi32, #tpu.memory_space<vmem>> -> memref<1x128xi32, #tpu.memory_space<vmem>>
    %dma_wait3A_204 = tpu.memref_squeeze %dma_wait3A_203 : memref<1x128xi32, #tpu.memory_space<vmem>> -> memref<128xi32, #tpu.memory_space<vmem>>
    %dma_wait3A_205 = arith.constant 0 : i32
    %dma_wait3A_206 = arith.constant 0 : i32
    %dma_wait3A_207 = tpu.memref_slice %arg2[%dma_wait3A_205, %dma_wait3A_206] : memref<10240x128xf32, #tpu.memory_space<hbm>> -> memref<10240x128xf32, #tpu.memory_space<hbm>>
    tpu.wait_indirect_dma semaphore(%arg15 : memref<!tpu.dma_semaphore, #tpu.memory_space<semaphore_mem>>) src(%dma_wait3A_207 : memref<10240x128xf32, #tpu.memory_space<hbm>>) dst(%dma_wait3A_201 : memref<128x128xf32, #tpu.memory_space<vmem>>)
    %dma_wait3A_208 = arith.constant 78 : i32
    %dma_wait3A_209 = arith.constant 0 : i32
    %dma_wait3A_210 = arith.constant 0 : i32
    %dma_wait3A_211 = tpu.memref_slice %arg6[%dma_wait3A_209, %dma_wait3A_210] : memref<2x128xi32, #tpu.memory_space<vmem>> -> memref<1x128xi32, #tpu.memory_space<vmem>>
    %dma_wait3A_212 = tpu.memref_squeeze %dma_wait3A_211 : memref<1x128xi32, #tpu.memory_space<vmem>> -> memref<128xi32, #tpu.memory_space<vmem>>
    %dma_wait3A_213 = arith.constant 0 : i32
    %dma_wait3A_214 = tpu.memref_slice %arg3[%add3A, %dma_wait3A_208, %dma_wait3A_213] : memref<32x80x128xi32, #tpu.memory_space<hbm>> -> memref<1x1x128xi32, #tpu.memory_space<hbm>>
    %dma_wait3A_215 = tpu.memref_squeeze %dma_wait3A_214 : memref<1x1x128xi32, #tpu.memory_space<hbm>> -> memref<128xi32, #tpu.memory_space<hbm>>
    %dma_wait3A_216 = arith.constant 0 : i32
    %dma_wait3A_217 = tpu.memref_slice %arg6[%dma_wait3A_209, %dma_wait3A_216] : memref<2x128xi32, #tpu.memory_space<vmem>> -> memref<1x128xi32, #tpu.memory_space<vmem>>
    %dma_wait3A_218 = tpu.memref_squeeze %dma_wait3A_217 : memref<1x128xi32, #tpu.memory_space<vmem>> -> memref<128xi32, #tpu.memory_space<vmem>>
    %dma_wait3A_219 = arith.constant 0 : i32
    %dma_wait3A_220 = tpu.memref_slice %arg3[%add3A, %dma_wait3A_208, %dma_wait3A_219] : memref<32x80x128xi32, #tpu.memory_space<hbm>> -> memref<1x1x128xi32, #tpu.memory_space<hbm>>
    %dma_wait3A_221 = tpu.memref_squeeze %dma_wait3A_220 : memref<1x1x128xi32, #tpu.memory_space<hbm>> -> memref<128xi32, #tpu.memory_space<hbm>>
    tpu.wait_dma2 semaphore(%arg10 : memref<!tpu.dma_semaphore, #tpu.memory_space<semaphore_mem>>) src(%dma_wait3A_221 : memref<128xi32, #tpu.memory_space<hbm>>) dst(%dma_wait3A_218 : memref<128xi32, #tpu.memory_space<vmem>>)
    %dma_wait3A_222 = arith.constant 77 : i32
    %dma_wait3A_223 = arith.constant 1 : i32
    %dma_wait3A_224 = arith.constant 0 : i32
    %dma_wait3A_225 = tpu.memref_slice %arg7[%dma_wait3A_223, %dma_wait3A_224] : memref<2x128xi32, #tpu.memory_space<vmem>> -> memref<1x128xi32, #tpu.memory_space<vmem>>
    %dma_wait3A_226 = tpu.memref_squeeze %dma_wait3A_225 : memref<1x128xi32, #tpu.memory_space<vmem>> -> memref<128xi32, #tpu.memory_space<vmem>>
    %dma_wait3A_227 = arith.constant 0 : i32
    %dma_wait3A_228 = tpu.memref_slice %arg4[%add3A, %dma_wait3A_222, %dma_wait3A_227] : memref<32x80x128xi32, #tpu.memory_space<hbm>> -> memref<1x1x128xi32, #tpu.memory_space<hbm>>
    %dma_wait3A_229 = tpu.memref_squeeze %dma_wait3A_228 : memref<1x1x128xi32, #tpu.memory_space<hbm>> -> memref<128xi32, #tpu.memory_space<hbm>>
    %dma_wait3A_230 = arith.constant 0 : i32
    %dma_wait3A_231 = tpu.memref_slice %arg7[%dma_wait3A_223, %dma_wait3A_230] : memref<2x128xi32, #tpu.memory_space<vmem>> -> memref<1x128xi32, #tpu.memory_space<vmem>>
    %dma_wait3A_232 = tpu.memref_squeeze %dma_wait3A_231 : memref<1x128xi32, #tpu.memory_space<vmem>> -> memref<128xi32, #tpu.memory_space<vmem>>
    %dma_wait3A_233 = arith.constant 0 : i32
    %dma_wait3A_234 = tpu.memref_slice %arg4[%add3A, %dma_wait3A_222, %dma_wait3A_233] : memref<32x80x128xi32, #tpu.memory_space<hbm>> -> memref<1x1x128xi32, #tpu.memory_space<hbm>>
    %dma_wait3A_235 = tpu.memref_squeeze %dma_wait3A_234 : memref<1x1x128xi32, #tpu.memory_space<hbm>> -> memref<128xi32, #tpu.memory_space<hbm>>
    tpu.wait_dma2 semaphore(%arg13 : memref<!tpu.dma_semaphore, #tpu.memory_space<semaphore_mem>>) src(%dma_wait3A_235 : memref<128xi32, #tpu.memory_space<hbm>>) dst(%dma_wait3A_232 : memref<128xi32, #tpu.memory_space<vmem>>)
    %dma_start3A_236 = arith.constant 1 : i32
    %dma_start3A_237 = arith.constant 1 : i32
    %dma_start3A_238 = arith.constant 0 : i32
    %dma_start3A_239 = arith.constant 0 : i32
    %dma_start3A_240 = tpu.memref_slice %arg8[%dma_start3A_236, %dma_start3A_238, %dma_start3A_239] : memref<2x128x128xf32, #tpu.memory_space<vmem>> -> memref<1x128x128xf32, #tpu.memory_space<vmem>>
    %dma_start3A_241 = tpu.memref_squeeze %dma_start3A_240 : memref<1x128x128xf32, #tpu.memory_space<vmem>> -> memref<128x128xf32, #tpu.memory_space<vmem>>
    %dma_start3A_242 = arith.constant 0 : i32
    %dma_start3A_243 = tpu.memref_slice %arg7[%dma_start3A_237, %dma_start3A_242] : memref<2x128xi32, #tpu.memory_space<vmem>> -> memref<1x128xi32, #tpu.memory_space<vmem>>
    %dma_start3A_244 = tpu.memref_squeeze %dma_start3A_243 : memref<1x128xi32, #tpu.memory_space<vmem>> -> memref<128xi32, #tpu.memory_space<vmem>>
    %dma_start3A_245 = arith.constant 0 : i32
    %dma_start3A_246 = arith.constant 0 : i32
    %dma_start3A_247 = tpu.memref_slice %arg9[%dma_start3A_245, %dma_start3A_246] : memref<10240x128xf32, #tpu.memory_space<vmem_shared>> -> memref<10240x128xf32, #tpu.memory_space<vmem_shared>>
    tpu.enqueue_indirect_dma source(%dma_start3A_241 : memref<128x128xf32, #tpu.memory_space<vmem>>) target(%dma_start3A_247 : memref<10240x128xf32, #tpu.memory_space<vmem_shared>>) offsets(%dma_start3A_244 : memref<128xi32, #tpu.memory_space<vmem>>) semaphore(%arg17 : memref<!tpu.dma_semaphore, #tpu.memory_space<semaphore_mem>>) {add = true}
    %dma_wait3A_248 = arith.constant 0 : i32
    %dma_wait3A_249 = arith.constant 0 : i32
    %dma_wait3A_250 = arith.constant 0 : i32
    %dma_wait3A_251 = arith.constant 0 : i32
    %dma_wait3A_252 = tpu.memref_slice %arg8[%dma_wait3A_248, %dma_wait3A_250, %dma_wait3A_251] : memref<2x128x128xf32, #tpu.memory_space<vmem>> -> memref<1x128x128xf32, #tpu.memory_space<vmem>>
    %dma_wait3A_253 = tpu.memref_squeeze %dma_wait3A_252 : memref<1x128x128xf32, #tpu.memory_space<vmem>> -> memref<128x128xf32, #tpu.memory_space<vmem>>
    %dma_wait3A_254 = arith.constant 0 : i32
    %dma_wait3A_255 = tpu.memref_slice %arg7[%dma_wait3A_249, %dma_wait3A_254] : memref<2x128xi32, #tpu.memory_space<vmem>> -> memref<1x128xi32, #tpu.memory_space<vmem>>
    %dma_wait3A_256 = tpu.memref_squeeze %dma_wait3A_255 : memref<1x128xi32, #tpu.memory_space<vmem>> -> memref<128xi32, #tpu.memory_space<vmem>>
    %dma_wait3A_257 = arith.constant 0 : i32
    %dma_wait3A_258 = arith.constant 0 : i32
    %dma_wait3A_259 = tpu.memref_slice %arg9[%dma_wait3A_257, %dma_wait3A_258] : memref<10240x128xf32, #tpu.memory_space<vmem_shared>> -> memref<10240x128xf32, #tpu.memory_space<vmem_shared>>
    tpu.wait_indirect_dma semaphore(%arg16 : memref<!tpu.dma_semaphore, #tpu.memory_space<semaphore_mem>>) src(%dma_wait3A_253 : memref<128x128xf32, #tpu.memory_space<vmem>>) dst(%dma_wait3A_259 : memref<10240x128xf32, #tpu.memory_space<vmem_shared>>)
    %dma_start3A_260 = arith.constant 0 : i32
    %dma_start3A_261 = arith.constant 0 : i32
    %dma_start3A_262 = arith.constant 0 : i32
    %dma_start3A_263 = arith.constant 0 : i32
    %dma_start3A_264 = tpu.memref_slice %arg8[%dma_start3A_261, %dma_start3A_262, %dma_start3A_263] : memref<2x128x128xf32, #tpu.memory_space<vmem>> -> memref<1x128x128xf32, #tpu.memory_space<vmem>>
    %dma_start3A_265 = tpu.memref_squeeze %dma_start3A_264 : memref<1x128x128xf32, #tpu.memory_space<vmem>> -> memref<128x128xf32, #tpu.memory_space<vmem>>
    %dma_start3A_266 = arith.constant 0 : i32
    %dma_start3A_267 = tpu.memref_slice %arg6[%dma_start3A_260, %dma_start3A_266] : memref<2x128xi32, #tpu.memory_space<vmem>> -> memref<1x128xi32, #tpu.memory_space<vmem>>
    %dma_start3A_268 = tpu.memref_squeeze %dma_start3A_267 : memref<1x128xi32, #tpu.memory_space<vmem>> -> memref<128xi32, #tpu.memory_space<vmem>>
    %dma_start3A_269 = arith.constant 0 : i32
    %dma_start3A_270 = arith.constant 0 : i32
    %dma_start3A_271 = tpu.memref_slice %arg2[%dma_start3A_269, %dma_start3A_270] : memref<10240x128xf32, #tpu.memory_space<hbm>> -> memref<10240x128xf32, #tpu.memory_space<hbm>>
    tpu.enqueue_indirect_dma source(%dma_start3A_271 : memref<10240x128xf32, #tpu.memory_space<hbm>>) target(%dma_start3A_265 : memref<128x128xf32, #tpu.memory_space<vmem>>) offsets(%dma_start3A_268 : memref<128xi32, #tpu.memory_space<vmem>>) semaphore(%arg14 : memref<!tpu.dma_semaphore, #tpu.memory_space<semaphore_mem>>)
    %dma_start3A_272 = arith.constant 78 : i32
    %dma_start3A_273 = arith.constant 0 : i32
    %dma_start3A_274 = arith.constant 0 : i32
    %dma_start3A_275 = tpu.memref_slice %arg7[%dma_start3A_273, %dma_start3A_274] : memref<2x128xi32, #tpu.memory_space<vmem>> -> memref<1x128xi32, #tpu.memory_space<vmem>>
    %dma_start3A_276 = tpu.memref_squeeze %dma_start3A_275 : memref<1x128xi32, #tpu.memory_space<vmem>> -> memref<128xi32, #tpu.memory_space<vmem>>
    %dma_start3A_277 = arith.constant 0 : i32
    %dma_start3A_278 = tpu.memref_slice %arg4[%add3A, %dma_start3A_272, %dma_start3A_277] : memref<32x80x128xi32, #tpu.memory_space<hbm>> -> memref<1x1x128xi32, #tpu.memory_space<hbm>>
    %dma_start3A_279 = tpu.memref_squeeze %dma_start3A_278 : memref<1x1x128xi32, #tpu.memory_space<hbm>> -> memref<128xi32, #tpu.memory_space<hbm>>
    %dma_start3A_280 = arith.constant 0 : i32
    %dma_start3A_281 = tpu.memref_slice %arg7[%dma_start3A_273, %dma_start3A_280] : memref<2x128xi32, #tpu.memory_space<vmem>> -> memref<1x128xi32, #tpu.memory_space<vmem>>
    %dma_start3A_282 = tpu.memref_squeeze %dma_start3A_281 : memref<1x128xi32, #tpu.memory_space<vmem>> -> memref<128xi32, #tpu.memory_space<vmem>>
    %dma_start3A_283 = arith.constant 0 : i32
    %dma_start3A_284 = tpu.memref_slice %arg4[%add3A, %dma_start3A_272, %dma_start3A_283] : memref<32x80x128xi32, #tpu.memory_space<hbm>> -> memref<1x1x128xi32, #tpu.memory_space<hbm>>
    %dma_start3A_285 = tpu.memref_squeeze %dma_start3A_284 : memref<1x1x128xi32, #tpu.memory_space<hbm>> -> memref<128xi32, #tpu.memory_space<hbm>>
    tpu.enqueue_dma source(%dma_start3A_285 : memref<128xi32, #tpu.memory_space<hbm>>) target(%dma_start3A_282 : memref<128xi32, #tpu.memory_space<vmem>>) target_semaphore(%arg12 : memref<!tpu.dma_semaphore, #tpu.memory_space<semaphore_mem>>)
    %dma_start3A_286 = arith.constant 79 : i32
    %dma_start3A_287 = arith.constant 1 : i32
    %dma_start3A_288 = arith.constant 0 : i32
    %dma_start3A_289 = tpu.memref_slice %arg6[%dma_start3A_287, %dma_start3A_288] : memref<2x128xi32, #tpu.memory_space<vmem>> -> memref<1x128xi32, #tpu.memory_space<vmem>>
    %dma_start3A_290 = tpu.memref_squeeze %dma_start3A_289 : memref<1x128xi32, #tpu.memory_space<vmem>> -> memref<128xi32, #tpu.memory_space<vmem>>
    %dma_start3A_291 = arith.constant 0 : i32
    %dma_start3A_292 = tpu.memref_slice %arg3[%add3A, %dma_start3A_286, %dma_start3A_291] : memref<32x80x128xi32, #tpu.memory_space<hbm>> -> memref<1x1x128xi32, #tpu.memory_space<hbm>>
    %dma_start3A_293 = tpu.memref_squeeze %dma_start3A_292 : memref<1x1x128xi32, #tpu.memory_space<hbm>> -> memref<128xi32, #tpu.memory_space<hbm>>
    %dma_start3A_294 = arith.constant 0 : i32
    %dma_start3A_295 = tpu.memref_slice %arg6[%dma_start3A_287, %dma_start3A_294] : memref<2x128xi32, #tpu.memory_space<vmem>> -> memref<1x128xi32, #tpu.memory_space<vmem>>
    %dma_start3A_296 = tpu.memref_squeeze %dma_start3A_295 : memref<1x128xi32, #tpu.memory_space<vmem>> -> memref<128xi32, #tpu.memory_space<vmem>>
    %dma_start3A_297 = arith.constant 0 : i32
    %dma_start3A_298 = tpu.memref_slice %arg3[%add3A, %dma_start3A_286, %dma_start3A_297] : memref<32x80x128xi32, #tpu.memory_space<hbm>> -> memref<1x1x128xi32, #tpu.memory_space<hbm>>
    %dma_start3A_299 = tpu.memref_squeeze %dma_start3A_298 : memref<1x1x128xi32, #tpu.memory_space<hbm>> -> memref<128xi32, #tpu.memory_space<hbm>>
    tpu.enqueue_dma source(%dma_start3A_299 : memref<128xi32, #tpu.memory_space<hbm>>) target(%dma_start3A_296 : memref<128xi32, #tpu.memory_space<vmem>>) target_semaphore(%arg11 : memref<!tpu.dma_semaphore, #tpu.memory_space<semaphore_mem>>)
    %dma_wait3A_300 = arith.constant 0 : i32
    %dma_wait3A_301 = arith.constant 0 : i32
    %dma_wait3A_302 = arith.constant 0 : i32
    %dma_wait3A_303 = arith.constant 0 : i32
    %dma_wait3A_304 = tpu.memref_slice %arg8[%dma_wait3A_301, %dma_wait3A_302, %dma_wait3A_303] : memref<2x128x128xf32, #tpu.memory_space<vmem>> -> memref<1x128x128xf32, #tpu.memory_space<vmem>>
    %dma_wait3A_305 = tpu.memref_squeeze %dma_wait3A_304 : memref<1x128x128xf32, #tpu.memory_space<vmem>> -> memref<128x128xf32, #tpu.memory_space<vmem>>
    %dma_wait3A_306 = arith.constant 0 : i32
    %dma_wait3A_307 = tpu.memref_slice %arg6[%dma_wait3A_300, %dma_wait3A_306] : memref<2x128xi32, #tpu.memory_space<vmem>> -> memref<1x128xi32, #tpu.memory_space<vmem>>
    %dma_wait3A_308 = tpu.memref_squeeze %dma_wait3A_307 : memref<1x128xi32, #tpu.memory_space<vmem>> -> memref<128xi32, #tpu.memory_space<vmem>>
    %dma_wait3A_309 = arith.constant 0 : i32
    %dma_wait3A_310 = arith.constant 0 : i32
    %dma_wait3A_311 = tpu.memref_slice %arg2[%dma_wait3A_309, %dma_wait3A_310] : memref<10240x128xf32, #tpu.memory_space<hbm>> -> memref<10240x128xf32, #tpu.memory_space<hbm>>
    tpu.wait_indirect_dma semaphore(%arg14 : memref<!tpu.dma_semaphore, #tpu.memory_space<semaphore_mem>>) src(%dma_wait3A_311 : memref<10240x128xf32, #tpu.memory_space<hbm>>) dst(%dma_wait3A_305 : memref<128x128xf32, #tpu.memory_space<vmem>>)
    %dma_wait3A_312 = arith.constant 79 : i32
    %dma_wait3A_313 = arith.constant 1 : i32
    %dma_wait3A_314 = arith.constant 0 : i32
    %dma_wait3A_315 = tpu.memref_slice %arg6[%dma_wait3A_313, %dma_wait3A_314] : memref<2x128xi32, #tpu.memory_space<vmem>> -> memref<1x128xi32, #tpu.memory_space<vmem>>
    %dma_wait3A_316 = tpu.memref_squeeze %dma_wait3A_315 : memref<1x128xi32, #tpu.memory_space<vmem>> -> memref<128xi32, #tpu.memory_space<vmem>>
    %dma_wait3A_317 = arith.constant 0 : i32
    %dma_wait3A_318 = tpu.memref_slice %arg3[%add3A, %dma_wait3A_312, %dma_wait3A_317] : memref<32x80x128xi32, #tpu.memory_space<hbm>> -> memref<1x1x128xi32, #tpu.memory_space<hbm>>
    %dma_wait3A_319 = tpu.memref_squeeze %dma_wait3A_318 : memref<1x1x128xi32, #tpu.memory_space<hbm>> -> memref<128xi32, #tpu.memory_space<hbm>>
    %dma_wait3A_320 = arith.constant 0 : i32
    %dma_wait3A_321 = tpu.memref_slice %arg6[%dma_wait3A_313, %dma_wait3A_320] : memref<2x128xi32, #tpu.memory_space<vmem>> -> memref<1x128xi32, #tpu.memory_space<vmem>>
    %dma_wait3A_322 = tpu.memref_squeeze %dma_wait3A_321 : memref<1x128xi32, #tpu.memory_space<vmem>> -> memref<128xi32, #tpu.memory_space<vmem>>
    %dma_wait3A_323 = arith.constant 0 : i32
    %dma_wait3A_324 = tpu.memref_slice %arg3[%add3A, %dma_wait3A_312, %dma_wait3A_323] : memref<32x80x128xi32, #tpu.memory_space<hbm>> -> memref<1x1x128xi32, #tpu.memory_space<hbm>>
    %dma_wait3A_325 = tpu.memref_squeeze %dma_wait3A_324 : memref<1x1x128xi32, #tpu.memory_space<hbm>> -> memref<128xi32, #tpu.memory_space<hbm>>
    tpu.wait_dma2 semaphore(%arg11 : memref<!tpu.dma_semaphore, #tpu.memory_space<semaphore_mem>>) src(%dma_wait3A_325 : memref<128xi32, #tpu.memory_space<hbm>>) dst(%dma_wait3A_322 : memref<128xi32, #tpu.memory_space<vmem>>)
    %dma_wait3A_326 = arith.constant 78 : i32
    %dma_wait3A_327 = arith.constant 0 : i32
    %dma_wait3A_328 = arith.constant 0 : i32
    %dma_wait3A_329 = tpu.memref_slice %arg7[%dma_wait3A_327, %dma_wait3A_328] : memref<2x128xi32, #tpu.memory_space<vmem>> -> memref<1x128xi32, #tpu.memory_space<vmem>>
    %dma_wait3A_330 = tpu.memref_squeeze %dma_wait3A_329 : memref<1x128xi32, #tpu.memory_space<vmem>> -> memref<128xi32, #tpu.memory_space<vmem>>
    %dma_wait3A_331 = arith.constant 0 : i32
    %dma_wait3A_332 = tpu.memref_slice %arg4[%add3A, %dma_wait3A_326, %dma_wait3A_331] : memref<32x80x128xi32, #tpu.memory_space<hbm>> -> memref<1x1x128xi32, #tpu.memory_space<hbm>>
    %dma_wait3A_333 = tpu.memref_squeeze %dma_wait3A_332 : memref<1x1x128xi32, #tpu.memory_space<hbm>> -> memref<128xi32, #tpu.memory_space<hbm>>
    %dma_wait3A_334 = arith.constant 0 : i32
    %dma_wait3A_335 = tpu.memref_slice %arg7[%dma_wait3A_327, %dma_wait3A_334] : memref<2x128xi32, #tpu.memory_space<vmem>> -> memref<1x128xi32, #tpu.memory_space<vmem>>
    %dma_wait3A_336 = tpu.memref_squeeze %dma_wait3A_335 : memref<1x128xi32, #tpu.memory_space<vmem>> -> memref<128xi32, #tpu.memory_space<vmem>>
    %dma_wait3A_337 = arith.constant 0 : i32
    %dma_wait3A_338 = tpu.memref_slice %arg4[%add3A, %dma_wait3A_326, %dma_wait3A_337] : memref<32x80x128xi32, #tpu.memory_space<hbm>> -> memref<1x1x128xi32, #tpu.memory_space<hbm>>
    %dma_wait3A_339 = tpu.memref_squeeze %dma_wait3A_338 : memref<1x1x128xi32, #tpu.memory_space<hbm>> -> memref<128xi32, #tpu.memory_space<hbm>>
    tpu.wait_dma2 semaphore(%arg12 : memref<!tpu.dma_semaphore, #tpu.memory_space<semaphore_mem>>) src(%dma_wait3A_339 : memref<128xi32, #tpu.memory_space<hbm>>) dst(%dma_wait3A_336 : memref<128xi32, #tpu.memory_space<vmem>>)
    %dma_start3A_340 = arith.constant 0 : i32
    %dma_start3A_341 = arith.constant 0 : i32
    %dma_start3A_342 = arith.constant 0 : i32
    %dma_start3A_343 = arith.constant 0 : i32
    %dma_start3A_344 = tpu.memref_slice %arg8[%dma_start3A_340, %dma_start3A_342, %dma_start3A_343] : memref<2x128x128xf32, #tpu.memory_space<vmem>> -> memref<1x128x128xf32, #tpu.memory_space<vmem>>
    %dma_start3A_345 = tpu.memref_squeeze %dma_start3A_344 : memref<1x128x128xf32, #tpu.memory_space<vmem>> -> memref<128x128xf32, #tpu.memory_space<vmem>>
    %dma_start3A_346 = arith.constant 0 : i32
    %dma_start3A_347 = tpu.memref_slice %arg7[%dma_start3A_341, %dma_start3A_346] : memref<2x128xi32, #tpu.memory_space<vmem>> -> memref<1x128xi32, #tpu.memory_space<vmem>>
    %dma_start3A_348 = tpu.memref_squeeze %dma_start3A_347 : memref<1x128xi32, #tpu.memory_space<vmem>> -> memref<128xi32, #tpu.memory_space<vmem>>
    %dma_start3A_349 = arith.constant 0 : i32
    %dma_start3A_350 = arith.constant 0 : i32
    %dma_start3A_351 = tpu.memref_slice %arg9[%dma_start3A_349, %dma_start3A_350] : memref<10240x128xf32, #tpu.memory_space<vmem_shared>> -> memref<10240x128xf32, #tpu.memory_space<vmem_shared>>
    tpu.enqueue_indirect_dma source(%dma_start3A_345 : memref<128x128xf32, #tpu.memory_space<vmem>>) target(%dma_start3A_351 : memref<10240x128xf32, #tpu.memory_space<vmem_shared>>) offsets(%dma_start3A_348 : memref<128xi32, #tpu.memory_space<vmem>>) semaphore(%arg16 : memref<!tpu.dma_semaphore, #tpu.memory_space<semaphore_mem>>) {add = true}
    %dma_wait3A_352 = arith.constant 1 : i32
    %dma_wait3A_353 = arith.constant 1 : i32
    %dma_wait3A_354 = arith.constant 0 : i32
    %dma_wait3A_355 = arith.constant 0 : i32
    %dma_wait3A_356 = tpu.memref_slice %arg8[%dma_wait3A_352, %dma_wait3A_354, %dma_wait3A_355] : memref<2x128x128xf32, #tpu.memory_space<vmem>> -> memref<1x128x128xf32, #tpu.memory_space<vmem>>
    %dma_wait3A_357 = tpu.memref_squeeze %dma_wait3A_356 : memref<1x128x128xf32, #tpu.memory_space<vmem>> -> memref<128x128xf32, #tpu.memory_space<vmem>>
    %dma_wait3A_358 = arith.constant 0 : i32
    %dma_wait3A_359 = tpu.memref_slice %arg7[%dma_wait3A_353, %dma_wait3A_358] : memref<2x128xi32, #tpu.memory_space<vmem>> -> memref<1x128xi32, #tpu.memory_space<vmem>>
    %dma_wait3A_360 = tpu.memref_squeeze %dma_wait3A_359 : memref<1x128xi32, #tpu.memory_space<vmem>> -> memref<128xi32, #tpu.memory_space<vmem>>
    %dma_wait3A_361 = arith.constant 0 : i32
    %dma_wait3A_362 = arith.constant 0 : i32
    %dma_wait3A_363 = tpu.memref_slice %arg9[%dma_wait3A_361, %dma_wait3A_362] : memref<10240x128xf32, #tpu.memory_space<vmem_shared>> -> memref<10240x128xf32, #tpu.memory_space<vmem_shared>>
    tpu.wait_indirect_dma semaphore(%arg17 : memref<!tpu.dma_semaphore, #tpu.memory_space<semaphore_mem>>) src(%dma_wait3A_357 : memref<128x128xf32, #tpu.memory_space<vmem>>) dst(%dma_wait3A_363 : memref<10240x128xf32, #tpu.memory_space<vmem_shared>>)
    %dma_start3A_364 = arith.constant 1 : i32
    %dma_start3A_365 = arith.constant 1 : i32
    %dma_start3A_366 = arith.constant 0 : i32
    %dma_start3A_367 = arith.constant 0 : i32
    %dma_start3A_368 = tpu.memref_slice %arg8[%dma_start3A_365, %dma_start3A_366, %dma_start3A_367] : memref<2x128x128xf32, #tpu.memory_space<vmem>> -> memref<1x128x128xf32, #tpu.memory_space<vmem>>
    %dma_start3A_369 = tpu.memref_squeeze %dma_start3A_368 : memref<1x128x128xf32, #tpu.memory_space<vmem>> -> memref<128x128xf32, #tpu.memory_space<vmem>>
    %dma_start3A_370 = arith.constant 0 : i32
    %dma_start3A_371 = tpu.memref_slice %arg6[%dma_start3A_364, %dma_start3A_370] : memref<2x128xi32, #tpu.memory_space<vmem>> -> memref<1x128xi32, #tpu.memory_space<vmem>>
    %dma_start3A_372 = tpu.memref_squeeze %dma_start3A_371 : memref<1x128xi32, #tpu.memory_space<vmem>> -> memref<128xi32, #tpu.memory_space<vmem>>
    %dma_start3A_373 = arith.constant 0 : i32
    %dma_start3A_374 = arith.constant 0 : i32
    %dma_start3A_375 = tpu.memref_slice %arg2[%dma_start3A_373, %dma_start3A_374] : memref<10240x128xf32, #tpu.memory_space<hbm>> -> memref<10240x128xf32, #tpu.memory_space<hbm>>
    tpu.enqueue_indirect_dma source(%dma_start3A_375 : memref<10240x128xf32, #tpu.memory_space<hbm>>) target(%dma_start3A_369 : memref<128x128xf32, #tpu.memory_space<vmem>>) offsets(%dma_start3A_372 : memref<128xi32, #tpu.memory_space<vmem>>) semaphore(%arg15 : memref<!tpu.dma_semaphore, #tpu.memory_space<semaphore_mem>>)
    %dma_start3A_376 = arith.constant 79 : i32
    %dma_start3A_377 = arith.constant 1 : i32
    %dma_start3A_378 = arith.constant 0 : i32
    %dma_start3A_379 = tpu.memref_slice %arg7[%dma_start3A_377, %dma_start3A_378] : memref<2x128xi32, #tpu.memory_space<vmem>> -> memref<1x128xi32, #tpu.memory_space<vmem>>
    %dma_start3A_380 = tpu.memref_squeeze %dma_start3A_379 : memref<1x128xi32, #tpu.memory_space<vmem>> -> memref<128xi32, #tpu.memory_space<vmem>>
    %dma_start3A_381 = arith.constant 0 : i32
    %dma_start3A_382 = tpu.memref_slice %arg4[%add3A, %dma_start3A_376, %dma_start3A_381] : memref<32x80x128xi32, #tpu.memory_space<hbm>> -> memref<1x1x128xi32, #tpu.memory_space<hbm>>
    %dma_start3A_383 = tpu.memref_squeeze %dma_start3A_382 : memref<1x1x128xi32, #tpu.memory_space<hbm>> -> memref<128xi32, #tpu.memory_space<hbm>>
    %dma_start3A_384 = arith.constant 0 : i32
    %dma_start3A_385 = tpu.memref_slice %arg7[%dma_start3A_377, %dma_start3A_384] : memref<2x128xi32, #tpu.memory_space<vmem>> -> memref<1x128xi32, #tpu.memory_space<vmem>>
    %dma_start3A_386 = tpu.memref_squeeze %dma_start3A_385 : memref<1x128xi32, #tpu.memory_space<vmem>> -> memref<128xi32, #tpu.memory_space<vmem>>
    %dma_start3A_387 = arith.constant 0 : i32
    %dma_start3A_388 = tpu.memref_slice %arg4[%add3A, %dma_start3A_376, %dma_start3A_387] : memref<32x80x128xi32, #tpu.memory_space<hbm>> -> memref<1x1x128xi32, #tpu.memory_space<hbm>>
    %dma_start3A_389 = tpu.memref_squeeze %dma_start3A_388 : memref<1x1x128xi32, #tpu.memory_space<hbm>> -> memref<128xi32, #tpu.memory_space<hbm>>
    tpu.enqueue_dma source(%dma_start3A_389 : memref<128xi32, #tpu.memory_space<hbm>>) target(%dma_start3A_386 : memref<128xi32, #tpu.memory_space<vmem>>) target_semaphore(%arg13 : memref<!tpu.dma_semaphore, #tpu.memory_space<semaphore_mem>>)
    %dma_wait3A_390 = arith.constant 1 : i32
    %dma_wait3A_391 = arith.constant 1 : i32
    %dma_wait3A_392 = arith.constant 0 : i32
    %dma_wait3A_393 = arith.constant 0 : i32
    %dma_wait3A_394 = tpu.memref_slice %arg8[%dma_wait3A_391, %dma_wait3A_392, %dma_wait3A_393] : memref<2x128x128xf32, #tpu.memory_space<vmem>> -> memref<1x128x128xf32, #tpu.memory_space<vmem>>
    %dma_wait3A_395 = tpu.memref_squeeze %dma_wait3A_394 : memref<1x128x128xf32, #tpu.memory_space<vmem>> -> memref<128x128xf32, #tpu.memory_space<vmem>>
    %dma_wait3A_396 = arith.constant 0 : i32
    %dma_wait3A_397 = tpu.memref_slice %arg6[%dma_wait3A_390, %dma_wait3A_396] : memref<2x128xi32, #tpu.memory_space<vmem>> -> memref<1x128xi32, #tpu.memory_space<vmem>>
    %dma_wait3A_398 = tpu.memref_squeeze %dma_wait3A_397 : memref<1x128xi32, #tpu.memory_space<vmem>> -> memref<128xi32, #tpu.memory_space<vmem>>
    %dma_wait3A_399 = arith.constant 0 : i32
    %dma_wait3A_400 = arith.constant 0 : i32
    %dma_wait3A_401 = tpu.memref_slice %arg2[%dma_wait3A_399, %dma_wait3A_400] : memref<10240x128xf32, #tpu.memory_space<hbm>> -> memref<10240x128xf32, #tpu.memory_space<hbm>>
    tpu.wait_indirect_dma semaphore(%arg15 : memref<!tpu.dma_semaphore, #tpu.memory_space<semaphore_mem>>) src(%dma_wait3A_401 : memref<10240x128xf32, #tpu.memory_space<hbm>>) dst(%dma_wait3A_395 : memref<128x128xf32, #tpu.memory_space<vmem>>)
    %dma_wait3A_402 = arith.constant 79 : i32
    %dma_wait3A_403 = arith.constant 1 : i32
    %dma_wait3A_404 = arith.constant 0 : i32
    %dma_wait3A_405 = tpu.memref_slice %arg7[%dma_wait3A_403, %dma_wait3A_404] : memref<2x128xi32, #tpu.memory_space<vmem>> -> memref<1x128xi32, #tpu.memory_space<vmem>>
    %dma_wait3A_406 = tpu.memref_squeeze %dma_wait3A_405 : memref<1x128xi32, #tpu.memory_space<vmem>> -> memref<128xi32, #tpu.memory_space<vmem>>
    %dma_wait3A_407 = arith.constant 0 : i32
    %dma_wait3A_408 = tpu.memref_slice %arg4[%add3A, %dma_wait3A_402, %dma_wait3A_407] : memref<32x80x128xi32, #tpu.memory_space<hbm>> -> memref<1x1x128xi32, #tpu.memory_space<hbm>>
    %dma_wait3A_409 = tpu.memref_squeeze %dma_wait3A_408 : memref<1x1x128xi32, #tpu.memory_space<hbm>> -> memref<128xi32, #tpu.memory_space<hbm>>
    %dma_wait3A_410 = arith.constant 0 : i32
    %dma_wait3A_411 = tpu.memref_slice %arg7[%dma_wait3A_403, %dma_wait3A_410] : memref<2x128xi32, #tpu.memory_space<vmem>> -> memref<1x128xi32, #tpu.memory_space<vmem>>
    %dma_wait3A_412 = tpu.memref_squeeze %dma_wait3A_411 : memref<1x128xi32, #tpu.memory_space<vmem>> -> memref<128xi32, #tpu.memory_space<vmem>>
    %dma_wait3A_413 = arith.constant 0 : i32
    %dma_wait3A_414 = tpu.memref_slice %arg4[%add3A, %dma_wait3A_402, %dma_wait3A_413] : memref<32x80x128xi32, #tpu.memory_space<hbm>> -> memref<1x1x128xi32, #tpu.memory_space<hbm>>
    %dma_wait3A_415 = tpu.memref_squeeze %dma_wait3A_414 : memref<1x1x128xi32, #tpu.memory_space<hbm>> -> memref<128xi32, #tpu.memory_space<hbm>>
    tpu.wait_dma2 semaphore(%arg13 : memref<!tpu.dma_semaphore, #tpu.memory_space<semaphore_mem>>) src(%dma_wait3A_415 : memref<128xi32, #tpu.memory_space<hbm>>) dst(%dma_wait3A_412 : memref<128xi32, #tpu.memory_space<vmem>>)
    %dma_start3A_416 = arith.constant 1 : i32
    %dma_start3A_417 = arith.constant 1 : i32
    %dma_start3A_418 = arith.constant 0 : i32
    %dma_start3A_419 = arith.constant 0 : i32
    %dma_start3A_420 = tpu.memref_slice %arg8[%dma_start3A_416, %dma_start3A_418, %dma_start3A_419] : memref<2x128x128xf32, #tpu.memory_space<vmem>> -> memref<1x128x128xf32, #tpu.memory_space<vmem>>
    %dma_start3A_421 = tpu.memref_squeeze %dma_start3A_420 : memref<1x128x128xf32, #tpu.memory_space<vmem>> -> memref<128x128xf32, #tpu.memory_space<vmem>>
    %dma_start3A_422 = arith.constant 0 : i32
    %dma_start3A_423 = tpu.memref_slice %arg7[%dma_start3A_417, %dma_start3A_422] : memref<2x128xi32, #tpu.memory_space<vmem>> -> memref<1x128xi32, #tpu.memory_space<vmem>>
    %dma_start3A_424 = tpu.memref_squeeze %dma_start3A_423 : memref<1x128xi32, #tpu.memory_space<vmem>> -> memref<128xi32, #tpu.memory_space<vmem>>
    %dma_start3A_425 = arith.constant 0 : i32
    %dma_start3A_426 = arith.constant 0 : i32
    %dma_start3A_427 = tpu.memref_slice %arg9[%dma_start3A_425, %dma_start3A_426] : memref<10240x128xf32, #tpu.memory_space<vmem_shared>> -> memref<10240x128xf32, #tpu.memory_space<vmem_shared>>
    tpu.enqueue_indirect_dma source(%dma_start3A_421 : memref<128x128xf32, #tpu.memory_space<vmem>>) target(%dma_start3A_427 : memref<10240x128xf32, #tpu.memory_space<vmem_shared>>) offsets(%dma_start3A_424 : memref<128xi32, #tpu.memory_space<vmem>>) semaphore(%arg17 : memref<!tpu.dma_semaphore, #tpu.memory_space<semaphore_mem>>) {add = true}
    %dma_wait3A_428 = arith.constant 0 : i32
    %dma_wait3A_429 = arith.constant 0 : i32
    %dma_wait3A_430 = arith.constant 0 : i32
    %dma_wait3A_431 = arith.constant 0 : i32
    %dma_wait3A_432 = tpu.memref_slice %arg8[%dma_wait3A_428, %dma_wait3A_430, %dma_wait3A_431] : memref<2x128x128xf32, #tpu.memory_space<vmem>> -> memref<1x128x128xf32, #tpu.memory_space<vmem>>
    %dma_wait3A_433 = tpu.memref_squeeze %dma_wait3A_432 : memref<1x128x128xf32, #tpu.memory_space<vmem>> -> memref<128x128xf32, #tpu.memory_space<vmem>>
    %dma_wait3A_434 = arith.constant 0 : i32
    %dma_wait3A_435 = tpu.memref_slice %arg7[%dma_wait3A_429, %dma_wait3A_434] : memref<2x128xi32, #tpu.memory_space<vmem>> -> memref<1x128xi32, #tpu.memory_space<vmem>>
    %dma_wait3A_436 = tpu.memref_squeeze %dma_wait3A_435 : memref<1x128xi32, #tpu.memory_space<vmem>> -> memref<128xi32, #tpu.memory_space<vmem>>
    %dma_wait3A_437 = arith.constant 0 : i32
    %dma_wait3A_438 = arith.constant 0 : i32
    %dma_wait3A_439 = tpu.memref_slice %arg9[%dma_wait3A_437, %dma_wait3A_438] : memref<10240x128xf32, #tpu.memory_space<vmem_shared>> -> memref<10240x128xf32, #tpu.memory_space<vmem_shared>>
    tpu.wait_indirect_dma semaphore(%arg16 : memref<!tpu.dma_semaphore, #tpu.memory_space<semaphore_mem>>) src(%dma_wait3A_433 : memref<128x128xf32, #tpu.memory_space<vmem>>) dst(%dma_wait3A_439 : memref<10240x128xf32, #tpu.memory_space<vmem_shared>>)
    %dma_wait3A_440 = arith.constant 1 : i32
    %dma_wait3A_441 = arith.constant 1 : i32
    %dma_wait3A_442 = arith.constant 0 : i32
    %dma_wait3A_443 = arith.constant 0 : i32
    %dma_wait3A_444 = tpu.memref_slice %arg8[%dma_wait3A_440, %dma_wait3A_442, %dma_wait3A_443] : memref<2x128x128xf32, #tpu.memory_space<vmem>> -> memref<1x128x128xf32, #tpu.memory_space<vmem>>
    %dma_wait3A_445 = tpu.memref_squeeze %dma_wait3A_444 : memref<1x128x128xf32, #tpu.memory_space<vmem>> -> memref<128x128xf32, #tpu.memory_space<vmem>>
    %dma_wait3A_446 = arith.constant 0 : i32
    %dma_wait3A_447 = tpu.memref_slice %arg7[%dma_wait3A_441, %dma_wait3A_446] : memref<2x128xi32, #tpu.memory_space<vmem>> -> memref<1x128xi32, #tpu.memory_space<vmem>>
    %dma_wait3A_448 = tpu.memref_squeeze %dma_wait3A_447 : memref<1x128xi32, #tpu.memory_space<vmem>> -> memref<128xi32, #tpu.memory_space<vmem>>
    %dma_wait3A_449 = arith.constant 0 : i32
    %dma_wait3A_450 = arith.constant 0 : i32
    %dma_wait3A_451 = tpu.memref_slice %arg9[%dma_wait3A_449, %dma_wait3A_450] : memref<10240x128xf32, #tpu.memory_space<vmem_shared>> -> memref<10240x128xf32, #tpu.memory_space<vmem_shared>>
    tpu.wait_indirect_dma semaphore(%arg17 : memref<!tpu.dma_semaphore, #tpu.memory_space<semaphore_mem>>) src(%dma_wait3A_445 : memref<128x128xf32, #tpu.memory_space<vmem>>) dst(%dma_wait3A_451 : memref<10240x128xf32, #tpu.memory_space<vmem_shared>>)
    %barrier3A_452 = arith.constant 0 : index
    tpu.barrier barrier_id(%barrier3A_452)
    %mul3A_453 = arith.constant 640 : i32
    %mul3A_454 = arith.muli %arg1, %mul3A_453 : i32
    %mul3A_455 = arith.constant 640 : i32
    %mul3A_456 = arith.muli %arg1, %mul3A_455 : i32
    "tpu.region"() ({
      %run_scoped3A_457 = tpu.sem_alloc : memref<!tpu.dma_semaphore, #tpu.memory_space<semaphore_mem>>
      %dma_start3A_458 = arith.constant 0 : i32
      %dma_start3A_459 = tpu.memref_slice %arg5[%arg0, %mul3A_456, %dma_start3A_458] : memref<2x10240x128xf32, #tpu.memory_space<hbm>> -> memref<1x640x128xf32, #tpu.memory_space<hbm>>
      %dma_start3A_460 = tpu.memref_squeeze %dma_start3A_459 : memref<1x640x128xf32, #tpu.memory_space<hbm>> -> memref<640x128xf32, #tpu.memory_space<hbm>>
      %dma_start3A_461 = arith.constant 0 : i32
      %dma_start3A_462 = tpu.memref_slice %arg9[%mul3A_454, %dma_start3A_461] : memref<10240x128xf32, #tpu.memory_space<vmem_shared>> -> memref<640x128xf32, #tpu.memory_space<vmem_shared>>
      tpu.enqueue_dma source(%dma_start3A_462 : memref<640x128xf32, #tpu.memory_space<vmem_shared>>) target(%dma_start3A_460 : memref<640x128xf32, #tpu.memory_space<hbm>>) target_semaphore(%run_scoped3A_457 : memref<!tpu.dma_semaphore, #tpu.memory_space<semaphore_mem>>)
      %dma_wait3A_463 = arith.constant 0 : i32
      %dma_wait3A_464 = tpu.memref_slice %arg5[%arg0, %mul3A_456, %dma_wait3A_463] : memref<2x10240x128xf32, #tpu.memory_space<hbm>> -> memref<1x640x128xf32, #tpu.memory_space<hbm>>
      %dma_wait3A_465 = tpu.memref_squeeze %dma_wait3A_464 : memref<1x640x128xf32, #tpu.memory_space<hbm>> -> memref<640x128xf32, #tpu.memory_space<hbm>>
      %dma_wait3A_466 = arith.constant 0 : i32
      %dma_wait3A_467 = tpu.memref_slice %arg9[%mul3A_454, %dma_wait3A_466] : memref<10240x128xf32, #tpu.memory_space<vmem_shared>> -> memref<640x128xf32, #tpu.memory_space<vmem_shared>>
      tpu.wait_dma2 semaphore(%run_scoped3A_457 : memref<!tpu.dma_semaphore, #tpu.memory_space<semaphore_mem>>) src(%dma_wait3A_467 : memref<640x128xf32, #tpu.memory_space<vmem_shared>>) dst(%dma_wait3A_465 : memref<640x128xf32, #tpu.memory_space<hbm>>)
      tpu.yield
    }) : () -> ()
    return
  }
}

#map = affine_map<(d0, d1) -> (0, 0)>
#map1 = affine_map<(d0, d1) -> (0, 0, 0)>
module attributes {stable_mosaic.version = 14 : i64} {
  func.func @_agg_body(%arg0: i32, %arg1: i32, %arg2: memref<10240x128xf32, #tpu.memory_space<hbm>>, %arg3: memref<32x80x128xi32, #tpu.memory_space<hbm>>, %arg4: memref<32x80x128xi32, #tpu.memory_space<hbm>>, %arg5: memref<2x10240x128xf32, #tpu.memory_space<hbm>>, %arg6: memref<2x128xi32, #tpu.memory_space<vmem>>, %arg7: memref<2x128xi32, #tpu.memory_space<vmem>>, %arg8: memref<2x128x128xf32, #tpu.memory_space<vmem>>, %arg9: memref<10240x128xf32, #tpu.memory_space<vmem_shared>>, %arg10: memref<!tpu.dma_semaphore, #tpu.memory_space<semaphore_mem>>, %arg11: memref<!tpu.dma_semaphore, #tpu.memory_space<semaphore_mem>>, %arg12: memref<!tpu.dma_semaphore, #tpu.memory_space<semaphore_mem>>, %arg13: memref<!tpu.dma_semaphore, #tpu.memory_space<semaphore_mem>>, %arg14: memref<!tpu.dma_semaphore, #tpu.memory_space<semaphore_mem>>, %arg15: memref<!tpu.dma_semaphore, #tpu.memory_space<semaphore_mem>>, %arg16: memref<!tpu.dma_semaphore, #tpu.memory_space<semaphore_mem>>, %arg17: memref<!tpu.dma_semaphore, #tpu.memory_space<semaphore_mem>>) attributes {dimension_semantics = [#tpu.dimension_semantics<core_parallel>, #tpu.dimension_semantics<subcore_parallel>], iteration_bounds = array<i64: 2, 16>, scalar_prefetch = 0 : i64, scratch_operands = 12 : i64, tpu.core_type = #tpu.core_type<sc_vector_subcore>, window_params = [{transform_indices = #map}, {transform_indices = #map1}, {transform_indices = #map1}, {transform_indices = #map1}]} {
    %mul3A = arith.constant 2 : i32
    %mul3A_0 = arith.muli %arg1, %mul3A : i32
    %add3A = arith.addi %mul3A_0, %arg0 : i32
    %scan3A = arith.constant 0 : i32
    %scan3A_1 = arith.constant 0 : i32
    %scan3A_2 = arith.constant 1024 : i32
    %scan3A_3 = arith.addi %scan3A_1, %scan3A_2 : i32
    %scan3A_4 = arith.constant 1 : i32
    %scan3A_5 = scf.for %scan3A_457 = %scan3A_1 to %scan3A_3 step %scan3A_4 iter_args(%scan3A_458 = %scan3A) -> (i32)  : i32 {
      %jit3A = arith.constant 8 : i32
      %div3A = arith.divsi %scan3A_457, %jit3A : i32
      %sign3A = arith.constant 0 : i32
      %sign3A_459 = arith.cmpi sgt, %scan3A_457, %sign3A : i32
      %sign3A_460 = arith.extui %sign3A_459 : i1 to i32
      %sign3A_461 = arith.constant 0 : i32
      %sign3A_462 = arith.cmpi slt, %scan3A_457, %sign3A_461 : i32
      %sign3A_463 = arith.extui %sign3A_462 : i1 to i32
      %sign3A_464 = arith.subi %sign3A_460, %sign3A_463 : i32
      %sign3A_465 = arith.constant 0 : i32
      %sign3A_466 = arith.cmpi sgt, %jit3A, %sign3A_465 : i32
      %sign3A_467 = arith.extui %sign3A_466 : i1 to i32
      %sign3A_468 = arith.constant 0 : i32
      %sign3A_469 = arith.cmpi slt, %jit3A, %sign3A_468 : i32
      %sign3A_470 = arith.extui %sign3A_469 : i1 to i32
      %sign3A_471 = arith.subi %sign3A_467, %sign3A_470 : i32
      %ne3A = arith.cmpi ne, %sign3A_464, %sign3A_471 : i32
      %rem3A = arith.remsi %scan3A_457, %jit3A : i32
      %ne3A_472 = arith.constant 0 : i32
      %ne3A_473 = arith.cmpi ne, %rem3A, %ne3A_472 : i32
      %and3A = arith.andi %ne3A, %ne3A_473 : i1
      %sub3A = arith.constant 1 : i32
      %sub3A_474 = arith.subi %div3A, %sub3A : i32
      %select_n3A = arith.select %and3A, %sub3A_474, %div3A : i32
      %jit3A_475 = arith.constant 8 : i32
      %eq3A = arith.constant 0 : i32
      %eq3A_476 = arith.cmpi eq, %jit3A_475, %eq3A : i32
      %jit3A_477 = arith.constant 1 : i32
      %select_n3A_478 = arith.select %eq3A_476, %jit3A_477, %jit3A_475 : i32
      %rem3A_479 = arith.remsi %scan3A_457, %select_n3A_478 : i32
      %ne3A_480 = arith.constant 0 : i32
      %ne3A_481 = arith.cmpi ne, %rem3A_479, %ne3A_480 : i32
      %lt3A = arith.constant 0 : i32
      %lt3A_482 = arith.cmpi slt, %rem3A_479, %lt3A : i32
      %lt3A_483 = arith.constant 0 : i32
      %lt3A_484 = arith.cmpi slt, %select_n3A_478, %lt3A_483 : i32
      %ne3A_485 = arith.xori %lt3A_482, %lt3A_484 : i1
      %and3A_486 = arith.andi %ne3A_485, %ne3A_481 : i1
      %add3A_487 = arith.addi %rem3A_479, %select_n3A_478 : i32
      %select_n3A_488 = arith.select %and3A_486, %add3A_487, %rem3A_479 : i32
      %mul3A_489 = arith.constant 16 : i32
      %mul3A_490 = arith.muli %select_n3A_488, %mul3A_489 : i32
      %broadcast_in_dim3A = arith.constant 0.000000e+00 : f32
      %broadcast_in_dim3A_491 = vector.broadcast %broadcast_in_dim3A : f32 to vector<16xf32>
      %swap3A = arith.constant 0 : i32
      %swap3A_492 = arith.index_cast %swap3A : i32 to index
      %swap3A_493 = arith.index_cast %select_n3A : i32 to index
      %swap3A_494 = arith.index_cast %mul3A_490 : i32 to index
      %swap3A_495 = tpu.vector_load %arg8[%swap3A_492, %swap3A_493, %swap3A_494] {strides = array<i32>} : memref<2x128x128xf32, #tpu.memory_space<vmem>>, vector<1x1x16xf32>,
      %swap3A_496 = vector.shape_cast %swap3A_495 : vector<1x1x16xf32> to vector<16xf32>
      %swap3A_497 = vector.shape_cast %broadcast_in_dim3A_491 : vector<16xf32> to vector<1x1x16xf32>
      tpu.vector_store %arg8[%swap3A_492, %swap3A_493, %swap3A_494], %swap3A_497 {strides = array<i32>} : memref<2x128x128xf32, #tpu.memory_space<vmem>>, vector<1x1x16xf32>,
      %scan3A_498 = arith.constant 0 : i32
      scf.yield %scan3A_498 : i32
    }
    %scan3A_6 = arith.constant 1024 : i32
    %mul3A_7 = arith.constant 640 : i32
    %mul3A_8 = arith.muli %arg1, %mul3A_7 : i32
    %add3A_9 = arith.constant 0 : i32
    %add3A_10 = arith.addi %mul3A_8, %add3A_9 : i32
    %run_scoped3A = arith.constant 0 : i32
    "tpu.region"() ({
      %run_scoped3A_457 = tpu.sem_alloc : memref<!tpu.dma_semaphore, #tpu.memory_space<semaphore_mem>>
      %dma_start3A_458 = arith.constant 0 : i32
      %dma_start3A_459 = arith.constant 0 : i32
      %dma_start3A_460 = tpu.memref_slice %arg8[%run_scoped3A, %dma_start3A_458, %dma_start3A_459] : memref<2x128x128xf32, #tpu.memory_space<vmem>> -> memref<1x128x128xf32, #tpu.memory_space<vmem>>
      %dma_start3A_461 = tpu.memref_squeeze %dma_start3A_460 : memref<1x128x128xf32, #tpu.memory_space<vmem>> -> memref<128x128xf32, #tpu.memory_space<vmem>>
      %dma_start3A_462 = arith.constant 0 : i32
      %dma_start3A_463 = tpu.memref_slice %arg9[%add3A_10, %dma_start3A_462] : memref<10240x128xf32, #tpu.memory_space<vmem_shared>> -> memref<128x128xf32, #tpu.memory_space<vmem_shared>>
      %dma_start3A_464 = arith.constant 0 : i32
      %dma_start3A_465 = tpu.memref_slice %arg9[%add3A_10, %dma_start3A_464] : memref<10240x128xf32, #tpu.memory_space<vmem_shared>> -> memref<128x128xf32, #tpu.memory_space<vmem_shared>>
      %dma_start3A_466 = arith.constant 0 : i32
      %dma_start3A_467 = arith.constant 0 : i32
      %dma_start3A_468 = tpu.memref_slice %arg8[%run_scoped3A, %dma_start3A_466, %dma_start3A_467] : memref<2x128x128xf32, #tpu.memory_space<vmem>> -> memref<1x128x128xf32, #tpu.memory_space<vmem>>
      %dma_start3A_469 = tpu.memref_squeeze %dma_start3A_468 : memref<1x128x128xf32, #tpu.memory_space<vmem>> -> memref<128x128xf32, #tpu.memory_space<vmem>>
      tpu.enqueue_dma source(%dma_start3A_469 : memref<128x128xf32, #tpu.memory_space<vmem>>) target(%dma_start3A_465 : memref<128x128xf32, #tpu.memory_space<vmem_shared>>) target_semaphore(%run_scoped3A_457 : memref<!tpu.dma_semaphore, #tpu.memory_space<semaphore_mem>>)
      %dma_wait3A_470 = arith.constant 0 : i32
      %dma_wait3A_471 = arith.constant 0 : i32
      %dma_wait3A_472 = tpu.memref_slice %arg8[%run_scoped3A, %dma_wait3A_470, %dma_wait3A_471] : memref<2x128x128xf32, #tpu.memory_space<vmem>> -> memref<1x128x128xf32, #tpu.memory_space<vmem>>
      %dma_wait3A_473 = tpu.memref_squeeze %dma_wait3A_472 : memref<1x128x128xf32, #tpu.memory_space<vmem>> -> memref<128x128xf32, #tpu.memory_space<vmem>>
      %dma_wait3A_474 = arith.constant 0 : i32
      %dma_wait3A_475 = tpu.memref_slice %arg9[%add3A_10, %dma_wait3A_474] : memref<10240x128xf32, #tpu.memory_space<vmem_shared>> -> memref<128x128xf32, #tpu.memory_space<vmem_shared>>
      %dma_wait3A_476 = arith.constant 0 : i32
      %dma_wait3A_477 = tpu.memref_slice %arg9[%add3A_10, %dma_wait3A_476] : memref<10240x128xf32, #tpu.memory_space<vmem_shared>> -> memref<128x128xf32, #tpu.memory_space<vmem_shared>>
      %dma_wait3A_478 = arith.constant 0 : i32
      %dma_wait3A_479 = arith.constant 0 : i32
      %dma_wait3A_480 = tpu.memref_slice %arg8[%run_scoped3A, %dma_wait3A_478, %dma_wait3A_479] : memref<2x128x128xf32, #tpu.memory_space<vmem>> -> memref<1x128x128xf32, #tpu.memory_space<vmem>>
      %dma_wait3A_481 = tpu.memref_squeeze %dma_wait3A_480 : memref<1x128x128xf32, #tpu.memory_space<vmem>> -> memref<128x128xf32, #tpu.memory_space<vmem>>
      tpu.wait_dma2 semaphore(%run_scoped3A_457 : memref<!tpu.dma_semaphore, #tpu.memory_space<semaphore_mem>>) src(%dma_wait3A_481 : memref<128x128xf32, #tpu.memory_space<vmem>>) dst(%dma_wait3A_477 : memref<128x128xf32, #tpu.memory_space<vmem_shared>>)
      tpu.yield
    }) : () -> ()
    %mul3A_11 = arith.constant 640 : i32
    %mul3A_12 = arith.muli %arg1, %mul3A_11 : i32
    %add3A_13 = arith.constant 128 : i32
    %add3A_14 = arith.addi %mul3A_12, %add3A_13 : i32
    %run_scoped3A_15 = arith.constant 0 : i32
    "tpu.region"() ({
      %run_scoped3A_457 = tpu.sem_alloc : memref<!tpu.dma_semaphore, #tpu.memory_space<semaphore_mem>>
      %dma_start3A_458 = arith.constant 0 : i32
      %dma_start3A_459 = arith.constant 0 : i32
      %dma_start3A_460 = tpu.memref_slice %arg8[%run_scoped3A_15, %dma_start3A_458, %dma_start3A_459] : memref<2x128x128xf32, #tpu.memory_space<vmem>> -> memref<1x128x128xf32, #tpu.memory_space<vmem>>
      %dma_start3A_461 = tpu.memref_squeeze %dma_start3A_460 : memref<1x128x128xf32, #tpu.memory_space<vmem>> -> memref<128x128xf32, #tpu.memory_space<vmem>>
      %dma_start3A_462 = arith.constant 0 : i32
      %dma_start3A_463 = tpu.memref_slice %arg9[%add3A_14, %dma_start3A_462] : memref<10240x128xf32, #tpu.memory_space<vmem_shared>> -> memref<128x128xf32, #tpu.memory_space<vmem_shared>>
      %dma_start3A_464 = arith.constant 0 : i32
      %dma_start3A_465 = tpu.memref_slice %arg9[%add3A_14, %dma_start3A_464] : memref<10240x128xf32, #tpu.memory_space<vmem_shared>> -> memref<128x128xf32, #tpu.memory_space<vmem_shared>>
      %dma_start3A_466 = arith.constant 0 : i32
      %dma_start3A_467 = arith.constant 0 : i32
      %dma_start3A_468 = tpu.memref_slice %arg8[%run_scoped3A_15, %dma_start3A_466, %dma_start3A_467] : memref<2x128x128xf32, #tpu.memory_space<vmem>> -> memref<1x128x128xf32, #tpu.memory_space<vmem>>
      %dma_start3A_469 = tpu.memref_squeeze %dma_start3A_468 : memref<1x128x128xf32, #tpu.memory_space<vmem>> -> memref<128x128xf32, #tpu.memory_space<vmem>>
      tpu.enqueue_dma source(%dma_start3A_469 : memref<128x128xf32, #tpu.memory_space<vmem>>) target(%dma_start3A_465 : memref<128x128xf32, #tpu.memory_space<vmem_shared>>) target_semaphore(%run_scoped3A_457 : memref<!tpu.dma_semaphore, #tpu.memory_space<semaphore_mem>>)
      %dma_wait3A_470 = arith.constant 0 : i32
      %dma_wait3A_471 = arith.constant 0 : i32
      %dma_wait3A_472 = tpu.memref_slice %arg8[%run_scoped3A_15, %dma_wait3A_470, %dma_wait3A_471] : memref<2x128x128xf32, #tpu.memory_space<vmem>> -> memref<1x128x128xf32, #tpu.memory_space<vmem>>
      %dma_wait3A_473 = tpu.memref_squeeze %dma_wait3A_472 : memref<1x128x128xf32, #tpu.memory_space<vmem>> -> memref<128x128xf32, #tpu.memory_space<vmem>>
      %dma_wait3A_474 = arith.constant 0 : i32
      %dma_wait3A_475 = tpu.memref_slice %arg9[%add3A_14, %dma_wait3A_474] : memref<10240x128xf32, #tpu.memory_space<vmem_shared>> -> memref<128x128xf32, #tpu.memory_space<vmem_shared>>
      %dma_wait3A_476 = arith.constant 0 : i32
      %dma_wait3A_477 = tpu.memref_slice %arg9[%add3A_14, %dma_wait3A_476] : memref<10240x128xf32, #tpu.memory_space<vmem_shared>> -> memref<128x128xf32, #tpu.memory_space<vmem_shared>>
      %dma_wait3A_478 = arith.constant 0 : i32
      %dma_wait3A_479 = arith.constant 0 : i32
      %dma_wait3A_480 = tpu.memref_slice %arg8[%run_scoped3A_15, %dma_wait3A_478, %dma_wait3A_479] : memref<2x128x128xf32, #tpu.memory_space<vmem>> -> memref<1x128x128xf32, #tpu.memory_space<vmem>>
      %dma_wait3A_481 = tpu.memref_squeeze %dma_wait3A_480 : memref<1x128x128xf32, #tpu.memory_space<vmem>> -> memref<128x128xf32, #tpu.memory_space<vmem>>
      tpu.wait_dma2 semaphore(%run_scoped3A_457 : memref<!tpu.dma_semaphore, #tpu.memory_space<semaphore_mem>>) src(%dma_wait3A_481 : memref<128x128xf32, #tpu.memory_space<vmem>>) dst(%dma_wait3A_477 : memref<128x128xf32, #tpu.memory_space<vmem_shared>>)
      tpu.yield
    }) : () -> ()
    %mul3A_16 = arith.constant 640 : i32
    %mul3A_17 = arith.muli %arg1, %mul3A_16 : i32
    %add3A_18 = arith.constant 256 : i32
    %add3A_19 = arith.addi %mul3A_17, %add3A_18 : i32
    %run_scoped3A_20 = arith.constant 0 : i32
    "tpu.region"() ({
      %run_scoped3A_457 = tpu.sem_alloc : memref<!tpu.dma_semaphore, #tpu.memory_space<semaphore_mem>>
      %dma_start3A_458 = arith.constant 0 : i32
      %dma_start3A_459 = arith.constant 0 : i32
      %dma_start3A_460 = tpu.memref_slice %arg8[%run_scoped3A_20, %dma_start3A_458, %dma_start3A_459] : memref<2x128x128xf32, #tpu.memory_space<vmem>> -> memref<1x128x128xf32, #tpu.memory_space<vmem>>
      %dma_start3A_461 = tpu.memref_squeeze %dma_start3A_460 : memref<1x128x128xf32, #tpu.memory_space<vmem>> -> memref<128x128xf32, #tpu.memory_space<vmem>>
      %dma_start3A_462 = arith.constant 0 : i32
      %dma_start3A_463 = tpu.memref_slice %arg9[%add3A_19, %dma_start3A_462] : memref<10240x128xf32, #tpu.memory_space<vmem_shared>> -> memref<128x128xf32, #tpu.memory_space<vmem_shared>>
      %dma_start3A_464 = arith.constant 0 : i32
      %dma_start3A_465 = tpu.memref_slice %arg9[%add3A_19, %dma_start3A_464] : memref<10240x128xf32, #tpu.memory_space<vmem_shared>> -> memref<128x128xf32, #tpu.memory_space<vmem_shared>>
      %dma_start3A_466 = arith.constant 0 : i32
      %dma_start3A_467 = arith.constant 0 : i32
      %dma_start3A_468 = tpu.memref_slice %arg8[%run_scoped3A_20, %dma_start3A_466, %dma_start3A_467] : memref<2x128x128xf32, #tpu.memory_space<vmem>> -> memref<1x128x128xf32, #tpu.memory_space<vmem>>
      %dma_start3A_469 = tpu.memref_squeeze %dma_start3A_468 : memref<1x128x128xf32, #tpu.memory_space<vmem>> -> memref<128x128xf32, #tpu.memory_space<vmem>>
      tpu.enqueue_dma source(%dma_start3A_469 : memref<128x128xf32, #tpu.memory_space<vmem>>) target(%dma_start3A_465 : memref<128x128xf32, #tpu.memory_space<vmem_shared>>) target_semaphore(%run_scoped3A_457 : memref<!tpu.dma_semaphore, #tpu.memory_space<semaphore_mem>>)
      %dma_wait3A_470 = arith.constant 0 : i32
      %dma_wait3A_471 = arith.constant 0 : i32
      %dma_wait3A_472 = tpu.memref_slice %arg8[%run_scoped3A_20, %dma_wait3A_470, %dma_wait3A_471] : memref<2x128x128xf32, #tpu.memory_space<vmem>> -> memref<1x128x128xf32, #tpu.memory_space<vmem>>
      %dma_wait3A_473 = tpu.memref_squeeze %dma_wait3A_472 : memref<1x128x128xf32, #tpu.memory_space<vmem>> -> memref<128x128xf32, #tpu.memory_space<vmem>>
      %dma_wait3A_474 = arith.constant 0 : i32
      %dma_wait3A_475 = tpu.memref_slice %arg9[%add3A_19, %dma_wait3A_474] : memref<10240x128xf32, #tpu.memory_space<vmem_shared>> -> memref<128x128xf32, #tpu.memory_space<vmem_shared>>
      %dma_wait3A_476 = arith.constant 0 : i32
      %dma_wait3A_477 = tpu.memref_slice %arg9[%add3A_19, %dma_wait3A_476] : memref<10240x128xf32, #tpu.memory_space<vmem_shared>> -> memref<128x128xf32, #tpu.memory_space<vmem_shared>>
      %dma_wait3A_478 = arith.constant 0 : i32
      %dma_wait3A_479 = arith.constant 0 : i32
      %dma_wait3A_480 = tpu.memref_slice %arg8[%run_scoped3A_20, %dma_wait3A_478, %dma_wait3A_479] : memref<2x128x128xf32, #tpu.memory_space<vmem>> -> memref<1x128x128xf32, #tpu.memory_space<vmem>>
      %dma_wait3A_481 = tpu.memref_squeeze %dma_wait3A_480 : memref<1x128x128xf32, #tpu.memory_space<vmem>> -> memref<128x128xf32, #tpu.memory_space<vmem>>
      tpu.wait_dma2 semaphore(%run_scoped3A_457 : memref<!tpu.dma_semaphore, #tpu.memory_space<semaphore_mem>>) src(%dma_wait3A_481 : memref<128x128xf32, #tpu.memory_space<vmem>>) dst(%dma_wait3A_477 : memref<128x128xf32, #tpu.memory_space<vmem_shared>>)
      tpu.yield
    }) : () -> ()
    %mul3A_21 = arith.constant 640 : i32
    %mul3A_22 = arith.muli %arg1, %mul3A_21 : i32
    %add3A_23 = arith.constant 384 : i32
    %add3A_24 = arith.addi %mul3A_22, %add3A_23 : i32
    %run_scoped3A_25 = arith.constant 0 : i32
    "tpu.region"() ({
      %run_scoped3A_457 = tpu.sem_alloc : memref<!tpu.dma_semaphore, #tpu.memory_space<semaphore_mem>>
      %dma_start3A_458 = arith.constant 0 : i32
      %dma_start3A_459 = arith.constant 0 : i32
      %dma_start3A_460 = tpu.memref_slice %arg8[%run_scoped3A_25, %dma_start3A_458, %dma_start3A_459] : memref<2x128x128xf32, #tpu.memory_space<vmem>> -> memref<1x128x128xf32, #tpu.memory_space<vmem>>
      %dma_start3A_461 = tpu.memref_squeeze %dma_start3A_460 : memref<1x128x128xf32, #tpu.memory_space<vmem>> -> memref<128x128xf32, #tpu.memory_space<vmem>>
      %dma_start3A_462 = arith.constant 0 : i32
      %dma_start3A_463 = tpu.memref_slice %arg9[%add3A_24, %dma_start3A_462] : memref<10240x128xf32, #tpu.memory_space<vmem_shared>> -> memref<128x128xf32, #tpu.memory_space<vmem_shared>>
      %dma_start3A_464 = arith.constant 0 : i32
      %dma_start3A_465 = tpu.memref_slice %arg9[%add3A_24, %dma_start3A_464] : memref<10240x128xf32, #tpu.memory_space<vmem_shared>> -> memref<128x128xf32, #tpu.memory_space<vmem_shared>>
      %dma_start3A_466 = arith.constant 0 : i32
      %dma_start3A_467 = arith.constant 0 : i32
      %dma_start3A_468 = tpu.memref_slice %arg8[%run_scoped3A_25, %dma_start3A_466, %dma_start3A_467] : memref<2x128x128xf32, #tpu.memory_space<vmem>> -> memref<1x128x128xf32, #tpu.memory_space<vmem>>
      %dma_start3A_469 = tpu.memref_squeeze %dma_start3A_468 : memref<1x128x128xf32, #tpu.memory_space<vmem>> -> memref<128x128xf32, #tpu.memory_space<vmem>>
      tpu.enqueue_dma source(%dma_start3A_469 : memref<128x128xf32, #tpu.memory_space<vmem>>) target(%dma_start3A_465 : memref<128x128xf32, #tpu.memory_space<vmem_shared>>) target_semaphore(%run_scoped3A_457 : memref<!tpu.dma_semaphore, #tpu.memory_space<semaphore_mem>>)
      %dma_wait3A_470 = arith.constant 0 : i32
      %dma_wait3A_471 = arith.constant 0 : i32
      %dma_wait3A_472 = tpu.memref_slice %arg8[%run_scoped3A_25, %dma_wait3A_470, %dma_wait3A_471] : memref<2x128x128xf32, #tpu.memory_space<vmem>> -> memref<1x128x128xf32, #tpu.memory_space<vmem>>
      %dma_wait3A_473 = tpu.memref_squeeze %dma_wait3A_472 : memref<1x128x128xf32, #tpu.memory_space<vmem>> -> memref<128x128xf32, #tpu.memory_space<vmem>>
      %dma_wait3A_474 = arith.constant 0 : i32
      %dma_wait3A_475 = tpu.memref_slice %arg9[%add3A_24, %dma_wait3A_474] : memref<10240x128xf32, #tpu.memory_space<vmem_shared>> -> memref<128x128xf32, #tpu.memory_space<vmem_shared>>
      %dma_wait3A_476 = arith.constant 0 : i32
      %dma_wait3A_477 = tpu.memref_slice %arg9[%add3A_24, %dma_wait3A_476] : memref<10240x128xf32, #tpu.memory_space<vmem_shared>> -> memref<128x128xf32, #tpu.memory_space<vmem_shared>>
      %dma_wait3A_478 = arith.constant 0 : i32
      %dma_wait3A_479 = arith.constant 0 : i32
      %dma_wait3A_480 = tpu.memref_slice %arg8[%run_scoped3A_25, %dma_wait3A_478, %dma_wait3A_479] : memref<2x128x128xf32, #tpu.memory_space<vmem>> -> memref<1x128x128xf32, #tpu.memory_space<vmem>>
      %dma_wait3A_481 = tpu.memref_squeeze %dma_wait3A_480 : memref<1x128x128xf32, #tpu.memory_space<vmem>> -> memref<128x128xf32, #tpu.memory_space<vmem>>
      tpu.wait_dma2 semaphore(%run_scoped3A_457 : memref<!tpu.dma_semaphore, #tpu.memory_space<semaphore_mem>>) src(%dma_wait3A_481 : memref<128x128xf32, #tpu.memory_space<vmem>>) dst(%dma_wait3A_477 : memref<128x128xf32, #tpu.memory_space<vmem_shared>>)
      tpu.yield
    }) : () -> ()
    %mul3A_26 = arith.constant 640 : i32
    %mul3A_27 = arith.muli %arg1, %mul3A_26 : i32
    %add3A_28 = arith.constant 512 : i32
    %add3A_29 = arith.addi %mul3A_27, %add3A_28 : i32
    %run_scoped3A_30 = arith.constant 0 : i32
    "tpu.region"() ({
      %run_scoped3A_457 = tpu.sem_alloc : memref<!tpu.dma_semaphore, #tpu.memory_space<semaphore_mem>>
      %dma_start3A_458 = arith.constant 0 : i32
      %dma_start3A_459 = arith.constant 0 : i32
      %dma_start3A_460 = tpu.memref_slice %arg8[%run_scoped3A_30, %dma_start3A_458, %dma_start3A_459] : memref<2x128x128xf32, #tpu.memory_space<vmem>> -> memref<1x128x128xf32, #tpu.memory_space<vmem>>
      %dma_start3A_461 = tpu.memref_squeeze %dma_start3A_460 : memref<1x128x128xf32, #tpu.memory_space<vmem>> -> memref<128x128xf32, #tpu.memory_space<vmem>>
      %dma_start3A_462 = arith.constant 0 : i32
      %dma_start3A_463 = tpu.memref_slice %arg9[%add3A_29, %dma_start3A_462] : memref<10240x128xf32, #tpu.memory_space<vmem_shared>> -> memref<128x128xf32, #tpu.memory_space<vmem_shared>>
      %dma_start3A_464 = arith.constant 0 : i32
      %dma_start3A_465 = tpu.memref_slice %arg9[%add3A_29, %dma_start3A_464] : memref<10240x128xf32, #tpu.memory_space<vmem_shared>> -> memref<128x128xf32, #tpu.memory_space<vmem_shared>>
      %dma_start3A_466 = arith.constant 0 : i32
      %dma_start3A_467 = arith.constant 0 : i32
      %dma_start3A_468 = tpu.memref_slice %arg8[%run_scoped3A_30, %dma_start3A_466, %dma_start3A_467] : memref<2x128x128xf32, #tpu.memory_space<vmem>> -> memref<1x128x128xf32, #tpu.memory_space<vmem>>
      %dma_start3A_469 = tpu.memref_squeeze %dma_start3A_468 : memref<1x128x128xf32, #tpu.memory_space<vmem>> -> memref<128x128xf32, #tpu.memory_space<vmem>>
      tpu.enqueue_dma source(%dma_start3A_469 : memref<128x128xf32, #tpu.memory_space<vmem>>) target(%dma_start3A_465 : memref<128x128xf32, #tpu.memory_space<vmem_shared>>) target_semaphore(%run_scoped3A_457 : memref<!tpu.dma_semaphore, #tpu.memory_space<semaphore_mem>>)
      %dma_wait3A_470 = arith.constant 0 : i32
      %dma_wait3A_471 = arith.constant 0 : i32
      %dma_wait3A_472 = tpu.memref_slice %arg8[%run_scoped3A_30, %dma_wait3A_470, %dma_wait3A_471] : memref<2x128x128xf32, #tpu.memory_space<vmem>> -> memref<1x128x128xf32, #tpu.memory_space<vmem>>
      %dma_wait3A_473 = tpu.memref_squeeze %dma_wait3A_472 : memref<1x128x128xf32, #tpu.memory_space<vmem>> -> memref<128x128xf32, #tpu.memory_space<vmem>>
      %dma_wait3A_474 = arith.constant 0 : i32
      %dma_wait3A_475 = tpu.memref_slice %arg9[%add3A_29, %dma_wait3A_474] : memref<10240x128xf32, #tpu.memory_space<vmem_shared>> -> memref<128x128xf32, #tpu.memory_space<vmem_shared>>
      %dma_wait3A_476 = arith.constant 0 : i32
      %dma_wait3A_477 = tpu.memref_slice %arg9[%add3A_29, %dma_wait3A_476] : memref<10240x128xf32, #tpu.memory_space<vmem_shared>> -> memref<128x128xf32, #tpu.memory_space<vmem_shared>>
      %dma_wait3A_478 = arith.constant 0 : i32
      %dma_wait3A_479 = arith.constant 0 : i32
      %dma_wait3A_480 = tpu.memref_slice %arg8[%run_scoped3A_30, %dma_wait3A_478, %dma_wait3A_479] : memref<2x128x128xf32, #tpu.memory_space<vmem>> -> memref<1x128x128xf32, #tpu.memory_space<vmem>>
      %dma_wait3A_481 = tpu.memref_squeeze %dma_wait3A_480 : memref<1x128x128xf32, #tpu.memory_space<vmem>> -> memref<128x128xf32, #tpu.memory_space<vmem>>
      tpu.wait_dma2 semaphore(%run_scoped3A_457 : memref<!tpu.dma_semaphore, #tpu.memory_space<semaphore_mem>>) src(%dma_wait3A_481 : memref<128x128xf32, #tpu.memory_space<vmem>>) dst(%dma_wait3A_477 : memref<128x128xf32, #tpu.memory_space<vmem_shared>>)
      tpu.yield
    }) : () -> ()
    %barrier3A = arith.constant 0 : index
    tpu.barrier barrier_id(%barrier3A)
    %dma_start3A = arith.constant 0 : i32
    %dma_start3A_31 = arith.constant 0 : i32
    %dma_start3A_32 = arith.constant 0 : i32
    %dma_start3A_33 = tpu.memref_slice %arg6[%dma_start3A_31, %dma_start3A_32] : memref<2x128xi32, #tpu.memory_space<vmem>> -> memref<1x128xi32, #tpu.memory_space<vmem>>
    %dma_start3A_34 = tpu.memref_squeeze %dma_start3A_33 : memref<1x128xi32, #tpu.memory_space<vmem>> -> memref<128xi32, #tpu.memory_space<vmem>>
    %dma_start3A_35 = arith.constant 0 : i32
    %dma_start3A_36 = tpu.memref_slice %arg3[%add3A, %dma_start3A, %dma_start3A_35] : memref<32x80x128xi32, #tpu.memory_space<hbm>> -> memref<1x1x128xi32, #tpu.memory_space<hbm>>
    %dma_start3A_37 = tpu.memref_squeeze %dma_start3A_36 : memref<1x1x128xi32, #tpu.memory_space<hbm>> -> memref<128xi32, #tpu.memory_space<hbm>>
    %dma_start3A_38 = arith.constant 0 : i32
    %dma_start3A_39 = tpu.memref_slice %arg6[%dma_start3A_31, %dma_start3A_38] : memref<2x128xi32, #tpu.memory_space<vmem>> -> memref<1x128xi32, #tpu.memory_space<vmem>>
    %dma_start3A_40 = tpu.memref_squeeze %dma_start3A_39 : memref<1x128xi32, #tpu.memory_space<vmem>> -> memref<128xi32, #tpu.memory_space<vmem>>
    %dma_start3A_41 = arith.constant 0 : i32
    %dma_start3A_42 = tpu.memref_slice %arg3[%add3A, %dma_start3A, %dma_start3A_41] : memref<32x80x128xi32, #tpu.memory_space<hbm>> -> memref<1x1x128xi32, #tpu.memory_space<hbm>>
    %dma_start3A_43 = tpu.memref_squeeze %dma_start3A_42 : memref<1x1x128xi32, #tpu.memory_space<hbm>> -> memref<128xi32, #tpu.memory_space<hbm>>
    tpu.enqueue_dma source(%dma_start3A_43 : memref<128xi32, #tpu.memory_space<hbm>>) target(%dma_start3A_40 : memref<128xi32, #tpu.memory_space<vmem>>) target_semaphore(%arg10 : memref<!tpu.dma_semaphore, #tpu.memory_space<semaphore_mem>>)
    %dma_start3A_44 = arith.constant 1 : i32
    %dma_start3A_45 = arith.constant 1 : i32
    %dma_start3A_46 = arith.constant 0 : i32
    %dma_start3A_47 = tpu.memref_slice %arg6[%dma_start3A_45, %dma_start3A_46] : memref<2x128xi32, #tpu.memory_space<vmem>> -> memref<1x128xi32, #tpu.memory_space<vmem>>
    %dma_start3A_48 = tpu.memref_squeeze %dma_start3A_47 : memref<1x128xi32, #tpu.memory_space<vmem>> -> memref<128xi32, #tpu.memory_space<vmem>>
    %dma_start3A_49 = arith.constant 0 : i32
    %dma_start3A_50 = tpu.memref_slice %arg3[%add3A, %dma_start3A_44, %dma_start3A_49] : memref<32x80x128xi32, #tpu.memory_space<hbm>> -> memref<1x1x128xi32, #tpu.memory_space<hbm>>
    %dma_start3A_51 = tpu.memref_squeeze %dma_start3A_50 : memref<1x1x128xi32, #tpu.memory_space<hbm>> -> memref<128xi32, #tpu.memory_space<hbm>>
    %dma_start3A_52 = arith.constant 0 : i32
    %dma_start3A_53 = tpu.memref_slice %arg6[%dma_start3A_45, %dma_start3A_52] : memref<2x128xi32, #tpu.memory_space<vmem>> -> memref<1x128xi32, #tpu.memory_space<vmem>>
    %dma_start3A_54 = tpu.memref_squeeze %dma_start3A_53 : memref<1x128xi32, #tpu.memory_space<vmem>> -> memref<128xi32, #tpu.memory_space<vmem>>
    %dma_start3A_55 = arith.constant 0 : i32
    %dma_start3A_56 = tpu.memref_slice %arg3[%add3A, %dma_start3A_44, %dma_start3A_55] : memref<32x80x128xi32, #tpu.memory_space<hbm>> -> memref<1x1x128xi32, #tpu.memory_space<hbm>>
    %dma_start3A_57 = tpu.memref_squeeze %dma_start3A_56 : memref<1x1x128xi32, #tpu.memory_space<hbm>> -> memref<128xi32, #tpu.memory_space<hbm>>
    tpu.enqueue_dma source(%dma_start3A_57 : memref<128xi32, #tpu.memory_space<hbm>>) target(%dma_start3A_54 : memref<128xi32, #tpu.memory_space<vmem>>) target_semaphore(%arg11 : memref<!tpu.dma_semaphore, #tpu.memory_space<semaphore_mem>>)
    %dma_start3A_58 = arith.constant 0 : i32
    %dma_start3A_59 = arith.constant 0 : i32
    %dma_start3A_60 = arith.constant 0 : i32
    %dma_start3A_61 = tpu.memref_slice %arg7[%dma_start3A_59, %dma_start3A_60] : memref<2x128xi32, #tpu.memory_space<vmem>> -> memref<1x128xi32, #tpu.memory_space<vmem>>
    %dma_start3A_62 = tpu.memref_squeeze %dma_start3A_61 : memref<1x128xi32, #tpu.memory_space<vmem>> -> memref<128xi32, #tpu.memory_space<vmem>>
    %dma_start3A_63 = arith.constant 0 : i32
    %dma_start3A_64 = tpu.memref_slice %arg4[%add3A, %dma_start3A_58, %dma_start3A_63] : memref<32x80x128xi32, #tpu.memory_space<hbm>> -> memref<1x1x128xi32, #tpu.memory_space<hbm>>
    %dma_start3A_65 = tpu.memref_squeeze %dma_start3A_64 : memref<1x1x128xi32, #tpu.memory_space<hbm>> -> memref<128xi32, #tpu.memory_space<hbm>>
    %dma_start3A_66 = arith.constant 0 : i32
    %dma_start3A_67 = tpu.memref_slice %arg7[%dma_start3A_59, %dma_start3A_66] : memref<2x128xi32, #tpu.memory_space<vmem>> -> memref<1x128xi32, #tpu.memory_space<vmem>>
    %dma_start3A_68 = tpu.memref_squeeze %dma_start3A_67 : memref<1x128xi32, #tpu.memory_space<vmem>> -> memref<128xi32, #tpu.memory_space<vmem>>
    %dma_start3A_69 = arith.constant 0 : i32
    %dma_start3A_70 = tpu.memref_slice %arg4[%add3A, %dma_start3A_58, %dma_start3A_69] : memref<32x80x128xi32, #tpu.memory_space<hbm>> -> memref<1x1x128xi32, #tpu.memory_space<hbm>>
    %dma_start3A_71 = tpu.memref_squeeze %dma_start3A_70 : memref<1x1x128xi32, #tpu.memory_space<hbm>> -> memref<128xi32, #tpu.memory_space<hbm>>
    tpu.enqueue_dma source(%dma_start3A_71 : memref<128xi32, #tpu.memory_space<hbm>>) target(%dma_start3A_68 : memref<128xi32, #tpu.memory_space<vmem>>) target_semaphore(%arg12 : memref<!tpu.dma_semaphore, #tpu.memory_space<semaphore_mem>>)
    %dma_wait3A = arith.constant 0 : i32
    %dma_wait3A_72 = arith.constant 0 : i32
    %dma_wait3A_73 = arith.constant 0 : i32
    %dma_wait3A_74 = tpu.memref_slice %arg6[%dma_wait3A_72, %dma_wait3A_73] : memref<2x128xi32, #tpu.memory_space<vmem>> -> memref<1x128xi32, #tpu.memory_space<vmem>>
    %dma_wait3A_75 = tpu.memref_squeeze %dma_wait3A_74 : memref<1x128xi32, #tpu.memory_space<vmem>> -> memref<128xi32, #tpu.memory_space<vmem>>
    %dma_wait3A_76 = arith.constant 0 : i32
    %dma_wait3A_77 = tpu.memref_slice %arg3[%add3A, %dma_wait3A, %dma_wait3A_76] : memref<32x80x128xi32, #tpu.memory_space<hbm>> -> memref<1x1x128xi32, #tpu.memory_space<hbm>>
    %dma_wait3A_78 = tpu.memref_squeeze %dma_wait3A_77 : memref<1x1x128xi32, #tpu.memory_space<hbm>> -> memref<128xi32, #tpu.memory_space<hbm>>
    %dma_wait3A_79 = arith.constant 0 : i32
    %dma_wait3A_80 = tpu.memref_slice %arg6[%dma_wait3A_72, %dma_wait3A_79] : memref<2x128xi32, #tpu.memory_space<vmem>> -> memref<1x128xi32, #tpu.memory_space<vmem>>
    %dma_wait3A_81 = tpu.memref_squeeze %dma_wait3A_80 : memref<1x128xi32, #tpu.memory_space<vmem>> -> memref<128xi32, #tpu.memory_space<vmem>>
    %dma_wait3A_82 = arith.constant 0 : i32
    %dma_wait3A_83 = tpu.memref_slice %arg3[%add3A, %dma_wait3A, %dma_wait3A_82] : memref<32x80x128xi32, #tpu.memory_space<hbm>> -> memref<1x1x128xi32, #tpu.memory_space<hbm>>
    %dma_wait3A_84 = tpu.memref_squeeze %dma_wait3A_83 : memref<1x1x128xi32, #tpu.memory_space<hbm>> -> memref<128xi32, #tpu.memory_space<hbm>>
    tpu.wait_dma2 semaphore(%arg10 : memref<!tpu.dma_semaphore, #tpu.memory_space<semaphore_mem>>) src(%dma_wait3A_84 : memref<128xi32, #tpu.memory_space<hbm>>) dst(%dma_wait3A_81 : memref<128xi32, #tpu.memory_space<vmem>>)
    %dma_start3A_85 = arith.constant 0 : i32
    %dma_start3A_86 = arith.constant 0 : i32
    %dma_start3A_87 = arith.constant 0 : i32
    %dma_start3A_88 = arith.constant 0 : i32
    %dma_start3A_89 = tpu.memref_slice %arg8[%dma_start3A_86, %dma_start3A_87, %dma_start3A_88] : memref<2x128x128xf32, #tpu.memory_space<vmem>> -> memref<1x128x128xf32, #tpu.memory_space<vmem>>
    %dma_start3A_90 = tpu.memref_squeeze %dma_start3A_89 : memref<1x128x128xf32, #tpu.memory_space<vmem>> -> memref<128x128xf32, #tpu.memory_space<vmem>>
    %dma_start3A_91 = arith.constant 0 : i32
    %dma_start3A_92 = tpu.memref_slice %arg6[%dma_start3A_85, %dma_start3A_91] : memref<2x128xi32, #tpu.memory_space<vmem>> -> memref<1x128xi32, #tpu.memory_space<vmem>>
    %dma_start3A_93 = tpu.memref_squeeze %dma_start3A_92 : memref<1x128xi32, #tpu.memory_space<vmem>> -> memref<128xi32, #tpu.memory_space<vmem>>
    %dma_start3A_94 = arith.constant 0 : i32
    %dma_start3A_95 = arith.constant 0 : i32
    %dma_start3A_96 = tpu.memref_slice %arg2[%dma_start3A_94, %dma_start3A_95] : memref<10240x128xf32, #tpu.memory_space<hbm>> -> memref<10240x128xf32, #tpu.memory_space<hbm>>
    tpu.enqueue_indirect_dma source(%dma_start3A_96 : memref<10240x128xf32, #tpu.memory_space<hbm>>) target(%dma_start3A_90 : memref<128x128xf32, #tpu.memory_space<vmem>>) offsets(%dma_start3A_93 : memref<128xi32, #tpu.memory_space<vmem>>) semaphore(%arg14 : memref<!tpu.dma_semaphore, #tpu.memory_space<semaphore_mem>>)
    %dma_wait3A_97 = arith.constant 0 : i32
    %dma_wait3A_98 = arith.constant 0 : i32
    %dma_wait3A_99 = arith.constant 0 : i32
    %dma_wait3A_100 = arith.constant 0 : i32
    %dma_wait3A_101 = tpu.memref_slice %arg8[%dma_wait3A_98, %dma_wait3A_99, %dma_wait3A_100] : memref<2x128x128xf32, #tpu.memory_space<vmem>> -> memref<1x128x128xf32, #tpu.memory_space<vmem>>
    %dma_wait3A_102 = tpu.memref_squeeze %dma_wait3A_101 : memref<1x128x128xf32, #tpu.memory_space<vmem>> -> memref<128x128xf32, #tpu.memory_space<vmem>>
    %dma_wait3A_103 = arith.constant 0 : i32
    %dma_wait3A_104 = tpu.memref_slice %arg6[%dma_wait3A_97, %dma_wait3A_103] : memref<2x128xi32, #tpu.memory_space<vmem>> -> memref<1x128xi32, #tpu.memory_space<vmem>>
    %dma_wait3A_105 = tpu.memref_squeeze %dma_wait3A_104 : memref<1x128xi32, #tpu.memory_space<vmem>> -> memref<128xi32, #tpu.memory_space<vmem>>
    %dma_wait3A_106 = arith.constant 0 : i32
    %dma_wait3A_107 = arith.constant 0 : i32
    %dma_wait3A_108 = tpu.memref_slice %arg2[%dma_wait3A_106, %dma_wait3A_107] : memref<10240x128xf32, #tpu.memory_space<hbm>> -> memref<10240x128xf32, #tpu.memory_space<hbm>>
    tpu.wait_indirect_dma semaphore(%arg14 : memref<!tpu.dma_semaphore, #tpu.memory_space<semaphore_mem>>) src(%dma_wait3A_108 : memref<10240x128xf32, #tpu.memory_space<hbm>>) dst(%dma_wait3A_102 : memref<128x128xf32, #tpu.memory_space<vmem>>)
    %dma_wait3A_109 = arith.constant 1 : i32
    %dma_wait3A_110 = arith.constant 1 : i32
    %dma_wait3A_111 = arith.constant 0 : i32
    %dma_wait3A_112 = tpu.memref_slice %arg6[%dma_wait3A_110, %dma_wait3A_111] : memref<2x128xi32, #tpu.memory_space<vmem>> -> memref<1x128xi32, #tpu.memory_space<vmem>>
    %dma_wait3A_113 = tpu.memref_squeeze %dma_wait3A_112 : memref<1x128xi32, #tpu.memory_space<vmem>> -> memref<128xi32, #tpu.memory_space<vmem>>
    %dma_wait3A_114 = arith.constant 0 : i32
    %dma_wait3A_115 = tpu.memref_slice %arg3[%add3A, %dma_wait3A_109, %dma_wait3A_114] : memref<32x80x128xi32, #tpu.memory_space<hbm>> -> memref<1x1x128xi32, #tpu.memory_space<hbm>>
    %dma_wait3A_116 = tpu.memref_squeeze %dma_wait3A_115 : memref<1x1x128xi32, #tpu.memory_space<hbm>> -> memref<128xi32, #tpu.memory_space<hbm>>
    %dma_wait3A_117 = arith.constant 0 : i32
    %dma_wait3A_118 = tpu.memref_slice %arg6[%dma_wait3A_110, %dma_wait3A_117] : memref<2x128xi32, #tpu.memory_space<vmem>> -> memref<1x128xi32, #tpu.memory_space<vmem>>
    %dma_wait3A_119 = tpu.memref_squeeze %dma_wait3A_118 : memref<1x128xi32, #tpu.memory_space<vmem>> -> memref<128xi32, #tpu.memory_space<vmem>>
    %dma_wait3A_120 = arith.constant 0 : i32
    %dma_wait3A_121 = tpu.memref_slice %arg3[%add3A, %dma_wait3A_109, %dma_wait3A_120] : memref<32x80x128xi32, #tpu.memory_space<hbm>> -> memref<1x1x128xi32, #tpu.memory_space<hbm>>
    %dma_wait3A_122 = tpu.memref_squeeze %dma_wait3A_121 : memref<1x1x128xi32, #tpu.memory_space<hbm>> -> memref<128xi32, #tpu.memory_space<hbm>>
    tpu.wait_dma2 semaphore(%arg11 : memref<!tpu.dma_semaphore, #tpu.memory_space<semaphore_mem>>) src(%dma_wait3A_122 : memref<128xi32, #tpu.memory_space<hbm>>) dst(%dma_wait3A_119 : memref<128xi32, #tpu.memory_space<vmem>>)
    %dma_wait3A_123 = arith.constant 0 : i32
    %dma_wait3A_124 = arith.constant 0 : i32
    %dma_wait3A_125 = arith.constant 0 : i32
    %dma_wait3A_126 = tpu.memref_slice %arg7[%dma_wait3A_124, %dma_wait3A_125] : memref<2x128xi32, #tpu.memory_space<vmem>> -> memref<1x128xi32, #tpu.memory_space<vmem>>
    %dma_wait3A_127 = tpu.memref_squeeze %dma_wait3A_126 : memref<1x128xi32, #tpu.memory_space<vmem>> -> memref<128xi32, #tpu.memory_space<vmem>>
    %dma_wait3A_128 = arith.constant 0 : i32
    %dma_wait3A_129 = tpu.memref_slice %arg4[%add3A, %dma_wait3A_123, %dma_wait3A_128] : memref<32x80x128xi32, #tpu.memory_space<hbm>> -> memref<1x1x128xi32, #tpu.memory_space<hbm>>
    %dma_wait3A_130 = tpu.memref_squeeze %dma_wait3A_129 : memref<1x1x128xi32, #tpu.memory_space<hbm>> -> memref<128xi32, #tpu.memory_space<hbm>>
    %dma_wait3A_131 = arith.constant 0 : i32
    %dma_wait3A_132 = tpu.memref_slice %arg7[%dma_wait3A_124, %dma_wait3A_131] : memref<2x128xi32, #tpu.memory_space<vmem>> -> memref<1x128xi32, #tpu.memory_space<vmem>>
    %dma_wait3A_133 = tpu.memref_squeeze %dma_wait3A_132 : memref<1x128xi32, #tpu.memory_space<vmem>> -> memref<128xi32, #tpu.memory_space<vmem>>
    %dma_wait3A_134 = arith.constant 0 : i32
    %dma_wait3A_135 = tpu.memref_slice %arg4[%add3A, %dma_wait3A_123, %dma_wait3A_134] : memref<32x80x128xi32, #tpu.memory_space<hbm>> -> memref<1x1x128xi32, #tpu.memory_space<hbm>>
    %dma_wait3A_136 = tpu.memref_squeeze %dma_wait3A_135 : memref<1x1x128xi32, #tpu.memory_space<hbm>> -> memref<128xi32, #tpu.memory_space<hbm>>
    tpu.wait_dma2 semaphore(%arg12 : memref<!tpu.dma_semaphore, #tpu.memory_space<semaphore_mem>>) src(%dma_wait3A_136 : memref<128xi32, #tpu.memory_space<hbm>>) dst(%dma_wait3A_133 : memref<128xi32, #tpu.memory_space<vmem>>)
    %dma_start3A_137 = arith.constant 0 : i32
    %dma_start3A_138 = arith.constant 0 : i32
    %dma_start3A_139 = arith.constant 0 : i32
    %dma_start3A_140 = arith.constant 0 : i32
    %dma_start3A_141 = tpu.memref_slice %arg8[%dma_start3A_137, %dma_start3A_139, %dma_start3A_140] : memref<2x128x128xf32, #tpu.memory_space<vmem>> -> memref<1x128x128xf32, #tpu.memory_space<vmem>>
    %dma_start3A_142 = tpu.memref_squeeze %dma_start3A_141 : memref<1x128x128xf32, #tpu.memory_space<vmem>> -> memref<128x128xf32, #tpu.memory_space<vmem>>
    %dma_start3A_143 = arith.constant 0 : i32
    %dma_start3A_144 = tpu.memref_slice %arg7[%dma_start3A_138, %dma_start3A_143] : memref<2x128xi32, #tpu.memory_space<vmem>> -> memref<1x128xi32, #tpu.memory_space<vmem>>
    %dma_start3A_145 = tpu.memref_squeeze %dma_start3A_144 : memref<1x128xi32, #tpu.memory_space<vmem>> -> memref<128xi32, #tpu.memory_space<vmem>>
    %dma_start3A_146 = arith.constant 0 : i32
    %dma_start3A_147 = arith.constant 0 : i32
    %dma_start3A_148 = tpu.memref_slice %arg9[%dma_start3A_146, %dma_start3A_147] : memref<10240x128xf32, #tpu.memory_space<vmem_shared>> -> memref<10240x128xf32, #tpu.memory_space<vmem_shared>>
    tpu.enqueue_indirect_dma source(%dma_start3A_142 : memref<128x128xf32, #tpu.memory_space<vmem>>) target(%dma_start3A_148 : memref<10240x128xf32, #tpu.memory_space<vmem_shared>>) offsets(%dma_start3A_145 : memref<128xi32, #tpu.memory_space<vmem>>) semaphore(%arg16 : memref<!tpu.dma_semaphore, #tpu.memory_space<semaphore_mem>>) {add = true}
    %dma_start3A_149 = arith.constant 1 : i32
    %dma_start3A_150 = arith.constant 1 : i32
    %dma_start3A_151 = arith.constant 0 : i32
    %dma_start3A_152 = arith.constant 0 : i32
    %dma_start3A_153 = tpu.memref_slice %arg8[%dma_start3A_150, %dma_start3A_151, %dma_start3A_152] : memref<2x128x128xf32, #tpu.memory_space<vmem>> -> memref<1x128x128xf32, #tpu.memory_space<vmem>>
    %dma_start3A_154 = tpu.memref_squeeze %dma_start3A_153 : memref<1x128x128xf32, #tpu.memory_space<vmem>> -> memref<128x128xf32, #tpu.memory_space<vmem>>
    %dma_start3A_155 = arith.constant 0 : i32
    %dma_start3A_156 = tpu.memref_slice %arg6[%dma_start3A_149, %dma_start3A_155] : memref<2x128xi32, #tpu.memory_space<vmem>> -> memref<1x128xi32, #tpu.memory_space<vmem>>
    %dma_start3A_157 = tpu.memref_squeeze %dma_start3A_156 : memref<1x128xi32, #tpu.memory_space<vmem>> -> memref<128xi32, #tpu.memory_space<vmem>>
    %dma_start3A_158 = arith.constant 0 : i32
    %dma_start3A_159 = arith.constant 0 : i32
    %dma_start3A_160 = tpu.memref_slice %arg2[%dma_start3A_158, %dma_start3A_159] : memref<10240x128xf32, #tpu.memory_space<hbm>> -> memref<10240x128xf32, #tpu.memory_space<hbm>>
    tpu.enqueue_indirect_dma source(%dma_start3A_160 : memref<10240x128xf32, #tpu.memory_space<hbm>>) target(%dma_start3A_154 : memref<128x128xf32, #tpu.memory_space<vmem>>) offsets(%dma_start3A_157 : memref<128xi32, #tpu.memory_space<vmem>>) semaphore(%arg15 : memref<!tpu.dma_semaphore, #tpu.memory_space<semaphore_mem>>)
    %dma_start3A_161 = arith.constant 1 : i32
    %dma_start3A_162 = arith.constant 1 : i32
    %dma_start3A_163 = arith.constant 0 : i32
    %dma_start3A_164 = tpu.memref_slice %arg7[%dma_start3A_162, %dma_start3A_163] : memref<2x128xi32, #tpu.memory_space<vmem>> -> memref<1x128xi32, #tpu.memory_space<vmem>>
    %dma_start3A_165 = tpu.memref_squeeze %dma_start3A_164 : memref<1x128xi32, #tpu.memory_space<vmem>> -> memref<128xi32, #tpu.memory_space<vmem>>
    %dma_start3A_166 = arith.constant 0 : i32
    %dma_start3A_167 = tpu.memref_slice %arg4[%add3A, %dma_start3A_161, %dma_start3A_166] : memref<32x80x128xi32, #tpu.memory_space<hbm>> -> memref<1x1x128xi32, #tpu.memory_space<hbm>>
    %dma_start3A_168 = tpu.memref_squeeze %dma_start3A_167 : memref<1x1x128xi32, #tpu.memory_space<hbm>> -> memref<128xi32, #tpu.memory_space<hbm>>
    %dma_start3A_169 = arith.constant 0 : i32
    %dma_start3A_170 = tpu.memref_slice %arg7[%dma_start3A_162, %dma_start3A_169] : memref<2x128xi32, #tpu.memory_space<vmem>> -> memref<1x128xi32, #tpu.memory_space<vmem>>
    %dma_start3A_171 = tpu.memref_squeeze %dma_start3A_170 : memref<1x128xi32, #tpu.memory_space<vmem>> -> memref<128xi32, #tpu.memory_space<vmem>>
    %dma_start3A_172 = arith.constant 0 : i32
    %dma_start3A_173 = tpu.memref_slice %arg4[%add3A, %dma_start3A_161, %dma_start3A_172] : memref<32x80x128xi32, #tpu.memory_space<hbm>> -> memref<1x1x128xi32, #tpu.memory_space<hbm>>
    %dma_start3A_174 = tpu.memref_squeeze %dma_start3A_173 : memref<1x1x128xi32, #tpu.memory_space<hbm>> -> memref<128xi32, #tpu.memory_space<hbm>>
    tpu.enqueue_dma source(%dma_start3A_174 : memref<128xi32, #tpu.memory_space<hbm>>) target(%dma_start3A_171 : memref<128xi32, #tpu.memory_space<vmem>>) target_semaphore(%arg13 : memref<!tpu.dma_semaphore, #tpu.memory_space<semaphore_mem>>)
    %dma_start3A_175 = arith.constant 2 : i32
    %dma_start3A_176 = arith.constant 0 : i32
    %dma_start3A_177 = arith.constant 0 : i32
    %dma_start3A_178 = tpu.memref_slice %arg6[%dma_start3A_176, %dma_start3A_177] : memref<2x128xi32, #tpu.memory_space<vmem>> -> memref<1x128xi32, #tpu.memory_space<vmem>>
    %dma_start3A_179 = tpu.memref_squeeze %dma_start3A_178 : memref<1x128xi32, #tpu.memory_space<vmem>> -> memref<128xi32, #tpu.memory_space<vmem>>
    %dma_start3A_180 = arith.constant 0 : i32
    %dma_start3A_181 = tpu.memref_slice %arg3[%add3A, %dma_start3A_175, %dma_start3A_180] : memref<32x80x128xi32, #tpu.memory_space<hbm>> -> memref<1x1x128xi32, #tpu.memory_space<hbm>>
    %dma_start3A_182 = tpu.memref_squeeze %dma_start3A_181 : memref<1x1x128xi32, #tpu.memory_space<hbm>> -> memref<128xi32, #tpu.memory_space<hbm>>
    %dma_start3A_183 = arith.constant 0 : i32
    %dma_start3A_184 = tpu.memref_slice %arg6[%dma_start3A_176, %dma_start3A_183] : memref<2x128xi32, #tpu.memory_space<vmem>> -> memref<1x128xi32, #tpu.memory_space<vmem>>
    %dma_start3A_185 = tpu.memref_squeeze %dma_start3A_184 : memref<1x128xi32, #tpu.memory_space<vmem>> -> memref<128xi32, #tpu.memory_space<vmem>>
    %dma_start3A_186 = arith.constant 0 : i32
    %dma_start3A_187 = tpu.memref_slice %arg3[%add3A, %dma_start3A_175, %dma_start3A_186] : memref<32x80x128xi32, #tpu.memory_space<hbm>> -> memref<1x1x128xi32, #tpu.memory_space<hbm>>
    %dma_start3A_188 = tpu.memref_squeeze %dma_start3A_187 : memref<1x1x128xi32, #tpu.memory_space<hbm>> -> memref<128xi32, #tpu.memory_space<hbm>>
    tpu.enqueue_dma source(%dma_start3A_188 : memref<128xi32, #tpu.memory_space<hbm>>) target(%dma_start3A_185 : memref<128xi32, #tpu.memory_space<vmem>>) target_semaphore(%arg10 : memref<!tpu.dma_semaphore, #tpu.memory_space<semaphore_mem>>)
    %scan3A_189 = arith.constant 0 : i32
    %scan3A_190 = arith.constant 0 : i32
    %scan3A_191 = arith.constant 38 : i32
    %scan3A_192 = arith.addi %scan3A_190, %scan3A_191 : i32
    %scan3A_193 = arith.constant 1 : i32
    %scan3A_194 = scf.for %scan3A_457 = %scan3A_190 to %scan3A_192 step %scan3A_193 iter_args(%scan3A_458 = %scan3A_189) -> (i32)  : i32 {
      %mul3A_459 = arith.constant 2 : i32
      %mul3A_460 = arith.muli %mul3A_459, %scan3A_457 : i32
      %add3A_461 = arith.constant 1 : i32
      %add3A_462 = arith.addi %mul3A_460, %add3A_461 : i32
      %dma_wait3A_463 = arith.constant 1 : i32
      %dma_wait3A_464 = arith.constant 1 : i32
      %dma_wait3A_465 = arith.constant 0 : i32
      %dma_wait3A_466 = arith.constant 0 : i32
      %dma_wait3A_467 = tpu.memref_slice %arg8[%dma_wait3A_464, %dma_wait3A_465, %dma_wait3A_466] : memref<2x128x128xf32, #tpu.memory_space<vmem>> -> memref<1x128x128xf32, #tpu.memory_space<vmem>>
      %dma_wait3A_468 = tpu.memref_squeeze %dma_wait3A_467 : memref<1x128x128xf32, #tpu.memory_space<vmem>> -> memref<128x128xf32, #tpu.memory_space<vmem>>
      %dma_wait3A_469 = arith.constant 0 : i32
      %dma_wait3A_470 = tpu.memref_slice %arg6[%dma_wait3A_463, %dma_wait3A_469] : memref<2x128xi32, #tpu.memory_space<vmem>> -> memref<1x128xi32, #tpu.memory_space<vmem>>
      %dma_wait3A_471 = tpu.memref_squeeze %dma_wait3A_470 : memref<1x128xi32, #tpu.memory_space<vmem>> -> memref<128xi32, #tpu.memory_space<vmem>>
      %dma_wait3A_472 = arith.constant 0 : i32
      %dma_wait3A_473 = arith.constant 0 : i32
      %dma_wait3A_474 = tpu.memref_slice %arg2[%dma_wait3A_472, %dma_wait3A_473] : memref<10240x128xf32, #tpu.memory_space<hbm>> -> memref<10240x128xf32, #tpu.memory_space<hbm>>
      tpu.wait_indirect_dma semaphore(%arg15 : memref<!tpu.dma_semaphore, #tpu.memory_space<semaphore_mem>>) src(%dma_wait3A_474 : memref<10240x128xf32, #tpu.memory_space<hbm>>) dst(%dma_wait3A_468 : memref<128x128xf32, #tpu.memory_space<vmem>>)
      %add3A_475 = arith.constant 1 : i32
      %add3A_476 = arith.addi %add3A_462, %add3A_475 : i32
      %dma_wait3A_477 = arith.constant 0 : i32
      %dma_wait3A_478 = arith.constant 0 : i32
      %dma_wait3A_479 = tpu.memref_slice %arg6[%dma_wait3A_477, %dma_wait3A_478] : memref<2x128xi32, #tpu.memory_space<vmem>> -> memref<1x128xi32, #tpu.memory_space<vmem>>
      %dma_wait3A_480 = tpu.memref_squeeze %dma_wait3A_479 : memref<1x128xi32, #tpu.memory_space<vmem>> -> memref<128xi32, #tpu.memory_space<vmem>>
      %dma_wait3A_481 = arith.constant 0 : i32
      %dma_wait3A_482 = tpu.memref_slice %arg3[%add3A, %add3A_476, %dma_wait3A_481] : memref<32x80x128xi32, #tpu.memory_space<hbm>> -> memref<1x1x128xi32, #tpu.memory_space<hbm>>
      %dma_wait3A_483 = tpu.memref_squeeze %dma_wait3A_482 : memref<1x1x128xi32, #tpu.memory_space<hbm>> -> memref<128xi32, #tpu.memory_space<hbm>>
      %dma_wait3A_484 = arith.constant 0 : i32
      %dma_wait3A_485 = tpu.memref_slice %arg6[%dma_wait3A_477, %dma_wait3A_484] : memref<2x128xi32, #tpu.memory_space<vmem>> -> memref<1x128xi32, #tpu.memory_space<vmem>>
      %dma_wait3A_486 = tpu.memref_squeeze %dma_wait3A_485 : memref<1x128xi32, #tpu.memory_space<vmem>> -> memref<128xi32, #tpu.memory_space<vmem>>
      %dma_wait3A_487 = arith.constant 0 : i32
      %dma_wait3A_488 = tpu.memref_slice %arg3[%add3A, %add3A_476, %dma_wait3A_487] : memref<32x80x128xi32, #tpu.memory_space<hbm>> -> memref<1x1x128xi32, #tpu.memory_space<hbm>>
      %dma_wait3A_489 = tpu.memref_squeeze %dma_wait3A_488 : memref<1x1x128xi32, #tpu.memory_space<hbm>> -> memref<128xi32, #tpu.memory_space<hbm>>
      tpu.wait_dma2 semaphore(%arg10 : memref<!tpu.dma_semaphore, #tpu.memory_space<semaphore_mem>>) src(%dma_wait3A_489 : memref<128xi32, #tpu.memory_space<hbm>>) dst(%dma_wait3A_486 : memref<128xi32, #tpu.memory_space<vmem>>)
      %dma_wait3A_490 = arith.constant 1 : i32
      %dma_wait3A_491 = arith.constant 0 : i32
      %dma_wait3A_492 = tpu.memref_slice %arg7[%dma_wait3A_490, %dma_wait3A_491] : memref<2x128xi32, #tpu.memory_space<vmem>> -> memref<1x128xi32, #tpu.memory_space<vmem>>
      %dma_wait3A_493 = tpu.memref_squeeze %dma_wait3A_492 : memref<1x128xi32, #tpu.memory_space<vmem>> -> memref<128xi32, #tpu.memory_space<vmem>>
      %dma_wait3A_494 = arith.constant 0 : i32
      %dma_wait3A_495 = tpu.memref_slice %arg4[%add3A, %add3A_462, %dma_wait3A_494] : memref<32x80x128xi32, #tpu.memory_space<hbm>> -> memref<1x1x128xi32, #tpu.memory_space<hbm>>
      %dma_wait3A_496 = tpu.memref_squeeze %dma_wait3A_495 : memref<1x1x128xi32, #tpu.memory_space<hbm>> -> memref<128xi32, #tpu.memory_space<hbm>>
      %dma_wait3A_497 = arith.constant 0 : i32
      %dma_wait3A_498 = tpu.memref_slice %arg7[%dma_wait3A_490, %dma_wait3A_497] : memref<2x128xi32, #tpu.memory_space<vmem>> -> memref<1x128xi32, #tpu.memory_space<vmem>>
      %dma_wait3A_499 = tpu.memref_squeeze %dma_wait3A_498 : memref<1x128xi32, #tpu.memory_space<vmem>> -> memref<128xi32, #tpu.memory_space<vmem>>
      %dma_wait3A_500 = arith.constant 0 : i32
      %dma_wait3A_501 = tpu.memref_slice %arg4[%add3A, %add3A_462, %dma_wait3A_500] : memref<32x80x128xi32, #tpu.memory_space<hbm>> -> memref<1x1x128xi32, #tpu.memory_space<hbm>>
      %dma_wait3A_502 = tpu.memref_squeeze %dma_wait3A_501 : memref<1x1x128xi32, #tpu.memory_space<hbm>> -> memref<128xi32, #tpu.memory_space<hbm>>
      tpu.wait_dma2 semaphore(%arg13 : memref<!tpu.dma_semaphore, #tpu.memory_space<semaphore_mem>>) src(%dma_wait3A_502 : memref<128xi32, #tpu.memory_space<hbm>>) dst(%dma_wait3A_499 : memref<128xi32, #tpu.memory_space<vmem>>)
      %dma_start3A_503 = arith.constant 1 : i32
      %dma_start3A_504 = arith.constant 1 : i32
      %dma_start3A_505 = arith.constant 0 : i32
      %dma_start3A_506 = arith.constant 0 : i32
      %dma_start3A_507 = tpu.memref_slice %arg8[%dma_start3A_503, %dma_start3A_505, %dma_start3A_506] : memref<2x128x128xf32, #tpu.memory_space<vmem>> -> memref<1x128x128xf32, #tpu.memory_space<vmem>>
      %dma_start3A_508 = tpu.memref_squeeze %dma_start3A_507 : memref<1x128x128xf32, #tpu.memory_space<vmem>> -> memref<128x128xf32, #tpu.memory_space<vmem>>
      %dma_start3A_509 = arith.constant 0 : i32
      %dma_start3A_510 = tpu.memref_slice %arg7[%dma_start3A_504, %dma_start3A_509] : memref<2x128xi32, #tpu.memory_space<vmem>> -> memref<1x128xi32, #tpu.memory_space<vmem>>
      %dma_start3A_511 = tpu.memref_squeeze %dma_start3A_510 : memref<1x128xi32, #tpu.memory_space<vmem>> -> memref<128xi32, #tpu.memory_space<vmem>>
      %dma_start3A_512 = arith.constant 0 : i32
      %dma_start3A_513 = arith.constant 0 : i32
      %dma_start3A_514 = tpu.memref_slice %arg9[%dma_start3A_512, %dma_start3A_513] : memref<10240x128xf32, #tpu.memory_space<vmem_shared>> -> memref<10240x128xf32, #tpu.memory_space<vmem_shared>>
      tpu.enqueue_indirect_dma source(%dma_start3A_508 : memref<128x128xf32, #tpu.memory_space<vmem>>) target(%dma_start3A_514 : memref<10240x128xf32, #tpu.memory_space<vmem_shared>>) offsets(%dma_start3A_511 : memref<128xi32, #tpu.memory_space<vmem>>) semaphore(%arg17 : memref<!tpu.dma_semaphore, #tpu.memory_space<semaphore_mem>>) {add = true}
      %dma_wait3A_515 = arith.constant 0 : i32
      %dma_wait3A_516 = arith.constant 0 : i32
      %dma_wait3A_517 = arith.constant 0 : i32
      %dma_wait3A_518 = arith.constant 0 : i32
      %dma_wait3A_519 = tpu.memref_slice %arg8[%dma_wait3A_515, %dma_wait3A_517, %dma_wait3A_518] : memref<2x128x128xf32, #tpu.memory_space<vmem>> -> memref<1x128x128xf32, #tpu.memory_space<vmem>>
      %dma_wait3A_520 = tpu.memref_squeeze %dma_wait3A_519 : memref<1x128x128xf32, #tpu.memory_space<vmem>> -> memref<128x128xf32, #tpu.memory_space<vmem>>
      %dma_wait3A_521 = arith.constant 0 : i32
      %dma_wait3A_522 = tpu.memref_slice %arg7[%dma_wait3A_516, %dma_wait3A_521] : memref<2x128xi32, #tpu.memory_space<vmem>> -> memref<1x128xi32, #tpu.memory_space<vmem>>
      %dma_wait3A_523 = tpu.memref_squeeze %dma_wait3A_522 : memref<1x128xi32, #tpu.memory_space<vmem>> -> memref<128xi32, #tpu.memory_space<vmem>>
      %dma_wait3A_524 = arith.constant 0 : i32
      %dma_wait3A_525 = arith.constant 0 : i32
      %dma_wait3A_526 = tpu.memref_slice %arg9[%dma_wait3A_524, %dma_wait3A_525] : memref<10240x128xf32, #tpu.memory_space<vmem_shared>> -> memref<10240x128xf32, #tpu.memory_space<vmem_shared>>
      tpu.wait_indirect_dma semaphore(%arg16 : memref<!tpu.dma_semaphore, #tpu.memory_space<semaphore_mem>>) src(%dma_wait3A_520 : memref<128x128xf32, #tpu.memory_space<vmem>>) dst(%dma_wait3A_526 : memref<10240x128xf32, #tpu.memory_space<vmem_shared>>)
      %dma_start3A_527 = arith.constant 0 : i32
      %dma_start3A_528 = arith.constant 0 : i32
      %dma_start3A_529 = arith.constant 0 : i32
      %dma_start3A_530 = arith.constant 0 : i32
      %dma_start3A_531 = tpu.memref_slice %arg8[%dma_start3A_528, %dma_start3A_529, %dma_start3A_530] : memref<2x128x128xf32, #tpu.memory_space<vmem>> -> memref<1x128x128xf32, #tpu.memory_space<vmem>>
      %dma_start3A_532 = tpu.memref_squeeze %dma_start3A_531 : memref<1x128x128xf32, #tpu.memory_space<vmem>> -> memref<128x128xf32, #tpu.memory_space<vmem>>
      %dma_start3A_533 = arith.constant 0 : i32
      %dma_start3A_534 = tpu.memref_slice %arg6[%dma_start3A_527, %dma_start3A_533] : memref<2x128xi32, #tpu.memory_space<vmem>> -> memref<1x128xi32, #tpu.memory_space<vmem>>
      %dma_start3A_535 = tpu.memref_squeeze %dma_start3A_534 : memref<1x128xi32, #tpu.memory_space<vmem>> -> memref<128xi32, #tpu.memory_space<vmem>>
      %dma_start3A_536 = arith.constant 0 : i32
      %dma_start3A_537 = arith.constant 0 : i32
      %dma_start3A_538 = tpu.memref_slice %arg2[%dma_start3A_536, %dma_start3A_537] : memref<10240x128xf32, #tpu.memory_space<hbm>> -> memref<10240x128xf32, #tpu.memory_space<hbm>>
      tpu.enqueue_indirect_dma source(%dma_start3A_538 : memref<10240x128xf32, #tpu.memory_space<hbm>>) target(%dma_start3A_532 : memref<128x128xf32, #tpu.memory_space<vmem>>) offsets(%dma_start3A_535 : memref<128xi32, #tpu.memory_space<vmem>>) semaphore(%arg14 : memref<!tpu.dma_semaphore, #tpu.memory_space<semaphore_mem>>)
      %add3A_539 = arith.constant 1 : i32
      %add3A_540 = arith.addi %add3A_462, %add3A_539 : i32
      %dma_start3A_541 = arith.constant 0 : i32
      %dma_start3A_542 = arith.constant 0 : i32
      %dma_start3A_543 = tpu.memref_slice %arg7[%dma_start3A_541, %dma_start3A_542] : memref<2x128xi32, #tpu.memory_space<vmem>> -> memref<1x128xi32, #tpu.memory_space<vmem>>
      %dma_start3A_544 = tpu.memref_squeeze %dma_start3A_543 : memref<1x128xi32, #tpu.memory_space<vmem>> -> memref<128xi32, #tpu.memory_space<vmem>>
      %dma_start3A_545 = arith.constant 0 : i32
      %dma_start3A_546 = tpu.memref_slice %arg4[%add3A, %add3A_540, %dma_start3A_545] : memref<32x80x128xi32, #tpu.memory_space<hbm>> -> memref<1x1x128xi32, #tpu.memory_space<hbm>>
      %dma_start3A_547 = tpu.memref_squeeze %dma_start3A_546 : memref<1x1x128xi32, #tpu.memory_space<hbm>> -> memref<128xi32, #tpu.memory_space<hbm>>
      %dma_start3A_548 = arith.constant 0 : i32
      %dma_start3A_549 = tpu.memref_slice %arg7[%dma_start3A_541, %dma_start3A_548] : memref<2x128xi32, #tpu.memory_space<vmem>> -> memref<1x128xi32, #tpu.memory_space<vmem>>
      %dma_start3A_550 = tpu.memref_squeeze %dma_start3A_549 : memref<1x128xi32, #tpu.memory_space<vmem>> -> memref<128xi32, #tpu.memory_space<vmem>>
      %dma_start3A_551 = arith.constant 0 : i32
      %dma_start3A_552 = tpu.memref_slice %arg4[%add3A, %add3A_540, %dma_start3A_551] : memref<32x80x128xi32, #tpu.memory_space<hbm>> -> memref<1x1x128xi32, #tpu.memory_space<hbm>>
      %dma_start3A_553 = tpu.memref_squeeze %dma_start3A_552 : memref<1x1x128xi32, #tpu.memory_space<hbm>> -> memref<128xi32, #tpu.memory_space<hbm>>
      tpu.enqueue_dma source(%dma_start3A_553 : memref<128xi32, #tpu.memory_space<hbm>>) target(%dma_start3A_550 : memref<128xi32, #tpu.memory_space<vmem>>) target_semaphore(%arg12 : memref<!tpu.dma_semaphore, #tpu.memory_space<semaphore_mem>>)
      %add3A_554 = arith.constant 2 : i32
      %add3A_555 = arith.addi %add3A_462, %add3A_554 : i32
      %dma_start3A_556 = arith.constant 1 : i32
      %dma_start3A_557 = arith.constant 0 : i32
      %dma_start3A_558 = tpu.memref_slice %arg6[%dma_start3A_556, %dma_start3A_557] : memref<2x128xi32, #tpu.memory_space<vmem>> -> memref<1x128xi32, #tpu.memory_space<vmem>>
      %dma_start3A_559 = tpu.memref_squeeze %dma_start3A_558 : memref<1x128xi32, #tpu.memory_space<vmem>> -> memref<128xi32, #tpu.memory_space<vmem>>
      %dma_start3A_560 = arith.constant 0 : i32
      %dma_start3A_561 = tpu.memref_slice %arg3[%add3A, %add3A_555, %dma_start3A_560] : memref<32x80x128xi32, #tpu.memory_space<hbm>> -> memref<1x1x128xi32, #tpu.memory_space<hbm>>
      %dma_start3A_562 = tpu.memref_squeeze %dma_start3A_561 : memref<1x1x128xi32, #tpu.memory_space<hbm>> -> memref<128xi32, #tpu.memory_space<hbm>>
      %dma_start3A_563 = arith.constant 0 : i32
      %dma_start3A_564 = tpu.memref_slice %arg6[%dma_start3A_556, %dma_start3A_563] : memref<2x128xi32, #tpu.memory_space<vmem>> -> memref<1x128xi32, #tpu.memory_space<vmem>>
      %dma_start3A_565 = tpu.memref_squeeze %dma_start3A_564 : memref<1x128xi32, #tpu.memory_space<vmem>> -> memref<128xi32, #tpu.memory_space<vmem>>
      %dma_start3A_566 = arith.constant 0 : i32
      %dma_start3A_567 = tpu.memref_slice %arg3[%add3A, %add3A_555, %dma_start3A_566] : memref<32x80x128xi32, #tpu.memory_space<hbm>> -> memref<1x1x128xi32, #tpu.memory_space<hbm>>
      %dma_start3A_568 = tpu.memref_squeeze %dma_start3A_567 : memref<1x1x128xi32, #tpu.memory_space<hbm>> -> memref<128xi32, #tpu.memory_space<hbm>>
      tpu.enqueue_dma source(%dma_start3A_568 : memref<128xi32, #tpu.memory_space<hbm>>) target(%dma_start3A_565 : memref<128xi32, #tpu.memory_space<vmem>>) target_semaphore(%arg11 : memref<!tpu.dma_semaphore, #tpu.memory_space<semaphore_mem>>)
      %mul3A_569 = arith.constant 2 : i32
      %mul3A_570 = arith.muli %mul3A_569, %scan3A_457 : i32
      %add3A_571 = arith.constant 2 : i32
      %add3A_572 = arith.addi %mul3A_570, %add3A_571 : i32
      %dma_wait3A_573 = arith.constant 0 : i32
      %dma_wait3A_574 = arith.constant 0 : i32
      %dma_wait3A_575 = arith.constant 0 : i32
      %dma_wait3A_576 = arith.constant 0 : i32
      %dma_wait3A_577 = tpu.memref_slice %arg8[%dma_wait3A_574, %dma_wait3A_575, %dma_wait3A_576] : memref<2x128x128xf32, #tpu.memory_space<vmem>> -> memref<1x128x128xf32, #tpu.memory_space<vmem>>
      %dma_wait3A_578 = tpu.memref_squeeze %dma_wait3A_577 : memref<1x128x128xf32, #tpu.memory_space<vmem>> -> memref<128x128xf32, #tpu.memory_space<vmem>>
      %dma_wait3A_579 = arith.constant 0 : i32
      %dma_wait3A_580 = tpu.memref_slice %arg6[%dma_wait3A_573, %dma_wait3A_579] : memref<2x128xi32, #tpu.memory_space<vmem>> -> memref<1x128xi32, #tpu.memory_space<vmem>>
      %dma_wait3A_581 = tpu.memref_squeeze %dma_wait3A_580 : memref<1x128xi32, #tpu.memory_space<vmem>> -> memref<128xi32, #tpu.memory_space<vmem>>
      %dma_wait3A_582 = arith.constant 0 : i32
      %dma_wait3A_583 = arith.constant 0 : i32
      %dma_wait3A_584 = tpu.memref_slice %arg2[%dma_wait3A_582, %dma_wait3A_583] : memref<10240x128xf32, #tpu.memory_space<hbm>> -> memref<10240x128xf32, #tpu.memory_space<hbm>>
      tpu.wait_indirect_dma semaphore(%arg14 : memref<!tpu.dma_semaphore, #tpu.memory_space<semaphore_mem>>) src(%dma_wait3A_584 : memref<10240x128xf32, #tpu.memory_space<hbm>>) dst(%dma_wait3A_578 : memref<128x128xf32, #tpu.memory_space<vmem>>)
      %add3A_585 = arith.constant 1 : i32
      %add3A_586 = arith.addi %add3A_572, %add3A_585 : i32
      %dma_wait3A_587 = arith.constant 1 : i32
      %dma_wait3A_588 = arith.constant 0 : i32
      %dma_wait3A_589 = tpu.memref_slice %arg6[%dma_wait3A_587, %dma_wait3A_588] : memref<2x128xi32, #tpu.memory_space<vmem>> -> memref<1x128xi32, #tpu.memory_space<vmem>>
      %dma_wait3A_590 = tpu.memref_squeeze %dma_wait3A_589 : memref<1x128xi32, #tpu.memory_space<vmem>> -> memref<128xi32, #tpu.memory_space<vmem>>
      %dma_wait3A_591 = arith.constant 0 : i32
      %dma_wait3A_592 = tpu.memref_slice %arg3[%add3A, %add3A_586, %dma_wait3A_591] : memref<32x80x128xi32, #tpu.memory_space<hbm>> -> memref<1x1x128xi32, #tpu.memory_space<hbm>>
      %dma_wait3A_593 = tpu.memref_squeeze %dma_wait3A_592 : memref<1x1x128xi32, #tpu.memory_space<hbm>> -> memref<128xi32, #tpu.memory_space<hbm>>
      %dma_wait3A_594 = arith.constant 0 : i32
      %dma_wait3A_595 = tpu.memref_slice %arg6[%dma_wait3A_587, %dma_wait3A_594] : memref<2x128xi32, #tpu.memory_space<vmem>> -> memref<1x128xi32, #tpu.memory_space<vmem>>
      %dma_wait3A_596 = tpu.memref_squeeze %dma_wait3A_595 : memref<1x128xi32, #tpu.memory_space<vmem>> -> memref<128xi32, #tpu.memory_space<vmem>>
      %dma_wait3A_597 = arith.constant 0 : i32
      %dma_wait3A_598 = tpu.memref_slice %arg3[%add3A, %add3A_586, %dma_wait3A_597] : memref<32x80x128xi32, #tpu.memory_space<hbm>> -> memref<1x1x128xi32, #tpu.memory_space<hbm>>
      %dma_wait3A_599 = tpu.memref_squeeze %dma_wait3A_598 : memref<1x1x128xi32, #tpu.memory_space<hbm>> -> memref<128xi32, #tpu.memory_space<hbm>>
      tpu.wait_dma2 semaphore(%arg11 : memref<!tpu.dma_semaphore, #tpu.memory_space<semaphore_mem>>) src(%dma_wait3A_599 : memref<128xi32, #tpu.memory_space<hbm>>) dst(%dma_wait3A_596 : memref<128xi32, #tpu.memory_space<vmem>>)
      %dma_wait3A_600 = arith.constant 0 : i32
      %dma_wait3A_601 = arith.constant 0 : i32
      %dma_wait3A_602 = tpu.memref_slice %arg7[%dma_wait3A_600, %dma_wait3A_601] : memref<2x128xi32, #tpu.memory_space<vmem>> -> memref<1x128xi32, #tpu.memory_space<vmem>>
      %dma_wait3A_603 = tpu.memref_squeeze %dma_wait3A_602 : memref<1x128xi32, #tpu.memory_space<vmem>> -> memref<128xi32, #tpu.memory_space<vmem>>
      %dma_wait3A_604 = arith.constant 0 : i32
      %dma_wait3A_605 = tpu.memref_slice %arg4[%add3A, %add3A_572, %dma_wait3A_604] : memref<32x80x128xi32, #tpu.memory_space<hbm>> -> memref<1x1x128xi32, #tpu.memory_space<hbm>>
      %dma_wait3A_606 = tpu.memref_squeeze %dma_wait3A_605 : memref<1x1x128xi32, #tpu.memory_space<hbm>> -> memref<128xi32, #tpu.memory_space<hbm>>
      %dma_wait3A_607 = arith.constant 0 : i32
      %dma_wait3A_608 = tpu.memref_slice %arg7[%dma_wait3A_600, %dma_wait3A_607] : memref<2x128xi32, #tpu.memory_space<vmem>> -> memref<1x128xi32, #tpu.memory_space<vmem>>
      %dma_wait3A_609 = tpu.memref_squeeze %dma_wait3A_608 : memref<1x128xi32, #tpu.memory_space<vmem>> -> memref<128xi32, #tpu.memory_space<vmem>>
      %dma_wait3A_610 = arith.constant 0 : i32
      %dma_wait3A_611 = tpu.memref_slice %arg4[%add3A, %add3A_572, %dma_wait3A_610] : memref<32x80x128xi32, #tpu.memory_space<hbm>> -> memref<1x1x128xi32, #tpu.memory_space<hbm>>
      %dma_wait3A_612 = tpu.memref_squeeze %dma_wait3A_611 : memref<1x1x128xi32, #tpu.memory_space<hbm>> -> memref<128xi32, #tpu.memory_space<hbm>>
      tpu.wait_dma2 semaphore(%arg12 : memref<!tpu.dma_semaphore, #tpu.memory_space<semaphore_mem>>) src(%dma_wait3A_612 : memref<128xi32, #tpu.memory_space<hbm>>) dst(%dma_wait3A_609 : memref<128xi32, #tpu.memory_space<vmem>>)
      %dma_start3A_613 = arith.constant 0 : i32
      %dma_start3A_614 = arith.constant 0 : i32
      %dma_start3A_615 = arith.constant 0 : i32
      %dma_start3A_616 = arith.constant 0 : i32
      %dma_start3A_617 = tpu.memref_slice %arg8[%dma_start3A_613, %dma_start3A_615, %dma_start3A_616] : memref<2x128x128xf32, #tpu.memory_space<vmem>> -> memref<1x128x128xf32, #tpu.memory_space<vmem>>
      %dma_start3A_618 = tpu.memref_squeeze %dma_start3A_617 : memref<1x128x128xf32, #tpu.memory_space<vmem>> -> memref<128x128xf32, #tpu.memory_space<vmem>>
      %dma_start3A_619 = arith.constant 0 : i32
      %dma_start3A_620 = tpu.memref_slice %arg7[%dma_start3A_614, %dma_start3A_619] : memref<2x128xi32, #tpu.memory_space<vmem>> -> memref<1x128xi32, #tpu.memory_space<vmem>>
      %dma_start3A_621 = tpu.memref_squeeze %dma_start3A_620 : memref<1x128xi32, #tpu.memory_space<vmem>> -> memref<128xi32, #tpu.memory_space<vmem>>
      %dma_start3A_622 = arith.constant 0 : i32
      %dma_start3A_623 = arith.constant 0 : i32
      %dma_start3A_624 = tpu.memref_slice %arg9[%dma_start3A_622, %dma_start3A_623] : memref<10240x128xf32, #tpu.memory_space<vmem_shared>> -> memref<10240x128xf32, #tpu.memory_space<vmem_shared>>
      tpu.enqueue_indirect_dma source(%dma_start3A_618 : memref<128x128xf32, #tpu.memory_space<vmem>>) target(%dma_start3A_624 : memref<10240x128xf32, #tpu.memory_space<vmem_shared>>) offsets(%dma_start3A_621 : memref<128xi32, #tpu.memory_space<vmem>>) semaphore(%arg16 : memref<!tpu.dma_semaphore, #tpu.memory_space<semaphore_mem>>) {add = true}
      %dma_wait3A_625 = arith.constant 1 : i32
      %dma_wait3A_626 = arith.constant 1 : i32
      %dma_wait3A_627 = arith.constant 0 : i32
      %dma_wait3A_628 = arith.constant 0 : i32
      %dma_wait3A_629 = tpu.memref_slice %arg8[%dma_wait3A_625, %dma_wait3A_627, %dma_wait3A_628] : memref<2x128x128xf32, #tpu.memory_space<vmem>> -> memref<1x128x128xf32, #tpu.memory_space<vmem>>
      %dma_wait3A_630 = tpu.memref_squeeze %dma_wait3A_629 : memref<1x128x128xf32, #tpu.memory_space<vmem>> -> memref<128x128xf32, #tpu.memory_space<vmem>>
      %dma_wait3A_631 = arith.constant 0 : i32
      %dma_wait3A_632 = tpu.memref_slice %arg7[%dma_wait3A_626, %dma_wait3A_631] : memref<2x128xi32, #tpu.memory_space<vmem>> -> memref<1x128xi32, #tpu.memory_space<vmem>>
      %dma_wait3A_633 = tpu.memref_squeeze %dma_wait3A_632 : memref<1x128xi32, #tpu.memory_space<vmem>> -> memref<128xi32, #tpu.memory_space<vmem>>
      %dma_wait3A_634 = arith.constant 0 : i32
      %dma_wait3A_635 = arith.constant 0 : i32
      %dma_wait3A_636 = tpu.memref_slice %arg9[%dma_wait3A_634, %dma_wait3A_635] : memref<10240x128xf32, #tpu.memory_space<vmem_shared>> -> memref<10240x128xf32, #tpu.memory_space<vmem_shared>>
      tpu.wait_indirect_dma semaphore(%arg17 : memref<!tpu.dma_semaphore, #tpu.memory_space<semaphore_mem>>) src(%dma_wait3A_630 : memref<128x128xf32, #tpu.memory_space<vmem>>) dst(%dma_wait3A_636 : memref<10240x128xf32, #tpu.memory_space<vmem_shared>>)
      %dma_start3A_637 = arith.constant 1 : i32
      %dma_start3A_638 = arith.constant 1 : i32
      %dma_start3A_639 = arith.constant 0 : i32
      %dma_start3A_640 = arith.constant 0 : i32
      %dma_start3A_641 = tpu.memref_slice %arg8[%dma_start3A_638, %dma_start3A_639, %dma_start3A_640] : memref<2x128x128xf32, #tpu.memory_space<vmem>> -> memref<1x128x128xf32, #tpu.memory_space<vmem>>
      %dma_start3A_642 = tpu.memref_squeeze %dma_start3A_641 : memref<1x128x128xf32, #tpu.memory_space<vmem>> -> memref<128x128xf32, #tpu.memory_space<vmem>>
      %dma_start3A_643 = arith.constant 0 : i32
      %dma_start3A_644 = tpu.memref_slice %arg6[%dma_start3A_637, %dma_start3A_643] : memref<2x128xi32, #tpu.memory_space<vmem>> -> memref<1x128xi32, #tpu.memory_space<vmem>>
      %dma_start3A_645 = tpu.memref_squeeze %dma_start3A_644 : memref<1x128xi32, #tpu.memory_space<vmem>> -> memref<128xi32, #tpu.memory_space<vmem>>
      %dma_start3A_646 = arith.constant 0 : i32
      %dma_start3A_647 = arith.constant 0 : i32
      %dma_start3A_648 = tpu.memref_slice %arg2[%dma_start3A_646, %dma_start3A_647] : memref<10240x128xf32, #tpu.memory_space<hbm>> -> memref<10240x128xf32, #tpu.memory_space<hbm>>
      tpu.enqueue_indirect_dma source(%dma_start3A_648 : memref<10240x128xf32, #tpu.memory_space<hbm>>) target(%dma_start3A_642 : memref<128x128xf32, #tpu.memory_space<vmem>>) offsets(%dma_start3A_645 : memref<128xi32, #tpu.memory_space<vmem>>) semaphore(%arg15 : memref<!tpu.dma_semaphore, #tpu.memory_space<semaphore_mem>>)
      %add3A_649 = arith.constant 1 : i32
      %add3A_650 = arith.addi %add3A_572, %add3A_649 : i32
      %dma_start3A_651 = arith.constant 1 : i32
      %dma_start3A_652 = arith.constant 0 : i32
      %dma_start3A_653 = tpu.memref_slice %arg7[%dma_start3A_651, %dma_start3A_652] : memref<2x128xi32, #tpu.memory_space<vmem>> -> memref<1x128xi32, #tpu.memory_space<vmem>>
      %dma_start3A_654 = tpu.memref_squeeze %dma_start3A_653 : memref<1x128xi32, #tpu.memory_space<vmem>> -> memref<128xi32, #tpu.memory_space<vmem>>
      %dma_start3A_655 = arith.constant 0 : i32
      %dma_start3A_656 = tpu.memref_slice %arg4[%add3A, %add3A_650, %dma_start3A_655] : memref<32x80x128xi32, #tpu.memory_space<hbm>> -> memref<1x1x128xi32, #tpu.memory_space<hbm>>
      %dma_start3A_657 = tpu.memref_squeeze %dma_start3A_656 : memref<1x1x128xi32, #tpu.memory_space<hbm>> -> memref<128xi32, #tpu.memory_space<hbm>>
      %dma_start3A_658 = arith.constant 0 : i32
      %dma_start3A_659 = tpu.memref_slice %arg7[%dma_start3A_651, %dma_start3A_658] : memref<2x128xi32, #tpu.memory_space<vmem>> -> memref<1x128xi32, #tpu.memory_space<vmem>>
      %dma_start3A_660 = tpu.memref_squeeze %dma_start3A_659 : memref<1x128xi32, #tpu.memory_space<vmem>> -> memref<128xi32, #tpu.memory_space<vmem>>
      %dma_start3A_661 = arith.constant 0 : i32
      %dma_start3A_662 = tpu.memref_slice %arg4[%add3A, %add3A_650, %dma_start3A_661] : memref<32x80x128xi32, #tpu.memory_space<hbm>> -> memref<1x1x128xi32, #tpu.memory_space<hbm>>
      %dma_start3A_663 = tpu.memref_squeeze %dma_start3A_662 : memref<1x1x128xi32, #tpu.memory_space<hbm>> -> memref<128xi32, #tpu.memory_space<hbm>>
      tpu.enqueue_dma source(%dma_start3A_663 : memref<128xi32, #tpu.memory_space<hbm>>) target(%dma_start3A_660 : memref<128xi32, #tpu.memory_space<vmem>>) target_semaphore(%arg13 : memref<!tpu.dma_semaphore, #tpu.memory_space<semaphore_mem>>)
      %add3A_664 = arith.constant 2 : i32
      %add3A_665 = arith.addi %add3A_572, %add3A_664 : i32
      %dma_start3A_666 = arith.constant 0 : i32
      %dma_start3A_667 = arith.constant 0 : i32
      %dma_start3A_668 = tpu.memref_slice %arg6[%dma_start3A_666, %dma_start3A_667] : memref<2x128xi32, #tpu.memory_space<vmem>> -> memref<1x128xi32, #tpu.memory_space<vmem>>
      %dma_start3A_669 = tpu.memref_squeeze %dma_start3A_668 : memref<1x128xi32, #tpu.memory_space<vmem>> -> memref<128xi32, #tpu.memory_space<vmem>>
      %dma_start3A_670 = arith.constant 0 : i32
      %dma_start3A_671 = tpu.memref_slice %arg3[%add3A, %add3A_665, %dma_start3A_670] : memref<32x80x128xi32, #tpu.memory_space<hbm>> -> memref<1x1x128xi32, #tpu.memory_space<hbm>>
      %dma_start3A_672 = tpu.memref_squeeze %dma_start3A_671 : memref<1x1x128xi32, #tpu.memory_space<hbm>> -> memref<128xi32, #tpu.memory_space<hbm>>
      %dma_start3A_673 = arith.constant 0 : i32
      %dma_start3A_674 = tpu.memref_slice %arg6[%dma_start3A_666, %dma_start3A_673] : memref<2x128xi32, #tpu.memory_space<vmem>> -> memref<1x128xi32, #tpu.memory_space<vmem>>
      %dma_start3A_675 = tpu.memref_squeeze %dma_start3A_674 : memref<1x128xi32, #tpu.memory_space<vmem>> -> memref<128xi32, #tpu.memory_space<vmem>>
      %dma_start3A_676 = arith.constant 0 : i32
      %dma_start3A_677 = tpu.memref_slice %arg3[%add3A, %add3A_665, %dma_start3A_676] : memref<32x80x128xi32, #tpu.memory_space<hbm>> -> memref<1x1x128xi32, #tpu.memory_space<hbm>>
      %dma_start3A_678 = tpu.memref_squeeze %dma_start3A_677 : memref<1x1x128xi32, #tpu.memory_space<hbm>> -> memref<128xi32, #tpu.memory_space<hbm>>
      tpu.enqueue_dma source(%dma_start3A_678 : memref<128xi32, #tpu.memory_space<hbm>>) target(%dma_start3A_675 : memref<128xi32, #tpu.memory_space<vmem>>) target_semaphore(%arg10 : memref<!tpu.dma_semaphore, #tpu.memory_space<semaphore_mem>>)
      %scan3A_679 = arith.constant 0 : i32
      scf.yield %scan3A_679 : i32
    }
    %scan3A_195 = arith.constant 38 : i32
    %dma_wait3A_196 = arith.constant 1 : i32
    %dma_wait3A_197 = arith.constant 1 : i32
    %dma_wait3A_198 = arith.constant 0 : i32
    %dma_wait3A_199 = arith.constant 0 : i32
    %dma_wait3A_200 = tpu.memref_slice %arg8[%dma_wait3A_197, %dma_wait3A_198, %dma_wait3A_199] : memref<2x128x128xf32, #tpu.memory_space<vmem>> -> memref<1x128x128xf32, #tpu.memory_space<vmem>>
    %dma_wait3A_201 = tpu.memref_squeeze %dma_wait3A_200 : memref<1x128x128xf32, #tpu.memory_space<vmem>> -> memref<128x128xf32, #tpu.memory_space<vmem>>
    %dma_wait3A_202 = arith.constant 0 : i32
    %dma_wait3A_203 = tpu.memref_slice %arg6[%dma_wait3A_196, %dma_wait3A_202] : memref<2x128xi32, #tpu.memory_space<vmem>> -> memref<1x128xi32, #tpu.memory_space<vmem>>
    %dma_wait3A_204 = tpu.memref_squeeze %dma_wait3A_203 : memref<1x128xi32, #tpu.memory_space<vmem>> -> memref<128xi32, #tpu.memory_space<vmem>>
    %dma_wait3A_205 = arith.constant 0 : i32
    %dma_wait3A_206 = arith.constant 0 : i32
    %dma_wait3A_207 = tpu.memref_slice %arg2[%dma_wait3A_205, %dma_wait3A_206] : memref<10240x128xf32, #tpu.memory_space<hbm>> -> memref<10240x128xf32, #tpu.memory_space<hbm>>
    tpu.wait_indirect_dma semaphore(%arg15 : memref<!tpu.dma_semaphore, #tpu.memory_space<semaphore_mem>>) src(%dma_wait3A_207 : memref<10240x128xf32, #tpu.memory_space<hbm>>) dst(%dma_wait3A_201 : memref<128x128xf32, #tpu.memory_space<vmem>>)
    %dma_wait3A_208 = arith.constant 78 : i32
    %dma_wait3A_209 = arith.constant 0 : i32
    %dma_wait3A_210 = arith.constant 0 : i32
    %dma_wait3A_211 = tpu.memref_slice %arg6[%dma_wait3A_209, %dma_wait3A_210] : memref<2x128xi32, #tpu.memory_space<vmem>> -> memref<1x128xi32, #tpu.memory_space<vmem>>
    %dma_wait3A_212 = tpu.memref_squeeze %dma_wait3A_211 : memref<1x128xi32, #tpu.memory_space<vmem>> -> memref<128xi32, #tpu.memory_space<vmem>>
    %dma_wait3A_213 = arith.constant 0 : i32
    %dma_wait3A_214 = tpu.memref_slice %arg3[%add3A, %dma_wait3A_208, %dma_wait3A_213] : memref<32x80x128xi32, #tpu.memory_space<hbm>> -> memref<1x1x128xi32, #tpu.memory_space<hbm>>
    %dma_wait3A_215 = tpu.memref_squeeze %dma_wait3A_214 : memref<1x1x128xi32, #tpu.memory_space<hbm>> -> memref<128xi32, #tpu.memory_space<hbm>>
    %dma_wait3A_216 = arith.constant 0 : i32
    %dma_wait3A_217 = tpu.memref_slice %arg6[%dma_wait3A_209, %dma_wait3A_216] : memref<2x128xi32, #tpu.memory_space<vmem>> -> memref<1x128xi32, #tpu.memory_space<vmem>>
    %dma_wait3A_218 = tpu.memref_squeeze %dma_wait3A_217 : memref<1x128xi32, #tpu.memory_space<vmem>> -> memref<128xi32, #tpu.memory_space<vmem>>
    %dma_wait3A_219 = arith.constant 0 : i32
    %dma_wait3A_220 = tpu.memref_slice %arg3[%add3A, %dma_wait3A_208, %dma_wait3A_219] : memref<32x80x128xi32, #tpu.memory_space<hbm>> -> memref<1x1x128xi32, #tpu.memory_space<hbm>>
    %dma_wait3A_221 = tpu.memref_squeeze %dma_wait3A_220 : memref<1x1x128xi32, #tpu.memory_space<hbm>> -> memref<128xi32, #tpu.memory_space<hbm>>
    tpu.wait_dma2 semaphore(%arg10 : memref<!tpu.dma_semaphore, #tpu.memory_space<semaphore_mem>>) src(%dma_wait3A_221 : memref<128xi32, #tpu.memory_space<hbm>>) dst(%dma_wait3A_218 : memref<128xi32, #tpu.memory_space<vmem>>)
    %dma_wait3A_222 = arith.constant 77 : i32
    %dma_wait3A_223 = arith.constant 1 : i32
    %dma_wait3A_224 = arith.constant 0 : i32
    %dma_wait3A_225 = tpu.memref_slice %arg7[%dma_wait3A_223, %dma_wait3A_224] : memref<2x128xi32, #tpu.memory_space<vmem>> -> memref<1x128xi32, #tpu.memory_space<vmem>>
    %dma_wait3A_226 = tpu.memref_squeeze %dma_wait3A_225 : memref<1x128xi32, #tpu.memory_space<vmem>> -> memref<128xi32, #tpu.memory_space<vmem>>
    %dma_wait3A_227 = arith.constant 0 : i32
    %dma_wait3A_228 = tpu.memref_slice %arg4[%add3A, %dma_wait3A_222, %dma_wait3A_227] : memref<32x80x128xi32, #tpu.memory_space<hbm>> -> memref<1x1x128xi32, #tpu.memory_space<hbm>>
    %dma_wait3A_229 = tpu.memref_squeeze %dma_wait3A_228 : memref<1x1x128xi32, #tpu.memory_space<hbm>> -> memref<128xi32, #tpu.memory_space<hbm>>
    %dma_wait3A_230 = arith.constant 0 : i32
    %dma_wait3A_231 = tpu.memref_slice %arg7[%dma_wait3A_223, %dma_wait3A_230] : memref<2x128xi32, #tpu.memory_space<vmem>> -> memref<1x128xi32, #tpu.memory_space<vmem>>
    %dma_wait3A_232 = tpu.memref_squeeze %dma_wait3A_231 : memref<1x128xi32, #tpu.memory_space<vmem>> -> memref<128xi32, #tpu.memory_space<vmem>>
    %dma_wait3A_233 = arith.constant 0 : i32
    %dma_wait3A_234 = tpu.memref_slice %arg4[%add3A, %dma_wait3A_222, %dma_wait3A_233] : memref<32x80x128xi32, #tpu.memory_space<hbm>> -> memref<1x1x128xi32, #tpu.memory_space<hbm>>
    %dma_wait3A_235 = tpu.memref_squeeze %dma_wait3A_234 : memref<1x1x128xi32, #tpu.memory_space<hbm>> -> memref<128xi32, #tpu.memory_space<hbm>>
    tpu.wait_dma2 semaphore(%arg13 : memref<!tpu.dma_semaphore, #tpu.memory_space<semaphore_mem>>) src(%dma_wait3A_235 : memref<128xi32, #tpu.memory_space<hbm>>) dst(%dma_wait3A_232 : memref<128xi32, #tpu.memory_space<vmem>>)
    %dma_start3A_236 = arith.constant 1 : i32
    %dma_start3A_237 = arith.constant 1 : i32
    %dma_start3A_238 = arith.constant 0 : i32
    %dma_start3A_239 = arith.constant 0 : i32
    %dma_start3A_240 = tpu.memref_slice %arg8[%dma_start3A_236, %dma_start3A_238, %dma_start3A_239] : memref<2x128x128xf32, #tpu.memory_space<vmem>> -> memref<1x128x128xf32, #tpu.memory_space<vmem>>
    %dma_start3A_241 = tpu.memref_squeeze %dma_start3A_240 : memref<1x128x128xf32, #tpu.memory_space<vmem>> -> memref<128x128xf32, #tpu.memory_space<vmem>>
    %dma_start3A_242 = arith.constant 0 : i32
    %dma_start3A_243 = tpu.memref_slice %arg7[%dma_start3A_237, %dma_start3A_242] : memref<2x128xi32, #tpu.memory_space<vmem>> -> memref<1x128xi32, #tpu.memory_space<vmem>>
    %dma_start3A_244 = tpu.memref_squeeze %dma_start3A_243 : memref<1x128xi32, #tpu.memory_space<vmem>> -> memref<128xi32, #tpu.memory_space<vmem>>
    %dma_start3A_245 = arith.constant 0 : i32
    %dma_start3A_246 = arith.constant 0 : i32
    %dma_start3A_247 = tpu.memref_slice %arg9[%dma_start3A_245, %dma_start3A_246] : memref<10240x128xf32, #tpu.memory_space<vmem_shared>> -> memref<10240x128xf32, #tpu.memory_space<vmem_shared>>
    tpu.enqueue_indirect_dma source(%dma_start3A_241 : memref<128x128xf32, #tpu.memory_space<vmem>>) target(%dma_start3A_247 : memref<10240x128xf32, #tpu.memory_space<vmem_shared>>) offsets(%dma_start3A_244 : memref<128xi32, #tpu.memory_space<vmem>>) semaphore(%arg17 : memref<!tpu.dma_semaphore, #tpu.memory_space<semaphore_mem>>) {add = true}
    %dma_wait3A_248 = arith.constant 0 : i32
    %dma_wait3A_249 = arith.constant 0 : i32
    %dma_wait3A_250 = arith.constant 0 : i32
    %dma_wait3A_251 = arith.constant 0 : i32
    %dma_wait3A_252 = tpu.memref_slice %arg8[%dma_wait3A_248, %dma_wait3A_250, %dma_wait3A_251] : memref<2x128x128xf32, #tpu.memory_space<vmem>> -> memref<1x128x128xf32, #tpu.memory_space<vmem>>
    %dma_wait3A_253 = tpu.memref_squeeze %dma_wait3A_252 : memref<1x128x128xf32, #tpu.memory_space<vmem>> -> memref<128x128xf32, #tpu.memory_space<vmem>>
    %dma_wait3A_254 = arith.constant 0 : i32
    %dma_wait3A_255 = tpu.memref_slice %arg7[%dma_wait3A_249, %dma_wait3A_254] : memref<2x128xi32, #tpu.memory_space<vmem>> -> memref<1x128xi32, #tpu.memory_space<vmem>>
    %dma_wait3A_256 = tpu.memref_squeeze %dma_wait3A_255 : memref<1x128xi32, #tpu.memory_space<vmem>> -> memref<128xi32, #tpu.memory_space<vmem>>
    %dma_wait3A_257 = arith.constant 0 : i32
    %dma_wait3A_258 = arith.constant 0 : i32
    %dma_wait3A_259 = tpu.memref_slice %arg9[%dma_wait3A_257, %dma_wait3A_258] : memref<10240x128xf32, #tpu.memory_space<vmem_shared>> -> memref<10240x128xf32, #tpu.memory_space<vmem_shared>>
    tpu.wait_indirect_dma semaphore(%arg16 : memref<!tpu.dma_semaphore, #tpu.memory_space<semaphore_mem>>) src(%dma_wait3A_253 : memref<128x128xf32, #tpu.memory_space<vmem>>) dst(%dma_wait3A_259 : memref<10240x128xf32, #tpu.memory_space<vmem_shared>>)
    %dma_start3A_260 = arith.constant 0 : i32
    %dma_start3A_261 = arith.constant 0 : i32
    %dma_start3A_262 = arith.constant 0 : i32
    %dma_start3A_263 = arith.constant 0 : i32
    %dma_start3A_264 = tpu.memref_slice %arg8[%dma_start3A_261, %dma_start3A_262, %dma_start3A_263] : memref<2x128x128xf32, #tpu.memory_space<vmem>> -> memref<1x128x128xf32, #tpu.memory_space<vmem>>
    %dma_start3A_265 = tpu.memref_squeeze %dma_start3A_264 : memref<1x128x128xf32, #tpu.memory_space<vmem>> -> memref<128x128xf32, #tpu.memory_space<vmem>>
    %dma_start3A_266 = arith.constant 0 : i32
    %dma_start3A_267 = tpu.memref_slice %arg6[%dma_start3A_260, %dma_start3A_266] : memref<2x128xi32, #tpu.memory_space<vmem>> -> memref<1x128xi32, #tpu.memory_space<vmem>>
    %dma_start3A_268 = tpu.memref_squeeze %dma_start3A_267 : memref<1x128xi32, #tpu.memory_space<vmem>> -> memref<128xi32, #tpu.memory_space<vmem>>
    %dma_start3A_269 = arith.constant 0 : i32
    %dma_start3A_270 = arith.constant 0 : i32
    %dma_start3A_271 = tpu.memref_slice %arg2[%dma_start3A_269, %dma_start3A_270] : memref<10240x128xf32, #tpu.memory_space<hbm>> -> memref<10240x128xf32, #tpu.memory_space<hbm>>
    tpu.enqueue_indirect_dma source(%dma_start3A_271 : memref<10240x128xf32, #tpu.memory_space<hbm>>) target(%dma_start3A_265 : memref<128x128xf32, #tpu.memory_space<vmem>>) offsets(%dma_start3A_268 : memref<128xi32, #tpu.memory_space<vmem>>) semaphore(%arg14 : memref<!tpu.dma_semaphore, #tpu.memory_space<semaphore_mem>>)
    %dma_start3A_272 = arith.constant 78 : i32
    %dma_start3A_273 = arith.constant 0 : i32
    %dma_start3A_274 = arith.constant 0 : i32
    %dma_start3A_275 = tpu.memref_slice %arg7[%dma_start3A_273, %dma_start3A_274] : memref<2x128xi32, #tpu.memory_space<vmem>> -> memref<1x128xi32, #tpu.memory_space<vmem>>
    %dma_start3A_276 = tpu.memref_squeeze %dma_start3A_275 : memref<1x128xi32, #tpu.memory_space<vmem>> -> memref<128xi32, #tpu.memory_space<vmem>>
    %dma_start3A_277 = arith.constant 0 : i32
    %dma_start3A_278 = tpu.memref_slice %arg4[%add3A, %dma_start3A_272, %dma_start3A_277] : memref<32x80x128xi32, #tpu.memory_space<hbm>> -> memref<1x1x128xi32, #tpu.memory_space<hbm>>
    %dma_start3A_279 = tpu.memref_squeeze %dma_start3A_278 : memref<1x1x128xi32, #tpu.memory_space<hbm>> -> memref<128xi32, #tpu.memory_space<hbm>>
    %dma_start3A_280 = arith.constant 0 : i32
    %dma_start3A_281 = tpu.memref_slice %arg7[%dma_start3A_273, %dma_start3A_280] : memref<2x128xi32, #tpu.memory_space<vmem>> -> memref<1x128xi32, #tpu.memory_space<vmem>>
    %dma_start3A_282 = tpu.memref_squeeze %dma_start3A_281 : memref<1x128xi32, #tpu.memory_space<vmem>> -> memref<128xi32, #tpu.memory_space<vmem>>
    %dma_start3A_283 = arith.constant 0 : i32
    %dma_start3A_284 = tpu.memref_slice %arg4[%add3A, %dma_start3A_272, %dma_start3A_283] : memref<32x80x128xi32, #tpu.memory_space<hbm>> -> memref<1x1x128xi32, #tpu.memory_space<hbm>>
    %dma_start3A_285 = tpu.memref_squeeze %dma_start3A_284 : memref<1x1x128xi32, #tpu.memory_space<hbm>> -> memref<128xi32, #tpu.memory_space<hbm>>
    tpu.enqueue_dma source(%dma_start3A_285 : memref<128xi32, #tpu.memory_space<hbm>>) target(%dma_start3A_282 : memref<128xi32, #tpu.memory_space<vmem>>) target_semaphore(%arg12 : memref<!tpu.dma_semaphore, #tpu.memory_space<semaphore_mem>>)
    %dma_start3A_286 = arith.constant 79 : i32
    %dma_start3A_287 = arith.constant 1 : i32
    %dma_start3A_288 = arith.constant 0 : i32
    %dma_start3A_289 = tpu.memref_slice %arg6[%dma_start3A_287, %dma_start3A_288] : memref<2x128xi32, #tpu.memory_space<vmem>> -> memref<1x128xi32, #tpu.memory_space<vmem>>
    %dma_start3A_290 = tpu.memref_squeeze %dma_start3A_289 : memref<1x128xi32, #tpu.memory_space<vmem>> -> memref<128xi32, #tpu.memory_space<vmem>>
    %dma_start3A_291 = arith.constant 0 : i32
    %dma_start3A_292 = tpu.memref_slice %arg3[%add3A, %dma_start3A_286, %dma_start3A_291] : memref<32x80x128xi32, #tpu.memory_space<hbm>> -> memref<1x1x128xi32, #tpu.memory_space<hbm>>
    %dma_start3A_293 = tpu.memref_squeeze %dma_start3A_292 : memref<1x1x128xi32, #tpu.memory_space<hbm>> -> memref<128xi32, #tpu.memory_space<hbm>>
    %dma_start3A_294 = arith.constant 0 : i32
    %dma_start3A_295 = tpu.memref_slice %arg6[%dma_start3A_287, %dma_start3A_294] : memref<2x128xi32, #tpu.memory_space<vmem>> -> memref<1x128xi32, #tpu.memory_space<vmem>>
    %dma_start3A_296 = tpu.memref_squeeze %dma_start3A_295 : memref<1x128xi32, #tpu.memory_space<vmem>> -> memref<128xi32, #tpu.memory_space<vmem>>
    %dma_start3A_297 = arith.constant 0 : i32
    %dma_start3A_298 = tpu.memref_slice %arg3[%add3A, %dma_start3A_286, %dma_start3A_297] : memref<32x80x128xi32, #tpu.memory_space<hbm>> -> memref<1x1x128xi32, #tpu.memory_space<hbm>>
    %dma_start3A_299 = tpu.memref_squeeze %dma_start3A_298 : memref<1x1x128xi32, #tpu.memory_space<hbm>> -> memref<128xi32, #tpu.memory_space<hbm>>
    tpu.enqueue_dma source(%dma_start3A_299 : memref<128xi32, #tpu.memory_space<hbm>>) target(%dma_start3A_296 : memref<128xi32, #tpu.memory_space<vmem>>) target_semaphore(%arg11 : memref<!tpu.dma_semaphore, #tpu.memory_space<semaphore_mem>>)
    %dma_wait3A_300 = arith.constant 0 : i32
    %dma_wait3A_301 = arith.constant 0 : i32
    %dma_wait3A_302 = arith.constant 0 : i32
    %dma_wait3A_303 = arith.constant 0 : i32
    %dma_wait3A_304 = tpu.memref_slice %arg8[%dma_wait3A_301, %dma_wait3A_302, %dma_wait3A_303] : memref<2x128x128xf32, #tpu.memory_space<vmem>> -> memref<1x128x128xf32, #tpu.memory_space<vmem>>
    %dma_wait3A_305 = tpu.memref_squeeze %dma_wait3A_304 : memref<1x128x128xf32, #tpu.memory_space<vmem>> -> memref<128x128xf32, #tpu.memory_space<vmem>>
    %dma_wait3A_306 = arith.constant 0 : i32
    %dma_wait3A_307 = tpu.memref_slice %arg6[%dma_wait3A_300, %dma_wait3A_306] : memref<2x128xi32, #tpu.memory_space<vmem>> -> memref<1x128xi32, #tpu.memory_space<vmem>>
    %dma_wait3A_308 = tpu.memref_squeeze %dma_wait3A_307 : memref<1x128xi32, #tpu.memory_space<vmem>> -> memref<128xi32, #tpu.memory_space<vmem>>
    %dma_wait3A_309 = arith.constant 0 : i32
    %dma_wait3A_310 = arith.constant 0 : i32
    %dma_wait3A_311 = tpu.memref_slice %arg2[%dma_wait3A_309, %dma_wait3A_310] : memref<10240x128xf32, #tpu.memory_space<hbm>> -> memref<10240x128xf32, #tpu.memory_space<hbm>>
    tpu.wait_indirect_dma semaphore(%arg14 : memref<!tpu.dma_semaphore, #tpu.memory_space<semaphore_mem>>) src(%dma_wait3A_311 : memref<10240x128xf32, #tpu.memory_space<hbm>>) dst(%dma_wait3A_305 : memref<128x128xf32, #tpu.memory_space<vmem>>)
    %dma_wait3A_312 = arith.constant 79 : i32
    %dma_wait3A_313 = arith.constant 1 : i32
    %dma_wait3A_314 = arith.constant 0 : i32
    %dma_wait3A_315 = tpu.memref_slice %arg6[%dma_wait3A_313, %dma_wait3A_314] : memref<2x128xi32, #tpu.memory_space<vmem>> -> memref<1x128xi32, #tpu.memory_space<vmem>>
    %dma_wait3A_316 = tpu.memref_squeeze %dma_wait3A_315 : memref<1x128xi32, #tpu.memory_space<vmem>> -> memref<128xi32, #tpu.memory_space<vmem>>
    %dma_wait3A_317 = arith.constant 0 : i32
    %dma_wait3A_318 = tpu.memref_slice %arg3[%add3A, %dma_wait3A_312, %dma_wait3A_317] : memref<32x80x128xi32, #tpu.memory_space<hbm>> -> memref<1x1x128xi32, #tpu.memory_space<hbm>>
    %dma_wait3A_319 = tpu.memref_squeeze %dma_wait3A_318 : memref<1x1x128xi32, #tpu.memory_space<hbm>> -> memref<128xi32, #tpu.memory_space<hbm>>
    %dma_wait3A_320 = arith.constant 0 : i32
    %dma_wait3A_321 = tpu.memref_slice %arg6[%dma_wait3A_313, %dma_wait3A_320] : memref<2x128xi32, #tpu.memory_space<vmem>> -> memref<1x128xi32, #tpu.memory_space<vmem>>
    %dma_wait3A_322 = tpu.memref_squeeze %dma_wait3A_321 : memref<1x128xi32, #tpu.memory_space<vmem>> -> memref<128xi32, #tpu.memory_space<vmem>>
    %dma_wait3A_323 = arith.constant 0 : i32
    %dma_wait3A_324 = tpu.memref_slice %arg3[%add3A, %dma_wait3A_312, %dma_wait3A_323] : memref<32x80x128xi32, #tpu.memory_space<hbm>> -> memref<1x1x128xi32, #tpu.memory_space<hbm>>
    %dma_wait3A_325 = tpu.memref_squeeze %dma_wait3A_324 : memref<1x1x128xi32, #tpu.memory_space<hbm>> -> memref<128xi32, #tpu.memory_space<hbm>>
    tpu.wait_dma2 semaphore(%arg11 : memref<!tpu.dma_semaphore, #tpu.memory_space<semaphore_mem>>) src(%dma_wait3A_325 : memref<128xi32, #tpu.memory_space<hbm>>) dst(%dma_wait3A_322 : memref<128xi32, #tpu.memory_space<vmem>>)
    %dma_wait3A_326 = arith.constant 78 : i32
    %dma_wait3A_327 = arith.constant 0 : i32
    %dma_wait3A_328 = arith.constant 0 : i32
    %dma_wait3A_329 = tpu.memref_slice %arg7[%dma_wait3A_327, %dma_wait3A_328] : memref<2x128xi32, #tpu.memory_space<vmem>> -> memref<1x128xi32, #tpu.memory_space<vmem>>
    %dma_wait3A_330 = tpu.memref_squeeze %dma_wait3A_329 : memref<1x128xi32, #tpu.memory_space<vmem>> -> memref<128xi32, #tpu.memory_space<vmem>>
    %dma_wait3A_331 = arith.constant 0 : i32
    %dma_wait3A_332 = tpu.memref_slice %arg4[%add3A, %dma_wait3A_326, %dma_wait3A_331] : memref<32x80x128xi32, #tpu.memory_space<hbm>> -> memref<1x1x128xi32, #tpu.memory_space<hbm>>
    %dma_wait3A_333 = tpu.memref_squeeze %dma_wait3A_332 : memref<1x1x128xi32, #tpu.memory_space<hbm>> -> memref<128xi32, #tpu.memory_space<hbm>>
    %dma_wait3A_334 = arith.constant 0 : i32
    %dma_wait3A_335 = tpu.memref_slice %arg7[%dma_wait3A_327, %dma_wait3A_334] : memref<2x128xi32, #tpu.memory_space<vmem>> -> memref<1x128xi32, #tpu.memory_space<vmem>>
    %dma_wait3A_336 = tpu.memref_squeeze %dma_wait3A_335 : memref<1x128xi32, #tpu.memory_space<vmem>> -> memref<128xi32, #tpu.memory_space<vmem>>
    %dma_wait3A_337 = arith.constant 0 : i32
    %dma_wait3A_338 = tpu.memref_slice %arg4[%add3A, %dma_wait3A_326, %dma_wait3A_337] : memref<32x80x128xi32, #tpu.memory_space<hbm>> -> memref<1x1x128xi32, #tpu.memory_space<hbm>>
    %dma_wait3A_339 = tpu.memref_squeeze %dma_wait3A_338 : memref<1x1x128xi32, #tpu.memory_space<hbm>> -> memref<128xi32, #tpu.memory_space<hbm>>
    tpu.wait_dma2 semaphore(%arg12 : memref<!tpu.dma_semaphore, #tpu.memory_space<semaphore_mem>>) src(%dma_wait3A_339 : memref<128xi32, #tpu.memory_space<hbm>>) dst(%dma_wait3A_336 : memref<128xi32, #tpu.memory_space<vmem>>)
    %dma_start3A_340 = arith.constant 0 : i32
    %dma_start3A_341 = arith.constant 0 : i32
    %dma_start3A_342 = arith.constant 0 : i32
    %dma_start3A_343 = arith.constant 0 : i32
    %dma_start3A_344 = tpu.memref_slice %arg8[%dma_start3A_340, %dma_start3A_342, %dma_start3A_343] : memref<2x128x128xf32, #tpu.memory_space<vmem>> -> memref<1x128x128xf32, #tpu.memory_space<vmem>>
    %dma_start3A_345 = tpu.memref_squeeze %dma_start3A_344 : memref<1x128x128xf32, #tpu.memory_space<vmem>> -> memref<128x128xf32, #tpu.memory_space<vmem>>
    %dma_start3A_346 = arith.constant 0 : i32
    %dma_start3A_347 = tpu.memref_slice %arg7[%dma_start3A_341, %dma_start3A_346] : memref<2x128xi32, #tpu.memory_space<vmem>> -> memref<1x128xi32, #tpu.memory_space<vmem>>
    %dma_start3A_348 = tpu.memref_squeeze %dma_start3A_347 : memref<1x128xi32, #tpu.memory_space<vmem>> -> memref<128xi32, #tpu.memory_space<vmem>>
    %dma_start3A_349 = arith.constant 0 : i32
    %dma_start3A_350 = arith.constant 0 : i32
    %dma_start3A_351 = tpu.memref_slice %arg9[%dma_start3A_349, %dma_start3A_350] : memref<10240x128xf32, #tpu.memory_space<vmem_shared>> -> memref<10240x128xf32, #tpu.memory_space<vmem_shared>>
    tpu.enqueue_indirect_dma source(%dma_start3A_345 : memref<128x128xf32, #tpu.memory_space<vmem>>) target(%dma_start3A_351 : memref<10240x128xf32, #tpu.memory_space<vmem_shared>>) offsets(%dma_start3A_348 : memref<128xi32, #tpu.memory_space<vmem>>) semaphore(%arg16 : memref<!tpu.dma_semaphore, #tpu.memory_space<semaphore_mem>>) {add = true}
    %dma_wait3A_352 = arith.constant 1 : i32
    %dma_wait3A_353 = arith.constant 1 : i32
    %dma_wait3A_354 = arith.constant 0 : i32
    %dma_wait3A_355 = arith.constant 0 : i32
    %dma_wait3A_356 = tpu.memref_slice %arg8[%dma_wait3A_352, %dma_wait3A_354, %dma_wait3A_355] : memref<2x128x128xf32, #tpu.memory_space<vmem>> -> memref<1x128x128xf32, #tpu.memory_space<vmem>>
    %dma_wait3A_357 = tpu.memref_squeeze %dma_wait3A_356 : memref<1x128x128xf32, #tpu.memory_space<vmem>> -> memref<128x128xf32, #tpu.memory_space<vmem>>
    %dma_wait3A_358 = arith.constant 0 : i32
    %dma_wait3A_359 = tpu.memref_slice %arg7[%dma_wait3A_353, %dma_wait3A_358] : memref<2x128xi32, #tpu.memory_space<vmem>> -> memref<1x128xi32, #tpu.memory_space<vmem>>
    %dma_wait3A_360 = tpu.memref_squeeze %dma_wait3A_359 : memref<1x128xi32, #tpu.memory_space<vmem>> -> memref<128xi32, #tpu.memory_space<vmem>>
    %dma_wait3A_361 = arith.constant 0 : i32
    %dma_wait3A_362 = arith.constant 0 : i32
    %dma_wait3A_363 = tpu.memref_slice %arg9[%dma_wait3A_361, %dma_wait3A_362] : memref<10240x128xf32, #tpu.memory_space<vmem_shared>> -> memref<10240x128xf32, #tpu.memory_space<vmem_shared>>
    tpu.wait_indirect_dma semaphore(%arg17 : memref<!tpu.dma_semaphore, #tpu.memory_space<semaphore_mem>>) src(%dma_wait3A_357 : memref<128x128xf32, #tpu.memory_space<vmem>>) dst(%dma_wait3A_363 : memref<10240x128xf32, #tpu.memory_space<vmem_shared>>)
    %dma_start3A_364 = arith.constant 1 : i32
    %dma_start3A_365 = arith.constant 1 : i32
    %dma_start3A_366 = arith.constant 0 : i32
    %dma_start3A_367 = arith.constant 0 : i32
    %dma_start3A_368 = tpu.memref_slice %arg8[%dma_start3A_365, %dma_start3A_366, %dma_start3A_367] : memref<2x128x128xf32, #tpu.memory_space<vmem>> -> memref<1x128x128xf32, #tpu.memory_space<vmem>>
    %dma_start3A_369 = tpu.memref_squeeze %dma_start3A_368 : memref<1x128x128xf32, #tpu.memory_space<vmem>> -> memref<128x128xf32, #tpu.memory_space<vmem>>
    %dma_start3A_370 = arith.constant 0 : i32
    %dma_start3A_371 = tpu.memref_slice %arg6[%dma_start3A_364, %dma_start3A_370] : memref<2x128xi32, #tpu.memory_space<vmem>> -> memref<1x128xi32, #tpu.memory_space<vmem>>
    %dma_start3A_372 = tpu.memref_squeeze %dma_start3A_371 : memref<1x128xi32, #tpu.memory_space<vmem>> -> memref<128xi32, #tpu.memory_space<vmem>>
    %dma_start3A_373 = arith.constant 0 : i32
    %dma_start3A_374 = arith.constant 0 : i32
    %dma_start3A_375 = tpu.memref_slice %arg2[%dma_start3A_373, %dma_start3A_374] : memref<10240x128xf32, #tpu.memory_space<hbm>> -> memref<10240x128xf32, #tpu.memory_space<hbm>>
    tpu.enqueue_indirect_dma source(%dma_start3A_375 : memref<10240x128xf32, #tpu.memory_space<hbm>>) target(%dma_start3A_369 : memref<128x128xf32, #tpu.memory_space<vmem>>) offsets(%dma_start3A_372 : memref<128xi32, #tpu.memory_space<vmem>>) semaphore(%arg15 : memref<!tpu.dma_semaphore, #tpu.memory_space<semaphore_mem>>)
    %dma_start3A_376 = arith.constant 79 : i32
    %dma_start3A_377 = arith.constant 1 : i32
    %dma_start3A_378 = arith.constant 0 : i32
    %dma_start3A_379 = tpu.memref_slice %arg7[%dma_start3A_377, %dma_start3A_378] : memref<2x128xi32, #tpu.memory_space<vmem>> -> memref<1x128xi32, #tpu.memory_space<vmem>>
    %dma_start3A_380 = tpu.memref_squeeze %dma_start3A_379 : memref<1x128xi32, #tpu.memory_space<vmem>> -> memref<128xi32, #tpu.memory_space<vmem>>
    %dma_start3A_381 = arith.constant 0 : i32
    %dma_start3A_382 = tpu.memref_slice %arg4[%add3A, %dma_start3A_376, %dma_start3A_381] : memref<32x80x128xi32, #tpu.memory_space<hbm>> -> memref<1x1x128xi32, #tpu.memory_space<hbm>>
    %dma_start3A_383 = tpu.memref_squeeze %dma_start3A_382 : memref<1x1x128xi32, #tpu.memory_space<hbm>> -> memref<128xi32, #tpu.memory_space<hbm>>
    %dma_start3A_384 = arith.constant 0 : i32
    %dma_start3A_385 = tpu.memref_slice %arg7[%dma_start3A_377, %dma_start3A_384] : memref<2x128xi32, #tpu.memory_space<vmem>> -> memref<1x128xi32, #tpu.memory_space<vmem>>
    %dma_start3A_386 = tpu.memref_squeeze %dma_start3A_385 : memref<1x128xi32, #tpu.memory_space<vmem>> -> memref<128xi32, #tpu.memory_space<vmem>>
    %dma_start3A_387 = arith.constant 0 : i32
    %dma_start3A_388 = tpu.memref_slice %arg4[%add3A, %dma_start3A_376, %dma_start3A_387] : memref<32x80x128xi32, #tpu.memory_space<hbm>> -> memref<1x1x128xi32, #tpu.memory_space<hbm>>
    %dma_start3A_389 = tpu.memref_squeeze %dma_start3A_388 : memref<1x1x128xi32, #tpu.memory_space<hbm>> -> memref<128xi32, #tpu.memory_space<hbm>>
    tpu.enqueue_dma source(%dma_start3A_389 : memref<128xi32, #tpu.memory_space<hbm>>) target(%dma_start3A_386 : memref<128xi32, #tpu.memory_space<vmem>>) target_semaphore(%arg13 : memref<!tpu.dma_semaphore, #tpu.memory_space<semaphore_mem>>)
    %dma_wait3A_390 = arith.constant 1 : i32
    %dma_wait3A_391 = arith.constant 1 : i32
    %dma_wait3A_392 = arith.constant 0 : i32
    %dma_wait3A_393 = arith.constant 0 : i32
    %dma_wait3A_394 = tpu.memref_slice %arg8[%dma_wait3A_391, %dma_wait3A_392, %dma_wait3A_393] : memref<2x128x128xf32, #tpu.memory_space<vmem>> -> memref<1x128x128xf32, #tpu.memory_space<vmem>>
    %dma_wait3A_395 = tpu.memref_squeeze %dma_wait3A_394 : memref<1x128x128xf32, #tpu.memory_space<vmem>> -> memref<128x128xf32, #tpu.memory_space<vmem>>
    %dma_wait3A_396 = arith.constant 0 : i32
    %dma_wait3A_397 = tpu.memref_slice %arg6[%dma_wait3A_390, %dma_wait3A_396] : memref<2x128xi32, #tpu.memory_space<vmem>> -> memref<1x128xi32, #tpu.memory_space<vmem>>
    %dma_wait3A_398 = tpu.memref_squeeze %dma_wait3A_397 : memref<1x128xi32, #tpu.memory_space<vmem>> -> memref<128xi32, #tpu.memory_space<vmem>>
    %dma_wait3A_399 = arith.constant 0 : i32
    %dma_wait3A_400 = arith.constant 0 : i32
    %dma_wait3A_401 = tpu.memref_slice %arg2[%dma_wait3A_399, %dma_wait3A_400] : memref<10240x128xf32, #tpu.memory_space<hbm>> -> memref<10240x128xf32, #tpu.memory_space<hbm>>
    tpu.wait_indirect_dma semaphore(%arg15 : memref<!tpu.dma_semaphore, #tpu.memory_space<semaphore_mem>>) src(%dma_wait3A_401 : memref<10240x128xf32, #tpu.memory_space<hbm>>) dst(%dma_wait3A_395 : memref<128x128xf32, #tpu.memory_space<vmem>>)
    %dma_wait3A_402 = arith.constant 79 : i32
    %dma_wait3A_403 = arith.constant 1 : i32
    %dma_wait3A_404 = arith.constant 0 : i32
    %dma_wait3A_405 = tpu.memref_slice %arg7[%dma_wait3A_403, %dma_wait3A_404] : memref<2x128xi32, #tpu.memory_space<vmem>> -> memref<1x128xi32, #tpu.memory_space<vmem>>
    %dma_wait3A_406 = tpu.memref_squeeze %dma_wait3A_405 : memref<1x128xi32, #tpu.memory_space<vmem>> -> memref<128xi32, #tpu.memory_space<vmem>>
    %dma_wait3A_407 = arith.constant 0 : i32
    %dma_wait3A_408 = tpu.memref_slice %arg4[%add3A, %dma_wait3A_402, %dma_wait3A_407] : memref<32x80x128xi32, #tpu.memory_space<hbm>> -> memref<1x1x128xi32, #tpu.memory_space<hbm>>
    %dma_wait3A_409 = tpu.memref_squeeze %dma_wait3A_408 : memref<1x1x128xi32, #tpu.memory_space<hbm>> -> memref<128xi32, #tpu.memory_space<hbm>>
    %dma_wait3A_410 = arith.constant 0 : i32
    %dma_wait3A_411 = tpu.memref_slice %arg7[%dma_wait3A_403, %dma_wait3A_410] : memref<2x128xi32, #tpu.memory_space<vmem>> -> memref<1x128xi32, #tpu.memory_space<vmem>>
    %dma_wait3A_412 = tpu.memref_squeeze %dma_wait3A_411 : memref<1x128xi32, #tpu.memory_space<vmem>> -> memref<128xi32, #tpu.memory_space<vmem>>
    %dma_wait3A_413 = arith.constant 0 : i32
    %dma_wait3A_414 = tpu.memref_slice %arg4[%add3A, %dma_wait3A_402, %dma_wait3A_413] : memref<32x80x128xi32, #tpu.memory_space<hbm>> -> memref<1x1x128xi32, #tpu.memory_space<hbm>>
    %dma_wait3A_415 = tpu.memref_squeeze %dma_wait3A_414 : memref<1x1x128xi32, #tpu.memory_space<hbm>> -> memref<128xi32, #tpu.memory_space<hbm>>
    tpu.wait_dma2 semaphore(%arg13 : memref<!tpu.dma_semaphore, #tpu.memory_space<semaphore_mem>>) src(%dma_wait3A_415 : memref<128xi32, #tpu.memory_space<hbm>>) dst(%dma_wait3A_412 : memref<128xi32, #tpu.memory_space<vmem>>)
    %dma_start3A_416 = arith.constant 1 : i32
    %dma_start3A_417 = arith.constant 1 : i32
    %dma_start3A_418 = arith.constant 0 : i32
    %dma_start3A_419 = arith.constant 0 : i32
    %dma_start3A_420 = tpu.memref_slice %arg8[%dma_start3A_416, %dma_start3A_418, %dma_start3A_419] : memref<2x128x128xf32, #tpu.memory_space<vmem>> -> memref<1x128x128xf32, #tpu.memory_space<vmem>>
    %dma_start3A_421 = tpu.memref_squeeze %dma_start3A_420 : memref<1x128x128xf32, #tpu.memory_space<vmem>> -> memref<128x128xf32, #tpu.memory_space<vmem>>
    %dma_start3A_422 = arith.constant 0 : i32
    %dma_start3A_423 = tpu.memref_slice %arg7[%dma_start3A_417, %dma_start3A_422] : memref<2x128xi32, #tpu.memory_space<vmem>> -> memref<1x128xi32, #tpu.memory_space<vmem>>
    %dma_start3A_424 = tpu.memref_squeeze %dma_start3A_423 : memref<1x128xi32, #tpu.memory_space<vmem>> -> memref<128xi32, #tpu.memory_space<vmem>>
    %dma_start3A_425 = arith.constant 0 : i32
    %dma_start3A_426 = arith.constant 0 : i32
    %dma_start3A_427 = tpu.memref_slice %arg9[%dma_start3A_425, %dma_start3A_426] : memref<10240x128xf32, #tpu.memory_space<vmem_shared>> -> memref<10240x128xf32, #tpu.memory_space<vmem_shared>>
    tpu.enqueue_indirect_dma source(%dma_start3A_421 : memref<128x128xf32, #tpu.memory_space<vmem>>) target(%dma_start3A_427 : memref<10240x128xf32, #tpu.memory_space<vmem_shared>>) offsets(%dma_start3A_424 : memref<128xi32, #tpu.memory_space<vmem>>) semaphore(%arg17 : memref<!tpu.dma_semaphore, #tpu.memory_space<semaphore_mem>>) {add = true}
    %dma_wait3A_428 = arith.constant 0 : i32
    %dma_wait3A_429 = arith.constant 0 : i32
    %dma_wait3A_430 = arith.constant 0 : i32
    %dma_wait3A_431 = arith.constant 0 : i32
    %dma_wait3A_432 = tpu.memref_slice %arg8[%dma_wait3A_428, %dma_wait3A_430, %dma_wait3A_431] : memref<2x128x128xf32, #tpu.memory_space<vmem>> -> memref<1x128x128xf32, #tpu.memory_space<vmem>>
    %dma_wait3A_433 = tpu.memref_squeeze %dma_wait3A_432 : memref<1x128x128xf32, #tpu.memory_space<vmem>> -> memref<128x128xf32, #tpu.memory_space<vmem>>
    %dma_wait3A_434 = arith.constant 0 : i32
    %dma_wait3A_435 = tpu.memref_slice %arg7[%dma_wait3A_429, %dma_wait3A_434] : memref<2x128xi32, #tpu.memory_space<vmem>> -> memref<1x128xi32, #tpu.memory_space<vmem>>
    %dma_wait3A_436 = tpu.memref_squeeze %dma_wait3A_435 : memref<1x128xi32, #tpu.memory_space<vmem>> -> memref<128xi32, #tpu.memory_space<vmem>>
    %dma_wait3A_437 = arith.constant 0 : i32
    %dma_wait3A_438 = arith.constant 0 : i32
    %dma_wait3A_439 = tpu.memref_slice %arg9[%dma_wait3A_437, %dma_wait3A_438] : memref<10240x128xf32, #tpu.memory_space<vmem_shared>> -> memref<10240x128xf32, #tpu.memory_space<vmem_shared>>
    tpu.wait_indirect_dma semaphore(%arg16 : memref<!tpu.dma_semaphore, #tpu.memory_space<semaphore_mem>>) src(%dma_wait3A_433 : memref<128x128xf32, #tpu.memory_space<vmem>>) dst(%dma_wait3A_439 : memref<10240x128xf32, #tpu.memory_space<vmem_shared>>)
    %dma_wait3A_440 = arith.constant 1 : i32
    %dma_wait3A_441 = arith.constant 1 : i32
    %dma_wait3A_442 = arith.constant 0 : i32
    %dma_wait3A_443 = arith.constant 0 : i32
    %dma_wait3A_444 = tpu.memref_slice %arg8[%dma_wait3A_440, %dma_wait3A_442, %dma_wait3A_443] : memref<2x128x128xf32, #tpu.memory_space<vmem>> -> memref<1x128x128xf32, #tpu.memory_space<vmem>>
    %dma_wait3A_445 = tpu.memref_squeeze %dma_wait3A_444 : memref<1x128x128xf32, #tpu.memory_space<vmem>> -> memref<128x128xf32, #tpu.memory_space<vmem>>
    %dma_wait3A_446 = arith.constant 0 : i32
    %dma_wait3A_447 = tpu.memref_slice %arg7[%dma_wait3A_441, %dma_wait3A_446] : memref<2x128xi32, #tpu.memory_space<vmem>> -> memref<1x128xi32, #tpu.memory_space<vmem>>
    %dma_wait3A_448 = tpu.memref_squeeze %dma_wait3A_447 : memref<1x128xi32, #tpu.memory_space<vmem>> -> memref<128xi32, #tpu.memory_space<vmem>>
    %dma_wait3A_449 = arith.constant 0 : i32
    %dma_wait3A_450 = arith.constant 0 : i32
    %dma_wait3A_451 = tpu.memref_slice %arg9[%dma_wait3A_449, %dma_wait3A_450] : memref<10240x128xf32, #tpu.memory_space<vmem_shared>> -> memref<10240x128xf32, #tpu.memory_space<vmem_shared>>
    tpu.wait_indirect_dma semaphore(%arg17 : memref<!tpu.dma_semaphore, #tpu.memory_space<semaphore_mem>>) src(%dma_wait3A_445 : memref<128x128xf32, #tpu.memory_space<vmem>>) dst(%dma_wait3A_451 : memref<10240x128xf32, #tpu.memory_space<vmem_shared>>)
    %barrier3A_452 = arith.constant 0 : index
    tpu.barrier barrier_id(%barrier3A_452)
    %mul3A_453 = arith.constant 640 : i32
    %mul3A_454 = arith.muli %arg1, %mul3A_453 : i32
    %mul3A_455 = arith.constant 640 : i32
    %mul3A_456 = arith.muli %arg1, %mul3A_455 : i32
    "tpu.region"() ({
      %run_scoped3A_457 = tpu.sem_alloc : memref<!tpu.dma_semaphore, #tpu.memory_space<semaphore_mem>>
      %dma_start3A_458 = arith.constant 0 : i32
      %dma_start3A_459 = tpu.memref_slice %arg5[%arg0, %mul3A_456, %dma_start3A_458] : memref<2x10240x128xf32, #tpu.memory_space<hbm>> -> memref<1x640x128xf32, #tpu.memory_space<hbm>>
      %dma_start3A_460 = tpu.memref_squeeze %dma_start3A_459 : memref<1x640x128xf32, #tpu.memory_space<hbm>> -> memref<640x128xf32, #tpu.memory_space<hbm>>
      %dma_start3A_461 = arith.constant 0 : i32
      %dma_start3A_462 = tpu.memref_slice %arg9[%mul3A_454, %dma_start3A_461] : memref<10240x128xf32, #tpu.memory_space<vmem_shared>> -> memref<640x128xf32, #tpu.memory_space<vmem_shared>>
      tpu.enqueue_dma source(%dma_start3A_462 : memref<640x128xf32, #tpu.memory_space<vmem_shared>>) target(%dma_start3A_460 : memref<640x128xf32, #tpu.memory_space<hbm>>) target_semaphore(%run_scoped3A_457 : memref<!tpu.dma_semaphore, #tpu.memory_space<semaphore_mem>>)
      %dma_wait3A_463 = arith.constant 0 : i32
      %dma_wait3A_464 = tpu.memref_slice %arg5[%arg0, %mul3A_456, %dma_wait3A_463] : memref<2x10240x128xf32, #tpu.memory_space<hbm>> -> memref<1x640x128xf32, #tpu.memory_space<hbm>>
      %dma_wait3A_465 = tpu.memref_squeeze %dma_wait3A_464 : memref<1x640x128xf32, #tpu.memory_space<hbm>> -> memref<640x128xf32, #tpu.memory_space<hbm>>
      %dma_wait3A_466 = arith.constant 0 : i32
      %dma_wait3A_467 = tpu.memref_slice %arg9[%mul3A_454, %dma_wait3A_466] : memref<10240x128xf32, #tpu.memory_space<vmem_shared>> -> memref<640x128xf32, #tpu.memory_space<vmem_shared>>
      tpu.wait_dma2 semaphore(%run_scoped3A_457 : memref<!tpu.dma_semaphore, #tpu.memory_space<semaphore_mem>>) src(%dma_wait3A_467 : memref<640x128xf32, #tpu.memory_space<vmem_shared>>) dst(%dma_wait3A_465 : memref<640x128xf32, #tpu.memory_space<hbm>>)
      tpu.yield
    }) : () -> ()
    return
  }
}

module attributes {stable_mosaic.version = 14 : i64} {
  func.func @_mm1_body(%arg0: i32, %arg1: memref<256x128xf32, #tpu.memory_space<vmem>>, %arg2: memref<128x128xf32, #tpu.memory_space<vmem>>, %arg3: memref<256x2xf32, #tpu.memory_space<vmem>>, %arg4: memref<256x128xf32, #tpu.memory_space<vmem>>) attributes {dimension_semantics = [#tpu.dimension_semantics<arbitrary>], iteration_bounds = array<i64: 40>, scalar_prefetch = 0 : i64, scratch_operands = 0 : i64, tpu.core_type = #tpu.core_type<tc>, window_params = [{transform_indices = @transform_0, window_bounds = array<i64: 256, 128>}, {pipeline_mode = #tpu.pipeline_mode<synchronous>, transform_indices = @transform_1, window_bounds = array<i64: 128, 128>}, {transform_indices = @transform_2, window_bounds = array<i64: 256, 2>}, {transform_indices = @transform_3, window_bounds = array<i64: 256, 128>}]} {
    %get3A = arith.constant 0 : index
    %get3A_0 = arith.constant 0 : index
    %get3A_1 = vector.load %arg3[%get3A, %get3A_0] : memref<256x2xf32, #tpu.memory_space<vmem>>, vector<256x2xf32>
    %slice3A = vector.extract_strided_slice %get3A_1 {offsets = [0, 0], sizes = [256, 1], strides = [1, 1]} : vector<256x2xf32> to vector<256x1xf32>
    %slice3A_2 = vector.extract_strided_slice %get3A_1 {offsets = [0, 1], sizes = [256, 1], strides = [1, 1]} : vector<256x2xf32> to vector<256x1xf32>
    %add3A = arith.addf %slice3A, %slice3A_2 : vector<256x1xf32>
    %add3A_3 = arith.constant 1.000000e+00 : f32
    %add3A_4 = vector.broadcast %add3A_3 : f32 to vector<256x1xf32>
    %add3A_5 = arith.addf %add3A, %add3A_4 : vector<256x1xf32>
    %rsqrt3A = math.rsqrt %add3A_5 : vector<256x1xf32>
    %get3A_6 = arith.constant 0 : index
    %get3A_7 = arith.constant 0 : index
    %get3A_8 = vector.load %arg1[%get3A_6, %get3A_7] : memref<256x128xf32, #tpu.memory_space<vmem>>, vector<256x128xf32>
    %get3A_9 = arith.constant 0 : index
    %get3A_10 = arith.constant 0 : index
    %get3A_11 = vector.load %arg2[%get3A_9, %get3A_10] : memref<128x128xf32, #tpu.memory_space<vmem>>, vector<128x128xf32>
    %dot_general3A = arith.constant dense<0.000000e+00> : vector<256x128xf32>
    %dot_general3A_12 = tpu.matmul %get3A_8, %get3A_11, %dot_general3A {dimension_numbers = #tpu.dot_dimension_numbers<[1], [0], [0], [1], [0, 0, 1, 1], [], []>, transpose_lhs_hint = false} : vector<256x128xf32>, vector<128x128xf32>, vector<256x128xf32> -> vector<256x128xf32>
    %mul3A = vector.broadcast %rsqrt3A : vector<256x1xf32> to vector<256x128xf32>
    %mul3A_13 = arith.mulf %dot_general3A_12, %mul3A : vector<256x128xf32>
    %swap3A = arith.constant 0 : index
    %swap3A_14 = arith.constant 0 : index
    %swap3A_15 = vector.load %arg4[%swap3A, %swap3A_14] : memref<256x128xf32, #tpu.memory_space<vmem>>, vector<256x128xf32>
    tpu.vector_store %arg4[%swap3A, %swap3A_14], %mul3A_13 {strides = array<i32>} : memref<256x128xf32, #tpu.memory_space<vmem>>, vector<256x128xf32>,
    return
  }
  func.func @transform_0(%arg0: i32) -> (i32, i32) {
    %c0_i32 = arith.constant 0 : i32
    %c0_i32_0 = arith.constant 0 : i32
    return %arg0, %c0_i32 : i32, i32
  }
  func.func @transform_1(%arg0: i32) -> (i32, i32) {
    %c0_i32 = arith.constant 0 : i32
    %c0_i32_0 = arith.constant 0 : i32
    %c0_i32_1 = arith.constant 0 : i32
    return %c0_i32, %c0_i32_0 : i32, i32
  }
  func.func @transform_2(%arg0: i32) -> (i32, i32) {
    %c0_i32 = arith.constant 0 : i32
    %c0_i32_0 = arith.constant 0 : i32
    return %arg0, %c0_i32 : i32, i32
  }
  func.func @transform_3(%arg0: i32) -> (i32, i32) {
    %c0_i32 = arith.constant 0 : i32
    %c0_i32_0 = arith.constant 0 : i32
    return %arg0, %c0_i32 : i32, i32
  }
}

module attributes {stable_mosaic.version = 14 : i64} {
  func.func @_mm2_body(%arg0: i32, %arg1: memref<256x128xf32, #tpu.memory_space<vmem>>, %arg2: memref<2x256x128xf32, #tpu.memory_space<vmem>>, %arg3: memref<256x2xf32, #tpu.memory_space<vmem>>, %arg4: memref<1x128xf32, #tpu.memory_space<vmem>>, %arg5: memref<128x128xf32, #tpu.memory_space<vmem>>, %arg6: memref<256x128xf32, #tpu.memory_space<vmem>>) attributes {dimension_semantics = [#tpu.dimension_semantics<arbitrary>], iteration_bounds = array<i64: 40>, scalar_prefetch = 0 : i64, scratch_operands = 0 : i64, tpu.core_type = #tpu.core_type<tc>, window_params = [{transform_indices = @transform_0, window_bounds = array<i64: 256, 128>}, {transform_indices = @transform_1, window_bounds = array<i64: 2, 256, 128>}, {transform_indices = @transform_2, window_bounds = array<i64: 256, 2>}, {pipeline_mode = #tpu.pipeline_mode<synchronous>, transform_indices = @transform_3, window_bounds = array<i64: 1, 128>}, {pipeline_mode = #tpu.pipeline_mode<synchronous>, transform_indices = @transform_4, window_bounds = array<i64: 128, 128>}, {transform_indices = @transform_5, window_bounds = array<i64: 256, 128>}]} {
    %get3A = arith.constant 0 : index
    %get3A_0 = arith.constant 0 : index
    %get3A_1 = vector.load %arg3[%get3A, %get3A_0] : memref<256x2xf32, #tpu.memory_space<vmem>>, vector<256x2xf32>
    %slice3A = vector.extract_strided_slice %get3A_1 {offsets = [0, 0], sizes = [256, 1], strides = [1, 1]} : vector<256x2xf32> to vector<256x1xf32>
    %slice3A_2 = vector.extract_strided_slice %get3A_1 {offsets = [0, 1], sizes = [256, 1], strides = [1, 1]} : vector<256x2xf32> to vector<256x1xf32>
    %add3A = arith.addf %slice3A, %slice3A_2 : vector<256x1xf32>
    %add3A_3 = arith.constant 1.000000e+00 : f32
    %add3A_4 = vector.broadcast %add3A_3 : f32 to vector<256x1xf32>
    %add3A_5 = arith.addf %add3A, %add3A_4 : vector<256x1xf32>
    %rsqrt3A = math.rsqrt %add3A_5 : vector<256x1xf32>
    %get3A_6 = arith.constant 0 : index
    %get3A_7 = arith.constant 0 : index
    %get3A_8 = vector.load %arg1[%get3A_6, %get3A_7] : memref<256x128xf32, #tpu.memory_space<vmem>>, vector<256x128xf32>
    %get3A_9 = arith.constant 0 : index
    %get3A_10 = arith.constant 0 : index
    %get3A_11 = arith.constant 0 : index
    %get3A_12 = vector.load %arg2[%get3A_9, %get3A_10, %get3A_11] : memref<2x256x128xf32, #tpu.memory_space<vmem>>, vector<1x256x128xf32>
    %get3A_13 = vector.shape_cast %get3A_12 : vector<1x256x128xf32> to vector<256x128xf32>
    %add3A_14 = arith.addf %get3A_8, %get3A_13 : vector<256x128xf32>
    %get3A_15 = arith.constant 1 : index
    %get3A_16 = arith.constant 0 : index
    %get3A_17 = arith.constant 0 : index
    %get3A_18 = vector.load %arg2[%get3A_15, %get3A_16, %get3A_17] : memref<2x256x128xf32, #tpu.memory_space<vmem>>, vector<1x256x128xf32>
    %get3A_19 = vector.shape_cast %get3A_18 : vector<1x256x128xf32> to vector<256x128xf32>
    %add3A_20 = arith.addf %add3A_14, %get3A_19 : vector<256x128xf32>
    %mul3A = vector.broadcast %rsqrt3A : vector<256x1xf32> to vector<256x128xf32>
    %mul3A_21 = arith.mulf %add3A_20, %mul3A : vector<256x128xf32>
    %get3A_22 = arith.constant 0 : index
    %get3A_23 = arith.constant 0 : index
    %get3A_24 = vector.load %arg4[%get3A_22, %get3A_23] : memref<1x128xf32, #tpu.memory_space<vmem>>, vector<1x128xf32>
    %add3A_25 = vector.broadcast %get3A_24 : vector<1x128xf32> to vector<256x128xf32>
    %add3A_26 = arith.addf %mul3A_21, %add3A_25 : vector<256x128xf32>
    %max3A = arith.constant 0.000000e+00 : f32
    %max3A_27 = vector.broadcast %max3A : f32 to vector<256x128xf32>
    %max3A_28 = arith.maximumf %add3A_26, %max3A_27 : vector<256x128xf32>
    %get3A_29 = arith.constant 0 : index
    %get3A_30 = arith.constant 0 : index
    %get3A_31 = vector.load %arg5[%get3A_29, %get3A_30] : memref<128x128xf32, #tpu.memory_space<vmem>>, vector<128x128xf32>
    %dot_general3A = arith.constant dense<0.000000e+00> : vector<256x128xf32>
    %dot_general3A_32 = tpu.matmul %max3A_28, %get3A_31, %dot_general3A {dimension_numbers = #tpu.dot_dimension_numbers<[1], [0], [0], [1], [0, 0, 1, 1], [], []>, transpose_lhs_hint = false} : vector<256x128xf32>, vector<128x128xf32>, vector<256x128xf32> -> vector<256x128xf32>
    %mul3A_33 = vector.broadcast %rsqrt3A : vector<256x1xf32> to vector<256x128xf32>
    %mul3A_34 = arith.mulf %dot_general3A_32, %mul3A_33 : vector<256x128xf32>
    %swap3A = arith.constant 0 : index
    %swap3A_35 = arith.constant 0 : index
    %swap3A_36 = vector.load %arg6[%swap3A, %swap3A_35] : memref<256x128xf32, #tpu.memory_space<vmem>>, vector<256x128xf32>
    tpu.vector_store %arg6[%swap3A, %swap3A_35], %mul3A_34 {strides = array<i32>} : memref<256x128xf32, #tpu.memory_space<vmem>>, vector<256x128xf32>,
    return
  }
  func.func @transform_0(%arg0: i32) -> (i32, i32) {
    %c0_i32 = arith.constant 0 : i32
    %c0_i32_0 = arith.constant 0 : i32
    return %arg0, %c0_i32 : i32, i32
  }
  func.func @transform_1(%arg0: i32) -> (i32, i32, i32) {
    %c0_i32 = arith.constant 0 : i32
    %c0_i32_0 = arith.constant 0 : i32
    %c0_i32_1 = arith.constant 0 : i32
    return %c0_i32, %arg0, %c0_i32_0 : i32, i32, i32
  }
  func.func @transform_2(%arg0: i32) -> (i32, i32) {
    %c0_i32 = arith.constant 0 : i32
    %c0_i32_0 = arith.constant 0 : i32
    return %arg0, %c0_i32 : i32, i32
  }
  func.func @transform_3(%arg0: i32) -> (i32, i32) {
    %c0_i32 = arith.constant 0 : i32
    %c0_i32_0 = arith.constant 0 : i32
    %c0_i32_1 = arith.constant 0 : i32
    return %c0_i32, %c0_i32_0 : i32, i32
  }
  func.func @transform_4(%arg0: i32) -> (i32, i32) {
    %c0_i32 = arith.constant 0 : i32
    %c0_i32_0 = arith.constant 0 : i32
    %c0_i32_1 = arith.constant 0 : i32
    return %c0_i32, %c0_i32_0 : i32, i32
  }
  func.func @transform_5(%arg0: i32) -> (i32, i32) {
    %c0_i32 = arith.constant 0 : i32
    %c0_i32_0 = arith.constant 0 : i32
    return %arg0, %c0_i32 : i32, i32
  }
}

module attributes {stable_mosaic.version = 14 : i64} {
  func.func @_mm3_body(%arg0: i32, %arg1: memref<256x128xf32, #tpu.memory_space<vmem>>, %arg2: memref<2x256x128xf32, #tpu.memory_space<vmem>>, %arg3: memref<256x2xf32, #tpu.memory_space<vmem>>, %arg4: memref<1x128xf32, #tpu.memory_space<vmem>>, %arg5: memref<256x128xf32, #tpu.memory_space<vmem>>) attributes {dimension_semantics = [#tpu.dimension_semantics<arbitrary>], iteration_bounds = array<i64: 40>, scalar_prefetch = 0 : i64, scratch_operands = 0 : i64, tpu.core_type = #tpu.core_type<tc>, window_params = [{transform_indices = @transform_0, window_bounds = array<i64: 256, 128>}, {transform_indices = @transform_1, window_bounds = array<i64: 2, 256, 128>}, {transform_indices = @transform_2, window_bounds = array<i64: 256, 2>}, {pipeline_mode = #tpu.pipeline_mode<synchronous>, transform_indices = @transform_3, window_bounds = array<i64: 1, 128>}, {transform_indices = @transform_4, window_bounds = array<i64: 256, 128>}]} {
    %get3A = arith.constant 0 : index
    %get3A_0 = arith.constant 0 : index
    %get3A_1 = vector.load %arg3[%get3A, %get3A_0] : memref<256x2xf32, #tpu.memory_space<vmem>>, vector<256x2xf32>
    %slice3A = vector.extract_strided_slice %get3A_1 {offsets = [0, 0], sizes = [256, 1], strides = [1, 1]} : vector<256x2xf32> to vector<256x1xf32>
    %slice3A_2 = vector.extract_strided_slice %get3A_1 {offsets = [0, 1], sizes = [256, 1], strides = [1, 1]} : vector<256x2xf32> to vector<256x1xf32>
    %add3A = arith.addf %slice3A, %slice3A_2 : vector<256x1xf32>
    %add3A_3 = arith.constant 1.000000e+00 : f32
    %add3A_4 = vector.broadcast %add3A_3 : f32 to vector<256x1xf32>
    %add3A_5 = arith.addf %add3A, %add3A_4 : vector<256x1xf32>
    %rsqrt3A = math.rsqrt %add3A_5 : vector<256x1xf32>
    %get3A_6 = arith.constant 0 : index
    %get3A_7 = arith.constant 0 : index
    %get3A_8 = vector.load %arg1[%get3A_6, %get3A_7] : memref<256x128xf32, #tpu.memory_space<vmem>>, vector<256x128xf32>
    %get3A_9 = arith.constant 0 : index
    %get3A_10 = arith.constant 0 : index
    %get3A_11 = arith.constant 0 : index
    %get3A_12 = vector.load %arg2[%get3A_9, %get3A_10, %get3A_11] : memref<2x256x128xf32, #tpu.memory_space<vmem>>, vector<1x256x128xf32>
    %get3A_13 = vector.shape_cast %get3A_12 : vector<1x256x128xf32> to vector<256x128xf32>
    %add3A_14 = arith.addf %get3A_8, %get3A_13 : vector<256x128xf32>
    %get3A_15 = arith.constant 1 : index
    %get3A_16 = arith.constant 0 : index
    %get3A_17 = arith.constant 0 : index
    %get3A_18 = vector.load %arg2[%get3A_15, %get3A_16, %get3A_17] : memref<2x256x128xf32, #tpu.memory_space<vmem>>, vector<1x256x128xf32>
    %get3A_19 = vector.shape_cast %get3A_18 : vector<1x256x128xf32> to vector<256x128xf32>
    %add3A_20 = arith.addf %add3A_14, %get3A_19 : vector<256x128xf32>
    %mul3A = vector.broadcast %rsqrt3A : vector<256x1xf32> to vector<256x128xf32>
    %mul3A_21 = arith.mulf %add3A_20, %mul3A : vector<256x128xf32>
    %get3A_22 = arith.constant 0 : index
    %get3A_23 = arith.constant 0 : index
    %get3A_24 = vector.load %arg4[%get3A_22, %get3A_23] : memref<1x128xf32, #tpu.memory_space<vmem>>, vector<1x128xf32>
    %add3A_25 = vector.broadcast %get3A_24 : vector<1x128xf32> to vector<256x128xf32>
    %add3A_26 = arith.addf %mul3A_21, %add3A_25 : vector<256x128xf32>
    %swap3A = arith.constant 0 : index
    %swap3A_27 = arith.constant 0 : index
    %swap3A_28 = vector.load %arg5[%swap3A, %swap3A_27] : memref<256x128xf32, #tpu.memory_space<vmem>>, vector<256x128xf32>
    tpu.vector_store %arg5[%swap3A, %swap3A_27], %add3A_26 {strides = array<i32>} : memref<256x128xf32, #tpu.memory_space<vmem>>, vector<256x128xf32>,
    return
  }
  func.func @transform_0(%arg0: i32) -> (i32, i32) {
    %c0_i32 = arith.constant 0 : i32
    %c0_i32_0 = arith.constant 0 : i32
    return %arg0, %c0_i32 : i32, i32
  }
  func.func @transform_1(%arg0: i32) -> (i32, i32, i32) {
    %c0_i32 = arith.constant 0 : i32
    %c0_i32_0 = arith.constant 0 : i32
    %c0_i32_1 = arith.constant 0 : i32
    return %c0_i32, %arg0, %c0_i32_0 : i32, i32, i32
  }
  func.func @transform_2(%arg0: i32) -> (i32, i32) {
    %c0_i32 = arith.constant 0 : i32
    %c0_i32_0 = arith.constant 0 : i32
    return %arg0, %c0_i32 : i32, i32
  }
  func.func @transform_3(%arg0: i32) -> (i32, i32) {
    %c0_i32 = arith.constant 0 : i32
    %c0_i32_0 = arith.constant 0 : i32
    %c0_i32_1 = arith.constant 0 : i32
    return %c0_i32, %c0_i32_0 : i32, i32
  }
  func.func @transform_4(%arg0: i32) -> (i32, i32) {
    %c0_i32 = arith.constant 0 : i32
    %c0_i32_0 = arith.constant 0 : i32
    return %arg0, %c0_i32 : i32, i32
  }
}

</mosaic_0001>

<sc_bundles>
// kernel: kernel.11.cloned.1.call-start
scs
__scs_entry_jumppad:
0x0: {  	(pc) =	sbr.rel $0x88, $3  }
0x1: {  	(tag) =	ssettag $0x0;
	lr =	simm.s32 $0x1  }
0x2: {  	[smem:$0x3F9A] =	sst lr;
	_ =	strace $0xD0000000  }
0x3: {  	_ = 	snop  }
0x4: {  	_ = 	snop  }
0x5: {  	_ = 	snop  }
0x6: {  	_ = 	snop  }
0x7: {  	_ = 	snop  }
__scs_overlays_trampoline_lowered:
0x8: {  	[smem:$0x3FA9] =	sst s0  }
0x9: {  	[smem:$0x3FAA] =	sst s1  }
0xa: {  	[smem:$0x3FAB] =	sst s2  }
0xb: {  	[smem:$0x3FAC] =	sst s3  }
0xc: {  	[smem:$0x3FAD] =	sst s4  }
0xd: {  	[smem:$0x3FAE] =	sst s5  }
0xe: {  	[smem:$0x3FAF] =	sst s6  }
0xf: {  	[smem:$0x3FB0] =	sst s7  }
0x10: {  	[smem:$0x3FB1] =	sst s8  }
0x11: {  	[smem:$0x3FB2] =	sst s9;
	s0 =	simm.s32 @!p0 $0x0  }
0x12: {  	s1 =	sld [smem:$0x3F98];
	s0 =	simm.s32 @p0 $0x1  }
0x13: {  	[smem:$0x3FB3] =	sst s0;
	s0 =	simm.s32 @!p1 $0x0  }
0x14: {  	s2 =	sld [smem:$0x3F97];
	s0 =	simm.s32 @p1 $0x1  }
0x15: {  	[smem:$0x3FB4] =	sst s0;
	s0 =	simm.s32 @!p2 $0x0  }
0x16: {  	s3 =	sld [smem:$0x3FDB];
	s0 =	simm.s32 @p2 $0x1  }
0x17: {  	s4 =	simm.s32 $0x1BF5;
	[smem:$0x3FB6] =	sst s0  }
0x18: {  	s0 =	sld [smem:$0x3F99];
	_ =	swait.ge [sflag:s4], $0x0  }
0x19: {  	s7 =	sld [smem:$0x3F9A]  }
0x1a: {  	s8 =	sadd.s32 $0xFFFFE003, lr  }
0x1b: {  	s9 =	sadd.s32 $0xFFFFFEF7, lr;
	s5 =	simm.s32 $0xFFFFFFFF;
	p2 =	slt.u32 s8, $0xFFFFF086  }
0x1c: {  	p1 =	slt.u32 s9, $0xF7A;
	s5 =	simm.s32 @!p2 $0x0  }
0x1d: {  	s5 =	simm.s32 @p1 $0x1;
	p0 =	seq.s32 s7, s2  }
0x1e: {  	s7 =	smul.u32 @!p0 $0xF7A, s2;
	p2 =	seq.s32 @!p0 s5, $0x0  }
0x1f: {  	s9 =	smul.u32 $0xF7A, s1;
	s8 =	simm.s32 @!p0 $0x1BF5;
	p2 =	por !p2, p0  }
0x20: {  	[sflag:s8] =	ssyncset.s32 @!p0 $0xFFFFF086;
	s6 =	sadd.s32 @!p0 s3, s7;
	s7 =	simm.s32 @!p0 $0x108  }
0x21: {  	s3 =	sadd.s32 s3, s9;
	s6 =	sadd.s32 @!p0 $0x88, s6;
	s7 =	simm.s32 @p2 $0x1082  }
0x22: {  	[simem:s7], [sflag:s8] =	dma.local @!p0 [hbm:s6], $0xF7A  }
0x23: {  	s9 =	sor.u32 $0xD0000000, s2;
	s6 =	simm.s32 $0x108;
	_ =	swait.ge @!p0 [sflag:s8], $0x0  }
0x24: {  	s3 =	sadd.s32 $0x88, s3;
	s6 =	simm.s32 @!p1 $0x1082;
	[sflag:s4] =	ssyncset.s32 $0xFFFFF086  }
0x25: {  	[simem:s6], [sflag:s4] =	dma.local [hbm:s3], $0xF7A  }
0x26: {  	[smem:$0x3F9A] =	sst s1;
	(tag) =	ssettag s2;
	_ =	strace s9  }
0x27: {  	s1 =	sld [smem:$0x3FAA]  }
0x28: {  	s2 =	sld [smem:$0x3FAB]  }
0x29: {  	s4 =	sld [smem:$0x3FAD]  }
0x2a: {  	p0 =	seq.s32 s5, $0x0;
	s5 =	sld [smem:$0x3FAE]  }
0x2b: {  	s6 =	sld [smem:$0x3FAF]  }
0x2c: {  	s7 =	sld [smem:$0x3FB0]  }
0x2d: {  	s3 =	simm.s32 $0x108;
	s8 =	sld [smem:$0x3FB1]  }
0x2e: {  	s3 =	simm.s32 @!p0 $0x1082;
	s9 =	sld [smem:$0x3FB2]  }
0x2f: {  	lr =	sadd.s32 s0, s3;
	s0 =	sld [smem:$0x3FA9]  }
0x30: {  	s3 =	sld [smem:$0x3FAC]  }
0x31: {  	[smem:$0x3FB5] =	sst s10  }
0x32: {  	s10 =	sld [smem:$0x3FB3];
	_ =	sdelay $0x3  }
0x33: {  	p0 =	seq.s32 s10, $0x1;
	s10 =	sld [smem:$0x3FB5];
	_ =	sdelay $0x3  }
0x34: {  	[smem:$0x3FB5] =	sst s10  }
0x35: {  	s10 =	sld [smem:$0x3FB4];
	_ =	sdelay $0x3  }
0x36: {  	p1 =	seq.s32 s10, $0x1;
	s10 =	sld [smem:$0x3FB5];
	_ =	sdelay $0x3  }
0x37: {  	[smem:$0x3FB5] =	sst s10  }
0x38: {  	s10 =	sld [smem:$0x3FB6]  }
0x39: {  	_ = 	snop;
	(pc) =	sbr.ind lr, $3  }
0x3a: {  	_ = 	snop  }
0x3b: {  	_ = 	snop  }
0x3c: {  	p2 =	seq.s32 s10, $0x1;
	s10 =	sld [smem:$0x3FB5]  }
0x3d: {  	_ =	shalt  }
0x3e: {  	_ =	shalt  }
0x3f: {  	_ =	shalt  }
0x40: {  	_ =	shalt  }
0x41: {  	_ =	shalt  }
0x42: {  	_ =	shalt  }
0x43: {  	_ =	shalt  }
0x44: {  	_ =	shalt  }
0x45: {  	_ =	shalt  }
0x46: {  	_ =	shalt  }
0x47: {  	_ =	shalt  }
0x48: {  	_ =	shalt  }
0x49: {  	_ =	shalt  }
0x4a: {  	_ =	shalt  }
0x4b: {  	_ =	shalt  }
0x4c: {  	_ =	shalt  }
0x4d: {  	_ =	shalt  }
0x4e: {  	_ =	shalt  }
0x4f: {  	_ =	shalt  }
0x50: {  	_ =	shalt  }
0x51: {  	_ =	shalt  }
0x52: {  	_ =	shalt  }
0x53: {  	_ =	shalt  }
0x54: {  	_ =	shalt  }
0x55: {  	_ =	shalt  }
0x56: {  	_ =	shalt  }
0x57: {  	_ =	shalt  }
0x58: {  	_ =	shalt  }
0x59: {  	_ =	shalt  }
0x5a: {  	_ =	shalt  }
0x5b: {  	_ =	shalt  }
0x5c: {  	_ =	shalt  }
0x5d: {  	_ =	shalt  }
0x5e: {  	_ =	shalt  }
0x5f: {  	_ =	shalt  }
0x60: {  	_ =	shalt  }
0x61: {  	_ =	shalt  }
0x62: {  	_ =	shalt  }
0x63: {  	_ =	shalt  }
0x64: {  	_ =	shalt  }
0x65: {  	_ =	shalt  }
0x66: {  	_ =	shalt  }
0x67: {  	_ =	shalt  }
0x68: {  	_ =	shalt  }
0x69: {  	_ =	shalt  }
0x6a: {  	_ =	shalt  }
0x6b: {  	_ =	shalt  }
0x6c: {  	_ =	shalt  }
0x6d: {  	_ =	shalt  }
0x6e: {  	_ =	shalt  }
0x6f: {  	_ =	shalt  }
0x70: {  	_ =	shalt  }
0x71: {  	_ =	shalt  }
0x72: {  	_ =	shalt  }
0x73: {  	_ =	shalt  }
0x74: {  	_ =	shalt  }
0x75: {  	_ =	shalt  }
0x76: {  	_ =	shalt  }
0x77: {  	_ =	shalt  }
0x78: {  	_ =	shalt  }
0x79: {  	_ =	shalt  }
0x7a: {  	_ =	shalt  }
0x7b: {  	_ =	shalt  }
0x7c: {  	_ =	shalt  }
0x7d: {  	_ =	shalt  }
0x7e: {  	_ =	shalt  }
0x7f: {  	_ =	shalt  }
0x80: {  	_ =	shalt  }
0x81: {  	_ =	shalt  }
0x82: {  	_ =	shalt  }
0x83: {  	_ =	shalt  }
0x84: {  	_ =	shalt  }
0x85: {  	_ =	shalt  }
0x86: {  	_ =	shalt  }
0x87: {  	_ =	shalt  }
.Lfunc_end0:
.L_simem_size_0:
called_computation.1_lowered:
.L_overlay_start_0:
0x88: {  	s2 =	sld [smem:$0x3FD9]  }
0x89: {  	s3 =	sld [smem:$0x3FFE];
	_ =	sdelay $0x1  }
0x8a: {  	s1 =	srdreg.scid  }
0x8b: {  	s0 =	sand.u32 $0x1, s1  }
0x8c: {  	s17 =	sshll.u32 s0, $0xA;
	s2 =	sadd.s32 s3, s2  }
0x8d: {  	s2 =	sadd.s32 s2, s17  }
0x8e: {  	[smem:$0x3FC1] =	sst s2  }
0x8f: {  	_ = 	snop  }
0x90: {  	s2 =	sld [smem:$0x3FD0];
	(tm) =	ssettm $0x1  }
0x91: {  	s18 =	sld [smem:$0x3FFB];
	_ =	sdelay $0x3  }
0x92: {  	_ =	strace s18  }
0x93: {  	s3 =	sld [smem:$0x3FFC];
	_ =	sdelay $0x3  }
0x94: {  	_ =	strace s3  }
0x95: {  	s3 =	sld [smem:$0x3FFD];
	_ =	sdelay $0x3  }
0x96: {  	_ =	strace s3  }
0x97: {  	_ =	strace $0x8FFFFFFF  }
0x98: {  	s19 =	sld [smem:$0x3FDB];
	_ =	sdelay $0x1  }
0x99: {  	s4 =	simm.s32 $_scs_section_size  }
0x9a: {  	s5 =	simm.s32 $_size__tile_overlayer_lowered;
	s6 =	simm.s32 $_tile_overlayer_lowered  }
0x9b: {  	s22 =	simm.s32 $0x1BFF;
	s21 =	sshll.u32 s6, $0x1;
	s3 =	sadd.s32 s4, s19  }
0x9c: {  	s7 =	simm.s32 $0x0;
	s20 =	sshll.u32 s5, $0x1;
	s5 =	sadd.s32 s21, s3  }
0x9d: {  	[timem:s7], [sflag:s22] =	dma.local [hbm:s5], s20  }
0x9e: {  	_ =	swait.ge [sflag:s22], s20  }
0x9f: {  	s4 =	ssub.s32 $0x0, s20;
	[sflag:s22] =	ssyncset.done $0x0  }
0xa0: {  	[sflag:s22] =	ssyncadd.s32 s4;
	_ =	sdelay $0x1  }
0xa1: {  	s23 =	simm.s32 $0x1B8B  }
0xa2: {  	_ =	swait.ge [sflag:s23], $0x1  }
0xa3: {  	[sflag:s23] =	ssyncset.done $0x0  }
0xa4: {  	s25 =	simm.s32 $0x1B8E;
	s24 =	sld [smem:$0x3FFE];
	[sflag:s23] =	ssyncadd.s32 $0xFFFFFFFF  }
0xa5: {  	s26 =	simm.s32 $execute0_lowered;
	[smem:$0x3FD2] =	sst s25  }
0xa6: {  	s5 =	sshll.u32 s26, $0x1;
	_ =	strace $0x80000049;
	[dreg:$0x1] =	wrdreg $0xFFFFFFFF  }
0xa7: {  	s28 =	simm.s32 $_size_execute0_lowered;
	s3 =	sadd.s32 s3, s5;
	[dreg:$0x0] =	wrdreg $0x0  }
0xa8: {  	s5 =	sshll.u32 s28, $0x1;
	[dreg:$0x2] =	wrdreg s3  }
0xa9: {  	[dreg:$0x3] =	wrdreg s5  }
0xaa: {  	[dreg:$0x4] =	wrdreg $0xC0  }
0xab: {  	_ =	task [dreg:s7], $0x5FFFF  }
0xac: {  	[dreg:$0x1] =	wrdreg $0xFFFFFFFF  }
0xad: {  	[dreg:$0x0] =	wrdreg $0x60  }
0xae: {  	[dreg:$0x2] =	wrdreg s24  }
0xaf: {  	[dreg:$0x3] =	wrdreg s2  }
0xb0: {  	[dreg:$0x4] =	wrdreg $0x82000  }
0xb1: {  	[dreg:$0x5] =	wrdreg $0x9  }
0xb2: {  	_ =	task.clear_ibuf [dreg:s7], $0x6FFFF;
	_ =	strace $0x90000049  }
0xb3: {  	s29 =	simm.s32 $0x9;
	_ =	strace $0x8000004B  }
0xb4: {  	_ =	swait.ge [sflag:s29], $0x1  }
0xb5: {  	[sflag:s29] =	ssyncadd.s32 $0xFFFFFFFF  }
0xb6: {  	_ =	strace $0x9000004B  }
0xb7: {  	_ =	sfence  }
0xb8: {  	s30 =	sld [smem:$0x0];
	_ =	sdelay $0x2  }
0xb9: {  	s31 =	sshll.u32 s1, $0xD;
	s1 =	sshrl.u32 s1, $0x2  }
0xba: {  	s3 =	sand.u32 $0x4000, s31;
	s1 =	sadd.s32 s1, s30  }
0xbb: {  	s0 =	sor.u32 s3, s0;
	s1 =	sshll.u32 s1, $0x11  }
0xbc: {  	s0 =	sor.u32 s1, s0  }
0xbd: {  	s0 =	sadd.s32 $0x8F2B, s0  }
0xbe: {  	[sflag:s0] =	ssyncadd.remote.s32 $0x1  }
0xbf: {  	_ =	sfence.sel $0xFFFF  }
0xc0: {  	[dreg:$0x0] =	wrdreg $0xFFFFFFFF;
	(pc) =	sbr.abs _section_cstart, $3  }
0xc1: {  	[dreg:$0x1] =	wrdreg $0xFFFFFFFF  }
0xc2: {  	_ =	task.clear_ibuf [dreg:s7], $0x2FFFF;
	_ =	strace $0x9FFFFFFF  }
0xc3: {  	(tm) =	ssettm $0x7FFFFFFF  }
tec
execute0_lowered:
.L_overlay_start_1:
0x0: {  	(tag) =	ssettag $0x1  }
0x1: {  	s0 =	rddreg [dreg:$0x0]  }
0x2: {  	s1 =	rddreg [dreg:$0x1]  }
0x3: {  	s2 =	rddreg [dreg:$0x2];
	s3 =	srdreg.scid  }
0x4: {  	s4 =	simm.s32 $0x0;
	s9 =	stileid.u32;
	s28 =	simm.s32 $0x5  }
0x5: {  	s29 =	simm.s32 $0x2;
	s30 =	simm.s32 $0x3;
	s31 =	simm.s32 $0x4200  }
0x6: {  	s12 =	simm.s32 $0x8;
	s14 =	simm.s32 $0x0;
	s7 =	smul.u32 $0x14000, s9  }
0x7: {  	s3 =	sand.u32 $0x1, s3;
	s8 =	sshll.u32 s9, $0x1;
	s9 =	smul.u32 $0x50000, s9  }
0x8: {  	[smem:$0x7FF] =	sst s4;
	s5 =	sadd.s32 $0xC200, s0;
	s6 =	smul.u32 $0x140000, s3  }
0x9: {  	_ =	strace $0x8000004A;
	s15 =	sor.u32 s3, s8;
	s3 =	ssub.s32 $0x2, s3  }
0xa: {  	s16 =	sshrl.u32 s9, $0x2;
	s17 =	sshrl.u32 s3, $0x1;
	s7 =	sadd.s32 s7, s6  }
0xb: {  	s6 =	sadd.s32 $0x2200, s0;
	s8 =	sadd.s32 s16, s2;
	s3 =	ssub.s32 s3, s17  }
0xc: {  	s10 =	sshrl.u32 s7, $0x3;
	s7 =	smul.u32 $0x2800, s15;
	s18 =	sadd.s32 $0x4000, s8  }
0xd: {  	s20 =	sadd.s32 $0x8000, s8;
	s21 =	sadd.s32 $0xC000, s8;
	[dreg:$0x4] =	wrdreg s18  }
0xe: {  	s11 =	sadd.s32 $0x10000, s8;
	[dreg:$0x5] =	wrdreg s20;
	s19 =	sshrl.u32 s7, $0x3  }
0xf: {  	s0 =	sadd.s32 s10, s0;
	[dreg:$0x6] =	wrdreg s21;
	s22 =	sor.u32 $0x10, s19  }
0x10: {  	[dreg:$0x7] =	wrdreg s11;
	s11 =	simm.s32 $0x200;
	s23 =	sadd.s32 s6, s22  }
0x11: {  	s13 =	sadd.s32 s6, s19;
	s10 =	sadd.s32 s1, s22;
	[dreg:$0x8] =	wrdreg s23  }
0x12: {  	s15 =	sadd.s32 s1, s19;
	s24 =	sadd.s32 $0x20, s13;
	[dreg:$0x9] =	wrdreg s10  }
0x13: {  	s9 =	sadd.s32 $0x4F0, s19;
	s25 =	sadd.s32 $0x4E0, s15;
	[dreg:$0xa] =	wrdreg s24  }
0x14: {  	s21 =	sadd.s32 $0x34200, s0;
	s26 =	sadd.s32 s6, s9;
	[dreg:$0xb] =	wrdreg s25  }
0x15: {  	s0 =	simm.s32 $0x180;
	s9 =	sadd.s32 s1, s9;
	[dreg:$0xc] =	wrdreg s26  }
0x16: {  	s22 =	smax.u32 s3, $0x1;
	s3 =	simm.s32 $0x6;
	[dreg:$0xd] =	wrdreg s9  }
0x17: {  	s23 =	simm.s32 $0x9;
	s24 =	simm.s32 $0x80;
	s25 =	simm.s32 $0x100  }
0x18: {  	v0 =	vimm.f32 $0.0e+00;
	s26 =	simm.s32 $0x1;
	s9 =	simm.s32 $0x4;
	s10 =	simm.s32 $0x7  }
.LBB2_1:
0x19: {  	s16 =	sand.u32 $0xFE00, s4  }
0x1a: {  	s17 =	sand.u32 $0x70, s4;
	s18 =	sshrl.u32 s16, $0x2  }
0x1b: {  	s16 =	simm.s32 $0x40;
	s18 =	sor.u32 s17, s18;
	s17 =	simm.s32 $0x0  }
.LBB2_2:
0x1c: {  	p0 =	sne.s32 s16, $0xFFC0  }
0x1d: {  	[tilespmem:s18+$0x200] =	vst v0;
	s17 =	sadd.s32 $0x10, s17;
	s18 =	smov.u32 s16;
	s16 =	sadd.s32 $0x40, s16  }
.Ltmp0:
0x1e: {  	(pc) =	sbr.rel @p0 .LBB2_2-.Ltmp0, $4  }
0x1f: {  	_ = 	snop  }
0x20: {  	s18 =	sand.u32 $0xFE00, s18  }
0x21: {  	s19 =	sand.u32 $0x70, s17;
	s18 =	sshrl.u32 s18, $0x2  }
0x22: {  	s18 =	sor.u32 s19, s18  }
0x23: {  	[tilespmem:s18+$0x200] =	vst v0;
	s16 =	simm.s32 $0x200  }
0x24: {  	[spmem:s8] =	stream.linear.scatter [tilespmem:s16], [sflag:$0x9], $0x4000, $0x38;
	[tilespmem:$0x1C200] =	vst v63  }
0x25: {  	_ =	swait.ge [sflag:s23], $0x4000  }
0x26: {  	[sflag:s23] =	ssyncset.done $0x0  }
0x27: {  	s17 =	rddreg [dreg:$0x4];
	[sflag:s23] =	ssyncadd.s32 $0xFFFFC000  }
0x28: {  	[spmem:s17] =	stream.linear.scatter [tilespmem:s16], [sflag:$0x9], $0x4000, $0x38;
	[tilespmem:$0x1C200] =	vst v63  }
0x29: {  	_ =	swait.ge [sflag:s23], $0x4000  }
0x2a: {  	[sflag:s23] =	ssyncset.done $0x0  }
0x2b: {  	s20 =	rddreg [dreg:$0x5];
	[sflag:s23] =	ssyncadd.s32 $0xFFFFC000  }
0x2c: {  	[spmem:s20] =	stream.linear.scatter [tilespmem:s16], [sflag:$0x9], $0x4000, $0x38;
	[tilespmem:$0x1C200] =	vst v63  }
0x2d: {  	_ =	swait.ge [sflag:s23], $0x4000  }
0x2e: {  	[sflag:s23] =	ssyncset.done $0x0  }
0x2f: {  	s18 =	rddreg [dreg:$0x6];
	[sflag:s23] =	ssyncadd.s32 $0xFFFFC000  }
0x30: {  	[spmem:s18] =	stream.linear.scatter [tilespmem:s16], [sflag:$0x9], $0x4000, $0x38;
	[tilespmem:$0x1C200] =	vst v63  }
0x31: {  	_ =	swait.ge [sflag:s23], $0x4000  }
0x32: {  	[sflag:s23] =	ssyncset.done $0x0  }
0x33: {  	s19 =	rddreg [dreg:$0x7];
	[sflag:s23] =	ssyncadd.s32 $0xFFFFC000  }
0x34: {  	[spmem:s19] =	stream.linear.scatter [tilespmem:s16], [sflag:$0x9], $0x4000, $0x38;
	[tilespmem:$0x1C200] =	vst v63  }
0x35: {  	_ =	swait.ge [sflag:s23], $0x4000  }
0x36: {  	[sflag:s23] =	ssyncset.done $0x0  }
0x37: {  	[sflag:s23] =	ssyncadd.s32 $0xFFFFC000  }
0x38: {  	[bflag:$0x0] =	sbarrier.arrive $0xFFFF  }
0x39: {  	[tilespmem:s4], [sflag:$0x1] =	stream.linear.gather [hbm4b:s13+s4], $0x80, $0x38;
	[tilespmem:$0x1C200] =	vst v63  }
0x3a: {  	s20 =	rddreg [dreg:$0x8]  }
0x3b: {  	[tilespmem:s24], [sflag:$0x2] =	stream.linear.gather [hbm4b:s20+s4], $0x80, $0x38;
	[tilespmem:$0x1C200] =	vst v63  }
0x3c: {  	_ = 	snop  }
0x3d: {  	[tilespmem:s25], [sflag:$0x3] =	stream.linear.gather [hbm4b:s15+s4], $0x80, $0x38;
	[tilespmem:$0x1C200] =	vst v63  }
0x3e: {  	_ =	swait.ge [sflag:s26], $0x80  }
0x3f: {  	[sflag:s26] =	ssyncset.done $0x0  }
0x40: {  	[sflag:s26] =	ssyncadd.s32 $0xFFFFFF80  }
0x41: {  	[tilespmem:s16], [sflag:$0x5] =	stream.indirect.gather [hbm4b:s5+s24], $0x80, s4, s24, $0xb8;
	[tilespmem:$0x1C200] =	vst v63  }
0x42: {  	_ =	swait.ge [sflag:s28], $0x4000  }
0x43: {  	[sflag:s28] =	ssyncset.done $0x0  }
0x44: {  	[sflag:s28] =	ssyncadd.s32 $0xFFFFC000  }
0x45: {  	_ =	swait.ge [sflag:s29], $0x80  }
0x46: {  	[sflag:s29] =	ssyncset.done $0x0  }
0x47: {  	[sflag:s29] =	ssyncadd.s32 $0xFFFFFF80  }
0x48: {  	_ =	swait.ge [sflag:s30], $0x80  }
0x49: {  	[sflag:s30] =	ssyncset.done $0x0  }
0x4a: {  	[sflag:s30] =	ssyncadd.s32 $0xFFFFFF80  }
0x4b: {  	[spmem:s2] =	stream.indirect.scatter.add.f32 [tilespmem:s16], [sflag:$0x7], $0x80, s25, s24, $0xb8;
	[tilespmem:$0x1C200] =	vst v63  }
0x4c: {  	_ = 	snop  }
0x4d: {  	[tilespmem:s31], [sflag:$0x6] =	stream.indirect.gather [hbm4b:s5+s24], $0x80, s24, s24, $0xb8;
	[tilespmem:$0x1C200] =	vst v63  }
0x4e: {  	s18 =	rddreg [dreg:$0x9]  }
0x4f: {  	[tilespmem:s0], [sflag:$0x4] =	stream.linear.gather [hbm4b:s18+s4], $0x80, $0x38;
	[tilespmem:$0x1C200] =	vst v63  }
0x50: {  	s19 =	rddreg [dreg:$0xa]  }
0x51: {  	[tilespmem:s4], [sflag:$0x1] =	stream.linear.gather [hbm4b:s19+s4], $0x80, $0x38;
	[tilespmem:$0x1C200] =	vst v63  }
0x52: {  	_ =	swait.ge [sflag:s3], $0x4000  }
0x53: {  	[sflag:s3] =	ssyncset.done $0x0  }
0x54: {  	[sflag:s3] =	ssyncadd.s32 $0xFFFFC000  }
0x55: {  	_ =	swait.ge [sflag:s26], $0x80  }
0x56: {  	[sflag:s26] =	ssyncset.done $0x0  }
0x57: {  	[sflag:s26] =	ssyncadd.s32 $0xFFFFFF80  }
0x58: {  	s17 =	simm.s32 $0x100;
	_ =	swait.ge [sflag:s9], $0x80  }
0x59: {  	s20 =	sand.u32 $0x7C00, s17;
	s17 =	sand.u32 $0x300, s17;
	[sflag:s9] =	ssyncset.done $0x0  }
0x5a: {  	s18 =	sadd.s32 s7, s20;
	s19 =	simm.s32 $0x180;
	[sflag:s9] =	ssyncadd.s32 $0xFFFFFF80  }
0x5b: {  	[spmem:s2] =	stream.indirect.scatter.add.f32 [tilespmem:s31], [sflag:$0x8], $0x80, s0, s24, $0xb8;
	[tilespmem:$0x1C200] =	vst v63  }
0x5c: {  	s17 =	sor.u32 s17, s18;
	s20 =	sand.u32 $0x7C00, s19;
	_ =	swait.ge [sflag:s10], $0x4000  }
0x5d: {  	s19 =	sand.u32 $0x380, s19;
	s18 =	sadd.s32 s7, s20;
	[sflag:s10] =	ssyncset.done $0x0  }
0x5e: {  	s17 =	sshrl.u32 s17, $0x3;
	s18 =	sor.u32 s19, s18;
	[sflag:s10] =	ssyncadd.s32 $0xFFFFC000  }
0x5f: {  	[tilespmem:s11], [sflag:$0x5] =	stream.indirect.gather [hbm4b:s5+s24], $0x80, s4, s24, $0xb8;
	[tilespmem:$0x1C200] =	vst v63  }
0x60: {  	s17 =	sadd.s32 s1, s17;
	s18 =	sshrl.u32 s18, $0x3  }
0x61: {  	[tilespmem:s25], [sflag:$0x3] =	stream.linear.gather [hbm4b:s17+s4], $0x80, $0x38;
	[tilespmem:$0x1C200] =	vst v63  }
0x62: {  	s19 =	sadd.s32 s6, s18  }
0x63: {  	[tilespmem:s24], [sflag:$0x2] =	stream.linear.gather [hbm4b:s19+s4], $0x80, $0x38;
	[tilespmem:$0x1C200] =	vst v63  }
0x64: {  	_ =	swait.ge [sflag:s28], $0x4000  }
0x65: {  	[sflag:s28] =	ssyncset.done $0x0  }
0x66: {  	[sflag:s28] =	ssyncadd.s32 $0xFFFFC000  }
0x67: {  	_ =	swait.ge [sflag:s29], $0x80  }
0x68: {  	[sflag:s29] =	ssyncset.done $0x0  }
0x69: {  	[sflag:s29] =	ssyncadd.s32 $0xFFFFFF80  }
0x6a: {  	_ =	swait.ge [sflag:s30], $0x80  }
0x6b: {  	[sflag:s30] =	ssyncset.done $0x0  }
0x6c: {  	[sflag:s30] =	ssyncadd.s32 $0xFFFFFF80  }
0x6d: {  	[spmem:s2] =	stream.indirect.scatter.add.f32 [tilespmem:s11], [sflag:$0x7], $0x80, s25, s24, $0xb8;
	[tilespmem:$0x1C200] =	vst v63  }
0x6e: {  	s20 =	sand.u32 $0x7C00, s16;
	s16 =	sand.u32 $0x300, s16;
	_ =	swait.ge [sflag:s12], $0x4000  }
0x6f: {  	s18 =	sadd.s32 s1, s18;
	s17 =	sadd.s32 s7, s20;
	[sflag:s12] =	ssyncset.done $0x0  }
0x70: {  	s17 =	sor.u32 s16, s17;
	s16 =	simm.s32 $0x300;
	[sflag:s12] =	ssyncadd.s32 $0xFFFFC000  }
0x71: {  	[tilespmem:s31], [sflag:$0x6] =	stream.indirect.gather [hbm4b:s5+s24], $0x80, s24, s24, $0xb8;
	[tilespmem:$0x1C200] =	vst v63  }
.LBB2_4:
0x72: {  	p0 =	sne.s32 s16, $0x2700  }
0x73: {  	s19 =	sshrl.u32 s17, $0x3;
	s17 =	smov.u32 s16;
	s16 =	sadd.s32 $0x100, s16  }
0x74: {  	[tilespmem:s0], [sflag:$0x4] =	stream.linear.gather [hbm4b:s18+s4], $0x80, $0x38;
	[tilespmem:$0x1C200] =	vst v63  }
0x75: {  	s18 =	sadd.s32 s6, s19  }
0x76: {  	[tilespmem:s4], [sflag:$0x1] =	stream.linear.gather [hbm4b:s18+s4], $0x80, $0x38;
	[tilespmem:$0x1C200] =	vst v63  }
0x77: {  	_ =	swait.ge [sflag:s3], $0x4000  }
0x78: {  	[sflag:s3] =	ssyncset.done $0x0  }
0x79: {  	[sflag:s3] =	ssyncadd.s32 $0xFFFFC000  }
0x7a: {  	_ =	swait.ge [sflag:s26], $0x80  }
0x7b: {  	[sflag:s26] =	ssyncset.done $0x0  }
0x7c: {  	[sflag:s26] =	ssyncadd.s32 $0xFFFFFF80  }
0x7d: {  	s18 =	sadd.s32 $0xFFFFFF00, s17;
	_ =	swait.ge [sflag:s9], $0x80  }
0x7e: {  	s20 =	sadd.s32 $0xFFFFFF80, s17;
	s19 =	sand.u32 $0x7C00, s18;
	[sflag:s9] =	ssyncset.done $0x0  }
0x7f: {  	s18 =	sand.u32 $0x300, s18;
	s19 =	sadd.s32 s7, s19;
	[sflag:s9] =	ssyncadd.s32 $0xFFFFFF80  }
0x80: {  	[spmem:s2] =	stream.indirect.scatter.add.f32 [tilespmem:s31], [sflag:$0x8], $0x80, s0, s24, $0xb8;
	[tilespmem:$0x1C200] =	vst v63  }
0x81: {  	s18 =	sor.u32 s18, s19;
	s19 =	sand.u32 $0x7C00, s20;
	_ =	swait.ge [sflag:s10], $0x4000  }
0x82: {  	s20 =	sand.u32 $0x380, s20;
	s19 =	sadd.s32 s7, s19;
	[sflag:s10] =	ssyncset.done $0x0  }
0x83: {  	s19 =	sor.u32 s20, s19;
	[sflag:s10] =	ssyncadd.s32 $0xFFFFC000  }
0x84: {  	s18 =	sshrl.u32 s18, $0x3  }
0x85: {  	[tilespmem:s11], [sflag:$0x5] =	stream.indirect.gather [hbm4b:s5+s24], $0x80, s4, s24, $0xb8;
	[tilespmem:$0x1C200] =	vst v63  }
0x86: {  	s18 =	sadd.s32 s1, s18;
	s19 =	sshrl.u32 s19, $0x3  }
0x87: {  	[tilespmem:s25], [sflag:$0x3] =	stream.linear.gather [hbm4b:s18+s4], $0x80, $0x38;
	[tilespmem:$0x1C200] =	vst v63  }
0x88: {  	s18 =	sadd.s32 s6, s19  }
0x89: {  	[tilespmem:s24], [sflag:$0x2] =	stream.linear.gather [hbm4b:s18+s4], $0x80, $0x38;
	[tilespmem:$0x1C200] =	vst v63  }
0x8a: {  	_ =	swait.ge [sflag:s28], $0x4000  }
0x8b: {  	[sflag:s28] =	ssyncset.done $0x0  }
0x8c: {  	[sflag:s28] =	ssyncadd.s32 $0xFFFFC000  }
0x8d: {  	_ =	swait.ge [sflag:s29], $0x80  }
0x8e: {  	[sflag:s29] =	ssyncset.done $0x0  }
0x8f: {  	[sflag:s29] =	ssyncadd.s32 $0xFFFFFF80  }
0x90: {  	_ =	swait.ge [sflag:s30], $0x80  }
0x91: {  	[sflag:s30] =	ssyncset.done $0x0  }
0x92: {  	[sflag:s30] =	ssyncadd.s32 $0xFFFFFF80  }
0x93: {  	[spmem:s2] =	stream.indirect.scatter.add.f32 [tilespmem:s11], [sflag:$0x7], $0x80, s25, s24, $0xb8;
	[tilespmem:$0x1C200] =	vst v63  }
.Ltmp1:
0x94: {  	_ = 	snop;
	(pc) =	sbr.rel @p0 .LBB2_4-.Ltmp1, $4  }
0x95: {  	s20 =	sand.u32 $0x7C00, s17;
	s17 =	sand.u32 $0x300, s17;
	_ =	swait.ge [sflag:s12], $0x4000  }
0x96: {  	s18 =	sadd.s32 s1, s19;
	s19 =	sadd.s32 s7, s20;
	[sflag:s12] =	ssyncset.done $0x0  }
0x97: {  	s17 =	sor.u32 s17, s19;
	[sflag:s12] =	ssyncadd.s32 $0xFFFFC000  }
0x98: {  	[tilespmem:s31], [sflag:$0x6] =	stream.indirect.gather [hbm4b:s5+s24], $0x80, s24, s24, $0xb8;
	[tilespmem:$0x1C200] =	vst v63  }
0x99: {  	s16 =	sshrl.u32 s17, $0x3  }
0x9a: {  	[tilespmem:s0], [sflag:$0x4] =	stream.linear.gather [hbm4b:s18+s4], $0x80, $0x38;
	[tilespmem:$0x1C200] =	vst v63  }
0x9b: {  	s16 =	sadd.s32 s6, s16  }
0x9c: {  	[tilespmem:s4], [sflag:$0x1] =	stream.linear.gather [hbm4b:s16+s4], $0x80, $0x38;
	[tilespmem:$0x1C200] =	vst v63  }
0x9d: {  	_ =	swait.ge [sflag:s3], $0x4000  }
0x9e: {  	[sflag:s3] =	ssyncset.done $0x0  }
0x9f: {  	[sflag:s3] =	ssyncadd.s32 $0xFFFFC000  }
0xa0: {  	_ =	swait.ge [sflag:s26], $0x80  }
0xa1: {  	[sflag:s26] =	ssyncset.done $0x0  }
0xa2: {  	[sflag:s26] =	ssyncadd.s32 $0xFFFFFF80  }
0xa3: {  	_ =	swait.ge [sflag:s9], $0x80  }
0xa4: {  	[sflag:s9] =	ssyncset.done $0x0  }
0xa5: {  	[sflag:s9] =	ssyncadd.s32 $0xFFFFFF80  }
0xa6: {  	[spmem:s2] =	stream.indirect.scatter.add.f32 [tilespmem:s31], [sflag:$0x8], $0x80, s0, s24, $0xb8;
	[tilespmem:$0x1C200] =	vst v63  }
0xa7: {  	_ =	swait.ge [sflag:s10], $0x4000  }
0xa8: {  	[sflag:s10] =	ssyncset.done $0x0  }
0xa9: {  	[sflag:s10] =	ssyncadd.s32 $0xFFFFC000  }
0xaa: {  	[tilespmem:s11], [sflag:$0x5] =	stream.indirect.gather [hbm4b:s5+s24], $0x80, s4, s24, $0xb8;
	[tilespmem:$0x1C200] =	vst v63  }
0xab: {  	s20 =	rddreg [dreg:$0xb]  }
0xac: {  	[tilespmem:s25], [sflag:$0x3] =	stream.linear.gather [hbm4b:s20+s4], $0x80, $0x38;
	[tilespmem:$0x1C200] =	vst v63  }
0xad: {  	s17 =	rddreg [dreg:$0xc]  }
0xae: {  	[tilespmem:s24], [sflag:$0x2] =	stream.linear.gather [hbm4b:s17+s4], $0x80, $0x38;
	[tilespmem:$0x1C200] =	vst v63  }
0xaf: {  	_ =	swait.ge [sflag:s28], $0x4000  }
0xb0: {  	[sflag:s28] =	ssyncset.done $0x0  }
0xb1: {  	[sflag:s28] =	ssyncadd.s32 $0xFFFFC000  }
0xb2: {  	_ =	swait.ge [sflag:s29], $0x80  }
0xb3: {  	[sflag:s29] =	ssyncset.done $0x0  }
0xb4: {  	[sflag:s29] =	ssyncadd.s32 $0xFFFFFF80  }
0xb5: {  	_ =	swait.ge [sflag:s30], $0x80  }
0xb6: {  	[sflag:s30] =	ssyncset.done $0x0  }
0xb7: {  	[sflag:s30] =	ssyncadd.s32 $0xFFFFFF80  }
0xb8: {  	[spmem:s2] =	stream.indirect.scatter.add.f32 [tilespmem:s11], [sflag:$0x7], $0x80, s25, s24, $0xb8;
	[tilespmem:$0x1C200] =	vst v63  }
0xb9: {  	_ =	swait.ge [sflag:s12], $0x4000  }
0xba: {  	[sflag:s12] =	ssyncset.done $0x0  }
0xbb: {  	[sflag:s12] =	ssyncadd.s32 $0xFFFFC000  }
0xbc: {  	[tilespmem:s31], [sflag:$0x6] =	stream.indirect.gather [hbm4b:s5+s24], $0x80, s24, s24, $0xb8;
	[tilespmem:$0x1C200] =	vst v63  }
0xbd: {  	s18 =	rddreg [dreg:$0xd]  }
0xbe: {  	[tilespmem:s0], [sflag:$0x4] =	stream.linear.gather [hbm4b:s18+s4], $0x80, $0x38;
	[tilespmem:$0x1C200] =	vst v63  }
0xbf: {  	_ =	swait.ge [sflag:s3], $0x4000  }
0xc0: {  	[sflag:s3] =	ssyncset.done $0x0  }
0xc1: {  	[sflag:s3] =	ssyncadd.s32 $0xFFFFC000  }
0xc2: {  	_ =	swait.ge [sflag:s9], $0x80  }
0xc3: {  	[sflag:s9] =	ssyncset.done $0x0  }
0xc4: {  	[sflag:s9] =	ssyncadd.s32 $0xFFFFFF80  }
0xc5: {  	[spmem:s2] =	stream.indirect.scatter.add.f32 [tilespmem:s31], [sflag:$0x8], $0x80, s0, s24, $0xb8;
	[tilespmem:$0x1C200] =	vst v63  }
0xc6: {  	_ =	swait.ge [sflag:s10], $0x4000  }
0xc7: {  	[sflag:s10] =	ssyncset.done $0x0  }
0xc8: {  	[sflag:s10] =	ssyncadd.s32 $0xFFFFC000  }
0xc9: {  	s19 =	stileid.u32;
	_ =	swait.ge [sflag:s12], $0x4000  }
0xca: {  	s14 =	sadd.s32 $0x1, s14;
	s16 =	sshll.u32 s19, $0x6;
	[sflag:s12] =	ssyncset.done $0x0  }
0xcb: {  	p0 =	sne.s32 s14, s22;
	s16 =	sor.u32 $0x1C09, s16;
	[sflag:s12] =	ssyncadd.s32 $0xFFFFC000  }
.Ltmp2:
0xcc: {  	s20 =	sshrl.u32 s8, $0x3;
	[bflag:$0x0] =	sbarrier.arrive $0xFFFF;
	(pc) =	sbr.rel @p0 .LBB2_1-.Ltmp2, $4  }
0xcd: {  	[hbm:s21], [sflag:s16] =	dma.local [spmem:s20], $0x2800  }
0xce: {  	_ =	swait.ge [sflag:s23], $0x2800  }
0xcf: {  	[sflag:s23] =	ssyncset.done $0x0  }
0xd0: {  	[sflag:s23] =	ssyncadd.s32 $0xFFFFD800  }
0xd1: {  	_ =	sfence.sel $0x180000  }
0xd2: {  	[bflag:$0x0] =	sbarrier.arrive $0xFFFF  }
0xd3: {  	_ =	strace $0x9000004A  }
0xd4: {  	s0 =	stileid.u32;
	[bflag:$0x2] =	sbarrier.arrive $0xFFFF  }
0xd5: {  	p0 =	sne.s32 s0, $0x0;
	s0 =	rddreg [dreg:$0x3]  }
0xd6: {  	s0 =	sadd.s32 @!p0 $0x100000, s0  }
0xd7: {  	[sflag:s0] =	ssyncadd.tile.s32 @!p0 $0x1;
	_ =	shalt  }
.Lfunc_end2:
_tile_overlayer_lowered:
.L_overlay_start_2:
0xd8: {  	(tag) =	ssettag $0x2  }
0xd9: {  	s0 =	rddreg [dreg:$0x0];
	s2 =	stileid.u32  }
0xda: {  	s1 =	rddreg [dreg:$0x1];
	p0 =	sne.s32 s2, $0x0  }
0xdb: {  	s3 =	rddreg [dreg:$0x2];
	[bflag:$0x3] =	sbarrier.arrive $0xFFFF;
	s2 =	simm.s32 @!p0 $0x1C09  }
0xdc: {  	[timem:s3], [sflag:s2] =	dma.local @!p0 [hbm:s0], s1  }
0xdd: {  	s0 =	simm.s32 @!p0 $0x9  }
0xde: {  	_ =	swait.ge @!p0 [sflag:s0], s1  }
0xdf: {  	s1 =	ssub.s32 @!p0 $0x0, s1;
	[sflag:s0] =	ssyncset.done @!p0 $0x0  }
0xe0: {  	[sflag:s0] =	ssyncadd.s32 @!p0 s1  }
0xe1: {  	[bflag:$0x3] =	sbarrier.arrive $0xFFFF  }
0xe2: {  	_ =	shalt  }

// kernel: kernel.14.cloned.1.call-start
scs
__scs_entry_jumppad:
0x0: {  	(pc) =	sbr.rel $0x88, $3  }
0x1: {  	(tag) =	ssettag $0x0;
	lr =	simm.s32 $0x1  }
0x2: {  	[smem:$0x3F9A] =	sst lr;
	_ =	strace $0xD0000000  }
0x3: {  	_ = 	snop  }
0x4: {  	_ = 	snop  }
0x5: {  	_ = 	snop  }
0x6: {  	_ = 	snop  }
0x7: {  	_ = 	snop  }
__scs_overlays_trampoline_lowered:
0x8: {  	[smem:$0x3FA9] =	sst s0  }
0x9: {  	[smem:$0x3FAA] =	sst s1  }
0xa: {  	[smem:$0x3FAB] =	sst s2  }
0xb: {  	[smem:$0x3FAC] =	sst s3  }
0xc: {  	[smem:$0x3FAD] =	sst s4  }
0xd: {  	[smem:$0x3FAE] =	sst s5  }
0xe: {  	[smem:$0x3FAF] =	sst s6  }
0xf: {  	[smem:$0x3FB0] =	sst s7  }
0x10: {  	[smem:$0x3FB1] =	sst s8  }
0x11: {  	[smem:$0x3FB2] =	sst s9;
	s0 =	simm.s32 @!p0 $0x0  }
0x12: {  	s1 =	sld [smem:$0x3F98];
	s0 =	simm.s32 @p0 $0x1  }
0x13: {  	[smem:$0x3FB3] =	sst s0;
	s0 =	simm.s32 @!p1 $0x0  }
0x14: {  	s2 =	sld [smem:$0x3F97];
	s0 =	simm.s32 @p1 $0x1  }
0x15: {  	[smem:$0x3FB4] =	sst s0;
	s0 =	simm.s32 @!p2 $0x0  }
0x16: {  	s3 =	sld [smem:$0x3FDB];
	s0 =	simm.s32 @p2 $0x1  }
0x17: {  	s4 =	simm.s32 $0x1BF5;
	[smem:$0x3FB6] =	sst s0  }
0x18: {  	s0 =	sld [smem:$0x3F99];
	_ =	swait.ge [sflag:s4], $0x0  }
0x19: {  	s7 =	sld [smem:$0x3F9A]  }
0x1a: {  	s8 =	sadd.s32 $0xFFFFE003, lr  }
0x1b: {  	s9 =	sadd.s32 $0xFFFFFEF7, lr;
	s5 =	simm.s32 $0xFFFFFFFF;
	p2 =	slt.u32 s8, $0xFFFFF086  }
0x1c: {  	p1 =	slt.u32 s9, $0xF7A;
	s5 =	simm.s32 @!p2 $0x0  }
0x1d: {  	s5 =	simm.s32 @p1 $0x1;
	p0 =	seq.s32 s7, s2  }
0x1e: {  	s7 =	smul.u32 @!p0 $0xF7A, s2;
	p2 =	seq.s32 @!p0 s5, $0x0  }
0x1f: {  	s9 =	smul.u32 $0xF7A, s1;
	s8 =	simm.s32 @!p0 $0x1BF5;
	p2 =	por !p2, p0  }
0x20: {  	[sflag:s8] =	ssyncset.s32 @!p0 $0xFFFFF086;
	s6 =	sadd.s32 @!p0 s3, s7;
	s7 =	simm.s32 @!p0 $0x108  }
0x21: {  	s3 =	sadd.s32 s3, s9;
	s6 =	sadd.s32 @!p0 $0x88, s6;
	s7 =	simm.s32 @p2 $0x1082  }
0x22: {  	[simem:s7], [sflag:s8] =	dma.local @!p0 [hbm:s6], $0xF7A  }
0x23: {  	s9 =	sor.u32 $0xD0000000, s2;
	s6 =	simm.s32 $0x108;
	_ =	swait.ge @!p0 [sflag:s8], $0x0  }
0x24: {  	s3 =	sadd.s32 $0x88, s3;
	s6 =	simm.s32 @!p1 $0x1082;
	[sflag:s4] =	ssyncset.s32 $0xFFFFF086  }
0x25: {  	[simem:s6], [sflag:s4] =	dma.local [hbm:s3], $0xF7A  }
0x26: {  	[smem:$0x3F9A] =	sst s1;
	(tag) =	ssettag s2;
	_ =	strace s9  }
0x27: {  	s1 =	sld [smem:$0x3FAA]  }
0x28: {  	s2 =	sld [smem:$0x3FAB]  }
0x29: {  	s4 =	sld [smem:$0x3FAD]  }
0x2a: {  	p0 =	seq.s32 s5, $0x0;
	s5 =	sld [smem:$0x3FAE]  }
0x2b: {  	s6 =	sld [smem:$0x3FAF]  }
0x2c: {  	s7 =	sld [smem:$0x3FB0]  }
0x2d: {  	s3 =	simm.s32 $0x108;
	s8 =	sld [smem:$0x3FB1]  }
0x2e: {  	s3 =	simm.s32 @!p0 $0x1082;
	s9 =	sld [smem:$0x3FB2]  }
0x2f: {  	lr =	sadd.s32 s0, s3;
	s0 =	sld [smem:$0x3FA9]  }
0x30: {  	s3 =	sld [smem:$0x3FAC]  }
0x31: {  	[smem:$0x3FB5] =	sst s10  }
0x32: {  	s10 =	sld [smem:$0x3FB3];
	_ =	sdelay $0x3  }
0x33: {  	p0 =	seq.s32 s10, $0x1;
	s10 =	sld [smem:$0x3FB5];
	_ =	sdelay $0x3  }
0x34: {  	[smem:$0x3FB5] =	sst s10  }
0x35: {  	s10 =	sld [smem:$0x3FB4];
	_ =	sdelay $0x3  }
0x36: {  	p1 =	seq.s32 s10, $0x1;
	s10 =	sld [smem:$0x3FB5];
	_ =	sdelay $0x3  }
0x37: {  	[smem:$0x3FB5] =	sst s10  }
0x38: {  	s10 =	sld [smem:$0x3FB6]  }
0x39: {  	_ = 	snop;
	(pc) =	sbr.ind lr, $3  }
0x3a: {  	_ = 	snop  }
0x3b: {  	_ = 	snop  }
0x3c: {  	p2 =	seq.s32 s10, $0x1;
	s10 =	sld [smem:$0x3FB5]  }
0x3d: {  	_ =	shalt  }
0x3e: {  	_ =	shalt  }
0x3f: {  	_ =	shalt  }
0x40: {  	_ =	shalt  }
0x41: {  	_ =	shalt  }
0x42: {  	_ =	shalt  }
0x43: {  	_ =	shalt  }
0x44: {  	_ =	shalt  }
0x45: {  	_ =	shalt  }
0x46: {  	_ =	shalt  }
0x47: {  	_ =	shalt  }
0x48: {  	_ =	shalt  }
0x49: {  	_ =	shalt  }
0x4a: {  	_ =	shalt  }
0x4b: {  	_ =	shalt  }
0x4c: {  	_ =	shalt  }
0x4d: {  	_ =	shalt  }
0x4e: {  	_ =	shalt  }
0x4f: {  	_ =	shalt  }
0x50: {  	_ =	shalt  }
0x51: {  	_ =	shalt  }
0x52: {  	_ =	shalt  }
0x53: {  	_ =	shalt  }
0x54: {  	_ =	shalt  }
0x55: {  	_ =	shalt  }
0x56: {  	_ =	shalt  }
0x57: {  	_ =	shalt  }
0x58: {  	_ =	shalt  }
0x59: {  	_ =	shalt  }
0x5a: {  	_ =	shalt  }
0x5b: {  	_ =	shalt  }
0x5c: {  	_ =	shalt  }
0x5d: {  	_ =	shalt  }
0x5e: {  	_ =	shalt  }
0x5f: {  	_ =	shalt  }
0x60: {  	_ =	shalt  }
0x61: {  	_ =	shalt  }
0x62: {  	_ =	shalt  }
0x63: {  	_ =	shalt  }
0x64: {  	_ =	shalt  }
0x65: {  	_ =	shalt  }
0x66: {  	_ =	shalt  }
0x67: {  	_ =	shalt  }
0x68: {  	_ =	shalt  }
0x69: {  	_ =	shalt  }
0x6a: {  	_ =	shalt  }
0x6b: {  	_ =	shalt  }
0x6c: {  	_ =	shalt  }
0x6d: {  	_ =	shalt  }
0x6e: {  	_ =	shalt  }
0x6f: {  	_ =	shalt  }
0x70: {  	_ =	shalt  }
0x71: {  	_ =	shalt  }
0x72: {  	_ =	shalt  }
0x73: {  	_ =	shalt  }
0x74: {  	_ =	shalt  }
0x75: {  	_ =	shalt  }
0x76: {  	_ =	shalt  }
0x77: {  	_ =	shalt  }
0x78: {  	_ =	shalt  }
0x79: {  	_ =	shalt  }
0x7a: {  	_ =	shalt  }
0x7b: {  	_ =	shalt  }
0x7c: {  	_ =	shalt  }
0x7d: {  	_ =	shalt  }
0x7e: {  	_ =	shalt  }
0x7f: {  	_ =	shalt  }
0x80: {  	_ =	shalt  }
0x81: {  	_ =	shalt  }
0x82: {  	_ =	shalt  }
0x83: {  	_ =	shalt  }
0x84: {  	_ =	shalt  }
0x85: {  	_ =	shalt  }
0x86: {  	_ =	shalt  }
0x87: {  	_ =	shalt  }
.Lfunc_end0:
.L_simem_size_0:
called_computation.2_lowered:
.L_overlay_start_0:
0x88: {  	s2 =	sld [smem:$0x3FD9]  }
0x89: {  	s3 =	sld [smem:$0x3FFE];
	_ =	sdelay $0x1  }
0x8a: {  	s1 =	srdreg.scid  }
0x8b: {  	s0 =	sand.u32 $0x1, s1  }
0x8c: {  	s17 =	sshll.u32 s0, $0xA;
	s2 =	sadd.s32 s3, s2  }
0x8d: {  	s2 =	sadd.s32 s2, s17  }
0x8e: {  	[smem:$0x3FC1] =	sst s2  }
0x8f: {  	_ = 	snop  }
0x90: {  	s2 =	sld [smem:$0x3FD0];
	(tm) =	ssettm $0x1  }
0x91: {  	s18 =	sld [smem:$0x3FFB];
	_ =	sdelay $0x3  }
0x92: {  	_ =	strace s18  }
0x93: {  	s3 =	sld [smem:$0x3FFC];
	_ =	sdelay $0x3  }
0x94: {  	_ =	strace s3  }
0x95: {  	s3 =	sld [smem:$0x3FFD];
	_ =	sdelay $0x3  }
0x96: {  	_ =	strace s3  }
0x97: {  	_ =	strace $0x8FFFFFFF  }
0x98: {  	s19 =	sld [smem:$0x3FDB];
	_ =	sdelay $0x1  }
0x99: {  	s4 =	simm.s32 $_scs_section_size  }
0x9a: {  	s5 =	simm.s32 $_size__tile_overlayer_lowered;
	s6 =	simm.s32 $_tile_overlayer_lowered  }
0x9b: {  	s22 =	simm.s32 $0x1BFF;
	s21 =	sshll.u32 s6, $0x1;
	s3 =	sadd.s32 s4, s19  }
0x9c: {  	s7 =	simm.s32 $0x0;
	s20 =	sshll.u32 s5, $0x1;
	s5 =	sadd.s32 s21, s3  }
0x9d: {  	[timem:s7], [sflag:s22] =	dma.local [hbm:s5], s20  }
0x9e: {  	_ =	swait.ge [sflag:s22], s20  }
0x9f: {  	s4 =	ssub.s32 $0x0, s20;
	[sflag:s22] =	ssyncset.done $0x0  }
0xa0: {  	[sflag:s22] =	ssyncadd.s32 s4;
	_ =	sdelay $0x1  }
0xa1: {  	s23 =	simm.s32 $0x1B8B  }
0xa2: {  	_ =	swait.ge [sflag:s23], $0x1  }
0xa3: {  	[sflag:s23] =	ssyncset.done $0x0  }
0xa4: {  	s25 =	simm.s32 $0x1B8E;
	s24 =	sld [smem:$0x3FFE];
	[sflag:s23] =	ssyncadd.s32 $0xFFFFFFFF  }
0xa5: {  	s26 =	simm.s32 $execute0_lowered;
	[smem:$0x3FD2] =	sst s25  }
0xa6: {  	s5 =	sshll.u32 s26, $0x1;
	_ =	strace $0x8000004C;
	[dreg:$0x1] =	wrdreg $0xFFFFFFFF  }
0xa7: {  	s28 =	simm.s32 $_size_execute0_lowered;
	s3 =	sadd.s32 s3, s5;
	[dreg:$0x0] =	wrdreg $0x0  }
0xa8: {  	s5 =	sshll.u32 s28, $0x1;
	[dreg:$0x2] =	wrdreg s3  }
0xa9: {  	[dreg:$0x3] =	wrdreg s5  }
0xaa: {  	[dreg:$0x4] =	wrdreg $0xC0  }
0xab: {  	_ =	task [dreg:s7], $0x5FFFF  }
0xac: {  	[dreg:$0x1] =	wrdreg $0xFFFFFFFF  }
0xad: {  	[dreg:$0x0] =	wrdreg $0x60  }
0xae: {  	[dreg:$0x2] =	wrdreg s24  }
0xaf: {  	[dreg:$0x3] =	wrdreg s2  }
0xb0: {  	[dreg:$0x4] =	wrdreg $0x82000  }
0xb1: {  	[dreg:$0x5] =	wrdreg $0x9  }
0xb2: {  	_ =	task.clear_ibuf [dreg:s7], $0x6FFFF;
	_ =	strace $0x9000004C  }
0xb3: {  	s29 =	simm.s32 $0x9;
	_ =	strace $0x8000004E  }
0xb4: {  	_ =	swait.ge [sflag:s29], $0x1  }
0xb5: {  	[sflag:s29] =	ssyncadd.s32 $0xFFFFFFFF  }
0xb6: {  	_ =	strace $0x9000004E  }
0xb7: {  	_ =	sfence  }
0xb8: {  	s30 =	sld [smem:$0x0];
	_ =	sdelay $0x2  }
0xb9: {  	s31 =	sshll.u32 s1, $0xD;
	s1 =	sshrl.u32 s1, $0x2  }
0xba: {  	s3 =	sand.u32 $0x4000, s31;
	s1 =	sadd.s32 s1, s30  }
0xbb: {  	s0 =	sor.u32 s3, s0;
	s1 =	sshll.u32 s1, $0x11  }
0xbc: {  	s0 =	sor.u32 s1, s0  }
0xbd: {  	s0 =	sadd.s32 $0x8F2B, s0  }
0xbe: {  	[sflag:s0] =	ssyncadd.remote.s32 $0x1  }
0xbf: {  	_ =	sfence.sel $0xFFFF  }
0xc0: {  	[dreg:$0x0] =	wrdreg $0xFFFFFFFF;
	(pc) =	sbr.abs _section_cstart, $3  }
0xc1: {  	[dreg:$0x1] =	wrdreg $0xFFFFFFFF  }
0xc2: {  	_ =	task.clear_ibuf [dreg:s7], $0x2FFFF;
	_ =	strace $0x9FFFFFFF  }
0xc3: {  	(tm) =	ssettm $0x7FFFFFFF  }
tec
execute0_lowered:
.L_overlay_start_1:
0x0: {  	(tag) =	ssettag $0x1  }
0x1: {  	s0 =	rddreg [dreg:$0x0]  }
0x2: {  	s1 =	rddreg [dreg:$0x1]  }
0x3: {  	s2 =	rddreg [dreg:$0x2];
	s3 =	srdreg.scid  }
0x4: {  	s4 =	simm.s32 $0x0;
	s9 =	stileid.u32;
	s28 =	simm.s32 $0x5  }
0x5: {  	s29 =	simm.s32 $0x2;
	s30 =	simm.s32 $0x3;
	s31 =	simm.s32 $0x4200  }
0x6: {  	s12 =	simm.s32 $0x8;
	s14 =	simm.s32 $0x0;
	s7 =	smul.u32 $0x14000, s9  }
0x7: {  	s3 =	sand.u32 $0x1, s3;
	s8 =	sshll.u32 s9, $0x1;
	s9 =	smul.u32 $0x50000, s9  }
0x8: {  	[smem:$0x7FF] =	sst s4;
	s5 =	sadd.s32 $0xC200, s0;
	s6 =	smul.u32 $0x140000, s3  }
0x9: {  	_ =	strace $0x8000004D;
	s15 =	sor.u32 s3, s8;
	s3 =	ssub.s32 $0x2, s3  }
0xa: {  	s16 =	sshrl.u32 s9, $0x2;
	s17 =	sshrl.u32 s3, $0x1;
	s7 =	sadd.s32 s7, s6  }
0xb: {  	s6 =	sadd.s32 $0x2200, s0;
	s8 =	sadd.s32 s16, s2;
	s3 =	ssub.s32 s3, s17  }
0xc: {  	s10 =	sshrl.u32 s7, $0x3;
	s7 =	smul.u32 $0x2800, s15;
	s18 =	sadd.s32 $0x4000, s8  }
0xd: {  	s20 =	sadd.s32 $0x8000, s8;
	s21 =	sadd.s32 $0xC000, s8;
	[dreg:$0x4] =	wrdreg s18  }
0xe: {  	s11 =	sadd.s32 $0x10000, s8;
	[dreg:$0x5] =	wrdreg s20;
	s19 =	sshrl.u32 s7, $0x3  }
0xf: {  	s0 =	sadd.s32 s10, s0;
	[dreg:$0x6] =	wrdreg s21;
	s22 =	sor.u32 $0x10, s19  }
0x10: {  	[dreg:$0x7] =	wrdreg s11;
	s11 =	simm.s32 $0x200;
	s23 =	sadd.s32 s6, s22  }
0x11: {  	s13 =	sadd.s32 s6, s19;
	s10 =	sadd.s32 s1, s22;
	[dreg:$0x8] =	wrdreg s23  }
0x12: {  	s15 =	sadd.s32 s1, s19;
	s24 =	sadd.s32 $0x20, s13;
	[dreg:$0x9] =	wrdreg s10  }
0x13: {  	s9 =	sadd.s32 $0x4F0, s19;
	s25 =	sadd.s32 $0x4E0, s15;
	[dreg:$0xa] =	wrdreg s24  }
0x14: {  	s21 =	sadd.s32 $0x34200, s0;
	s26 =	sadd.s32 s6, s9;
	[dreg:$0xb] =	wrdreg s25  }
0x15: {  	s0 =	simm.s32 $0x180;
	s9 =	sadd.s32 s1, s9;
	[dreg:$0xc] =	wrdreg s26  }
0x16: {  	s22 =	smax.u32 s3, $0x1;
	s3 =	simm.s32 $0x6;
	[dreg:$0xd] =	wrdreg s9  }
0x17: {  	s23 =	simm.s32 $0x9;
	s24 =	simm.s32 $0x80;
	s25 =	simm.s32 $0x100  }
0x18: {  	v0 =	vimm.f32 $0.0e+00;
	s26 =	simm.s32 $0x1;
	s9 =	simm.s32 $0x4;
	s10 =	simm.s32 $0x7  }
.LBB2_1:
0x19: {  	s16 =	sand.u32 $0xFE00, s4  }
0x1a: {  	s17 =	sand.u32 $0x70, s4;
	s18 =	sshrl.u32 s16, $0x2  }
0x1b: {  	s16 =	simm.s32 $0x40;
	s18 =	sor.u32 s17, s18;
	s17 =	simm.s32 $0x0  }
.LBB2_2:
0x1c: {  	p0 =	sne.s32 s16, $0xFFC0  }
0x1d: {  	[tilespmem:s18+$0x200] =	vst v0;
	s17 =	sadd.s32 $0x10, s17;
	s18 =	smov.u32 s16;
	s16 =	sadd.s32 $0x40, s16  }
.Ltmp0:
0x1e: {  	(pc) =	sbr.rel @p0 .LBB2_2-.Ltmp0, $4  }
0x1f: {  	_ = 	snop  }
0x20: {  	s18 =	sand.u32 $0xFE00, s18  }
0x21: {  	s19 =	sand.u32 $0x70, s17;
	s18 =	sshrl.u32 s18, $0x2  }
0x22: {  	s18 =	sor.u32 s19, s18  }
0x23: {  	[tilespmem:s18+$0x200] =	vst v0;
	s16 =	simm.s32 $0x200  }
0x24: {  	[spmem:s8] =	stream.linear.scatter [tilespmem:s16], [sflag:$0x9], $0x4000, $0x38;
	[tilespmem:$0x1C200] =	vst v63  }
0x25: {  	_ =	swait.ge [sflag:s23], $0x4000  }
0x26: {  	[sflag:s23] =	ssyncset.done $0x0  }
0x27: {  	s17 =	rddreg [dreg:$0x4];
	[sflag:s23] =	ssyncadd.s32 $0xFFFFC000  }
0x28: {  	[spmem:s17] =	stream.linear.scatter [tilespmem:s16], [sflag:$0x9], $0x4000, $0x38;
	[tilespmem:$0x1C200] =	vst v63  }
0x29: {  	_ =	swait.ge [sflag:s23], $0x4000  }
0x2a: {  	[sflag:s23] =	ssyncset.done $0x0  }
0x2b: {  	s20 =	rddreg [dreg:$0x5];
	[sflag:s23] =	ssyncadd.s32 $0xFFFFC000  }
0x2c: {  	[spmem:s20] =	stream.linear.scatter [tilespmem:s16], [sflag:$0x9], $0x4000, $0x38;
	[tilespmem:$0x1C200] =	vst v63  }
0x2d: {  	_ =	swait.ge [sflag:s23], $0x4000  }
0x2e: {  	[sflag:s23] =	ssyncset.done $0x0  }
0x2f: {  	s18 =	rddreg [dreg:$0x6];
	[sflag:s23] =	ssyncadd.s32 $0xFFFFC000  }
0x30: {  	[spmem:s18] =	stream.linear.scatter [tilespmem:s16], [sflag:$0x9], $0x4000, $0x38;
	[tilespmem:$0x1C200] =	vst v63  }
0x31: {  	_ =	swait.ge [sflag:s23], $0x4000  }
0x32: {  	[sflag:s23] =	ssyncset.done $0x0  }
0x33: {  	s19 =	rddreg [dreg:$0x7];
	[sflag:s23] =	ssyncadd.s32 $0xFFFFC000  }
0x34: {  	[spmem:s19] =	stream.linear.scatter [tilespmem:s16], [sflag:$0x9], $0x4000, $0x38;
	[tilespmem:$0x1C200] =	vst v63  }
0x35: {  	_ =	swait.ge [sflag:s23], $0x4000  }
0x36: {  	[sflag:s23] =	ssyncset.done $0x0  }
0x37: {  	[sflag:s23] =	ssyncadd.s32 $0xFFFFC000  }
0x38: {  	[bflag:$0x0] =	sbarrier.arrive $0xFFFF  }
0x39: {  	[tilespmem:s4], [sflag:$0x1] =	stream.linear.gather [hbm4b:s13+s4], $0x80, $0x38;
	[tilespmem:$0x1C200] =	vst v63  }
0x3a: {  	s20 =	rddreg [dreg:$0x8]  }
0x3b: {  	[tilespmem:s24], [sflag:$0x2] =	stream.linear.gather [hbm4b:s20+s4], $0x80, $0x38;
	[tilespmem:$0x1C200] =	vst v63  }
0x3c: {  	_ = 	snop  }
0x3d: {  	[tilespmem:s25], [sflag:$0x3] =	stream.linear.gather [hbm4b:s15+s4], $0x80, $0x38;
	[tilespmem:$0x1C200] =	vst v63  }
0x3e: {  	_ =	swait.ge [sflag:s26], $0x80  }
0x3f: {  	[sflag:s26] =	ssyncset.done $0x0  }
0x40: {  	[sflag:s26] =	ssyncadd.s32 $0xFFFFFF80  }
0x41: {  	[tilespmem:s16], [sflag:$0x5] =	stream.indirect.gather [hbm4b:s5+s24], $0x80, s4, s24, $0xb8;
	[tilespmem:$0x1C200] =	vst v63  }
0x42: {  	_ =	swait.ge [sflag:s28], $0x4000  }
0x43: {  	[sflag:s28] =	ssyncset.done $0x0  }
0x44: {  	[sflag:s28] =	ssyncadd.s32 $0xFFFFC000  }
0x45: {  	_ =	swait.ge [sflag:s29], $0x80  }
0x46: {  	[sflag:s29] =	ssyncset.done $0x0  }
0x47: {  	[sflag:s29] =	ssyncadd.s32 $0xFFFFFF80  }
0x48: {  	_ =	swait.ge [sflag:s30], $0x80  }
0x49: {  	[sflag:s30] =	ssyncset.done $0x0  }
0x4a: {  	[sflag:s30] =	ssyncadd.s32 $0xFFFFFF80  }
0x4b: {  	[spmem:s2] =	stream.indirect.scatter.add.f32 [tilespmem:s16], [sflag:$0x7], $0x80, s25, s24, $0xb8;
	[tilespmem:$0x1C200] =	vst v63  }
0x4c: {  	_ = 	snop  }
0x4d: {  	[tilespmem:s31], [sflag:$0x6] =	stream.indirect.gather [hbm4b:s5+s24], $0x80, s24, s24, $0xb8;
	[tilespmem:$0x1C200] =	vst v63  }
0x4e: {  	s18 =	rddreg [dreg:$0x9]  }
0x4f: {  	[tilespmem:s0], [sflag:$0x4] =	stream.linear.gather [hbm4b:s18+s4], $0x80, $0x38;
	[tilespmem:$0x1C200] =	vst v63  }
0x50: {  	s19 =	rddreg [dreg:$0xa]  }
0x51: {  	[tilespmem:s4], [sflag:$0x1] =	stream.linear.gather [hbm4b:s19+s4], $0x80, $0x38;
	[tilespmem:$0x1C200] =	vst v63  }
0x52: {  	_ =	swait.ge [sflag:s3], $0x4000  }
0x53: {  	[sflag:s3] =	ssyncset.done $0x0  }
0x54: {  	[sflag:s3] =	ssyncadd.s32 $0xFFFFC000  }
0x55: {  	_ =	swait.ge [sflag:s26], $0x80  }
0x56: {  	[sflag:s26] =	ssyncset.done $0x0  }
0x57: {  	[sflag:s26] =	ssyncadd.s32 $0xFFFFFF80  }
0x58: {  	s17 =	simm.s32 $0x100;
	_ =	swait.ge [sflag:s9], $0x80  }
0x59: {  	s20 =	sand.u32 $0x7C00, s17;
	s17 =	sand.u32 $0x300, s17;
	[sflag:s9] =	ssyncset.done $0x0  }
0x5a: {  	s18 =	sadd.s32 s7, s20;
	s19 =	simm.s32 $0x180;
	[sflag:s9] =	ssyncadd.s32 $0xFFFFFF80  }
0x5b: {  	[spmem:s2] =	stream.indirect.scatter.add.f32 [tilespmem:s31], [sflag:$0x8], $0x80, s0, s24, $0xb8;
	[tilespmem:$0x1C200] =	vst v63  }
0x5c: {  	s17 =	sor.u32 s17, s18;
	s20 =	sand.u32 $0x7C00, s19;
	_ =	swait.ge [sflag:s10], $0x4000  }
0x5d: {  	s19 =	sand.u32 $0x380, s19;
	s18 =	sadd.s32 s7, s20;
	[sflag:s10] =	ssyncset.done $0x0  }
0x5e: {  	s17 =	sshrl.u32 s17, $0x3;
	s18 =	sor.u32 s19, s18;
	[sflag:s10] =	ssyncadd.s32 $0xFFFFC000  }
0x5f: {  	[tilespmem:s11], [sflag:$0x5] =	stream.indirect.gather [hbm4b:s5+s24], $0x80, s4, s24, $0xb8;
	[tilespmem:$0x1C200] =	vst v63  }
0x60: {  	s17 =	sadd.s32 s1, s17;
	s18 =	sshrl.u32 s18, $0x3  }
0x61: {  	[tilespmem:s25], [sflag:$0x3] =	stream.linear.gather [hbm4b:s17+s4], $0x80, $0x38;
	[tilespmem:$0x1C200] =	vst v63  }
0x62: {  	s19 =	sadd.s32 s6, s18  }
0x63: {  	[tilespmem:s24], [sflag:$0x2] =	stream.linear.gather [hbm4b:s19+s4], $0x80, $0x38;
	[tilespmem:$0x1C200] =	vst v63  }
0x64: {  	_ =	swait.ge [sflag:s28], $0x4000  }
0x65: {  	[sflag:s28] =	ssyncset.done $0x0  }
0x66: {  	[sflag:s28] =	ssyncadd.s32 $0xFFFFC000  }
0x67: {  	_ =	swait.ge [sflag:s29], $0x80  }
0x68: {  	[sflag:s29] =	ssyncset.done $0x0  }
0x69: {  	[sflag:s29] =	ssyncadd.s32 $0xFFFFFF80  }
0x6a: {  	_ =	swait.ge [sflag:s30], $0x80  }
0x6b: {  	[sflag:s30] =	ssyncset.done $0x0  }
0x6c: {  	[sflag:s30] =	ssyncadd.s32 $0xFFFFFF80  }
0x6d: {  	[spmem:s2] =	stream.indirect.scatter.add.f32 [tilespmem:s11], [sflag:$0x7], $0x80, s25, s24, $0xb8;
	[tilespmem:$0x1C200] =	vst v63  }
0x6e: {  	s20 =	sand.u32 $0x7C00, s16;
	s16 =	sand.u32 $0x300, s16;
	_ =	swait.ge [sflag:s12], $0x4000  }
0x6f: {  	s18 =	sadd.s32 s1, s18;
	s17 =	sadd.s32 s7, s20;
	[sflag:s12] =	ssyncset.done $0x0  }
0x70: {  	s17 =	sor.u32 s16, s17;
	s16 =	simm.s32 $0x300;
	[sflag:s12] =	ssyncadd.s32 $0xFFFFC000  }
0x71: {  	[tilespmem:s31], [sflag:$0x6] =	stream.indirect.gather [hbm4b:s5+s24], $0x80, s24, s24, $0xb8;
	[tilespmem:$0x1C200] =	vst v63  }
.LBB2_4:
0x72: {  	p0 =	sne.s32 s16, $0x2700  }
0x73: {  	s19 =	sshrl.u32 s17, $0x3;
	s17 =	smov.u32 s16;
	s16 =	sadd.s32 $0x100, s16  }
0x74: {  	[tilespmem:s0], [sflag:$0x4] =	stream.linear.gather [hbm4b:s18+s4], $0x80, $0x38;
	[tilespmem:$0x1C200] =	vst v63  }
0x75: {  	s18 =	sadd.s32 s6, s19  }
0x76: {  	[tilespmem:s4], [sflag:$0x1] =	stream.linear.gather [hbm4b:s18+s4], $0x80, $0x38;
	[tilespmem:$0x1C200] =	vst v63  }
0x77: {  	_ =	swait.ge [sflag:s3], $0x4000  }
0x78: {  	[sflag:s3] =	ssyncset.done $0x0  }
0x79: {  	[sflag:s3] =	ssyncadd.s32 $0xFFFFC000  }
0x7a: {  	_ =	swait.ge [sflag:s26], $0x80  }
0x7b: {  	[sflag:s26] =	ssyncset.done $0x0  }
0x7c: {  	[sflag:s26] =	ssyncadd.s32 $0xFFFFFF80  }
0x7d: {  	s18 =	sadd.s32 $0xFFFFFF00, s17;
	_ =	swait.ge [sflag:s9], $0x80  }
0x7e: {  	s20 =	sadd.s32 $0xFFFFFF80, s17;
	s19 =	sand.u32 $0x7C00, s18;
	[sflag:s9] =	ssyncset.done $0x0  }
0x7f: {  	s18 =	sand.u32 $0x300, s18;
	s19 =	sadd.s32 s7, s19;
	[sflag:s9] =	ssyncadd.s32 $0xFFFFFF80  }
0x80: {  	[spmem:s2] =	stream.indirect.scatter.add.f32 [tilespmem:s31], [sflag:$0x8], $0x80, s0, s24, $0xb8;
	[tilespmem:$0x1C200] =	vst v63  }
0x81: {  	s18 =	sor.u32 s18, s19;
	s19 =	sand.u32 $0x7C00, s20;
	_ =	swait.ge [sflag:s10], $0x4000  }
0x82: {  	s20 =	sand.u32 $0x380, s20;
	s19 =	sadd.s32 s7, s19;
	[sflag:s10] =	ssyncset.done $0x0  }
0x83: {  	s19 =	sor.u32 s20, s19;
	[sflag:s10] =	ssyncadd.s32 $0xFFFFC000  }
0x84: {  	s18 =	sshrl.u32 s18, $0x3  }
0x85: {  	[tilespmem:s11], [sflag:$0x5] =	stream.indirect.gather [hbm4b:s5+s24], $0x80, s4, s24, $0xb8;
	[tilespmem:$0x1C200] =	vst v63  }
0x86: {  	s18 =	sadd.s32 s1, s18;
	s19 =	sshrl.u32 s19, $0x3  }
0x87: {  	[tilespmem:s25], [sflag:$0x3] =	stream.linear.gather [hbm4b:s18+s4], $0x80, $0x38;
	[tilespmem:$0x1C200] =	vst v63  }
0x88: {  	s18 =	sadd.s32 s6, s19  }
0x89: {  	[tilespmem:s24], [sflag:$0x2] =	stream.linear.gather [hbm4b:s18+s4], $0x80, $0x38;
	[tilespmem:$0x1C200] =	vst v63  }
0x8a: {  	_ =	swait.ge [sflag:s28], $0x4000  }
0x8b: {  	[sflag:s28] =	ssyncset.done $0x0  }
0x8c: {  	[sflag:s28] =	ssyncadd.s32 $0xFFFFC000  }
0x8d: {  	_ =	swait.ge [sflag:s29], $0x80  }
0x8e: {  	[sflag:s29] =	ssyncset.done $0x0  }
0x8f: {  	[sflag:s29] =	ssyncadd.s32 $0xFFFFFF80  }
0x90: {  	_ =	swait.ge [sflag:s30], $0x80  }
0x91: {  	[sflag:s30] =	ssyncset.done $0x0  }
0x92: {  	[sflag:s30] =	ssyncadd.s32 $0xFFFFFF80  }
0x93: {  	[spmem:s2] =	stream.indirect.scatter.add.f32 [tilespmem:s11], [sflag:$0x7], $0x80, s25, s24, $0xb8;
	[tilespmem:$0x1C200] =	vst v63  }
.Ltmp1:
0x94: {  	_ = 	snop;
	(pc) =	sbr.rel @p0 .LBB2_4-.Ltmp1, $4  }
0x95: {  	s20 =	sand.u32 $0x7C00, s17;
	s17 =	sand.u32 $0x300, s17;
	_ =	swait.ge [sflag:s12], $0x4000  }
0x96: {  	s18 =	sadd.s32 s1, s19;
	s19 =	sadd.s32 s7, s20;
	[sflag:s12] =	ssyncset.done $0x0  }
0x97: {  	s17 =	sor.u32 s17, s19;
	[sflag:s12] =	ssyncadd.s32 $0xFFFFC000  }
0x98: {  	[tilespmem:s31], [sflag:$0x6] =	stream.indirect.gather [hbm4b:s5+s24], $0x80, s24, s24, $0xb8;
	[tilespmem:$0x1C200] =	vst v63  }
0x99: {  	s16 =	sshrl.u32 s17, $0x3  }
0x9a: {  	[tilespmem:s0], [sflag:$0x4] =	stream.linear.gather [hbm4b:s18+s4], $0x80, $0x38;
	[tilespmem:$0x1C200] =	vst v63  }
0x9b: {  	s16 =	sadd.s32 s6, s16  }
0x9c: {  	[tilespmem:s4], [sflag:$0x1] =	stream.linear.gather [hbm4b:s16+s4], $0x80, $0x38;
	[tilespmem:$0x1C200] =	vst v63  }
0x9d: {  	_ =	swait.ge [sflag:s3], $0x4000  }
0x9e: {  	[sflag:s3] =	ssyncset.done $0x0  }
0x9f: {  	[sflag:s3] =	ssyncadd.s32 $0xFFFFC000  }
0xa0: {  	_ =	swait.ge [sflag:s26], $0x80  }
0xa1: {  	[sflag:s26] =	ssyncset.done $0x0  }
0xa2: {  	[sflag:s26] =	ssyncadd.s32 $0xFFFFFF80  }
0xa3: {  	_ =	swait.ge [sflag:s9], $0x80  }
0xa4: {  	[sflag:s9] =	ssyncset.done $0x0  }
0xa5: {  	[sflag:s9] =	ssyncadd.s32 $0xFFFFFF80  }
0xa6: {  	[spmem:s2] =	stream.indirect.scatter.add.f32 [tilespmem:s31], [sflag:$0x8], $0x80, s0, s24, $0xb8;
	[tilespmem:$0x1C200] =	vst v63  }
0xa7: {  	_ =	swait.ge [sflag:s10], $0x4000  }
0xa8: {  	[sflag:s10] =	ssyncset.done $0x0  }
0xa9: {  	[sflag:s10] =	ssyncadd.s32 $0xFFFFC000  }
0xaa: {  	[tilespmem:s11], [sflag:$0x5] =	stream.indirect.gather [hbm4b:s5+s24], $0x80, s4, s24, $0xb8;
	[tilespmem:$0x1C200] =	vst v63  }
0xab: {  	s20 =	rddreg [dreg:$0xb]  }
0xac: {  	[tilespmem:s25], [sflag:$0x3] =	stream.linear.gather [hbm4b:s20+s4], $0x80, $0x38;
	[tilespmem:$0x1C200] =	vst v63  }
0xad: {  	s17 =	rddreg [dreg:$0xc]  }
0xae: {  	[tilespmem:s24], [sflag:$0x2] =	stream.linear.gather [hbm4b:s17+s4], $0x80, $0x38;
	[tilespmem:$0x1C200] =	vst v63  }
0xaf: {  	_ =	swait.ge [sflag:s28], $0x4000  }
0xb0: {  	[sflag:s28] =	ssyncset.done $0x0  }
0xb1: {  	[sflag:s28] =	ssyncadd.s32 $0xFFFFC000  }
0xb2: {  	_ =	swait.ge [sflag:s29], $0x80  }
0xb3: {  	[sflag:s29] =	ssyncset.done $0x0  }
0xb4: {  	[sflag:s29] =	ssyncadd.s32 $0xFFFFFF80  }
0xb5: {  	_ =	swait.ge [sflag:s30], $0x80  }
0xb6: {  	[sflag:s30] =	ssyncset.done $0x0  }
0xb7: {  	[sflag:s30] =	ssyncadd.s32 $0xFFFFFF80  }
0xb8: {  	[spmem:s2] =	stream.indirect.scatter.add.f32 [tilespmem:s11], [sflag:$0x7], $0x80, s25, s24, $0xb8;
	[tilespmem:$0x1C200] =	vst v63  }
0xb9: {  	_ =	swait.ge [sflag:s12], $0x4000  }
0xba: {  	[sflag:s12] =	ssyncset.done $0x0  }
0xbb: {  	[sflag:s12] =	ssyncadd.s32 $0xFFFFC000  }
0xbc: {  	[tilespmem:s31], [sflag:$0x6] =	stream.indirect.gather [hbm4b:s5+s24], $0x80, s24, s24, $0xb8;
	[tilespmem:$0x1C200] =	vst v63  }
0xbd: {  	s18 =	rddreg [dreg:$0xd]  }
0xbe: {  	[tilespmem:s0], [sflag:$0x4] =	stream.linear.gather [hbm4b:s18+s4], $0x80, $0x38;
	[tilespmem:$0x1C200] =	vst v63  }
0xbf: {  	_ =	swait.ge [sflag:s3], $0x4000  }
0xc0: {  	[sflag:s3] =	ssyncset.done $0x0  }
0xc1: {  	[sflag:s3] =	ssyncadd.s32 $0xFFFFC000  }
0xc2: {  	_ =	swait.ge [sflag:s9], $0x80  }
0xc3: {  	[sflag:s9] =	ssyncset.done $0x0  }
0xc4: {  	[sflag:s9] =	ssyncadd.s32 $0xFFFFFF80  }
0xc5: {  	[spmem:s2] =	stream.indirect.scatter.add.f32 [tilespmem:s31], [sflag:$0x8], $0x80, s0, s24, $0xb8;
	[tilespmem:$0x1C200] =	vst v63  }
0xc6: {  	_ =	swait.ge [sflag:s10], $0x4000  }
0xc7: {  	[sflag:s10] =	ssyncset.done $0x0  }
0xc8: {  	[sflag:s10] =	ssyncadd.s32 $0xFFFFC000  }
0xc9: {  	s19 =	stileid.u32;
	_ =	swait.ge [sflag:s12], $0x4000  }
0xca: {  	s14 =	sadd.s32 $0x1, s14;
	s16 =	sshll.u32 s19, $0x6;
	[sflag:s12] =	ssyncset.done $0x0  }
0xcb: {  	p0 =	sne.s32 s14, s22;
	s16 =	sor.u32 $0x1C09, s16;
	[sflag:s12] =	ssyncadd.s32 $0xFFFFC000  }
.Ltmp2:
0xcc: {  	s20 =	sshrl.u32 s8, $0x3;
	[bflag:$0x0] =	sbarrier.arrive $0xFFFF;
	(pc) =	sbr.rel @p0 .LBB2_1-.Ltmp2, $4  }
0xcd: {  	[hbm:s21], [sflag:s16] =	dma.local [spmem:s20], $0x2800  }
0xce: {  	_ =	swait.ge [sflag:s23], $0x2800  }
0xcf: {  	[sflag:s23] =	ssyncset.done $0x0  }
0xd0: {  	[sflag:s23] =	ssyncadd.s32 $0xFFFFD800  }
0xd1: {  	_ =	sfence.sel $0x180000  }
0xd2: {  	[bflag:$0x0] =	sbarrier.arrive $0xFFFF  }
0xd3: {  	_ =	strace $0x9000004D  }
0xd4: {  	s0 =	stileid.u32;
	[bflag:$0x2] =	sbarrier.arrive $0xFFFF  }
0xd5: {  	p0 =	sne.s32 s0, $0x0;
	s0 =	rddreg [dreg:$0x3]  }
0xd6: {  	s0 =	sadd.s32 @!p0 $0x100000, s0  }
0xd7: {  	[sflag:s0] =	ssyncadd.tile.s32 @!p0 $0x1;
	_ =	shalt  }
.Lfunc_end2:
_tile_overlayer_lowered:
.L_overlay_start_2:
0xd8: {  	(tag) =	ssettag $0x2  }
0xd9: {  	s0 =	rddreg [dreg:$0x0];
	s2 =	stileid.u32  }
0xda: {  	s1 =	rddreg [dreg:$0x1];
	p0 =	sne.s32 s2, $0x0  }
0xdb: {  	s3 =	rddreg [dreg:$0x2];
	[bflag:$0x3] =	sbarrier.arrive $0xFFFF;
	s2 =	simm.s32 @!p0 $0x1C09  }
0xdc: {  	[timem:s3], [sflag:s2] =	dma.local @!p0 [hbm:s0], s1  }
0xdd: {  	s0 =	simm.s32 @!p0 $0x9  }
0xde: {  	_ =	swait.ge @!p0 [sflag:s0], s1  }
0xdf: {  	s1 =	ssub.s32 @!p0 $0x0, s1;
	[sflag:s0] =	ssyncset.done @!p0 $0x0  }
0xe0: {  	[sflag:s0] =	ssyncadd.s32 @!p0 s1  }
0xe1: {  	[bflag:$0x3] =	sbarrier.arrive $0xFFFF  }
0xe2: {  	_ =	shalt  }

// kernel: kernel.8.cloned.1.call-start
scs
__scs_entry_jumppad:
0x0: {  	(pc) =	sbr.rel $0x88, $3  }
0x1: {  	(tag) =	ssettag $0x0;
	lr =	simm.s32 $0x1  }
0x2: {  	[smem:$0x3F9A] =	sst lr;
	_ =	strace $0xD0000000  }
0x3: {  	_ = 	snop  }
0x4: {  	_ = 	snop  }
0x5: {  	_ = 	snop  }
0x6: {  	_ = 	snop  }
0x7: {  	_ = 	snop  }
__scs_overlays_trampoline_lowered:
0x8: {  	[smem:$0x3FA9] =	sst s0  }
0x9: {  	[smem:$0x3FAA] =	sst s1  }
0xa: {  	[smem:$0x3FAB] =	sst s2  }
0xb: {  	[smem:$0x3FAC] =	sst s3  }
0xc: {  	[smem:$0x3FAD] =	sst s4  }
0xd: {  	[smem:$0x3FAE] =	sst s5  }
0xe: {  	[smem:$0x3FAF] =	sst s6  }
0xf: {  	[smem:$0x3FB0] =	sst s7  }
0x10: {  	[smem:$0x3FB1] =	sst s8  }
0x11: {  	[smem:$0x3FB2] =	sst s9;
	s0 =	simm.s32 @!p0 $0x0  }
0x12: {  	s1 =	sld [smem:$0x3F98];
	s0 =	simm.s32 @p0 $0x1  }
0x13: {  	[smem:$0x3FB3] =	sst s0;
	s0 =	simm.s32 @!p1 $0x0  }
0x14: {  	s2 =	sld [smem:$0x3F97];
	s0 =	simm.s32 @p1 $0x1  }
0x15: {  	[smem:$0x3FB4] =	sst s0;
	s0 =	simm.s32 @!p2 $0x0  }
0x16: {  	s3 =	sld [smem:$0x3FDB];
	s0 =	simm.s32 @p2 $0x1  }
0x17: {  	s4 =	simm.s32 $0x1BF5;
	[smem:$0x3FB6] =	sst s0  }
0x18: {  	s0 =	sld [smem:$0x3F99];
	_ =	swait.ge [sflag:s4], $0x0  }
0x19: {  	s7 =	sld [smem:$0x3F9A]  }
0x1a: {  	s8 =	sadd.s32 $0xFFFFE003, lr  }
0x1b: {  	s9 =	sadd.s32 $0xFFFFFEF7, lr;
	s5 =	simm.s32 $0xFFFFFFFF;
	p2 =	slt.u32 s8, $0xFFFFF086  }
0x1c: {  	p1 =	slt.u32 s9, $0xF7A;
	s5 =	simm.s32 @!p2 $0x0  }
0x1d: {  	s5 =	simm.s32 @p1 $0x1;
	p0 =	seq.s32 s7, s2  }
0x1e: {  	s7 =	smul.u32 @!p0 $0xF7A, s2;
	p2 =	seq.s32 @!p0 s5, $0x0  }
0x1f: {  	s9 =	smul.u32 $0xF7A, s1;
	s8 =	simm.s32 @!p0 $0x1BF5;
	p2 =	por !p2, p0  }
0x20: {  	[sflag:s8] =	ssyncset.s32 @!p0 $0xFFFFF086;
	s6 =	sadd.s32 @!p0 s3, s7;
	s7 =	simm.s32 @!p0 $0x108  }
0x21: {  	s3 =	sadd.s32 s3, s9;
	s6 =	sadd.s32 @!p0 $0x88, s6;
	s7 =	simm.s32 @p2 $0x1082  }
0x22: {  	[simem:s7], [sflag:s8] =	dma.local @!p0 [hbm:s6], $0xF7A  }
0x23: {  	s9 =	sor.u32 $0xD0000000, s2;
	s6 =	simm.s32 $0x108;
	_ =	swait.ge @!p0 [sflag:s8], $0x0  }
0x24: {  	s3 =	sadd.s32 $0x88, s3;
	s6 =	simm.s32 @!p1 $0x1082;
	[sflag:s4] =	ssyncset.s32 $0xFFFFF086  }
0x25: {  	[simem:s6], [sflag:s4] =	dma.local [hbm:s3], $0xF7A  }
0x26: {  	[smem:$0x3F9A] =	sst s1;
	(tag) =	ssettag s2;
	_ =	strace s9  }
0x27: {  	s1 =	sld [smem:$0x3FAA]  }
0x28: {  	s2 =	sld [smem:$0x3FAB]  }
0x29: {  	s4 =	sld [smem:$0x3FAD]  }
0x2a: {  	p0 =	seq.s32 s5, $0x0;
	s5 =	sld [smem:$0x3FAE]  }
0x2b: {  	s6 =	sld [smem:$0x3FAF]  }
0x2c: {  	s7 =	sld [smem:$0x3FB0]  }
0x2d: {  	s3 =	simm.s32 $0x108;
	s8 =	sld [smem:$0x3FB1]  }
0x2e: {  	s3 =	simm.s32 @!p0 $0x1082;
	s9 =	sld [smem:$0x3FB2]  }
0x2f: {  	lr =	sadd.s32 s0, s3;
	s0 =	sld [smem:$0x3FA9]  }
0x30: {  	s3 =	sld [smem:$0x3FAC]  }
0x31: {  	[smem:$0x3FB5] =	sst s10  }
0x32: {  	s10 =	sld [smem:$0x3FB3];
	_ =	sdelay $0x3  }
0x33: {  	p0 =	seq.s32 s10, $0x1;
	s10 =	sld [smem:$0x3FB5];
	_ =	sdelay $0x3  }
0x34: {  	[smem:$0x3FB5] =	sst s10  }
0x35: {  	s10 =	sld [smem:$0x3FB4];
	_ =	sdelay $0x3  }
0x36: {  	p1 =	seq.s32 s10, $0x1;
	s10 =	sld [smem:$0x3FB5];
	_ =	sdelay $0x3  }
0x37: {  	[smem:$0x3FB5] =	sst s10  }
0x38: {  	s10 =	sld [smem:$0x3FB6]  }
0x39: {  	_ = 	snop;
	(pc) =	sbr.ind lr, $3  }
0x3a: {  	_ = 	snop  }
0x3b: {  	_ = 	snop  }
0x3c: {  	p2 =	seq.s32 s10, $0x1;
	s10 =	sld [smem:$0x3FB5]  }
0x3d: {  	_ =	shalt  }
0x3e: {  	_ =	shalt  }
0x3f: {  	_ =	shalt  }
0x40: {  	_ =	shalt  }
0x41: {  	_ =	shalt  }
0x42: {  	_ =	shalt  }
0x43: {  	_ =	shalt  }
0x44: {  	_ =	shalt  }
0x45: {  	_ =	shalt  }
0x46: {  	_ =	shalt  }
0x47: {  	_ =	shalt  }
0x48: {  	_ =	shalt  }
0x49: {  	_ =	shalt  }
0x4a: {  	_ =	shalt  }
0x4b: {  	_ =	shalt  }
0x4c: {  	_ =	shalt  }
0x4d: {  	_ =	shalt  }
0x4e: {  	_ =	shalt  }
0x4f: {  	_ =	shalt  }
0x50: {  	_ =	shalt  }
0x51: {  	_ =	shalt  }
0x52: {  	_ =	shalt  }
0x53: {  	_ =	shalt  }
0x54: {  	_ =	shalt  }
0x55: {  	_ =	shalt  }
0x56: {  	_ =	shalt  }
0x57: {  	_ =	shalt  }
0x58: {  	_ =	shalt  }
0x59: {  	_ =	shalt  }
0x5a: {  	_ =	shalt  }
0x5b: {  	_ =	shalt  }
0x5c: {  	_ =	shalt  }
0x5d: {  	_ =	shalt  }
0x5e: {  	_ =	shalt  }
0x5f: {  	_ =	shalt  }
0x60: {  	_ =	shalt  }
0x61: {  	_ =	shalt  }
0x62: {  	_ =	shalt  }
0x63: {  	_ =	shalt  }
0x64: {  	_ =	shalt  }
0x65: {  	_ =	shalt  }
0x66: {  	_ =	shalt  }
0x67: {  	_ =	shalt  }
0x68: {  	_ =	shalt  }
0x69: {  	_ =	shalt  }
0x6a: {  	_ =	shalt  }
0x6b: {  	_ =	shalt  }
0x6c: {  	_ =	shalt  }
0x6d: {  	_ =	shalt  }
0x6e: {  	_ =	shalt  }
0x6f: {  	_ =	shalt  }
0x70: {  	_ =	shalt  }
0x71: {  	_ =	shalt  }
0x72: {  	_ =	shalt  }
0x73: {  	_ =	shalt  }
0x74: {  	_ =	shalt  }
0x75: {  	_ =	shalt  }
0x76: {  	_ =	shalt  }
0x77: {  	_ =	shalt  }
0x78: {  	_ =	shalt  }
0x79: {  	_ =	shalt  }
0x7a: {  	_ =	shalt  }
0x7b: {  	_ =	shalt  }
0x7c: {  	_ =	shalt  }
0x7d: {  	_ =	shalt  }
0x7e: {  	_ =	shalt  }
0x7f: {  	_ =	shalt  }
0x80: {  	_ =	shalt  }
0x81: {  	_ =	shalt  }
0x82: {  	_ =	shalt  }
0x83: {  	_ =	shalt  }
0x84: {  	_ =	shalt  }
0x85: {  	_ =	shalt  }
0x86: {  	_ =	shalt  }
0x87: {  	_ =	shalt  }
.Lfunc_end0:
.L_simem_size_0:
called_computation_lowered:
.L_overlay_start_0:
0x88: {  	s2 =	sld [smem:$0x3FD9]  }
0x89: {  	s3 =	sld [smem:$0x3FFE];
	_ =	sdelay $0x1  }
0x8a: {  	s1 =	srdreg.scid  }
0x8b: {  	s0 =	sand.u32 $0x1, s1  }
0x8c: {  	s17 =	sshll.u32 s0, $0xA;
	s2 =	sadd.s32 s3, s2  }
0x8d: {  	s2 =	sadd.s32 s2, s17  }
0x8e: {  	[smem:$0x3FC1] =	sst s2  }
0x8f: {  	_ = 	snop  }
0x90: {  	s2 =	sld [smem:$0x3FD0];
	(tm) =	ssettm $0x1  }
0x91: {  	s18 =	sld [smem:$0x3FFB];
	_ =	sdelay $0x3  }
0x92: {  	_ =	strace s18  }
0x93: {  	s3 =	sld [smem:$0x3FFC];
	_ =	sdelay $0x3  }
0x94: {  	_ =	strace s3  }
0x95: {  	s3 =	sld [smem:$0x3FFD];
	_ =	sdelay $0x3  }
0x96: {  	_ =	strace s3  }
0x97: {  	_ =	strace $0x8FFFFFFF  }
0x98: {  	s19 =	sld [smem:$0x3FDB];
	_ =	sdelay $0x1  }
0x99: {  	s4 =	simm.s32 $_scs_section_size  }
0x9a: {  	s5 =	simm.s32 $_size__tile_overlayer_lowered;
	s6 =	simm.s32 $_tile_overlayer_lowered  }
0x9b: {  	s22 =	simm.s32 $0x1BFF;
	s21 =	sshll.u32 s6, $0x1;
	s3 =	sadd.s32 s4, s19  }
0x9c: {  	s7 =	simm.s32 $0x0;
	s20 =	sshll.u32 s5, $0x1;
	s5 =	sadd.s32 s21, s3  }
0x9d: {  	[timem:s7], [sflag:s22] =	dma.local [hbm:s5], s20  }
0x9e: {  	_ =	swait.ge [sflag:s22], s20  }
0x9f: {  	s4 =	ssub.s32 $0x0, s20;
	[sflag:s22] =	ssyncset.done $0x0  }
0xa0: {  	[sflag:s22] =	ssyncadd.s32 s4;
	_ =	sdelay $0x1  }
0xa1: {  	s23 =	simm.s32 $0x1B8B  }
0xa2: {  	_ =	swait.ge [sflag:s23], $0x1  }
0xa3: {  	[sflag:s23] =	ssyncset.done $0x0  }
0xa4: {  	s25 =	simm.s32 $0x1B8E;
	s24 =	sld [smem:$0x3FFE];
	[sflag:s23] =	ssyncadd.s32 $0xFFFFFFFF  }
0xa5: {  	s26 =	simm.s32 $execute0_lowered;
	[smem:$0x3FD2] =	sst s25  }
0xa6: {  	s5 =	sshll.u32 s26, $0x1;
	_ =	strace $0x80000046;
	[dreg:$0x1] =	wrdreg $0xFFFFFFFF  }
0xa7: {  	s28 =	simm.s32 $_size_execute0_lowered;
	s3 =	sadd.s32 s3, s5;
	[dreg:$0x0] =	wrdreg $0x0  }
0xa8: {  	s5 =	sshll.u32 s28, $0x1;
	[dreg:$0x2] =	wrdreg s3  }
0xa9: {  	[dreg:$0x3] =	wrdreg s5  }
0xaa: {  	[dreg:$0x4] =	wrdreg $0xC0  }
0xab: {  	_ =	task [dreg:s7], $0x5FFFF  }
0xac: {  	[dreg:$0x1] =	wrdreg $0xFFFFFFFF  }
0xad: {  	[dreg:$0x0] =	wrdreg $0x60  }
0xae: {  	[dreg:$0x2] =	wrdreg s2  }
0xaf: {  	[dreg:$0x3] =	wrdreg s24  }
0xb0: {  	[dreg:$0x4] =	wrdreg $0x2B000  }
0xb1: {  	[dreg:$0x5] =	wrdreg $0x9  }
0xb2: {  	_ =	task.clear_ibuf [dreg:s7], $0x6FFFF;
	_ =	strace $0x90000046  }
0xb3: {  	s29 =	simm.s32 $0x9;
	_ =	strace $0x80000048  }
0xb4: {  	_ =	swait.ge [sflag:s29], $0x1  }
0xb5: {  	[sflag:s29] =	ssyncadd.s32 $0xFFFFFFFF  }
0xb6: {  	_ =	strace $0x90000048  }
0xb7: {  	_ =	sfence  }
0xb8: {  	s30 =	sld [smem:$0x0];
	_ =	sdelay $0x2  }
0xb9: {  	s31 =	sshll.u32 s1, $0xD;
	s1 =	sshrl.u32 s1, $0x2  }
0xba: {  	s3 =	sand.u32 $0x4000, s31;
	s1 =	sadd.s32 s1, s30  }
0xbb: {  	s0 =	sor.u32 s3, s0;
	s1 =	sshll.u32 s1, $0x11  }
0xbc: {  	s0 =	sor.u32 s1, s0  }
0xbd: {  	s0 =	sadd.s32 $0x8F2B, s0  }
0xbe: {  	[sflag:s0] =	ssyncadd.remote.s32 $0x1  }
0xbf: {  	_ =	sfence.sel $0xFFFF  }
0xc0: {  	[dreg:$0x0] =	wrdreg $0xFFFFFFFF;
	(pc) =	sbr.abs _section_cstart, $3  }
0xc1: {  	[dreg:$0x1] =	wrdreg $0xFFFFFFFF  }
0xc2: {  	_ =	task.clear_ibuf [dreg:s7], $0x2FFFF;
	_ =	strace $0x9FFFFFFF  }
0xc3: {  	(tm) =	ssettm $0x7FFFFFFF  }
tec
execute0_lowered:
.L_overlay_start_1:
0x0: {  	(tag) =	ssettag $0x1  }
0x1: {  	s5 =	rddreg [dreg:$0x0]  }
0x2: {  	s4 =	rddreg [dreg:$0x1]  }
0x3: {  	s2 =	rddreg [dreg:$0x2]  }
0x4: {  	s0 =	rddreg [dreg:$0x3]  }
0x5: {  	s3 =	simm.s32 $0x0;
	s6 =	srdreg.scid;
	s1 =	stileid.u32  }
0x6: {  	s11 =	simm.s32 $0x2800;
	s14 =	simm.s32 $0x20;
	s15 =	simm.s32 $0x10  }
0x7: {  	s16 =	simm.s32 $0x0;
	[smem:$0x7FF] =	sst s3;
	s7 =	smul.u32 $0x500, s1  }
0x8: {  	s6 =	sand.u32 $0x1, s6;
	s9 =	sshll.u32 s1, $0x1;
	s30 =	smul.u32 $0xA00, s1  }
0x9: {  	s12 =	sshll.u32 s1, $0x6;
	_ =	strace $0x80000047;
	s8 =	sshll.u32 s6, $0x7  }
0xa: {  	s29 =	sor.u32 s6, s9;
	s6 =	ssub.s32 $0x2, s6;
	s12 =	sor.u32 $0x1C01, s12  }
0xb: {  	s7 =	sor.u32 s8, s7;
	s8 =	smul.u32 $0x500, s29;
	s31 =	sshrl.u32 s6, $0x1  }
0xc: {  	s9 =	sshrl.u32 s30, $0x2;
	s7 =	sshrl.u32 s7, $0x3;
	s10 =	ssub.s32 s6, s31  }
0xd: {  	s7 =	sadd.s32 s7, s4;
	s4 =	sadd.s32 s9, s2;
	s5 =	sadd.s32 s5, s8  }
0xe: {  	s8 =	simm.s32 $0x2880;
	s9 =	simm.s32 $0x1;
	s6 =	sadd.s32 $0x1800, s7  }
0xf: {  	v0 =	vimm.f32 $1.000000000e+00;
	v1 =	vimm.f32 $0.0e+00;
	s7 =	smax.u32 s10, $0x1;
	s10 =	simm.s32 $0x80;
	s13 =	sshrl.u32 s4, $0x3  }
.LBB2_1:
0x10: {  	[tilespmem:$0x2800] =	vst v0  }
0x11: {  	[tilespmem:$0x2810] =	vst v0  }
0x12: {  	[tilespmem:$0x2820] =	vst v0  }
0x13: {  	[tilespmem:$0x2830] =	vst v0  }
0x14: {  	[tilespmem:$0x2840] =	vst v0  }
0x15: {  	[tilespmem:$0x2850] =	vst v0  }
0x16: {  	[tilespmem:$0x2860] =	vst v0  }
0x17: {  	[tilespmem:$0x2870] =	vst v0  }
0x18: {  	[tilespmem:$0x2880] =	vst v1  }
0x19: {  	[tilespmem:$0x2890] =	vst v1  }
0x1a: {  	[tilespmem:$0x28A0] =	vst v1  }
0x1b: {  	[tilespmem:$0x28B0] =	vst v1  }
0x1c: {  	[tilespmem:$0x28C0] =	vst v1  }
0x1d: {  	[tilespmem:$0x28D0] =	vst v1  }
0x1e: {  	[tilespmem:$0x28E0] =	vst v1  }
0x1f: {  	[tilespmem:$0x28F0] =	vst v1  }
0x20: {  	[tilespmem:$0x2900] =	vst v1  }
0x21: {  	[tilespmem:$0x2910] =	vst v1  }
0x22: {  	[tilespmem:$0x2920] =	vst v1  }
0x23: {  	[tilespmem:$0x2930] =	vst v1  }
0x24: {  	[tilespmem:$0x2940] =	vst v1  }
0x25: {  	[tilespmem:$0x2950] =	vst v1  }
0x26: {  	[tilespmem:$0x2960] =	vst v1  }
0x27: {  	[tilespmem:$0x2970] =	vst v1  }
0x28: {  	[tilespmem:$0x2980] =	vst v1  }
0x29: {  	[tilespmem:$0x2990] =	vst v1  }
0x2a: {  	[tilespmem:$0x29A0] =	vst v1  }
0x2b: {  	[tilespmem:$0x29B0] =	vst v1  }
0x2c: {  	[tilespmem:$0x29C0] =	vst v1  }
0x2d: {  	[tilespmem:$0x29D0] =	vst v1  }
0x2e: {  	[tilespmem:$0x29E0] =	vst v1  }
0x2f: {  	[tilespmem:$0x29F0] =	vst v1  }
0x30: {  	[tilespmem:$0x2A00] =	vst v1  }
0x31: {  	[tilespmem:$0x2A10] =	vst v1  }
0x32: {  	[tilespmem:$0x2A20] =	vst v1  }
0x33: {  	[tilespmem:$0x2A30] =	vst v1  }
0x34: {  	[tilespmem:$0x2A40] =	vst v1  }
0x35: {  	[tilespmem:$0x2A50] =	vst v1  }
0x36: {  	[tilespmem:$0x2A60] =	vst v1  }
0x37: {  	[tilespmem:$0x2A70] =	vst v1  }
0x38: {  	[tilespmem:$0x2A80] =	vst v1  }
0x39: {  	[tilespmem:$0x2A90] =	vst v1  }
0x3a: {  	[tilespmem:$0x2AA0] =	vst v1  }
0x3b: {  	[tilespmem:$0x2AB0] =	vst v1  }
0x3c: {  	[tilespmem:$0x2AC0] =	vst v1  }
0x3d: {  	[tilespmem:$0x2AD0] =	vst v1  }
0x3e: {  	[tilespmem:$0x2AE0] =	vst v1  }
0x3f: {  	[tilespmem:$0x2AF0] =	vst v1  }
0x40: {  	[spmem:s4] =	stream.linear.scatter [tilespmem:s8], [sflag:$0x1], $0x280, $0x38;
	[tilespmem:$0x2D80] =	vst v63  }
0x41: {  	_ =	swait.ge [sflag:s9], $0x280  }
0x42: {  	[sflag:s9] =	ssyncset.done $0x0  }
0x43: {  	[sflag:s9] =	ssyncadd.s32 $0xFFFFFD80  }
0x44: {  	[bflag:$0x0] =	sbarrier.arrive $0xFFFF  }
0x45: {  	[tilespmem:s3], [sflag:$0x1] =	stream.linear.gather [hbm4b:s5+s3], $0x2800, $0x38;
	[tilespmem:$0x2D80] =	vst v63  }
0x46: {  	_ =	swait.ge [sflag:s9], $0x2800  }
0x47: {  	[sflag:s9] =	ssyncset.done $0x0  }
0x48: {  	s17 =	simm.s32 $0x0;
	[sflag:s9] =	ssyncadd.s32 $0xFFFFD800  }
0x49: {  	[spmem:s2] =	stream.indirect.scatter.add.f32 [tilespmem:s11], [sflag:$0x1], $0x1, s17, s10, $0xb8;
	[tilespmem:$0x2D80] =	vst v63  }
0x4a: {  	_ =	swait.ge [sflag:s9], $0x80  }
0x4b: {  	s17 =	simm.s32 $0x200;
	[sflag:s9] =	ssyncset.done $0x0  }
.LBB2_2:
0x4c: {  	s18 =	sshra.s32 s17, $0x2;
	[sflag:s9] =	ssyncadd.s32 $0xFFFFFF80;
	p0 =	sne.s32 s17, $0x9E00  }
0x4d: {  	[spmem:s2] =	stream.indirect.scatter.add.f32 [tilespmem:s11], [sflag:$0x1], $0x1, s18, s10, $0xb8;
	[tilespmem:$0x2D80] =	vst v63  }
.Ltmp0:
0x4e: {  	_ = 	snop;
	(pc) =	sbr.rel @p0 .LBB2_2-.Ltmp0, $4  }
0x4f: {  	_ = 	snop  }
0x50: {  	s17 =	sadd.s32 $0x200, s17  }
0x51: {  	_ =	swait.ge [sflag:s9], $0x80  }
0x52: {  	[sflag:s9] =	ssyncset.done $0x0  }
0x53: {  	s16 =	sadd.s32 $0x1, s16  }
0x54: {  	[sflag:s9] =	ssyncadd.s32 $0xFFFFFF80;
	p0 =	sne.s32 s16, s7  }
.Ltmp1:
0x55: {  	[bflag:$0x0] =	sbarrier.arrive $0xFFFF;
	(pc) =	sbr.rel @p0 .LBB2_1-.Ltmp1, $4  }
0x56: {  	[hbm:s6@s14], [sflag:s12] =	dma.strided [spmem:s13@s15], $0x50, s9, $0x10   }
0x57: {  	_ =	swait.ge [sflag:s9], $0x50  }
0x58: {  	[sflag:s9] =	ssyncset.done $0x0  }
0x59: {  	[sflag:s9] =	ssyncadd.s32 $0xFFFFFFB0  }
0x5a: {  	_ =	sfence.sel $0x180000  }
0x5b: {  	[bflag:$0x0] =	sbarrier.arrive $0xFFFF  }
0x5c: {  	p0 =	sne.s32 s1, $0x0;
	_ =	strace $0x90000047  }
0x5d: {  	s0 =	sadd.s32 @!p0 $0x100000, s0;
	[bflag:$0x2] =	sbarrier.arrive $0xFFFF  }
0x5e: {  	[sflag:s0] =	ssyncadd.tile.s32 @!p0 $0x1;
	_ =	shalt  }
.Lfunc_end2:
_tile_overlayer_lowered:
.L_overlay_start_2:
0x5f: {  	(tag) =	ssettag $0x2  }
0x60: {  	s0 =	rddreg [dreg:$0x0];
	s2 =	stileid.u32  }
0x61: {  	s1 =	rddreg [dreg:$0x1];
	p0 =	sne.s32 s2, $0x0  }
0x62: {  	s3 =	rddreg [dreg:$0x2];
	[bflag:$0x3] =	sbarrier.arrive $0xFFFF;
	s2 =	simm.s32 @!p0 $0x1C01  }
0x63: {  	[timem:s3], [sflag:s2] =	dma.local @!p0 [hbm:s0], s1  }
0x64: {  	s0 =	simm.s32 @!p0 $0x1  }
0x65: {  	_ =	swait.ge @!p0 [sflag:s0], s1  }
0x66: {  	s1 =	ssub.s32 @!p0 $0x0, s1;
	[sflag:s0] =	ssyncset.done @!p0 $0x0  }
0x67: {  	[sflag:s0] =	ssyncadd.s32 @!p0 s1  }
0x68: {  	[bflag:$0x3] =	sbarrier.arrive $0xFFFF  }
0x69: {  	_ =	shalt  }

</sc_bundles>
